<compile_context>
chip_gen: v7x
topology: tpu7x:2x2x1
jax: 0.10.2.dev20260603
libtpu: 0.0.44.dev20260713+nightly
codegen_flags: <defaults>
</compile_context>

<pallas_src>
import functools

import jax
import jax.numpy as jnp
from jax import lax
from jax.experimental import pallas as pl
from jax.experimental.pallas import tpu as pltpu
from jax.experimental.pallas import tpu_sc as plsc

NC = 2
NS = 16
BLK = 128


def _zero_f32(ref, rows, width):
    z = jnp.zeros((16,), jnp.float32)

    @pl.loop(0, rows)
    def _(i):
        @pl.loop(0, width, step=16)
        def _(j):
            ref[i, pl.ds(j, 16)] = z


def _row_chunks(rows):
    out, r = [], 0
    while r < rows:
        out.append((r, min(BLK, rows - r)))
        r += min(BLK, rows - r)
    return out


def _deg_body(dst_hbm, out_hbm, idx_all, ones_v, bounce, acc_sh, *, np_, ep):
    c = lax.axis_index("c")
    s = lax.axis_index("s")
    rpt = np_ // NS
    nblk = ep // (NC * NS * BLK)
    wid = s * NC + c

    @pl.loop(0, BLK)
    def _(i):
        ones_v[i, :] = jnp.full((16,), 1.0, jnp.float32)

    _zero_f32(bounce, rpt, 16)
    pltpu.sync_copy(bounce, acc_sh.at[pl.ds(s * rpt, rpt)])
    plsc.subcore_barrier()

    pltpu.sync_copy(dst_hbm.at[pl.ds(wid * nblk, nblk)], idx_all)

    @pl.loop(0, nblk)
    def _(b):
        pltpu.sync_copy(ones_v, acc_sh.at[idx_all.at[b]], add=True)

    plsc.subcore_barrier()
    pltpu.sync_copy(acc_sh.at[pl.ds(s * rpt, rpt)], bounce)
    pltpu.sync_copy(bounce, out_hbm.at[c, pl.ds(s * rpt, rpt)])


def _widen(bf, f32buf):
    @pl.loop(0, BLK)
    def _(i):
        for h in range(2):
            w = bf[i, pl.ds(16 * h, 16)]
            lo = plsc.bitcast(jnp.left_shift(w, 16), jnp.float32)
            hi = plsc.bitcast(jnp.bitwise_and(w, jnp.int32(-65536)),
                              jnp.float32)
            f32buf[i, pl.ds(16 * h, 16)] = lo
            f32buf[i, pl.ds(32 + 16 * h, 16)] = hi


def _edge_body(table_hbm, src_hbm, dst_hbm, out_hbm,
               src_all, dst_all, bf0, bf1, bf2, bf3, f0, f1, f2, f3,
               g0, g1, g2, g3, s0, s1, s2, s3, acc_sh,
               *, np_, ep, passes, n_pad):
    c = lax.axis_index("c")
    s = lax.axis_index("s")
    rpt = np_ // NS
    nblk = ep // (NS * BLK)
    ibase = s * nblk
    bfs = [bf0, bf1, bf2, bf3]
    fs = [f0, f1, f2, f3]
    gs = [g0, g1, g2, g3]
    ss = [s0, s1, s2, s3]

    pltpu.sync_copy(src_hbm.at[pl.ds(ibase, nblk)], src_all.at[pl.ds(0, nblk)])
    pltpu.sync_copy(dst_hbm.at[pl.ds(ibase, nblk)], dst_all)
    pad = jnp.full((16,), n_pad, jnp.int32)

    @pl.loop(nblk, nblk + 4)
    def _(r):
        @pl.loop(0, BLK, step=16)
        def _(j):
            src_all[r, pl.ds(j, 16)] = pad

    for p in range(passes):
        tbl = table_hbm.at[c, p]

        for f in fs:
            _zero_f32(f, BLK, 64)
        for r, sz in _row_chunks(rpt):
            pltpu.sync_copy(f0.at[pl.ds(0, sz)],
                            acc_sh.at[pl.ds(s * rpt + r, sz)])
        plsc.subcore_barrier()

        for k in range(4):
            pltpu.async_copy(tbl.at[src_all.at[k]], bfs[k], gs[k])
            pltpu.async_copy(fs[k], acc_sh.at[src_all.at[nblk]], ss[k],
                             add=True)

        @pl.loop(0, nblk, step=4)
        def _(b):
            for k in range(4):
                pltpu.make_async_copy(tbl.at[src_all.at[b + k]],
                                      bfs[k], gs[k]).wait()
                pltpu.make_async_copy(fs[k], acc_sh.at[dst_all.at[b + k]],
                                      ss[k]).wait()
                _widen(bfs[k], fs[k])
                pltpu.async_copy(fs[k], acc_sh.at[dst_all.at[b + k]],
                                 ss[k], add=True)
                pltpu.async_copy(tbl.at[src_all.at[b + k + 4]], bfs[k], gs[k])

        for k in range(4):
            pltpu.make_async_copy(fs[k], acc_sh.at[dst_all.at[0]],
                                  ss[k]).wait()
            pltpu.make_async_copy(tbl.at[src_all.at[nblk + k]],
                                  bfs[k], gs[k]).wait()
        plsc.subcore_barrier()

        for r, sz in _row_chunks(rpt):
            pltpu.sync_copy(acc_sh.at[pl.ds(s * rpt + r, sz)],
                            f0.at[pl.ds(0, sz)])
            pltpu.sync_copy(f0.at[pl.ds(0, sz)],
                            out_hbm.at[c, p, pl.ds(s * rpt + r, sz)])


def _mm_body(x_ref, w_ref, o_ref):
    o_ref[...] = jnp.dot(x_ref[...], w_ref[...],
                         preferred_element_type=jnp.float32)


def _pack(chunk):
    lo = chunk[:, :32].astype(jnp.bfloat16).astype(jnp.float32)
    hi = chunk[:, 32:].astype(jnp.bfloat16).astype(jnp.float32)
    return (lax.shift_right_logical(lax.bitcast_convert_type(lo, jnp.int32), 16)
            | (lax.bitcast_convert_type(hi, jnp.int32) & jnp.int32(-65536)))


def _prep_body(deg_ref, h1_ref, hc_ref, dinv_ref, *, br, n):
    i = pl.program_id(0)
    deg = deg_ref[0, :, 0:1] + deg_ref[1, :, 0:1] + 1.0
    rows = i * br + lax.broadcasted_iota(jnp.int32, (br, 1), 0)
    dinv = jnp.where(rows < n, lax.rsqrt(deg), 0.0)
    dinv64 = jnp.broadcast_to(dinv, (br, 64))
    for c in range(NC):
        for p in range(2):
            k = 2 * c + p
            hc_ref[c, p] = _pack(h1_ref[:, 64 * k:64 * (k + 1)] * dinv64)
    dinv_ref[...] = jnp.broadcast_to(dinv, (br, 128))


def _mid_body(acc_ref, h1_ref, dinv_ref, b1_ref, w2_ref, o_ref):
    dinv = dinv_ref[...]
    dinv64 = dinv[:, :64]
    cols = []
    for c in range(NC):
        for p in range(2):
            k = 2 * c + p
            hp = dinv64 * h1_ref[:, 64 * k:64 * (k + 1)]
            cols.append(dinv64 * (acc_ref[c, p] + hp)
                        + b1_ref[0:1, 64 * k:64 * (k + 1)])
    out1 = jnp.concatenate(cols, axis=1)
    h2 = jnp.dot(out1, w2_ref[...], preferred_element_type=jnp.float32)
    h2 = h2 * dinv
    for c in range(NC):
        o_ref[c, 0] = _pack(h2[:, 64 * c:64 * (c + 1)])


def _unpack(w):
    lo = lax.bitcast_convert_type(jnp.left_shift(w, 16), jnp.float32)
    hi = lax.bitcast_convert_type(w & jnp.int32(-65536), jnp.float32)
    return jnp.concatenate([lo, hi], axis=1)


def _fin_body(acc_ref, h2c_ref, dinv_ref, b2_ref, o_ref):
    f0 = acc_ref[0, 0] + _unpack(h2c_ref[0, 0])
    f1 = acc_ref[1, 0] + _unpack(h2c_ref[1, 0])
    o_ref[...] = (dinv_ref[...] * jnp.concatenate([f0, f1], axis=1)
                  + b2_ref[0:1, :])


def kernel(x, edge_index, W1, b1, W2, b2):
    n, in_ch = x.shape
    hid = W1.shape[1]
    out_ch = W2.shape[1]
    e = edge_index.shape[1]

    np_ = ((n + 128) // 128) * 128
    epq = NC * NS * BLK * 8
    ep = ((e + epq - 1) // epq) * epq
    br = np_ // 4
    grid = (np_ // br,)

    ei = edge_index.astype(jnp.int32)
    pad_e = jnp.full((ep - e,), n, jnp.int32)
    src2d = jnp.concatenate([ei[0], pad_e]).reshape(ep // BLK, BLK)
    dst2d = jnp.concatenate([ei[1], pad_e]).reshape(ep // BLK, BLK)
    xp = jnp.zeros((np_, in_ch), jnp.float32).at[:n].set(x)

    mesh = plsc.VectorSubcoreMesh(core_axis_name="c", subcore_axis_name="s")
    sc_params = pltpu.CompilerParams(use_tc_tiling_on_sc=False)
    sc_params_nl = pltpu.CompilerParams(use_tc_tiling_on_sc=False,
                                        needs_layout_passes=False)

    deg_call = pl.kernel(
        functools.partial(_deg_body, np_=np_, ep=ep),
        out_type=jax.ShapeDtypeStruct((NC, np_, 16), jnp.float32),
        mesh=mesh,
        compiler_params=sc_params,
        scratch_types=[
            pltpu.VMEM((ep // (NC * NS * BLK), BLK), jnp.int32),
            pltpu.VMEM((BLK, 16), jnp.float32),
            pltpu.VMEM((np_ // NS, 16), jnp.float32),
            pltpu.VMEM_SHARED((np_, 16), jnp.float32),
        ],
    )

    def edge_call(table, passes):
        nblk = ep // (NS * BLK)
        return pl.kernel(
            functools.partial(_edge_body, np_=np_, ep=ep, passes=passes,
                              n_pad=n),
            out_type=jax.ShapeDtypeStruct((NC, passes, np_, 64), jnp.float32),
            mesh=mesh,
            compiler_params=sc_params_nl,
            scratch_types=(
                [pltpu.VMEM((nblk + 4, BLK), jnp.int32),
                 pltpu.VMEM((nblk, BLK), jnp.int32)]
                + [pltpu.VMEM((BLK, 32), jnp.int32)] * 4
                + [pltpu.VMEM((BLK, 64), jnp.float32)] * 4
                + [pltpu.SemaphoreType.DMA] * 8
                + [pltpu.VMEM_SHARED((np_, 64), jnp.float32)]
            ),
        )(table, src2d, dst2d)

    degp = deg_call(dst2d)

    h1 = pl.pallas_call(
        _mm_body,
        grid=grid,
        in_specs=[pl.BlockSpec((br, in_ch), lambda i: (i, 0)),
                  pl.BlockSpec((in_ch, hid), lambda i: (0, 0))],
        out_specs=pl.BlockSpec((br, hid), lambda i: (i, 0)),
        out_shape=jax.ShapeDtypeStruct((np_, hid), jnp.float32),
    )(xp, W1)

    h1w, dinv = pl.pallas_call(
        functools.partial(_prep_body, br=br, n=n),
        grid=grid,
        in_specs=[pl.BlockSpec((NC, br, 16), lambda i: (0, i, 0)),
                  pl.BlockSpec((br, hid), lambda i: (i, 0))],
        out_specs=[pl.BlockSpec((NC, 2, br, 32), lambda i: (0, 0, i, 0)),
                   pl.BlockSpec((br, 128), lambda i: (i, 0))],
        out_shape=[jax.ShapeDtypeStruct((NC, 2, np_, 32), jnp.int32),
                   jax.ShapeDtypeStruct((np_, 128), jnp.float32)],
    )(degp, h1)

    acc1 = edge_call(h1w, 2)

    h2w = pl.pallas_call(
        _mid_body,
        grid=grid,
        in_specs=[pl.BlockSpec((NC, 2, br, 64), lambda i: (0, 0, i, 0)),
                  pl.BlockSpec((br, hid), lambda i: (i, 0)),
                  pl.BlockSpec((br, 128), lambda i: (i, 0)),
                  pl.BlockSpec((1, hid), lambda i: (0, 0)),
                  pl.BlockSpec((hid, out_ch), lambda i: (0, 0))],
        out_specs=pl.BlockSpec((NC, 1, br, 32), lambda i: (0, 0, i, 0)),
        out_shape=jax.ShapeDtypeStruct((NC, 1, np_, 32), jnp.int32),
    )(acc1, h1, dinv, b1.reshape(1, hid), W2)

    acc2 = edge_call(h2w, 1)

    outp = pl.pallas_call(
        _fin_body,
        grid=grid,
        in_specs=[pl.BlockSpec((NC, 1, br, 64), lambda i: (0, 0, i, 0)),
                  pl.BlockSpec((NC, 1, br, 32), lambda i: (0, 0, i, 0)),
                  pl.BlockSpec((br, 128), lambda i: (i, 0)),
                  pl.BlockSpec((1, out_ch), lambda i: (0, 0))],
        out_specs=pl.BlockSpec((br, out_ch), lambda i: (i, 0)),
        out_shape=jax.ShapeDtypeStruct((np_, out_ch), jnp.float32),
    )(acc2, h2w, dinv, b2.reshape(1, out_ch))

    return outp[:n]

# --- scband reference (transcript-rebuilt; emitter-appended) ---
"""Pipeline reference for scband-encoder-43155831390481 (READ-ONLY COPY).

The authoritative reference and input builder live on the scoring server;
editing this copy changes nothing except your own understanding.
"""

import jax, jax.numpy as jnp
import numpy as np

N_NODES = 10000
N_EDGES = 320000
IN_CH = 128
OUT_CH = 128


def setup_inputs(seed: int = 0) -> dict:
    key = jax.random.key(seed)
    k1, k2, k3, k4, k5, k6 = jax.random.split(key, 6)
    x = jax.random.normal(k1, (N_NODES, IN_CH), dtype=jnp.float32)
    edge_index = jax.random.randint(k2, (2, N_EDGES), 0, N_NODES, dtype=jnp.int64)
    # GCNConv weights: conv1: in_channels -> 2*out_channels, conv2: 2*out_channels -> out_channels
    W1 = jax.random.normal(k3, (IN_CH, 2 * OUT_CH), dtype=jnp.float32) * (1.0 / np.sqrt(IN_CH))
    b1 = jnp.zeros((2 * OUT_CH,), dtype=jnp.float32)
    W2 = jax.random.normal(k4, (2 * OUT_CH, OUT_CH), dtype=jnp.float32) * (1.0 / np.sqrt(2 * OUT_CH))
    b2 = jnp.zeros((OUT_CH,), dtype=jnp.float32)
    return {"x": x, "edge_index": edge_index, "W1": W1, "b1": b1, "W2": W2, "b2": b2}


def _gcn_conv(x, edge_index, W, b):
    # Faithful GCNConv: add self-loops, symmetric normalization D^-1/2 (A+I) D^-1/2 X W + b
    n = x.shape[0]
    src = edge_index[0]
    dst = edge_index[1]
    loop = jnp.arange(n, dtype=src.dtype)
    src = jnp.concatenate([src, loop])
    dst = jnp.concatenate([dst, loop])
    deg = jnp.zeros((n,), dtype=x.dtype).at[dst].add(1.0)
    dinv = jnp.where(deg > 0, deg ** -0.5, 0.0)
    norm = dinv[src] * dinv[dst]
    h = x @ W
    msg = h[src] * norm[:, None]
    out = jnp.zeros((n, W.shape[1]), dtype=x.dtype).at[dst].add(msg)
    return out + b


def reference(x, edge_index, W1, b1, W2, b2):
    h = _gcn_conv(x, edge_index, W1, b1)
    feature = _gcn_conv(h, edge_index, W2, b2)
    return feature

if __name__ == "__main__":
    import jax
    _d = setup_inputs()
    print(jax.jit(kernel)(*tuple(_d.values())))

</pallas_src>

<mosaic_0001>
#map = affine_map<(d0, d1) -> (0, 0, 0, 0)>
#map1 = affine_map<(d0, d1) -> (0, 0)>
module attributes {stable_mosaic.version = 14 : i64} {
  func.func @_edge_body(%arg0: i32, %arg1: i32, %arg2: memref<2x1x10112x32xi32, #tpu.memory_space<hbm>>, %arg3: memref<2560x128xi32, #tpu.memory_space<hbm>>, %arg4: memref<2560x128xi32, #tpu.memory_space<hbm>>, %arg5: memref<2x1x10112x64xf32, #tpu.memory_space<hbm>>, %arg6: memref<164x128xi32, #tpu.memory_space<vmem>>, %arg7: memref<160x128xi32, #tpu.memory_space<vmem>>, %arg8: memref<128x32xi32, #tpu.memory_space<vmem>>, %arg9: memref<128x32xi32, #tpu.memory_space<vmem>>, %arg10: memref<128x32xi32, #tpu.memory_space<vmem>>, %arg11: memref<128x32xi32, #tpu.memory_space<vmem>>, %arg12: memref<128x64xf32, #tpu.memory_space<vmem>>, %arg13: memref<128x64xf32, #tpu.memory_space<vmem>>, %arg14: memref<128x64xf32, #tpu.memory_space<vmem>>, %arg15: memref<128x64xf32, #tpu.memory_space<vmem>>, %arg16: memref<!tpu.dma_semaphore, #tpu.memory_space<semaphore_mem>>, %arg17: memref<!tpu.dma_semaphore, #tpu.memory_space<semaphore_mem>>, %arg18: memref<!tpu.dma_semaphore, #tpu.memory_space<semaphore_mem>>, %arg19: memref<!tpu.dma_semaphore, #tpu.memory_space<semaphore_mem>>, %arg20: memref<!tpu.dma_semaphore, #tpu.memory_space<semaphore_mem>>, %arg21: memref<!tpu.dma_semaphore, #tpu.memory_space<semaphore_mem>>, %arg22: memref<!tpu.dma_semaphore, #tpu.memory_space<semaphore_mem>>, %arg23: memref<!tpu.dma_semaphore, #tpu.memory_space<semaphore_mem>>, %arg24: memref<10112x64xf32, #tpu.memory_space<vmem_shared>>) attributes {dimension_semantics = [#tpu.dimension_semantics<core_parallel>, #tpu.dimension_semantics<subcore_parallel>], iteration_bounds = array<i64: 2, 16>, scalar_prefetch = 0 : i64, scratch_operands = 19 : i64, tpu.core_type = #tpu.core_type<sc_vector_subcore>, window_params = [{transform_indices = #map}, {transform_indices = #map1}, {transform_indices = #map1}, {transform_indices = #map}]} {
    %mul3A = arith.constant 160 : i32
    %mul3A_0 = arith.muli %arg1, %mul3A : i32
    "tpu.region"() ({
      %run_scoped3A_254 = tpu.sem_alloc : memref<!tpu.dma_semaphore, #tpu.memory_space<semaphore_mem>>
      %dma_start3A_255 = arith.constant 0 : i32
      %dma_start3A_256 = arith.constant 0 : i32
      %dma_start3A_257 = tpu.memref_slice %arg6[%dma_start3A_255, %dma_start3A_256] : memref<164x128xi32, #tpu.memory_space<vmem>> -> memref<160x128xi32, #tpu.memory_space<vmem>>
      %dma_start3A_258 = arith.constant 0 : i32
      %dma_start3A_259 = tpu.memref_slice %arg3[%mul3A_0, %dma_start3A_258] : memref<2560x128xi32, #tpu.memory_space<hbm>> -> memref<160x128xi32, #tpu.memory_space<hbm>>
      %dma_start3A_260 = arith.constant 0 : i32
      %dma_start3A_261 = arith.constant 0 : i32
      %dma_start3A_262 = tpu.memref_slice %arg6[%dma_start3A_260, %dma_start3A_261] : memref<164x128xi32, #tpu.memory_space<vmem>> -> memref<160x128xi32, #tpu.memory_space<vmem>>
      %dma_start3A_263 = arith.constant 0 : i32
      %dma_start3A_264 = tpu.memref_slice %arg3[%mul3A_0, %dma_start3A_263] : memref<2560x128xi32, #tpu.memory_space<hbm>> -> memref<160x128xi32, #tpu.memory_space<hbm>>
      tpu.enqueue_dma source(%dma_start3A_264 : memref<160x128xi32, #tpu.memory_space<hbm>>) target(%dma_start3A_262 : memref<160x128xi32, #tpu.memory_space<vmem>>) target_semaphore(%run_scoped3A_254 : memref<!tpu.dma_semaphore, #tpu.memory_space<semaphore_mem>>)
      %dma_wait3A_265 = arith.constant 0 : i32
      %dma_wait3A_266 = arith.constant 0 : i32
      %dma_wait3A_267 = tpu.memref_slice %arg6[%dma_wait3A_265, %dma_wait3A_266] : memref<164x128xi32, #tpu.memory_space<vmem>> -> memref<160x128xi32, #tpu.memory_space<vmem>>
      %dma_wait3A_268 = arith.constant 0 : i32
      %dma_wait3A_269 = tpu.memref_slice %arg3[%mul3A_0, %dma_wait3A_268] : memref<2560x128xi32, #tpu.memory_space<hbm>> -> memref<160x128xi32, #tpu.memory_space<hbm>>
      %dma_wait3A_270 = arith.constant 0 : i32
      %dma_wait3A_271 = arith.constant 0 : i32
      %dma_wait3A_272 = tpu.memref_slice %arg6[%dma_wait3A_270, %dma_wait3A_271] : memref<164x128xi32, #tpu.memory_space<vmem>> -> memref<160x128xi32, #tpu.memory_space<vmem>>
      %dma_wait3A_273 = arith.constant 0 : i32
      %dma_wait3A_274 = tpu.memref_slice %arg3[%mul3A_0, %dma_wait3A_273] : memref<2560x128xi32, #tpu.memory_space<hbm>> -> memref<160x128xi32, #tpu.memory_space<hbm>>
      tpu.wait_dma2 semaphore(%run_scoped3A_254 : memref<!tpu.dma_semaphore, #tpu.memory_space<semaphore_mem>>) src(%dma_wait3A_274 : memref<160x128xi32, #tpu.memory_space<hbm>>) dst(%dma_wait3A_272 : memref<160x128xi32, #tpu.memory_space<vmem>>)
      tpu.yield
    }) : () -> ()
    "tpu.region"() ({
      %run_scoped3A_254 = tpu.sem_alloc : memref<!tpu.dma_semaphore, #tpu.memory_space<semaphore_mem>>
      %dma_start3A_255 = arith.constant 0 : i32
      %dma_start3A_256 = tpu.memref_slice %arg4[%mul3A_0, %dma_start3A_255] : memref<2560x128xi32, #tpu.memory_space<hbm>> -> memref<160x128xi32, #tpu.memory_space<hbm>>
      %dma_start3A_257 = arith.constant 0 : i32
      %dma_start3A_258 = tpu.memref_slice %arg4[%mul3A_0, %dma_start3A_257] : memref<2560x128xi32, #tpu.memory_space<hbm>> -> memref<160x128xi32, #tpu.memory_space<hbm>>
      tpu.enqueue_dma source(%dma_start3A_258 : memref<160x128xi32, #tpu.memory_space<hbm>>) target(%arg7 : memref<160x128xi32, #tpu.memory_space<vmem>>) target_semaphore(%run_scoped3A_254 : memref<!tpu.dma_semaphore, #tpu.memory_space<semaphore_mem>>)
      %dma_wait3A_259 = arith.constant 0 : i32
      %dma_wait3A_260 = tpu.memref_slice %arg4[%mul3A_0, %dma_wait3A_259] : memref<2560x128xi32, #tpu.memory_space<hbm>> -> memref<160x128xi32, #tpu.memory_space<hbm>>
      %dma_wait3A_261 = arith.constant 0 : i32
      %dma_wait3A_262 = tpu.memref_slice %arg4[%mul3A_0, %dma_wait3A_261] : memref<2560x128xi32, #tpu.memory_space<hbm>> -> memref<160x128xi32, #tpu.memory_space<hbm>>
      tpu.wait_dma2 semaphore(%run_scoped3A_254 : memref<!tpu.dma_semaphore, #tpu.memory_space<semaphore_mem>>) src(%dma_wait3A_262 : memref<160x128xi32, #tpu.memory_space<hbm>>) dst(%arg7 : memref<160x128xi32, #tpu.memory_space<vmem>>)
      tpu.yield
    }) : () -> ()
    %broadcast_in_dim3A = arith.constant 10000 : i32
    %broadcast_in_dim3A_1 = vector.broadcast %broadcast_in_dim3A : i32 to vector<16xi32>
    %scan3A = arith.constant 0 : i32
    %scan3A_2 = arith.constant 4 : i32
    %scan3A_3 = arith.addi %scan3A, %scan3A_2 : i32
    %scan3A_4 = arith.constant 1 : i32
    scf.for %scan3A_254 = %scan3A to %scan3A_3 step %scan3A_4  : i32 {
      %mul3A_255 = arith.constant 1 : i32
      %mul3A_256 = arith.muli %scan3A_254, %mul3A_255 : i32
      %add3A_257 = arith.constant 160 : i32
      %add3A_258 = arith.addi %add3A_257, %mul3A_256 : i32
      %scan3A_259 = arith.constant 0 : i32
      %scan3A_260 = arith.constant 8 : i32
      %scan3A_261 = arith.addi %scan3A_259, %scan3A_260 : i32
      %scan3A_262 = arith.constant 1 : i32
      scf.for %scan3A_264 = %scan3A_259 to %scan3A_261 step %scan3A_262  : i32 {
        %mul3A_265 = arith.constant 16 : i32
        %mul3A_266 = arith.muli %scan3A_264, %mul3A_265 : i32
        %add3A_267 = arith.constant 0 : i32
        %add3A_268 = arith.addi %add3A_267, %mul3A_266 : i32
        %swap3A = arith.index_cast %add3A_258 : i32 to index
        %swap3A_269 = arith.index_cast %add3A_268 : i32 to index
        %swap3A_270 = tpu.vector_load %arg6[%swap3A, %swap3A_269] {strides = array<i32>} : memref<164x128xi32, #tpu.memory_space<vmem>>, vector<16xi32>,
        tpu.vector_store %arg6[%swap3A, %swap3A_269], %broadcast_in_dim3A_1 {strides = array<i32>} : memref<164x128xi32, #tpu.memory_space<vmem>>, vector<16xi32>,
      }
      %scan3A_263 = arith.constant 8 : i32
    }
    %scan3A_5 = arith.constant 4 : i32
    %broadcast_in_dim3A_6 = arith.constant 0.000000e+00 : f32
    %broadcast_in_dim3A_7 = vector.broadcast %broadcast_in_dim3A_6 : f32 to vector<16xf32>
    %scan3A_8 = arith.constant 0 : i32
    %scan3A_9 = arith.constant 128 : i32
    %scan3A_10 = arith.addi %scan3A_8, %scan3A_9 : i32
    %scan3A_11 = arith.constant 1 : i32
    scf.for %scan3A_254 = %scan3A_8 to %scan3A_10 step %scan3A_11  : i32 {
      %mul3A_255 = arith.constant 1 : i32
      %mul3A_256 = arith.muli %scan3A_254, %mul3A_255 : i32
      %add3A_257 = arith.constant 0 : i32
      %add3A_258 = arith.addi %add3A_257, %mul3A_256 : i32
      %scan3A_259 = arith.constant 0 : i32
      %scan3A_260 = arith.constant 4 : i32
      %scan3A_261 = arith.addi %scan3A_259, %scan3A_260 : i32
      %scan3A_262 = arith.constant 1 : i32
      scf.for %scan3A_264 = %scan3A_259 to %scan3A_261 step %scan3A_262  : i32 {
        %mul3A_265 = arith.constant 16 : i32
        %mul3A_266 = arith.muli %scan3A_264, %mul3A_265 : i32
        %add3A_267 = arith.constant 0 : i32
        %add3A_268 = arith.addi %add3A_267, %mul3A_266 : i32
        %swap3A = arith.index_cast %add3A_258 : i32 to index
        %swap3A_269 = arith.index_cast %add3A_268 : i32 to index
        %swap3A_270 = tpu.vector_load %arg12[%swap3A, %swap3A_269] {strides = array<i32>} : memref<128x64xf32, #tpu.memory_space<vmem>>, vector<16xf32>,
        tpu.vector_store %arg12[%swap3A, %swap3A_269], %broadcast_in_dim3A_7 {strides = array<i32>} : memref<128x64xf32, #tpu.memory_space<vmem>>, vector<16xf32>,
      }
      %scan3A_263 = arith.constant 4 : i32
    }
    %scan3A_12 = arith.constant 128 : i32
    %broadcast_in_dim3A_13 = arith.constant 0.000000e+00 : f32
    %broadcast_in_dim3A_14 = vector.broadcast %broadcast_in_dim3A_13 : f32 to vector<16xf32>
    %scan3A_15 = arith.constant 0 : i32
    %scan3A_16 = arith.constant 128 : i32
    %scan3A_17 = arith.addi %scan3A_15, %scan3A_16 : i32
    %scan3A_18 = arith.constant 1 : i32
    scf.for %scan3A_254 = %scan3A_15 to %scan3A_17 step %scan3A_18  : i32 {
      %mul3A_255 = arith.constant 1 : i32
      %mul3A_256 = arith.muli %scan3A_254, %mul3A_255 : i32
      %add3A_257 = arith.constant 0 : i32
      %add3A_258 = arith.addi %add3A_257, %mul3A_256 : i32
      %scan3A_259 = arith.constant 0 : i32
      %scan3A_260 = arith.constant 4 : i32
      %scan3A_261 = arith.addi %scan3A_259, %scan3A_260 : i32
      %scan3A_262 = arith.constant 1 : i32
      scf.for %scan3A_264 = %scan3A_259 to %scan3A_261 step %scan3A_262  : i32 {
        %mul3A_265 = arith.constant 16 : i32
        %mul3A_266 = arith.muli %scan3A_264, %mul3A_265 : i32
        %add3A_267 = arith.constant 0 : i32
        %add3A_268 = arith.addi %add3A_267, %mul3A_266 : i32
        %swap3A = arith.index_cast %add3A_258 : i32 to index
        %swap3A_269 = arith.index_cast %add3A_268 : i32 to index
        %swap3A_270 = tpu.vector_load %arg13[%swap3A, %swap3A_269] {strides = array<i32>} : memref<128x64xf32, #tpu.memory_space<vmem>>, vector<16xf32>,
        tpu.vector_store %arg13[%swap3A, %swap3A_269], %broadcast_in_dim3A_14 {strides = array<i32>} : memref<128x64xf32, #tpu.memory_space<vmem>>, vector<16xf32>,
      }
      %scan3A_263 = arith.constant 4 : i32
    }
    %scan3A_19 = arith.constant 128 : i32
    %broadcast_in_dim3A_20 = arith.constant 0.000000e+00 : f32
    %broadcast_in_dim3A_21 = vector.broadcast %broadcast_in_dim3A_20 : f32 to vector<16xf32>
    %scan3A_22 = arith.constant 0 : i32
    %scan3A_23 = arith.constant 128 : i32
    %scan3A_24 = arith.addi %scan3A_22, %scan3A_23 : i32
    %scan3A_25 = arith.constant 1 : i32
    scf.for %scan3A_254 = %scan3A_22 to %scan3A_24 step %scan3A_25  : i32 {
      %mul3A_255 = arith.constant 1 : i32
      %mul3A_256 = arith.muli %scan3A_254, %mul3A_255 : i32
      %add3A_257 = arith.constant 0 : i32
      %add3A_258 = arith.addi %add3A_257, %mul3A_256 : i32
      %scan3A_259 = arith.constant 0 : i32
      %scan3A_260 = arith.constant 4 : i32
      %scan3A_261 = arith.addi %scan3A_259, %scan3A_260 : i32
      %scan3A_262 = arith.constant 1 : i32
      scf.for %scan3A_264 = %scan3A_259 to %scan3A_261 step %scan3A_262  : i32 {
        %mul3A_265 = arith.constant 16 : i32
        %mul3A_266 = arith.muli %scan3A_264, %mul3A_265 : i32
        %add3A_267 = arith.constant 0 : i32
        %add3A_268 = arith.addi %add3A_267, %mul3A_266 : i32
        %swap3A = arith.index_cast %add3A_258 : i32 to index
        %swap3A_269 = arith.index_cast %add3A_268 : i32 to index
        %swap3A_270 = tpu.vector_load %arg14[%swap3A, %swap3A_269] {strides = array<i32>} : memref<128x64xf32, #tpu.memory_space<vmem>>, vector<16xf32>,
        tpu.vector_store %arg14[%swap3A, %swap3A_269], %broadcast_in_dim3A_21 {strides = array<i32>} : memref<128x64xf32, #tpu.memory_space<vmem>>, vector<16xf32>,
      }
      %scan3A_263 = arith.constant 4 : i32
    }
    %scan3A_26 = arith.constant 128 : i32
    %broadcast_in_dim3A_27 = arith.constant 0.000000e+00 : f32
    %broadcast_in_dim3A_28 = vector.broadcast %broadcast_in_dim3A_27 : f32 to vector<16xf32>
    %scan3A_29 = arith.constant 0 : i32
    %scan3A_30 = arith.constant 128 : i32
    %scan3A_31 = arith.addi %scan3A_29, %scan3A_30 : i32
    %scan3A_32 = arith.constant 1 : i32
    scf.for %scan3A_254 = %scan3A_29 to %scan3A_31 step %scan3A_32  : i32 {
      %mul3A_255 = arith.constant 1 : i32
      %mul3A_256 = arith.muli %scan3A_254, %mul3A_255 : i32
      %add3A_257 = arith.constant 0 : i32
      %add3A_258 = arith.addi %add3A_257, %mul3A_256 : i32
      %scan3A_259 = arith.constant 0 : i32
      %scan3A_260 = arith.constant 4 : i32
      %scan3A_261 = arith.addi %scan3A_259, %scan3A_260 : i32
      %scan3A_262 = arith.constant 1 : i32
      scf.for %scan3A_264 = %scan3A_259 to %scan3A_261 step %scan3A_262  : i32 {
        %mul3A_265 = arith.constant 16 : i32
        %mul3A_266 = arith.muli %scan3A_264, %mul3A_265 : i32
        %add3A_267 = arith.constant 0 : i32
        %add3A_268 = arith.addi %add3A_267, %mul3A_266 : i32
        %swap3A = arith.index_cast %add3A_258 : i32 to index
        %swap3A_269 = arith.index_cast %add3A_268 : i32 to index
        %swap3A_270 = tpu.vector_load %arg15[%swap3A, %swap3A_269] {strides = array<i32>} : memref<128x64xf32, #tpu.memory_space<vmem>>, vector<16xf32>,
        tpu.vector_store %arg15[%swap3A, %swap3A_269], %broadcast_in_dim3A_28 {strides = array<i32>} : memref<128x64xf32, #tpu.memory_space<vmem>>, vector<16xf32>,
      }
      %scan3A_263 = arith.constant 4 : i32
    }
    %scan3A_33 = arith.constant 128 : i32
    %mul3A_34 = arith.constant 632 : i32
    %mul3A_35 = arith.muli %arg1, %mul3A_34 : i32
    %add3A = arith.constant 0 : i32
    %add3A_36 = arith.addi %mul3A_35, %add3A : i32
    "tpu.region"() ({
      %run_scoped3A_254 = tpu.sem_alloc : memref<!tpu.dma_semaphore, #tpu.memory_space<semaphore_mem>>
      %dma_start3A_255 = arith.constant 0 : i32
      %dma_start3A_256 = arith.constant 0 : i32
      %dma_start3A_257 = tpu.memref_slice %arg12[%dma_start3A_255, %dma_start3A_256] : memref<128x64xf32, #tpu.memory_space<vmem>> -> memref<128x64xf32, #tpu.memory_space<vmem>>
      %dma_start3A_258 = arith.constant 0 : i32
      %dma_start3A_259 = tpu.memref_slice %arg24[%add3A_36, %dma_start3A_258] : memref<10112x64xf32, #tpu.memory_space<vmem_shared>> -> memref<128x64xf32, #tpu.memory_space<vmem_shared>>
      %dma_start3A_260 = arith.constant 0 : i32
      %dma_start3A_261 = tpu.memref_slice %arg24[%add3A_36, %dma_start3A_260] : memref<10112x64xf32, #tpu.memory_space<vmem_shared>> -> memref<128x64xf32, #tpu.memory_space<vmem_shared>>
      %dma_start3A_262 = arith.constant 0 : i32
      %dma_start3A_263 = arith.constant 0 : i32
      %dma_start3A_264 = tpu.memref_slice %arg12[%dma_start3A_262, %dma_start3A_263] : memref<128x64xf32, #tpu.memory_space<vmem>> -> memref<128x64xf32, #tpu.memory_space<vmem>>
      tpu.enqueue_dma source(%dma_start3A_264 : memref<128x64xf32, #tpu.memory_space<vmem>>) target(%dma_start3A_261 : memref<128x64xf32, #tpu.memory_space<vmem_shared>>) target_semaphore(%run_scoped3A_254 : memref<!tpu.dma_semaphore, #tpu.memory_space<semaphore_mem>>)
      %dma_wait3A_265 = arith.constant 0 : i32
      %dma_wait3A_266 = arith.constant 0 : i32
      %dma_wait3A_267 = tpu.memref_slice %arg12[%dma_wait3A_265, %dma_wait3A_266] : memref<128x64xf32, #tpu.memory_space<vmem>> -> memref<128x64xf32, #tpu.memory_space<vmem>>
      %dma_wait3A_268 = arith.constant 0 : i32
      %dma_wait3A_269 = tpu.memref_slice %arg24[%add3A_36, %dma_wait3A_268] : memref<10112x64xf32, #tpu.memory_space<vmem_shared>> -> memref<128x64xf32, #tpu.memory_space<vmem_shared>>
      %dma_wait3A_270 = arith.constant 0 : i32
      %dma_wait3A_271 = tpu.memref_slice %arg24[%add3A_36, %dma_wait3A_270] : memref<10112x64xf32, #tpu.memory_space<vmem_shared>> -> memref<128x64xf32, #tpu.memory_space<vmem_shared>>
      %dma_wait3A_272 = arith.constant 0 : i32
      %dma_wait3A_273 = arith.constant 0 : i32
      %dma_wait3A_274 = tpu.memref_slice %arg12[%dma_wait3A_272, %dma_wait3A_273] : memref<128x64xf32, #tpu.memory_space<vmem>> -> memref<128x64xf32, #tpu.memory_space<vmem>>
      tpu.wait_dma2 semaphore(%run_scoped3A_254 : memref<!tpu.dma_semaphore, #tpu.memory_space<semaphore_mem>>) src(%dma_wait3A_274 : memref<128x64xf32, #tpu.memory_space<vmem>>) dst(%dma_wait3A_271 : memref<128x64xf32, #tpu.memory_space<vmem_shared>>)
      tpu.yield
    }) : () -> ()
    %mul3A_37 = arith.constant 632 : i32
    %mul3A_38 = arith.muli %arg1, %mul3A_37 : i32
    %add3A_39 = arith.constant 128 : i32
    %add3A_40 = arith.addi %mul3A_38, %add3A_39 : i32
    "tpu.region"() ({
      %run_scoped3A_254 = tpu.sem_alloc : memref<!tpu.dma_semaphore, #tpu.memory_space<semaphore_mem>>
      %dma_start3A_255 = arith.constant 0 : i32
      %dma_start3A_256 = arith.constant 0 : i32
      %dma_start3A_257 = tpu.memref_slice %arg12[%dma_start3A_255, %dma_start3A_256] : memref<128x64xf32, #tpu.memory_space<vmem>> -> memref<128x64xf32, #tpu.memory_space<vmem>>
      %dma_start3A_258 = arith.constant 0 : i32
      %dma_start3A_259 = tpu.memref_slice %arg24[%add3A_40, %dma_start3A_258] : memref<10112x64xf32, #tpu.memory_space<vmem_shared>> -> memref<128x64xf32, #tpu.memory_space<vmem_shared>>
      %dma_start3A_260 = arith.constant 0 : i32
      %dma_start3A_261 = tpu.memref_slice %arg24[%add3A_40, %dma_start3A_260] : memref<10112x64xf32, #tpu.memory_space<vmem_shared>> -> memref<128x64xf32, #tpu.memory_space<vmem_shared>>
      %dma_start3A_262 = arith.constant 0 : i32
      %dma_start3A_263 = arith.constant 0 : i32
      %dma_start3A_264 = tpu.memref_slice %arg12[%dma_start3A_262, %dma_start3A_263] : memref<128x64xf32, #tpu.memory_space<vmem>> -> memref<128x64xf32, #tpu.memory_space<vmem>>
      tpu.enqueue_dma source(%dma_start3A_264 : memref<128x64xf32, #tpu.memory_space<vmem>>) target(%dma_start3A_261 : memref<128x64xf32, #tpu.memory_space<vmem_shared>>) target_semaphore(%run_scoped3A_254 : memref<!tpu.dma_semaphore, #tpu.memory_space<semaphore_mem>>)
      %dma_wait3A_265 = arith.constant 0 : i32
      %dma_wait3A_266 = arith.constant 0 : i32
      %dma_wait3A_267 = tpu.memref_slice %arg12[%dma_wait3A_265, %dma_wait3A_266] : memref<128x64xf32, #tpu.memory_space<vmem>> -> memref<128x64xf32, #tpu.memory_space<vmem>>
      %dma_wait3A_268 = arith.constant 0 : i32
      %dma_wait3A_269 = tpu.memref_slice %arg24[%add3A_40, %dma_wait3A_268] : memref<10112x64xf32, #tpu.memory_space<vmem_shared>> -> memref<128x64xf32, #tpu.memory_space<vmem_shared>>
      %dma_wait3A_270 = arith.constant 0 : i32
      %dma_wait3A_271 = tpu.memref_slice %arg24[%add3A_40, %dma_wait3A_270] : memref<10112x64xf32, #tpu.memory_space<vmem_shared>> -> memref<128x64xf32, #tpu.memory_space<vmem_shared>>
      %dma_wait3A_272 = arith.constant 0 : i32
      %dma_wait3A_273 = arith.constant 0 : i32
      %dma_wait3A_274 = tpu.memref_slice %arg12[%dma_wait3A_272, %dma_wait3A_273] : memref<128x64xf32, #tpu.memory_space<vmem>> -> memref<128x64xf32, #tpu.memory_space<vmem>>
      tpu.wait_dma2 semaphore(%run_scoped3A_254 : memref<!tpu.dma_semaphore, #tpu.memory_space<semaphore_mem>>) src(%dma_wait3A_274 : memref<128x64xf32, #tpu.memory_space<vmem>>) dst(%dma_wait3A_271 : memref<128x64xf32, #tpu.memory_space<vmem_shared>>)
      tpu.yield
    }) : () -> ()
    %mul3A_41 = arith.constant 632 : i32
    %mul3A_42 = arith.muli %arg1, %mul3A_41 : i32
    %add3A_43 = arith.constant 256 : i32
    %add3A_44 = arith.addi %mul3A_42, %add3A_43 : i32
    "tpu.region"() ({
      %run_scoped3A_254 = tpu.sem_alloc : memref<!tpu.dma_semaphore, #tpu.memory_space<semaphore_mem>>
      %dma_start3A_255 = arith.constant 0 : i32
      %dma_start3A_256 = arith.constant 0 : i32
      %dma_start3A_257 = tpu.memref_slice %arg12[%dma_start3A_255, %dma_start3A_256] : memref<128x64xf32, #tpu.memory_space<vmem>> -> memref<128x64xf32, #tpu.memory_space<vmem>>
      %dma_start3A_258 = arith.constant 0 : i32
      %dma_start3A_259 = tpu.memref_slice %arg24[%add3A_44, %dma_start3A_258] : memref<10112x64xf32, #tpu.memory_space<vmem_shared>> -> memref<128x64xf32, #tpu.memory_space<vmem_shared>>
      %dma_start3A_260 = arith.constant 0 : i32
      %dma_start3A_261 = tpu.memref_slice %arg24[%add3A_44, %dma_start3A_260] : memref<10112x64xf32, #tpu.memory_space<vmem_shared>> -> memref<128x64xf32, #tpu.memory_space<vmem_shared>>
      %dma_start3A_262 = arith.constant 0 : i32
      %dma_start3A_263 = arith.constant 0 : i32
      %dma_start3A_264 = tpu.memref_slice %arg12[%dma_start3A_262, %dma_start3A_263] : memref<128x64xf32, #tpu.memory_space<vmem>> -> memref<128x64xf32, #tpu.memory_space<vmem>>
      tpu.enqueue_dma source(%dma_start3A_264 : memref<128x64xf32, #tpu.memory_space<vmem>>) target(%dma_start3A_261 : memref<128x64xf32, #tpu.memory_space<vmem_shared>>) target_semaphore(%run_scoped3A_254 : memref<!tpu.dma_semaphore, #tpu.memory_space<semaphore_mem>>)
      %dma_wait3A_265 = arith.constant 0 : i32
      %dma_wait3A_266 = arith.constant 0 : i32
      %dma_wait3A_267 = tpu.memref_slice %arg12[%dma_wait3A_265, %dma_wait3A_266] : memref<128x64xf32, #tpu.memory_space<vmem>> -> memref<128x64xf32, #tpu.memory_space<vmem>>
      %dma_wait3A_268 = arith.constant 0 : i32
      %dma_wait3A_269 = tpu.memref_slice %arg24[%add3A_44, %dma_wait3A_268] : memref<10112x64xf32, #tpu.memory_space<vmem_shared>> -> memref<128x64xf32, #tpu.memory_space<vmem_shared>>
      %dma_wait3A_270 = arith.constant 0 : i32
      %dma_wait3A_271 = tpu.memref_slice %arg24[%add3A_44, %dma_wait3A_270] : memref<10112x64xf32, #tpu.memory_space<vmem_shared>> -> memref<128x64xf32, #tpu.memory_space<vmem_shared>>
      %dma_wait3A_272 = arith.constant 0 : i32
      %dma_wait3A_273 = arith.constant 0 : i32
      %dma_wait3A_274 = tpu.memref_slice %arg12[%dma_wait3A_272, %dma_wait3A_273] : memref<128x64xf32, #tpu.memory_space<vmem>> -> memref<128x64xf32, #tpu.memory_space<vmem>>
      tpu.wait_dma2 semaphore(%run_scoped3A_254 : memref<!tpu.dma_semaphore, #tpu.memory_space<semaphore_mem>>) src(%dma_wait3A_274 : memref<128x64xf32, #tpu.memory_space<vmem>>) dst(%dma_wait3A_271 : memref<128x64xf32, #tpu.memory_space<vmem_shared>>)
      tpu.yield
    }) : () -> ()
    %mul3A_45 = arith.constant 632 : i32
    %mul3A_46 = arith.muli %arg1, %mul3A_45 : i32
    %add3A_47 = arith.constant 384 : i32
    %add3A_48 = arith.addi %mul3A_46, %add3A_47 : i32
    "tpu.region"() ({
      %run_scoped3A_254 = tpu.sem_alloc : memref<!tpu.dma_semaphore, #tpu.memory_space<semaphore_mem>>
      %dma_start3A_255 = arith.constant 0 : i32
      %dma_start3A_256 = arith.constant 0 : i32
      %dma_start3A_257 = tpu.memref_slice %arg12[%dma_start3A_255, %dma_start3A_256] : memref<128x64xf32, #tpu.memory_space<vmem>> -> memref<128x64xf32, #tpu.memory_space<vmem>>
      %dma_start3A_258 = arith.constant 0 : i32
      %dma_start3A_259 = tpu.memref_slice %arg24[%add3A_48, %dma_start3A_258] : memref<10112x64xf32, #tpu.memory_space<vmem_shared>> -> memref<128x64xf32, #tpu.memory_space<vmem_shared>>
      %dma_start3A_260 = arith.constant 0 : i32
      %dma_start3A_261 = tpu.memref_slice %arg24[%add3A_48, %dma_start3A_260] : memref<10112x64xf32, #tpu.memory_space<vmem_shared>> -> memref<128x64xf32, #tpu.memory_space<vmem_shared>>
      %dma_start3A_262 = arith.constant 0 : i32
      %dma_start3A_263 = arith.constant 0 : i32
      %dma_start3A_264 = tpu.memref_slice %arg12[%dma_start3A_262, %dma_start3A_263] : memref<128x64xf32, #tpu.memory_space<vmem>> -> memref<128x64xf32, #tpu.memory_space<vmem>>
      tpu.enqueue_dma source(%dma_start3A_264 : memref<128x64xf32, #tpu.memory_space<vmem>>) target(%dma_start3A_261 : memref<128x64xf32, #tpu.memory_space<vmem_shared>>) target_semaphore(%run_scoped3A_254 : memref<!tpu.dma_semaphore, #tpu.memory_space<semaphore_mem>>)
      %dma_wait3A_265 = arith.constant 0 : i32
      %dma_wait3A_266 = arith.constant 0 : i32
      %dma_wait3A_267 = tpu.memref_slice %arg12[%dma_wait3A_265, %dma_wait3A_266] : memref<128x64xf32, #tpu.memory_space<vmem>> -> memref<128x64xf32, #tpu.memory_space<vmem>>
      %dma_wait3A_268 = arith.constant 0 : i32
      %dma_wait3A_269 = tpu.memref_slice %arg24[%add3A_48, %dma_wait3A_268] : memref<10112x64xf32, #tpu.memory_space<vmem_shared>> -> memref<128x64xf32, #tpu.memory_space<vmem_shared>>
      %dma_wait3A_270 = arith.constant 0 : i32
      %dma_wait3A_271 = tpu.memref_slice %arg24[%add3A_48, %dma_wait3A_270] : memref<10112x64xf32, #tpu.memory_space<vmem_shared>> -> memref<128x64xf32, #tpu.memory_space<vmem_shared>>
      %dma_wait3A_272 = arith.constant 0 : i32
      %dma_wait3A_273 = arith.constant 0 : i32
      %dma_wait3A_274 = tpu.memref_slice %arg12[%dma_wait3A_272, %dma_wait3A_273] : memref<128x64xf32, #tpu.memory_space<vmem>> -> memref<128x64xf32, #tpu.memory_space<vmem>>
      tpu.wait_dma2 semaphore(%run_scoped3A_254 : memref<!tpu.dma_semaphore, #tpu.memory_space<semaphore_mem>>) src(%dma_wait3A_274 : memref<128x64xf32, #tpu.memory_space<vmem>>) dst(%dma_wait3A_271 : memref<128x64xf32, #tpu.memory_space<vmem_shared>>)
      tpu.yield
    }) : () -> ()
    %mul3A_49 = arith.constant 632 : i32
    %mul3A_50 = arith.muli %arg1, %mul3A_49 : i32
    %add3A_51 = arith.constant 512 : i32
    %add3A_52 = arith.addi %mul3A_50, %add3A_51 : i32
    "tpu.region"() ({
      %run_scoped3A_254 = tpu.sem_alloc : memref<!tpu.dma_semaphore, #tpu.memory_space<semaphore_mem>>
      %dma_start3A_255 = arith.constant 0 : i32
      %dma_start3A_256 = arith.constant 0 : i32
      %dma_start3A_257 = tpu.memref_slice %arg12[%dma_start3A_255, %dma_start3A_256] : memref<128x64xf32, #tpu.memory_space<vmem>> -> memref<120x64xf32, #tpu.memory_space<vmem>>
      %dma_start3A_258 = arith.constant 0 : i32
      %dma_start3A_259 = tpu.memref_slice %arg24[%add3A_52, %dma_start3A_258] : memref<10112x64xf32, #tpu.memory_space<vmem_shared>> -> memref<120x64xf32, #tpu.memory_space<vmem_shared>>
      %dma_start3A_260 = arith.constant 0 : i32
      %dma_start3A_261 = tpu.memref_slice %arg24[%add3A_52, %dma_start3A_260] : memref<10112x64xf32, #tpu.memory_space<vmem_shared>> -> memref<120x64xf32, #tpu.memory_space<vmem_shared>>
      %dma_start3A_262 = arith.constant 0 : i32
      %dma_start3A_263 = arith.constant 0 : i32
      %dma_start3A_264 = tpu.memref_slice %arg12[%dma_start3A_262, %dma_start3A_263] : memref<128x64xf32, #tpu.memory_space<vmem>> -> memref<120x64xf32, #tpu.memory_space<vmem>>
      tpu.enqueue_dma source(%dma_start3A_264 : memref<120x64xf32, #tpu.memory_space<vmem>>) target(%dma_start3A_261 : memref<120x64xf32, #tpu.memory_space<vmem_shared>>) target_semaphore(%run_scoped3A_254 : memref<!tpu.dma_semaphore, #tpu.memory_space<semaphore_mem>>)
      %dma_wait3A_265 = arith.constant 0 : i32
      %dma_wait3A_266 = arith.constant 0 : i32
      %dma_wait3A_267 = tpu.memref_slice %arg12[%dma_wait3A_265, %dma_wait3A_266] : memref<128x64xf32, #tpu.memory_space<vmem>> -> memref<120x64xf32, #tpu.memory_space<vmem>>
      %dma_wait3A_268 = arith.constant 0 : i32
      %dma_wait3A_269 = tpu.memref_slice %arg24[%add3A_52, %dma_wait3A_268] : memref<10112x64xf32, #tpu.memory_space<vmem_shared>> -> memref<120x64xf32, #tpu.memory_space<vmem_shared>>
      %dma_wait3A_270 = arith.constant 0 : i32
      %dma_wait3A_271 = tpu.memref_slice %arg24[%add3A_52, %dma_wait3A_270] : memref<10112x64xf32, #tpu.memory_space<vmem_shared>> -> memref<120x64xf32, #tpu.memory_space<vmem_shared>>
      %dma_wait3A_272 = arith.constant 0 : i32
      %dma_wait3A_273 = arith.constant 0 : i32
      %dma_wait3A_274 = tpu.memref_slice %arg12[%dma_wait3A_272, %dma_wait3A_273] : memref<128x64xf32, #tpu.memory_space<vmem>> -> memref<120x64xf32, #tpu.memory_space<vmem>>
      tpu.wait_dma2 semaphore(%run_scoped3A_254 : memref<!tpu.dma_semaphore, #tpu.memory_space<semaphore_mem>>) src(%dma_wait3A_274 : memref<120x64xf32, #tpu.memory_space<vmem>>) dst(%dma_wait3A_271 : memref<120x64xf32, #tpu.memory_space<vmem_shared>>)
      tpu.yield
    }) : () -> ()
    %barrier3A = arith.constant 0 : index
    tpu.barrier barrier_id(%barrier3A)
    %dma_start3A = arith.constant 0 : i32
    %dma_start3A_53 = arith.constant 0 : i32
    %dma_start3A_54 = arith.constant 0 : i32
    %dma_start3A_55 = tpu.memref_slice %arg6[%dma_start3A_53, %dma_start3A_54] : memref<164x128xi32, #tpu.memory_space<vmem>> -> memref<1x128xi32, #tpu.memory_space<vmem>>
    %dma_start3A_56 = tpu.memref_squeeze %dma_start3A_55 : memref<1x128xi32, #tpu.memory_space<vmem>> -> memref<128xi32, #tpu.memory_space<vmem>>
    %dma_start3A_57 = arith.constant 0 : i32
    %dma_start3A_58 = arith.constant 0 : i32
    %dma_start3A_59 = tpu.memref_slice %arg2[%arg0, %dma_start3A, %dma_start3A_57, %dma_start3A_58] : memref<2x1x10112x32xi32, #tpu.memory_space<hbm>> -> memref<1x1x10112x32xi32, #tpu.memory_space<hbm>>
    %dma_start3A_60 = tpu.memref_squeeze %dma_start3A_59 : memref<1x1x10112x32xi32, #tpu.memory_space<hbm>> -> memref<10112x32xi32, #tpu.memory_space<hbm>>
    %dma_start3A_61 = arith.constant 0 : i32
    %dma_start3A_62 = arith.constant 0 : i32
    %dma_start3A_63 = tpu.memref_slice %dma_start3A_60[%dma_start3A_61, %dma_start3A_62] : memref<10112x32xi32, #tpu.memory_space<hbm>> -> memref<10112x32xi32, #tpu.memory_space<hbm>>
    tpu.enqueue_indirect_dma source(%dma_start3A_63 : memref<10112x32xi32, #tpu.memory_space<hbm>>) target(%arg8 : memref<128x32xi32, #tpu.memory_space<vmem>>) offsets(%dma_start3A_56 : memref<128xi32, #tpu.memory_space<vmem>>) semaphore(%arg16 : memref<!tpu.dma_semaphore, #tpu.memory_space<semaphore_mem>>)
    %dma_start3A_64 = arith.constant 160 : i32
    %dma_start3A_65 = arith.constant 0 : i32
    %dma_start3A_66 = tpu.memref_slice %arg6[%dma_start3A_64, %dma_start3A_65] : memref<164x128xi32, #tpu.memory_space<vmem>> -> memref<1x128xi32, #tpu.memory_space<vmem>>
    %dma_start3A_67 = tpu.memref_squeeze %dma_start3A_66 : memref<1x128xi32, #tpu.memory_space<vmem>> -> memref<128xi32, #tpu.memory_space<vmem>>
    %dma_start3A_68 = arith.constant 0 : i32
    %dma_start3A_69 = arith.constant 0 : i32
    %dma_start3A_70 = tpu.memref_slice %arg24[%dma_start3A_68, %dma_start3A_69] : memref<10112x64xf32, #tpu.memory_space<vmem_shared>> -> memref<10112x64xf32, #tpu.memory_space<vmem_shared>>
    tpu.enqueue_indirect_dma source(%arg12 : memref<128x64xf32, #tpu.memory_space<vmem>>) target(%dma_start3A_70 : memref<10112x64xf32, #tpu.memory_space<vmem_shared>>) offsets(%dma_start3A_67 : memref<128xi32, #tpu.memory_space<vmem>>) semaphore(%arg20 : memref<!tpu.dma_semaphore, #tpu.memory_space<semaphore_mem>>) {add = true}
    %dma_start3A_71 = arith.constant 0 : i32
    %dma_start3A_72 = arith.constant 1 : i32
    %dma_start3A_73 = arith.constant 0 : i32
    %dma_start3A_74 = tpu.memref_slice %arg6[%dma_start3A_72, %dma_start3A_73] : memref<164x128xi32, #tpu.memory_space<vmem>> -> memref<1x128xi32, #tpu.memory_space<vmem>>
    %dma_start3A_75 = tpu.memref_squeeze %dma_start3A_74 : memref<1x128xi32, #tpu.memory_space<vmem>> -> memref<128xi32, #tpu.memory_space<vmem>>
    %dma_start3A_76 = arith.constant 0 : i32
    %dma_start3A_77 = arith.constant 0 : i32
    %dma_start3A_78 = tpu.memref_slice %arg2[%arg0, %dma_start3A_71, %dma_start3A_76, %dma_start3A_77] : memref<2x1x10112x32xi32, #tpu.memory_space<hbm>> -> memref<1x1x10112x32xi32, #tpu.memory_space<hbm>>
    %dma_start3A_79 = tpu.memref_squeeze %dma_start3A_78 : memref<1x1x10112x32xi32, #tpu.memory_space<hbm>> -> memref<10112x32xi32, #tpu.memory_space<hbm>>
    %dma_start3A_80 = arith.constant 0 : i32
    %dma_start3A_81 = arith.constant 0 : i32
    %dma_start3A_82 = tpu.memref_slice %dma_start3A_79[%dma_start3A_80, %dma_start3A_81] : memref<10112x32xi32, #tpu.memory_space<hbm>> -> memref<10112x32xi32, #tpu.memory_space<hbm>>
    tpu.enqueue_indirect_dma source(%dma_start3A_82 : memref<10112x32xi32, #tpu.memory_space<hbm>>) target(%arg9 : memref<128x32xi32, #tpu.memory_space<vmem>>) offsets(%dma_start3A_75 : memref<128xi32, #tpu.memory_space<vmem>>) semaphore(%arg17 : memref<!tpu.dma_semaphore, #tpu.memory_space<semaphore_mem>>)
    %dma_start3A_83 = arith.constant 160 : i32
    %dma_start3A_84 = arith.constant 0 : i32
    %dma_start3A_85 = tpu.memref_slice %arg6[%dma_start3A_83, %dma_start3A_84] : memref<164x128xi32, #tpu.memory_space<vmem>> -> memref<1x128xi32, #tpu.memory_space<vmem>>
    %dma_start3A_86 = tpu.memref_squeeze %dma_start3A_85 : memref<1x128xi32, #tpu.memory_space<vmem>> -> memref<128xi32, #tpu.memory_space<vmem>>
    %dma_start3A_87 = arith.constant 0 : i32
    %dma_start3A_88 = arith.constant 0 : i32
    %dma_start3A_89 = tpu.memref_slice %arg24[%dma_start3A_87, %dma_start3A_88] : memref<10112x64xf32, #tpu.memory_space<vmem_shared>> -> memref<10112x64xf32, #tpu.memory_space<vmem_shared>>
    tpu.enqueue_indirect_dma source(%arg13 : memref<128x64xf32, #tpu.memory_space<vmem>>) target(%dma_start3A_89 : memref<10112x64xf32, #tpu.memory_space<vmem_shared>>) offsets(%dma_start3A_86 : memref<128xi32, #tpu.memory_space<vmem>>) semaphore(%arg21 : memref<!tpu.dma_semaphore, #tpu.memory_space<semaphore_mem>>) {add = true}
    %dma_start3A_90 = arith.constant 0 : i32
    %dma_start3A_91 = arith.constant 2 : i32
    %dma_start3A_92 = arith.constant 0 : i32
    %dma_start3A_93 = tpu.memref_slice %arg6[%dma_start3A_91, %dma_start3A_92] : memref<164x128xi32, #tpu.memory_space<vmem>> -> memref<1x128xi32, #tpu.memory_space<vmem>>
    %dma_start3A_94 = tpu.memref_squeeze %dma_start3A_93 : memref<1x128xi32, #tpu.memory_space<vmem>> -> memref<128xi32, #tpu.memory_space<vmem>>
    %dma_start3A_95 = arith.constant 0 : i32
    %dma_start3A_96 = arith.constant 0 : i32
    %dma_start3A_97 = tpu.memref_slice %arg2[%arg0, %dma_start3A_90, %dma_start3A_95, %dma_start3A_96] : memref<2x1x10112x32xi32, #tpu.memory_space<hbm>> -> memref<1x1x10112x32xi32, #tpu.memory_space<hbm>>
    %dma_start3A_98 = tpu.memref_squeeze %dma_start3A_97 : memref<1x1x10112x32xi32, #tpu.memory_space<hbm>> -> memref<10112x32xi32, #tpu.memory_space<hbm>>
    %dma_start3A_99 = arith.constant 0 : i32
    %dma_start3A_100 = arith.constant 0 : i32
    %dma_start3A_101 = tpu.memref_slice %dma_start3A_98[%dma_start3A_99, %dma_start3A_100] : memref<10112x32xi32, #tpu.memory_space<hbm>> -> memref<10112x32xi32, #tpu.memory_space<hbm>>
    tpu.enqueue_indirect_dma source(%dma_start3A_101 : memref<10112x32xi32, #tpu.memory_space<hbm>>) target(%arg10 : memref<128x32xi32, #tpu.memory_space<vmem>>) offsets(%dma_start3A_94 : memref<128xi32, #tpu.memory_space<vmem>>) semaphore(%arg18 : memref<!tpu.dma_semaphore, #tpu.memory_space<semaphore_mem>>)
    %dma_start3A_102 = arith.constant 160 : i32
    %dma_start3A_103 = arith.constant 0 : i32
    %dma_start3A_104 = tpu.memref_slice %arg6[%dma_start3A_102, %dma_start3A_103] : memref<164x128xi32, #tpu.memory_space<vmem>> -> memref<1x128xi32, #tpu.memory_space<vmem>>
    %dma_start3A_105 = tpu.memref_squeeze %dma_start3A_104 : memref<1x128xi32, #tpu.memory_space<vmem>> -> memref<128xi32, #tpu.memory_space<vmem>>
    %dma_start3A_106 = arith.constant 0 : i32
    %dma_start3A_107 = arith.constant 0 : i32
    %dma_start3A_108 = tpu.memref_slice %arg24[%dma_start3A_106, %dma_start3A_107] : memref<10112x64xf32, #tpu.memory_space<vmem_shared>> -> memref<10112x64xf32, #tpu.memory_space<vmem_shared>>
    tpu.enqueue_indirect_dma source(%arg14 : memref<128x64xf32, #tpu.memory_space<vmem>>) target(%dma_start3A_108 : memref<10112x64xf32, #tpu.memory_space<vmem_shared>>) offsets(%dma_start3A_105 : memref<128xi32, #tpu.memory_space<vmem>>) semaphore(%arg22 : memref<!tpu.dma_semaphore, #tpu.memory_space<semaphore_mem>>) {add = true}
    %dma_start3A_109 = arith.constant 0 : i32
    %dma_start3A_110 = arith.constant 3 : i32
    %dma_start3A_111 = arith.constant 0 : i32
    %dma_start3A_112 = tpu.memref_slice %arg6[%dma_start3A_110, %dma_start3A_111] : memref<164x128xi32, #tpu.memory_space<vmem>> -> memref<1x128xi32, #tpu.memory_space<vmem>>
    %dma_start3A_113 = tpu.memref_squeeze %dma_start3A_112 : memref<1x128xi32, #tpu.memory_space<vmem>> -> memref<128xi32, #tpu.memory_space<vmem>>
    %dma_start3A_114 = arith.constant 0 : i32
    %dma_start3A_115 = arith.constant 0 : i32
    %dma_start3A_116 = tpu.memref_slice %arg2[%arg0, %dma_start3A_109, %dma_start3A_114, %dma_start3A_115] : memref<2x1x10112x32xi32, #tpu.memory_space<hbm>> -> memref<1x1x10112x32xi32, #tpu.memory_space<hbm>>
    %dma_start3A_117 = tpu.memref_squeeze %dma_start3A_116 : memref<1x1x10112x32xi32, #tpu.memory_space<hbm>> -> memref<10112x32xi32, #tpu.memory_space<hbm>>
    %dma_start3A_118 = arith.constant 0 : i32
    %dma_start3A_119 = arith.constant 0 : i32
    %dma_start3A_120 = tpu.memref_slice %dma_start3A_117[%dma_start3A_118, %dma_start3A_119] : memref<10112x32xi32, #tpu.memory_space<hbm>> -> memref<10112x32xi32, #tpu.memory_space<hbm>>
    tpu.enqueue_indirect_dma source(%dma_start3A_120 : memref<10112x32xi32, #tpu.memory_space<hbm>>) target(%arg11 : memref<128x32xi32, #tpu.memory_space<vmem>>) offsets(%dma_start3A_113 : memref<128xi32, #tpu.memory_space<vmem>>) semaphore(%arg19 : memref<!tpu.dma_semaphore, #tpu.memory_space<semaphore_mem>>)
    %dma_start3A_121 = arith.constant 160 : i32
    %dma_start3A_122 = arith.constant 0 : i32
    %dma_start3A_123 = tpu.memref_slice %arg6[%dma_start3A_121, %dma_start3A_122] : memref<164x128xi32, #tpu.memory_space<vmem>> -> memref<1x128xi32, #tpu.memory_space<vmem>>
    %dma_start3A_124 = tpu.memref_squeeze %dma_start3A_123 : memref<1x128xi32, #tpu.memory_space<vmem>> -> memref<128xi32, #tpu.memory_space<vmem>>
    %dma_start3A_125 = arith.constant 0 : i32
    %dma_start3A_126 = arith.constant 0 : i32
    %dma_start3A_127 = tpu.memref_slice %arg24[%dma_start3A_125, %dma_start3A_126] : memref<10112x64xf32, #tpu.memory_space<vmem_shared>> -> memref<10112x64xf32, #tpu.memory_space<vmem_shared>>
    tpu.enqueue_indirect_dma source(%arg15 : memref<128x64xf32, #tpu.memory_space<vmem>>) target(%dma_start3A_127 : memref<10112x64xf32, #tpu.memory_space<vmem_shared>>) offsets(%dma_start3A_124 : memref<128xi32, #tpu.memory_space<vmem>>) semaphore(%arg23 : memref<!tpu.dma_semaphore, #tpu.memory_space<semaphore_mem>>) {add = true}
    %scan3A_128 = arith.constant 0 : i32
    %scan3A_129 = arith.constant 0 : i32
    %scan3A_130 = arith.constant 40 : i32
    %scan3A_131 = arith.addi %scan3A_129, %scan3A_130 : i32
    %scan3A_132 = arith.constant 1 : i32
    scf.for %scan3A_254 = %scan3A_129 to %scan3A_131 step %scan3A_132  : i32 {
      %mul3A_255 = arith.constant 4 : i32
      %mul3A_256 = arith.muli %scan3A_254, %mul3A_255 : i32
      %add3A_257 = arith.constant 0 : i32
      %add3A_258 = arith.addi %add3A_257, %mul3A_256 : i32
      %add3A_259 = arith.constant 0 : i32
      %add3A_260 = arith.addi %add3A_258, %add3A_259 : i32
      %dma_wait3A_261 = arith.constant 0 : i32
      %dma_wait3A_262 = tpu.memref_slice %arg6[%add3A_260, %dma_wait3A_261] : memref<164x128xi32, #tpu.memory_space<vmem>> -> memref<1x128xi32, #tpu.memory_space<vmem>>
      %dma_wait3A_263 = tpu.memref_squeeze %dma_wait3A_262 : memref<1x128xi32, #tpu.memory_space<vmem>> -> memref<128xi32, #tpu.memory_space<vmem>>
      %dma_wait3A_264 = arith.constant 0 : i32
      %dma_wait3A_265 = arith.constant 0 : i32
      %dma_wait3A_266 = tpu.memref_slice %arg2[%arg0, %scan3A_128, %dma_wait3A_264, %dma_wait3A_265] : memref<2x1x10112x32xi32, #tpu.memory_space<hbm>> -> memref<1x1x10112x32xi32, #tpu.memory_space<hbm>>
      %dma_wait3A_267 = tpu.memref_squeeze %dma_wait3A_266 : memref<1x1x10112x32xi32, #tpu.memory_space<hbm>> -> memref<10112x32xi32, #tpu.memory_space<hbm>>
      %dma_wait3A_268 = arith.constant 0 : i32
      %dma_wait3A_269 = arith.constant 0 : i32
      %dma_wait3A_270 = tpu.memref_slice %dma_wait3A_267[%dma_wait3A_268, %dma_wait3A_269] : memref<10112x32xi32, #tpu.memory_space<hbm>> -> memref<10112x32xi32, #tpu.memory_space<hbm>>
      tpu.wait_indirect_dma semaphore(%arg16 : memref<!tpu.dma_semaphore, #tpu.memory_space<semaphore_mem>>) src(%dma_wait3A_270 : memref<10112x32xi32, #tpu.memory_space<hbm>>) dst(%arg8 : memref<128x32xi32, #tpu.memory_space<vmem>>)
      %add3A_271 = arith.constant 0 : i32
      %add3A_272 = arith.addi %add3A_258, %add3A_271 : i32
      %dma_wait3A_273 = arith.constant 0 : i32
      %dma_wait3A_274 = tpu.memref_slice %arg7[%add3A_272, %dma_wait3A_273] : memref<160x128xi32, #tpu.memory_space<vmem>> -> memref<1x128xi32, #tpu.memory_space<vmem>>
      %dma_wait3A_275 = tpu.memref_squeeze %dma_wait3A_274 : memref<1x128xi32, #tpu.memory_space<vmem>> -> memref<128xi32, #tpu.memory_space<vmem>>
      %dma_wait3A_276 = arith.constant 0 : i32
      %dma_wait3A_277 = arith.constant 0 : i32
      %dma_wait3A_278 = tpu.memref_slice %arg24[%dma_wait3A_276, %dma_wait3A_277] : memref<10112x64xf32, #tpu.memory_space<vmem_shared>> -> memref<10112x64xf32, #tpu.memory_space<vmem_shared>>
      tpu.wait_indirect_dma semaphore(%arg20 : memref<!tpu.dma_semaphore, #tpu.memory_space<semaphore_mem>>) src(%arg12 : memref<128x64xf32, #tpu.memory_space<vmem>>) dst(%dma_wait3A_278 : memref<10112x64xf32, #tpu.memory_space<vmem_shared>>)
      %scan3A_279 = arith.constant 0 : i32
      %scan3A_280 = arith.constant 128 : i32
      %scan3A_281 = arith.addi %scan3A_279, %scan3A_280 : i32
      %scan3A_282 = arith.constant 1 : i32
      scf.for %scan3A_447 = %scan3A_279 to %scan3A_281 step %scan3A_282  : i32 {
        %mul3A_448 = arith.constant 1 : i32
        %mul3A_449 = arith.muli %scan3A_447, %mul3A_448 : i32
        %add3A_450 = arith.constant 0 : i32
        %add3A_451 = arith.addi %add3A_450, %mul3A_449 : i32
        %get3A = arith.index_cast %add3A_451 : i32 to index
        %get3A_452 = arith.constant 0 : index
        %get3A_453 = tpu.vector_load %arg8[%get3A, %get3A_452] {strides = array<i32>} : memref<128x32xi32, #tpu.memory_space<vmem>>, vector<16xi32>,
        %shift_left3A = arith.constant 16 : i32
        %shift_left3A_454 = vector.broadcast %shift_left3A : i32 to vector<16xi32>
        %shift_left3A_455 = arith.shli %get3A_453, %shift_left3A_454 : vector<16xi32>
        %bitcast3A = vector.bitcast %shift_left3A_455 : vector<16xi32> to vector<16xf32>
        %and3A = arith.constant -65536 : i32
        %and3A_456 = vector.broadcast %and3A : i32 to vector<16xi32>
        %and3A_457 = arith.andi %get3A_453, %and3A_456 : vector<16xi32>
        %bitcast3A_458 = vector.bitcast %and3A_457 : vector<16xi32> to vector<16xf32>
        %swap3A = arith.index_cast %add3A_451 : i32 to index
        %swap3A_459 = arith.constant 0 : index
        %swap3A_460 = tpu.vector_load %arg12[%swap3A, %swap3A_459] {strides = array<i32>} : memref<128x64xf32, #tpu.memory_space<vmem>>, vector<16xf32>,
        tpu.vector_store %arg12[%swap3A, %swap3A_459], %bitcast3A {strides = array<i32>} : memref<128x64xf32, #tpu.memory_space<vmem>>, vector<16xf32>,
        %swap3A_461 = arith.index_cast %add3A_451 : i32 to index
        %swap3A_462 = arith.constant 32 : index
        %swap3A_463 = tpu.vector_load %arg12[%swap3A_461, %swap3A_462] {strides = array<i32>} : memref<128x64xf32, #tpu.memory_space<vmem>>, vector<16xf32>,
        tpu.vector_store %arg12[%swap3A_461, %swap3A_462], %bitcast3A_458 {strides = array<i32>} : memref<128x64xf32, #tpu.memory_space<vmem>>, vector<16xf32>,
        %get3A_464 = arith.index_cast %add3A_451 : i32 to index
        %get3A_465 = arith.constant 16 : index
        %get3A_466 = tpu.vector_load %arg8[%get3A_464, %get3A_465] {strides = array<i32>} : memref<128x32xi32, #tpu.memory_space<vmem>>, vector<16xi32>,
        %shift_left3A_467 = arith.constant 16 : i32
        %shift_left3A_468 = vector.broadcast %shift_left3A_467 : i32 to vector<16xi32>
        %shift_left3A_469 = arith.shli %get3A_466, %shift_left3A_468 : vector<16xi32>
        %bitcast3A_470 = vector.bitcast %shift_left3A_469 : vector<16xi32> to vector<16xf32>
        %and3A_471 = arith.constant -65536 : i32
        %and3A_472 = vector.broadcast %and3A_471 : i32 to vector<16xi32>
        %and3A_473 = arith.andi %get3A_466, %and3A_472 : vector<16xi32>
        %bitcast3A_474 = vector.bitcast %and3A_473 : vector<16xi32> to vector<16xf32>
        %swap3A_475 = arith.index_cast %add3A_451 : i32 to index
        %swap3A_476 = arith.constant 16 : index
        %swap3A_477 = tpu.vector_load %arg12[%swap3A_475, %swap3A_476] {strides = array<i32>} : memref<128x64xf32, #tpu.memory_space<vmem>>, vector<16xf32>,
        tpu.vector_store %arg12[%swap3A_475, %swap3A_476], %bitcast3A_470 {strides = array<i32>} : memref<128x64xf32, #tpu.memory_space<vmem>>, vector<16xf32>,
        %swap3A_478 = arith.index_cast %add3A_451 : i32 to index
        %swap3A_479 = arith.constant 48 : index
        %swap3A_480 = tpu.vector_load %arg12[%swap3A_478, %swap3A_479] {strides = array<i32>} : memref<128x64xf32, #tpu.memory_space<vmem>>, vector<16xf32>,
        tpu.vector_store %arg12[%swap3A_478, %swap3A_479], %bitcast3A_474 {strides = array<i32>} : memref<128x64xf32, #tpu.memory_space<vmem>>, vector<16xf32>,
      }
      %scan3A_283 = arith.constant 128 : i32
      %add3A_284 = arith.constant 0 : i32
      %add3A_285 = arith.addi %add3A_258, %add3A_284 : i32
      %dma_start3A_286 = arith.constant 0 : i32
      %dma_start3A_287 = tpu.memref_slice %arg7[%add3A_285, %dma_start3A_286] : memref<160x128xi32, #tpu.memory_space<vmem>> -> memref<1x128xi32, #tpu.memory_space<vmem>>
      %dma_start3A_288 = tpu.memref_squeeze %dma_start3A_287 : memref<1x128xi32, #tpu.memory_space<vmem>> -> memref<128xi32, #tpu.memory_space<vmem>>
      %dma_start3A_289 = arith.constant 0 : i32
      %dma_start3A_290 = arith.constant 0 : i32
      %dma_start3A_291 = tpu.memref_slice %arg24[%dma_start3A_289, %dma_start3A_290] : memref<10112x64xf32, #tpu.memory_space<vmem_shared>> -> memref<10112x64xf32, #tpu.memory_space<vmem_shared>>
      tpu.enqueue_indirect_dma source(%arg12 : memref<128x64xf32, #tpu.memory_space<vmem>>) target(%dma_start3A_291 : memref<10112x64xf32, #tpu.memory_space<vmem_shared>>) offsets(%dma_start3A_288 : memref<128xi32, #tpu.memory_space<vmem>>) semaphore(%arg20 : memref<!tpu.dma_semaphore, #tpu.memory_space<semaphore_mem>>) {add = true}
      %add3A_292 = arith.constant 0 : i32
      %add3A_293 = arith.addi %add3A_258, %add3A_292 : i32
      %add3A_294 = arith.constant 4 : i32
      %add3A_295 = arith.addi %add3A_293, %add3A_294 : i32
      %dma_start3A_296 = arith.constant 0 : i32
      %dma_start3A_297 = tpu.memref_slice %arg6[%add3A_295, %dma_start3A_296] : memref<164x128xi32, #tpu.memory_space<vmem>> -> memref<1x128xi32, #tpu.memory_space<vmem>>
      %dma_start3A_298 = tpu.memref_squeeze %dma_start3A_297 : memref<1x128xi32, #tpu.memory_space<vmem>> -> memref<128xi32, #tpu.memory_space<vmem>>
      %dma_start3A_299 = arith.constant 0 : i32
      %dma_start3A_300 = arith.constant 0 : i32
      %dma_start3A_301 = tpu.memref_slice %arg2[%arg0, %scan3A_128, %dma_start3A_299, %dma_start3A_300] : memref<2x1x10112x32xi32, #tpu.memory_space<hbm>> -> memref<1x1x10112x32xi32, #tpu.memory_space<hbm>>
      %dma_start3A_302 = tpu.memref_squeeze %dma_start3A_301 : memref<1x1x10112x32xi32, #tpu.memory_space<hbm>> -> memref<10112x32xi32, #tpu.memory_space<hbm>>
      %dma_start3A_303 = arith.constant 0 : i32
      %dma_start3A_304 = arith.constant 0 : i32
      %dma_start3A_305 = tpu.memref_slice %dma_start3A_302[%dma_start3A_303, %dma_start3A_304] : memref<10112x32xi32, #tpu.memory_space<hbm>> -> memref<10112x32xi32, #tpu.memory_space<hbm>>
      tpu.enqueue_indirect_dma source(%dma_start3A_305 : memref<10112x32xi32, #tpu.memory_space<hbm>>) target(%arg8 : memref<128x32xi32, #tpu.memory_space<vmem>>) offsets(%dma_start3A_298 : memref<128xi32, #tpu.memory_space<vmem>>) semaphore(%arg16 : memref<!tpu.dma_semaphore, #tpu.memory_space<semaphore_mem>>)
      %add3A_306 = arith.constant 1 : i32
      %add3A_307 = arith.addi %add3A_258, %add3A_306 : i32
      %dma_wait3A_308 = arith.constant 0 : i32
      %dma_wait3A_309 = tpu.memref_slice %arg6[%add3A_307, %dma_wait3A_308] : memref<164x128xi32, #tpu.memory_space<vmem>> -> memref<1x128xi32, #tpu.memory_space<vmem>>
      %dma_wait3A_310 = tpu.memref_squeeze %dma_wait3A_309 : memref<1x128xi32, #tpu.memory_space<vmem>> -> memref<128xi32, #tpu.memory_space<vmem>>
      %dma_wait3A_311 = arith.constant 0 : i32
      %dma_wait3A_312 = arith.constant 0 : i32
      %dma_wait3A_313 = tpu.memref_slice %arg2[%arg0, %scan3A_128, %dma_wait3A_311, %dma_wait3A_312] : memref<2x1x10112x32xi32, #tpu.memory_space<hbm>> -> memref<1x1x10112x32xi32, #tpu.memory_space<hbm>>
      %dma_wait3A_314 = tpu.memref_squeeze %dma_wait3A_313 : memref<1x1x10112x32xi32, #tpu.memory_space<hbm>> -> memref<10112x32xi32, #tpu.memory_space<hbm>>
      %dma_wait3A_315 = arith.constant 0 : i32
      %dma_wait3A_316 = arith.constant 0 : i32
      %dma_wait3A_317 = tpu.memref_slice %dma_wait3A_314[%dma_wait3A_315, %dma_wait3A_316] : memref<10112x32xi32, #tpu.memory_space<hbm>> -> memref<10112x32xi32, #tpu.memory_space<hbm>>
      tpu.wait_indirect_dma semaphore(%arg17 : memref<!tpu.dma_semaphore, #tpu.memory_space<semaphore_mem>>) src(%dma_wait3A_317 : memref<10112x32xi32, #tpu.memory_space<hbm>>) dst(%arg9 : memref<128x32xi32, #tpu.memory_space<vmem>>)
      %add3A_318 = arith.constant 1 : i32
      %add3A_319 = arith.addi %add3A_258, %add3A_318 : i32
      %dma_wait3A_320 = arith.constant 0 : i32
      %dma_wait3A_321 = tpu.memref_slice %arg7[%add3A_319, %dma_wait3A_320] : memref<160x128xi32, #tpu.memory_space<vmem>> -> memref<1x128xi32, #tpu.memory_space<vmem>>
      %dma_wait3A_322 = tpu.memref_squeeze %dma_wait3A_321 : memref<1x128xi32, #tpu.memory_space<vmem>> -> memref<128xi32, #tpu.memory_space<vmem>>
      %dma_wait3A_323 = arith.constant 0 : i32
      %dma_wait3A_324 = arith.constant 0 : i32
      %dma_wait3A_325 = tpu.memref_slice %arg24[%dma_wait3A_323, %dma_wait3A_324] : memref<10112x64xf32, #tpu.memory_space<vmem_shared>> -> memref<10112x64xf32, #tpu.memory_space<vmem_shared>>
      tpu.wait_indirect_dma semaphore(%arg21 : memref<!tpu.dma_semaphore, #tpu.memory_space<semaphore_mem>>) src(%arg13 : memref<128x64xf32, #tpu.memory_space<vmem>>) dst(%dma_wait3A_325 : memref<10112x64xf32, #tpu.memory_space<vmem_shared>>)
      %scan3A_326 = arith.constant 0 : i32
      %scan3A_327 = arith.constant 128 : i32
      %scan3A_328 = arith.addi %scan3A_326, %scan3A_327 : i32
      %scan3A_329 = arith.constant 1 : i32
      scf.for %scan3A_447 = %scan3A_326 to %scan3A_328 step %scan3A_329  : i32 {
        %mul3A_448 = arith.constant 1 : i32
        %mul3A_449 = arith.muli %scan3A_447, %mul3A_448 : i32
        %add3A_450 = arith.constant 0 : i32
        %add3A_451 = arith.addi %add3A_450, %mul3A_449 : i32
        %get3A = arith.index_cast %add3A_451 : i32 to index
        %get3A_452 = arith.constant 0 : index
        %get3A_453 = tpu.vector_load %arg9[%get3A, %get3A_452] {strides = array<i32>} : memref<128x32xi32, #tpu.memory_space<vmem>>, vector<16xi32>,
        %shift_left3A = arith.constant 16 : i32
        %shift_left3A_454 = vector.broadcast %shift_left3A : i32 to vector<16xi32>
        %shift_left3A_455 = arith.shli %get3A_453, %shift_left3A_454 : vector<16xi32>
        %bitcast3A = vector.bitcast %shift_left3A_455 : vector<16xi32> to vector<16xf32>
        %and3A = arith.constant -65536 : i32
        %and3A_456 = vector.broadcast %and3A : i32 to vector<16xi32>
        %and3A_457 = arith.andi %get3A_453, %and3A_456 : vector<16xi32>
        %bitcast3A_458 = vector.bitcast %and3A_457 : vector<16xi32> to vector<16xf32>
        %swap3A = arith.index_cast %add3A_451 : i32 to index
        %swap3A_459 = arith.constant 0 : index
        %swap3A_460 = tpu.vector_load %arg13[%swap3A, %swap3A_459] {strides = array<i32>} : memref<128x64xf32, #tpu.memory_space<vmem>>, vector<16xf32>,
        tpu.vector_store %arg13[%swap3A, %swap3A_459], %bitcast3A {strides = array<i32>} : memref<128x64xf32, #tpu.memory_space<vmem>>, vector<16xf32>,
        %swap3A_461 = arith.index_cast %add3A_451 : i32 to index
        %swap3A_462 = arith.constant 32 : index
        %swap3A_463 = tpu.vector_load %arg13[%swap3A_461, %swap3A_462] {strides = array<i32>} : memref<128x64xf32, #tpu.memory_space<vmem>>, vector<16xf32>,
        tpu.vector_store %arg13[%swap3A_461, %swap3A_462], %bitcast3A_458 {strides = array<i32>} : memref<128x64xf32, #tpu.memory_space<vmem>>, vector<16xf32>,
        %get3A_464 = arith.index_cast %add3A_451 : i32 to index
        %get3A_465 = arith.constant 16 : index
        %get3A_466 = tpu.vector_load %arg9[%get3A_464, %get3A_465] {strides = array<i32>} : memref<128x32xi32, #tpu.memory_space<vmem>>, vector<16xi32>,
        %shift_left3A_467 = arith.constant 16 : i32
        %shift_left3A_468 = vector.broadcast %shift_left3A_467 : i32 to vector<16xi32>
        %shift_left3A_469 = arith.shli %get3A_466, %shift_left3A_468 : vector<16xi32>
        %bitcast3A_470 = vector.bitcast %shift_left3A_469 : vector<16xi32> to vector<16xf32>
        %and3A_471 = arith.constant -65536 : i32
        %and3A_472 = vector.broadcast %and3A_471 : i32 to vector<16xi32>
        %and3A_473 = arith.andi %get3A_466, %and3A_472 : vector<16xi32>
        %bitcast3A_474 = vector.bitcast %and3A_473 : vector<16xi32> to vector<16xf32>
        %swap3A_475 = arith.index_cast %add3A_451 : i32 to index
        %swap3A_476 = arith.constant 16 : index
        %swap3A_477 = tpu.vector_load %arg13[%swap3A_475, %swap3A_476] {strides = array<i32>} : memref<128x64xf32, #tpu.memory_space<vmem>>, vector<16xf32>,
        tpu.vector_store %arg13[%swap3A_475, %swap3A_476], %bitcast3A_470 {strides = array<i32>} : memref<128x64xf32, #tpu.memory_space<vmem>>, vector<16xf32>,
        %swap3A_478 = arith.index_cast %add3A_451 : i32 to index
        %swap3A_479 = arith.constant 48 : index
        %swap3A_480 = tpu.vector_load %arg13[%swap3A_478, %swap3A_479] {strides = array<i32>} : memref<128x64xf32, #tpu.memory_space<vmem>>, vector<16xf32>,
        tpu.vector_store %arg13[%swap3A_478, %swap3A_479], %bitcast3A_474 {strides = array<i32>} : memref<128x64xf32, #tpu.memory_space<vmem>>, vector<16xf32>,
      }
      %scan3A_330 = arith.constant 128 : i32
      %add3A_331 = arith.constant 1 : i32
      %add3A_332 = arith.addi %add3A_258, %add3A_331 : i32
      %dma_start3A_333 = arith.constant 0 : i32
      %dma_start3A_334 = tpu.memref_slice %arg7[%add3A_332, %dma_start3A_333] : memref<160x128xi32, #tpu.memory_space<vmem>> -> memref<1x128xi32, #tpu.memory_space<vmem>>
      %dma_start3A_335 = tpu.memref_squeeze %dma_start3A_334 : memref<1x128xi32, #tpu.memory_space<vmem>> -> memref<128xi32, #tpu.memory_space<vmem>>
      %dma_start3A_336 = arith.constant 0 : i32
      %dma_start3A_337 = arith.constant 0 : i32
      %dma_start3A_338 = tpu.memref_slice %arg24[%dma_start3A_336, %dma_start3A_337] : memref<10112x64xf32, #tpu.memory_space<vmem_shared>> -> memref<10112x64xf32, #tpu.memory_space<vmem_shared>>
      tpu.enqueue_indirect_dma source(%arg13 : memref<128x64xf32, #tpu.memory_space<vmem>>) target(%dma_start3A_338 : memref<10112x64xf32, #tpu.memory_space<vmem_shared>>) offsets(%dma_start3A_335 : memref<128xi32, #tpu.memory_space<vmem>>) semaphore(%arg21 : memref<!tpu.dma_semaphore, #tpu.memory_space<semaphore_mem>>) {add = true}
      %add3A_339 = arith.constant 1 : i32
      %add3A_340 = arith.addi %add3A_258, %add3A_339 : i32
      %add3A_341 = arith.constant 4 : i32
      %add3A_342 = arith.addi %add3A_340, %add3A_341 : i32
      %dma_start3A_343 = arith.constant 0 : i32
      %dma_start3A_344 = tpu.memref_slice %arg6[%add3A_342, %dma_start3A_343] : memref<164x128xi32, #tpu.memory_space<vmem>> -> memref<1x128xi32, #tpu.memory_space<vmem>>
      %dma_start3A_345 = tpu.memref_squeeze %dma_start3A_344 : memref<1x128xi32, #tpu.memory_space<vmem>> -> memref<128xi32, #tpu.memory_space<vmem>>
      %dma_start3A_346 = arith.constant 0 : i32
      %dma_start3A_347 = arith.constant 0 : i32
      %dma_start3A_348 = tpu.memref_slice %arg2[%arg0, %scan3A_128, %dma_start3A_346, %dma_start3A_347] : memref<2x1x10112x32xi32, #tpu.memory_space<hbm>> -> memref<1x1x10112x32xi32, #tpu.memory_space<hbm>>
      %dma_start3A_349 = tpu.memref_squeeze %dma_start3A_348 : memref<1x1x10112x32xi32, #tpu.memory_space<hbm>> -> memref<10112x32xi32, #tpu.memory_space<hbm>>
      %dma_start3A_350 = arith.constant 0 : i32
      %dma_start3A_351 = arith.constant 0 : i32
      %dma_start3A_352 = tpu.memref_slice %dma_start3A_349[%dma_start3A_350, %dma_start3A_351] : memref<10112x32xi32, #tpu.memory_space<hbm>> -> memref<10112x32xi32, #tpu.memory_space<hbm>>
      tpu.enqueue_indirect_dma source(%dma_start3A_352 : memref<10112x32xi32, #tpu.memory_space<hbm>>) target(%arg9 : memref<128x32xi32, #tpu.memory_space<vmem>>) offsets(%dma_start3A_345 : memref<128xi32, #tpu.memory_space<vmem>>) semaphore(%arg17 : memref<!tpu.dma_semaphore, #tpu.memory_space<semaphore_mem>>)
      %add3A_353 = arith.constant 2 : i32
      %add3A_354 = arith.addi %add3A_258, %add3A_353 : i32
      %dma_wait3A_355 = arith.constant 0 : i32
      %dma_wait3A_356 = tpu.memref_slice %arg6[%add3A_354, %dma_wait3A_355] : memref<164x128xi32, #tpu.memory_space<vmem>> -> memref<1x128xi32, #tpu.memory_space<vmem>>
      %dma_wait3A_357 = tpu.memref_squeeze %dma_wait3A_356 : memref<1x128xi32, #tpu.memory_space<vmem>> -> memref<128xi32, #tpu.memory_space<vmem>>
      %dma_wait3A_358 = arith.constant 0 : i32
      %dma_wait3A_359 = arith.constant 0 : i32
      %dma_wait3A_360 = tpu.memref_slice %arg2[%arg0, %scan3A_128, %dma_wait3A_358, %dma_wait3A_359] : memref<2x1x10112x32xi32, #tpu.memory_space<hbm>> -> memref<1x1x10112x32xi32, #tpu.memory_space<hbm>>
      %dma_wait3A_361 = tpu.memref_squeeze %dma_wait3A_360 : memref<1x1x10112x32xi32, #tpu.memory_space<hbm>> -> memref<10112x32xi32, #tpu.memory_space<hbm>>
      %dma_wait3A_362 = arith.constant 0 : i32
      %dma_wait3A_363 = arith.constant 0 : i32
      %dma_wait3A_364 = tpu.memref_slice %dma_wait3A_361[%dma_wait3A_362, %dma_wait3A_363] : memref<10112x32xi32, #tpu.memory_space<hbm>> -> memref<10112x32xi32, #tpu.memory_space<hbm>>
      tpu.wait_indirect_dma semaphore(%arg18 : memref<!tpu.dma_semaphore, #tpu.memory_space<semaphore_mem>>) src(%dma_wait3A_364 : memref<10112x32xi32, #tpu.memory_space<hbm>>) dst(%arg10 : memref<128x32xi32, #tpu.memory_space<vmem>>)
      %add3A_365 = arith.constant 2 : i32
      %add3A_366 = arith.addi %add3A_258, %add3A_365 : i32
      %dma_wait3A_367 = arith.constant 0 : i32
      %dma_wait3A_368 = tpu.memref_slice %arg7[%add3A_366, %dma_wait3A_367] : memref<160x128xi32, #tpu.memory_space<vmem>> -> memref<1x128xi32, #tpu.memory_space<vmem>>
      %dma_wait3A_369 = tpu.memref_squeeze %dma_wait3A_368 : memref<1x128xi32, #tpu.memory_space<vmem>> -> memref<128xi32, #tpu.memory_space<vmem>>
      %dma_wait3A_370 = arith.constant 0 : i32
      %dma_wait3A_371 = arith.constant 0 : i32
      %dma_wait3A_372 = tpu.memref_slice %arg24[%dma_wait3A_370, %dma_wait3A_371] : memref<10112x64xf32, #tpu.memory_space<vmem_shared>> -> memref<10112x64xf32, #tpu.memory_space<vmem_shared>>
      tpu.wait_indirect_dma semaphore(%arg22 : memref<!tpu.dma_semaphore, #tpu.memory_space<semaphore_mem>>) src(%arg14 : memref<128x64xf32, #tpu.memory_space<vmem>>) dst(%dma_wait3A_372 : memref<10112x64xf32, #tpu.memory_space<vmem_shared>>)
      %scan3A_373 = arith.constant 0 : i32
      %scan3A_374 = arith.constant 128 : i32
      %scan3A_375 = arith.addi %scan3A_373, %scan3A_374 : i32
      %scan3A_376 = arith.constant 1 : i32
      scf.for %scan3A_447 = %scan3A_373 to %scan3A_375 step %scan3A_376  : i32 {
        %mul3A_448 = arith.constant 1 : i32
        %mul3A_449 = arith.muli %scan3A_447, %mul3A_448 : i32
        %add3A_450 = arith.constant 0 : i32
        %add3A_451 = arith.addi %add3A_450, %mul3A_449 : i32
        %get3A = arith.index_cast %add3A_451 : i32 to index
        %get3A_452 = arith.constant 0 : index
        %get3A_453 = tpu.vector_load %arg10[%get3A, %get3A_452] {strides = array<i32>} : memref<128x32xi32, #tpu.memory_space<vmem>>, vector<16xi32>,
        %shift_left3A = arith.constant 16 : i32
        %shift_left3A_454 = vector.broadcast %shift_left3A : i32 to vector<16xi32>
        %shift_left3A_455 = arith.shli %get3A_453, %shift_left3A_454 : vector<16xi32>
        %bitcast3A = vector.bitcast %shift_left3A_455 : vector<16xi32> to vector<16xf32>
        %and3A = arith.constant -65536 : i32
        %and3A_456 = vector.broadcast %and3A : i32 to vector<16xi32>
        %and3A_457 = arith.andi %get3A_453, %and3A_456 : vector<16xi32>
        %bitcast3A_458 = vector.bitcast %and3A_457 : vector<16xi32> to vector<16xf32>
        %swap3A = arith.index_cast %add3A_451 : i32 to index
        %swap3A_459 = arith.constant 0 : index
        %swap3A_460 = tpu.vector_load %arg14[%swap3A, %swap3A_459] {strides = array<i32>} : memref<128x64xf32, #tpu.memory_space<vmem>>, vector<16xf32>,
        tpu.vector_store %arg14[%swap3A, %swap3A_459], %bitcast3A {strides = array<i32>} : memref<128x64xf32, #tpu.memory_space<vmem>>, vector<16xf32>,
        %swap3A_461 = arith.index_cast %add3A_451 : i32 to index
        %swap3A_462 = arith.constant 32 : index
        %swap3A_463 = tpu.vector_load %arg14[%swap3A_461, %swap3A_462] {strides = array<i32>} : memref<128x64xf32, #tpu.memory_space<vmem>>, vector<16xf32>,
        tpu.vector_store %arg14[%swap3A_461, %swap3A_462], %bitcast3A_458 {strides = array<i32>} : memref<128x64xf32, #tpu.memory_space<vmem>>, vector<16xf32>,
        %get3A_464 = arith.index_cast %add3A_451 : i32 to index
        %get3A_465 = arith.constant 16 : index
        %get3A_466 = tpu.vector_load %arg10[%get3A_464, %get3A_465] {strides = array<i32>} : memref<128x32xi32, #tpu.memory_space<vmem>>, vector<16xi32>,
        %shift_left3A_467 = arith.constant 16 : i32
        %shift_left3A_468 = vector.broadcast %shift_left3A_467 : i32 to vector<16xi32>
        %shift_left3A_469 = arith.shli %get3A_466, %shift_left3A_468 : vector<16xi32>
        %bitcast3A_470 = vector.bitcast %shift_left3A_469 : vector<16xi32> to vector<16xf32>
        %and3A_471 = arith.constant -65536 : i32
        %and3A_472 = vector.broadcast %and3A_471 : i32 to vector<16xi32>
        %and3A_473 = arith.andi %get3A_466, %and3A_472 : vector<16xi32>
        %bitcast3A_474 = vector.bitcast %and3A_473 : vector<16xi32> to vector<16xf32>
        %swap3A_475 = arith.index_cast %add3A_451 : i32 to index
        %swap3A_476 = arith.constant 16 : index
        %swap3A_477 = tpu.vector_load %arg14[%swap3A_475, %swap3A_476] {strides = array<i32>} : memref<128x64xf32, #tpu.memory_space<vmem>>, vector<16xf32>,
        tpu.vector_store %arg14[%swap3A_475, %swap3A_476], %bitcast3A_470 {strides = array<i32>} : memref<128x64xf32, #tpu.memory_space<vmem>>, vector<16xf32>,
        %swap3A_478 = arith.index_cast %add3A_451 : i32 to index
        %swap3A_479 = arith.constant 48 : index
        %swap3A_480 = tpu.vector_load %arg14[%swap3A_478, %swap3A_479] {strides = array<i32>} : memref<128x64xf32, #tpu.memory_space<vmem>>, vector<16xf32>,
        tpu.vector_store %arg14[%swap3A_478, %swap3A_479], %bitcast3A_474 {strides = array<i32>} : memref<128x64xf32, #tpu.memory_space<vmem>>, vector<16xf32>,
      }
      %scan3A_377 = arith.constant 128 : i32
      %add3A_378 = arith.constant 2 : i32
      %add3A_379 = arith.addi %add3A_258, %add3A_378 : i32
      %dma_start3A_380 = arith.constant 0 : i32
      %dma_start3A_381 = tpu.memref_slice %arg7[%add3A_379, %dma_start3A_380] : memref<160x128xi32, #tpu.memory_space<vmem>> -> memref<1x128xi32, #tpu.memory_space<vmem>>
      %dma_start3A_382 = tpu.memref_squeeze %dma_start3A_381 : memref<1x128xi32, #tpu.memory_space<vmem>> -> memref<128xi32, #tpu.memory_space<vmem>>
      %dma_start3A_383 = arith.constant 0 : i32
      %dma_start3A_384 = arith.constant 0 : i32
      %dma_start3A_385 = tpu.memref_slice %arg24[%dma_start3A_383, %dma_start3A_384] : memref<10112x64xf32, #tpu.memory_space<vmem_shared>> -> memref<10112x64xf32, #tpu.memory_space<vmem_shared>>
      tpu.enqueue_indirect_dma source(%arg14 : memref<128x64xf32, #tpu.memory_space<vmem>>) target(%dma_start3A_385 : memref<10112x64xf32, #tpu.memory_space<vmem_shared>>) offsets(%dma_start3A_382 : memref<128xi32, #tpu.memory_space<vmem>>) semaphore(%arg22 : memref<!tpu.dma_semaphore, #tpu.memory_space<semaphore_mem>>) {add = true}
      %add3A_386 = arith.constant 2 : i32
      %add3A_387 = arith.addi %add3A_258, %add3A_386 : i32
      %add3A_388 = arith.constant 4 : i32
      %add3A_389 = arith.addi %add3A_387, %add3A_388 : i32
      %dma_start3A_390 = arith.constant 0 : i32
      %dma_start3A_391 = tpu.memref_slice %arg6[%add3A_389, %dma_start3A_390] : memref<164x128xi32, #tpu.memory_space<vmem>> -> memref<1x128xi32, #tpu.memory_space<vmem>>
      %dma_start3A_392 = tpu.memref_squeeze %dma_start3A_391 : memref<1x128xi32, #tpu.memory_space<vmem>> -> memref<128xi32, #tpu.memory_space<vmem>>
      %dma_start3A_393 = arith.constant 0 : i32
      %dma_start3A_394 = arith.constant 0 : i32
      %dma_start3A_395 = tpu.memref_slice %arg2[%arg0, %scan3A_128, %dma_start3A_393, %dma_start3A_394] : memref<2x1x10112x32xi32, #tpu.memory_space<hbm>> -> memref<1x1x10112x32xi32, #tpu.memory_space<hbm>>
      %dma_start3A_396 = tpu.memref_squeeze %dma_start3A_395 : memref<1x1x10112x32xi32, #tpu.memory_space<hbm>> -> memref<10112x32xi32, #tpu.memory_space<hbm>>
      %dma_start3A_397 = arith.constant 0 : i32
      %dma_start3A_398 = arith.constant 0 : i32
      %dma_start3A_399 = tpu.memref_slice %dma_start3A_396[%dma_start3A_397, %dma_start3A_398] : memref<10112x32xi32, #tpu.memory_space<hbm>> -> memref<10112x32xi32, #tpu.memory_space<hbm>>
      tpu.enqueue_indirect_dma source(%dma_start3A_399 : memref<10112x32xi32, #tpu.memory_space<hbm>>) target(%arg10 : memref<128x32xi32, #tpu.memory_space<vmem>>) offsets(%dma_start3A_392 : memref<128xi32, #tpu.memory_space<vmem>>) semaphore(%arg18 : memref<!tpu.dma_semaphore, #tpu.memory_space<semaphore_mem>>)
      %add3A_400 = arith.constant 3 : i32
      %add3A_401 = arith.addi %add3A_258, %add3A_400 : i32
      %dma_wait3A_402 = arith.constant 0 : i32
      %dma_wait3A_403 = tpu.memref_slice %arg6[%add3A_401, %dma_wait3A_402] : memref<164x128xi32, #tpu.memory_space<vmem>> -> memref<1x128xi32, #tpu.memory_space<vmem>>
      %dma_wait3A_404 = tpu.memref_squeeze %dma_wait3A_403 : memref<1x128xi32, #tpu.memory_space<vmem>> -> memref<128xi32, #tpu.memory_space<vmem>>
      %dma_wait3A_405 = arith.constant 0 : i32
      %dma_wait3A_406 = arith.constant 0 : i32
      %dma_wait3A_407 = tpu.memref_slice %arg2[%arg0, %scan3A_128, %dma_wait3A_405, %dma_wait3A_406] : memref<2x1x10112x32xi32, #tpu.memory_space<hbm>> -> memref<1x1x10112x32xi32, #tpu.memory_space<hbm>>
      %dma_wait3A_408 = tpu.memref_squeeze %dma_wait3A_407 : memref<1x1x10112x32xi32, #tpu.memory_space<hbm>> -> memref<10112x32xi32, #tpu.memory_space<hbm>>
      %dma_wait3A_409 = arith.constant 0 : i32
      %dma_wait3A_410 = arith.constant 0 : i32
      %dma_wait3A_411 = tpu.memref_slice %dma_wait3A_408[%dma_wait3A_409, %dma_wait3A_410] : memref<10112x32xi32, #tpu.memory_space<hbm>> -> memref<10112x32xi32, #tpu.memory_space<hbm>>
      tpu.wait_indirect_dma semaphore(%arg19 : memref<!tpu.dma_semaphore, #tpu.memory_space<semaphore_mem>>) src(%dma_wait3A_411 : memref<10112x32xi32, #tpu.memory_space<hbm>>) dst(%arg11 : memref<128x32xi32, #tpu.memory_space<vmem>>)
      %add3A_412 = arith.constant 3 : i32
      %add3A_413 = arith.addi %add3A_258, %add3A_412 : i32
      %dma_wait3A_414 = arith.constant 0 : i32
      %dma_wait3A_415 = tpu.memref_slice %arg7[%add3A_413, %dma_wait3A_414] : memref<160x128xi32, #tpu.memory_space<vmem>> -> memref<1x128xi32, #tpu.memory_space<vmem>>
      %dma_wait3A_416 = tpu.memref_squeeze %dma_wait3A_415 : memref<1x128xi32, #tpu.memory_space<vmem>> -> memref<128xi32, #tpu.memory_space<vmem>>
      %dma_wait3A_417 = arith.constant 0 : i32
      %dma_wait3A_418 = arith.constant 0 : i32
      %dma_wait3A_419 = tpu.memref_slice %arg24[%dma_wait3A_417, %dma_wait3A_418] : memref<10112x64xf32, #tpu.memory_space<vmem_shared>> -> memref<10112x64xf32, #tpu.memory_space<vmem_shared>>
      tpu.wait_indirect_dma semaphore(%arg23 : memref<!tpu.dma_semaphore, #tpu.memory_space<semaphore_mem>>) src(%arg15 : memref<128x64xf32, #tpu.memory_space<vmem>>) dst(%dma_wait3A_419 : memref<10112x64xf32, #tpu.memory_space<vmem_shared>>)
      %scan3A_420 = arith.constant 0 : i32
      %scan3A_421 = arith.constant 128 : i32
      %scan3A_422 = arith.addi %scan3A_420, %scan3A_421 : i32
      %scan3A_423 = arith.constant 1 : i32
      scf.for %scan3A_447 = %scan3A_420 to %scan3A_422 step %scan3A_423  : i32 {
        %mul3A_448 = arith.constant 1 : i32
        %mul3A_449 = arith.muli %scan3A_447, %mul3A_448 : i32
        %add3A_450 = arith.constant 0 : i32
        %add3A_451 = arith.addi %add3A_450, %mul3A_449 : i32
        %get3A = arith.index_cast %add3A_451 : i32 to index
        %get3A_452 = arith.constant 0 : index
        %get3A_453 = tpu.vector_load %arg11[%get3A, %get3A_452] {strides = array<i32>} : memref<128x32xi32, #tpu.memory_space<vmem>>, vector<16xi32>,
        %shift_left3A = arith.constant 16 : i32
        %shift_left3A_454 = vector.broadcast %shift_left3A : i32 to vector<16xi32>
        %shift_left3A_455 = arith.shli %get3A_453, %shift_left3A_454 : vector<16xi32>
        %bitcast3A = vector.bitcast %shift_left3A_455 : vector<16xi32> to vector<16xf32>
        %and3A = arith.constant -65536 : i32
        %and3A_456 = vector.broadcast %and3A : i32 to vector<16xi32>
        %and3A_457 = arith.andi %get3A_453, %and3A_456 : vector<16xi32>
        %bitcast3A_458 = vector.bitcast %and3A_457 : vector<16xi32> to vector<16xf32>
        %swap3A = arith.index_cast %add3A_451 : i32 to index
        %swap3A_459 = arith.constant 0 : index
        %swap3A_460 = tpu.vector_load %arg15[%swap3A, %swap3A_459] {strides = array<i32>} : memref<128x64xf32, #tpu.memory_space<vmem>>, vector<16xf32>,
        tpu.vector_store %arg15[%swap3A, %swap3A_459], %bitcast3A {strides = array<i32>} : memref<128x64xf32, #tpu.memory_space<vmem>>, vector<16xf32>,
        %swap3A_461 = arith.index_cast %add3A_451 : i32 to index
        %swap3A_462 = arith.constant 32 : index
        %swap3A_463 = tpu.vector_load %arg15[%swap3A_461, %swap3A_462] {strides = array<i32>} : memref<128x64xf32, #tpu.memory_space<vmem>>, vector<16xf32>,
        tpu.vector_store %arg15[%swap3A_461, %swap3A_462], %bitcast3A_458 {strides = array<i32>} : memref<128x64xf32, #tpu.memory_space<vmem>>, vector<16xf32>,
        %get3A_464 = arith.index_cast %add3A_451 : i32 to index
        %get3A_465 = arith.constant 16 : index
        %get3A_466 = tpu.vector_load %arg11[%get3A_464, %get3A_465] {strides = array<i32>} : memref<128x32xi32, #tpu.memory_space<vmem>>, vector<16xi32>,
        %shift_left3A_467 = arith.constant 16 : i32
        %shift_left3A_468 = vector.broadcast %shift_left3A_467 : i32 to vector<16xi32>
        %shift_left3A_469 = arith.shli %get3A_466, %shift_left3A_468 : vector<16xi32>
        %bitcast3A_470 = vector.bitcast %shift_left3A_469 : vector<16xi32> to vector<16xf32>
        %and3A_471 = arith.constant -65536 : i32
        %and3A_472 = vector.broadcast %and3A_471 : i32 to vector<16xi32>
        %and3A_473 = arith.andi %get3A_466, %and3A_472 : vector<16xi32>
        %bitcast3A_474 = vector.bitcast %and3A_473 : vector<16xi32> to vector<16xf32>
        %swap3A_475 = arith.index_cast %add3A_451 : i32 to index
        %swap3A_476 = arith.constant 16 : index
        %swap3A_477 = tpu.vector_load %arg15[%swap3A_475, %swap3A_476] {strides = array<i32>} : memref<128x64xf32, #tpu.memory_space<vmem>>, vector<16xf32>,
        tpu.vector_store %arg15[%swap3A_475, %swap3A_476], %bitcast3A_470 {strides = array<i32>} : memref<128x64xf32, #tpu.memory_space<vmem>>, vector<16xf32>,
        %swap3A_478 = arith.index_cast %add3A_451 : i32 to index
        %swap3A_479 = arith.constant 48 : index
        %swap3A_480 = tpu.vector_load %arg15[%swap3A_478, %swap3A_479] {strides = array<i32>} : memref<128x64xf32, #tpu.memory_space<vmem>>, vector<16xf32>,
        tpu.vector_store %arg15[%swap3A_478, %swap3A_479], %bitcast3A_474 {strides = array<i32>} : memref<128x64xf32, #tpu.memory_space<vmem>>, vector<16xf32>,
      }
      %scan3A_424 = arith.constant 128 : i32
      %add3A_425 = arith.constant 3 : i32
      %add3A_426 = arith.addi %add3A_258, %add3A_425 : i32
      %dma_start3A_427 = arith.constant 0 : i32
      %dma_start3A_428 = tpu.memref_slice %arg7[%add3A_426, %dma_start3A_427] : memref<160x128xi32, #tpu.memory_space<vmem>> -> memref<1x128xi32, #tpu.memory_space<vmem>>
      %dma_start3A_429 = tpu.memref_squeeze %dma_start3A_428 : memref<1x128xi32, #tpu.memory_space<vmem>> -> memref<128xi32, #tpu.memory_space<vmem>>
      %dma_start3A_430 = arith.constant 0 : i32
      %dma_start3A_431 = arith.constant 0 : i32
      %dma_start3A_432 = tpu.memref_slice %arg24[%dma_start3A_430, %dma_start3A_431] : memref<10112x64xf32, #tpu.memory_space<vmem_shared>> -> memref<10112x64xf32, #tpu.memory_space<vmem_shared>>
      tpu.enqueue_indirect_dma source(%arg15 : memref<128x64xf32, #tpu.memory_space<vmem>>) target(%dma_start3A_432 : memref<10112x64xf32, #tpu.memory_space<vmem_shared>>) offsets(%dma_start3A_429 : memref<128xi32, #tpu.memory_space<vmem>>) semaphore(%arg23 : memref<!tpu.dma_semaphore, #tpu.memory_space<semaphore_mem>>) {add = true}
      %add3A_433 = arith.constant 3 : i32
      %add3A_434 = arith.addi %add3A_258, %add3A_433 : i32
      %add3A_435 = arith.constant 4 : i32
      %add3A_436 = arith.addi %add3A_434, %add3A_435 : i32
      %dma_start3A_437 = arith.constant 0 : i32
      %dma_start3A_438 = tpu.memref_slice %arg6[%add3A_436, %dma_start3A_437] : memref<164x128xi32, #tpu.memory_space<vmem>> -> memref<1x128xi32, #tpu.memory_space<vmem>>
      %dma_start3A_439 = tpu.memref_squeeze %dma_start3A_438 : memref<1x128xi32, #tpu.memory_space<vmem>> -> memref<128xi32, #tpu.memory_space<vmem>>
      %dma_start3A_440 = arith.constant 0 : i32
      %dma_start3A_441 = arith.constant 0 : i32
      %dma_start3A_442 = tpu.memref_slice %arg2[%arg0, %scan3A_128, %dma_start3A_440, %dma_start3A_441] : memref<2x1x10112x32xi32, #tpu.memory_space<hbm>> -> memref<1x1x10112x32xi32, #tpu.memory_space<hbm>>
      %dma_start3A_443 = tpu.memref_squeeze %dma_start3A_442 : memref<1x1x10112x32xi32, #tpu.memory_space<hbm>> -> memref<10112x32xi32, #tpu.memory_space<hbm>>
      %dma_start3A_444 = arith.constant 0 : i32
      %dma_start3A_445 = arith.constant 0 : i32
      %dma_start3A_446 = tpu.memref_slice %dma_start3A_443[%dma_start3A_444, %dma_start3A_445] : memref<10112x32xi32, #tpu.memory_space<hbm>> -> memref<10112x32xi32, #tpu.memory_space<hbm>>
      tpu.enqueue_indirect_dma source(%dma_start3A_446 : memref<10112x32xi32, #tpu.memory_space<hbm>>) target(%arg11 : memref<128x32xi32, #tpu.memory_space<vmem>>) offsets(%dma_start3A_439 : memref<128xi32, #tpu.memory_space<vmem>>) semaphore(%arg19 : memref<!tpu.dma_semaphore, #tpu.memory_space<semaphore_mem>>)
    }
    %scan3A_133 = arith.constant 40 : i32
    %dma_wait3A = arith.constant 0 : i32
    %dma_wait3A_134 = arith.constant 0 : i32
    %dma_wait3A_135 = tpu.memref_slice %arg7[%dma_wait3A, %dma_wait3A_134] : memref<160x128xi32, #tpu.memory_space<vmem>> -> memref<1x128xi32, #tpu.memory_space<vmem>>
    %dma_wait3A_136 = tpu.memref_squeeze %dma_wait3A_135 : memref<1x128xi32, #tpu.memory_space<vmem>> -> memref<128xi32, #tpu.memory_space<vmem>>
    %dma_wait3A_137 = arith.constant 0 : i32
    %dma_wait3A_138 = arith.constant 0 : i32
    %dma_wait3A_139 = tpu.memref_slice %arg24[%dma_wait3A_137, %dma_wait3A_138] : memref<10112x64xf32, #tpu.memory_space<vmem_shared>> -> memref<10112x64xf32, #tpu.memory_space<vmem_shared>>
    tpu.wait_indirect_dma semaphore(%arg20 : memref<!tpu.dma_semaphore, #tpu.memory_space<semaphore_mem>>) src(%arg12 : memref<128x64xf32, #tpu.memory_space<vmem>>) dst(%dma_wait3A_139 : memref<10112x64xf32, #tpu.memory_space<vmem_shared>>)
    %dma_wait3A_140 = arith.constant 0 : i32
    %dma_wait3A_141 = arith.constant 160 : i32
    %dma_wait3A_142 = arith.constant 0 : i32
    %dma_wait3A_143 = tpu.memref_slice %arg6[%dma_wait3A_141, %dma_wait3A_142] : memref<164x128xi32, #tpu.memory_space<vmem>> -> memref<1x128xi32, #tpu.memory_space<vmem>>
    %dma_wait3A_144 = tpu.memref_squeeze %dma_wait3A_143 : memref<1x128xi32, #tpu.memory_space<vmem>> -> memref<128xi32, #tpu.memory_space<vmem>>
    %dma_wait3A_145 = arith.constant 0 : i32
    %dma_wait3A_146 = arith.constant 0 : i32
    %dma_wait3A_147 = tpu.memref_slice %arg2[%arg0, %dma_wait3A_140, %dma_wait3A_145, %dma_wait3A_146] : memref<2x1x10112x32xi32, #tpu.memory_space<hbm>> -> memref<1x1x10112x32xi32, #tpu.memory_space<hbm>>
    %dma_wait3A_148 = tpu.memref_squeeze %dma_wait3A_147 : memref<1x1x10112x32xi32, #tpu.memory_space<hbm>> -> memref<10112x32xi32, #tpu.memory_space<hbm>>
    %dma_wait3A_149 = arith.constant 0 : i32
    %dma_wait3A_150 = arith.constant 0 : i32
    %dma_wait3A_151 = tpu.memref_slice %dma_wait3A_148[%dma_wait3A_149, %dma_wait3A_150] : memref<10112x32xi32, #tpu.memory_space<hbm>> -> memref<10112x32xi32, #tpu.memory_space<hbm>>
    tpu.wait_indirect_dma semaphore(%arg16 : memref<!tpu.dma_semaphore, #tpu.memory_space<semaphore_mem>>) src(%dma_wait3A_151 : memref<10112x32xi32, #tpu.memory_space<hbm>>) dst(%arg8 : memref<128x32xi32, #tpu.memory_space<vmem>>)
    %dma_wait3A_152 = arith.constant 0 : i32
    %dma_wait3A_153 = arith.constant 0 : i32
    %dma_wait3A_154 = tpu.memref_slice %arg7[%dma_wait3A_152, %dma_wait3A_153] : memref<160x128xi32, #tpu.memory_space<vmem>> -> memref<1x128xi32, #tpu.memory_space<vmem>>
    %dma_wait3A_155 = tpu.memref_squeeze %dma_wait3A_154 : memref<1x128xi32, #tpu.memory_space<vmem>> -> memref<128xi32, #tpu.memory_space<vmem>>
    %dma_wait3A_156 = arith.constant 0 : i32
    %dma_wait3A_157 = arith.constant 0 : i32
    %dma_wait3A_158 = tpu.memref_slice %arg24[%dma_wait3A_156, %dma_wait3A_157] : memref<10112x64xf32, #tpu.memory_space<vmem_shared>> -> memref<10112x64xf32, #tpu.memory_space<vmem_shared>>
    tpu.wait_indirect_dma semaphore(%arg21 : memref<!tpu.dma_semaphore, #tpu.memory_space<semaphore_mem>>) src(%arg13 : memref<128x64xf32, #tpu.memory_space<vmem>>) dst(%dma_wait3A_158 : memref<10112x64xf32, #tpu.memory_space<vmem_shared>>)
    %dma_wait3A_159 = arith.constant 0 : i32
    %dma_wait3A_160 = arith.constant 161 : i32
    %dma_wait3A_161 = arith.constant 0 : i32
    %dma_wait3A_162 = tpu.memref_slice %arg6[%dma_wait3A_160, %dma_wait3A_161] : memref<164x128xi32, #tpu.memory_space<vmem>> -> memref<1x128xi32, #tpu.memory_space<vmem>>
    %dma_wait3A_163 = tpu.memref_squeeze %dma_wait3A_162 : memref<1x128xi32, #tpu.memory_space<vmem>> -> memref<128xi32, #tpu.memory_space<vmem>>
    %dma_wait3A_164 = arith.constant 0 : i32
    %dma_wait3A_165 = arith.constant 0 : i32
    %dma_wait3A_166 = tpu.memref_slice %arg2[%arg0, %dma_wait3A_159, %dma_wait3A_164, %dma_wait3A_165] : memref<2x1x10112x32xi32, #tpu.memory_space<hbm>> -> memref<1x1x10112x32xi32, #tpu.memory_space<hbm>>
    %dma_wait3A_167 = tpu.memref_squeeze %dma_wait3A_166 : memref<1x1x10112x32xi32, #tpu.memory_space<hbm>> -> memref<10112x32xi32, #tpu.memory_space<hbm>>
    %dma_wait3A_168 = arith.constant 0 : i32
    %dma_wait3A_169 = arith.constant 0 : i32
    %dma_wait3A_170 = tpu.memref_slice %dma_wait3A_167[%dma_wait3A_168, %dma_wait3A_169] : memref<10112x32xi32, #tpu.memory_space<hbm>> -> memref<10112x32xi32, #tpu.memory_space<hbm>>
    tpu.wait_indirect_dma semaphore(%arg17 : memref<!tpu.dma_semaphore, #tpu.memory_space<semaphore_mem>>) src(%dma_wait3A_170 : memref<10112x32xi32, #tpu.memory_space<hbm>>) dst(%arg9 : memref<128x32xi32, #tpu.memory_space<vmem>>)
    %dma_wait3A_171 = arith.constant 0 : i32
    %dma_wait3A_172 = arith.constant 0 : i32
    %dma_wait3A_173 = tpu.memref_slice %arg7[%dma_wait3A_171, %dma_wait3A_172] : memref<160x128xi32, #tpu.memory_space<vmem>> -> memref<1x128xi32, #tpu.memory_space<vmem>>
    %dma_wait3A_174 = tpu.memref_squeeze %dma_wait3A_173 : memref<1x128xi32, #tpu.memory_space<vmem>> -> memref<128xi32, #tpu.memory_space<vmem>>
    %dma_wait3A_175 = arith.constant 0 : i32
    %dma_wait3A_176 = arith.constant 0 : i32
    %dma_wait3A_177 = tpu.memref_slice %arg24[%dma_wait3A_175, %dma_wait3A_176] : memref<10112x64xf32, #tpu.memory_space<vmem_shared>> -> memref<10112x64xf32, #tpu.memory_space<vmem_shared>>
    tpu.wait_indirect_dma semaphore(%arg22 : memref<!tpu.dma_semaphore, #tpu.memory_space<semaphore_mem>>) src(%arg14 : memref<128x64xf32, #tpu.memory_space<vmem>>) dst(%dma_wait3A_177 : memref<10112x64xf32, #tpu.memory_space<vmem_shared>>)
    %dma_wait3A_178 = arith.constant 0 : i32
    %dma_wait3A_179 = arith.constant 162 : i32
    %dma_wait3A_180 = arith.constant 0 : i32
    %dma_wait3A_181 = tpu.memref_slice %arg6[%dma_wait3A_179, %dma_wait3A_180] : memref<164x128xi32, #tpu.memory_space<vmem>> -> memref<1x128xi32, #tpu.memory_space<vmem>>
    %dma_wait3A_182 = tpu.memref_squeeze %dma_wait3A_181 : memref<1x128xi32, #tpu.memory_space<vmem>> -> memref<128xi32, #tpu.memory_space<vmem>>
    %dma_wait3A_183 = arith.constant 0 : i32
    %dma_wait3A_184 = arith.constant 0 : i32
    %dma_wait3A_185 = tpu.memref_slice %arg2[%arg0, %dma_wait3A_178, %dma_wait3A_183, %dma_wait3A_184] : memref<2x1x10112x32xi32, #tpu.memory_space<hbm>> -> memref<1x1x10112x32xi32, #tpu.memory_space<hbm>>
    %dma_wait3A_186 = tpu.memref_squeeze %dma_wait3A_185 : memref<1x1x10112x32xi32, #tpu.memory_space<hbm>> -> memref<10112x32xi32, #tpu.memory_space<hbm>>
    %dma_wait3A_187 = arith.constant 0 : i32
    %dma_wait3A_188 = arith.constant 0 : i32
    %dma_wait3A_189 = tpu.memref_slice %dma_wait3A_186[%dma_wait3A_187, %dma_wait3A_188] : memref<10112x32xi32, #tpu.memory_space<hbm>> -> memref<10112x32xi32, #tpu.memory_space<hbm>>
    tpu.wait_indirect_dma semaphore(%arg18 : memref<!tpu.dma_semaphore, #tpu.memory_space<semaphore_mem>>) src(%dma_wait3A_189 : memref<10112x32xi32, #tpu.memory_space<hbm>>) dst(%arg10 : memref<128x32xi32, #tpu.memory_space<vmem>>)
    %dma_wait3A_190 = arith.constant 0 : i32
    %dma_wait3A_191 = arith.constant 0 : i32
    %dma_wait3A_192 = tpu.memref_slice %arg7[%dma_wait3A_190, %dma_wait3A_191] : memref<160x128xi32, #tpu.memory_space<vmem>> -> memref<1x128xi32, #tpu.memory_space<vmem>>
    %dma_wait3A_193 = tpu.memref_squeeze %dma_wait3A_192 : memref<1x128xi32, #tpu.memory_space<vmem>> -> memref<128xi32, #tpu.memory_space<vmem>>
    %dma_wait3A_194 = arith.constant 0 : i32
    %dma_wait3A_195 = arith.constant 0 : i32
    %dma_wait3A_196 = tpu.memref_slice %arg24[%dma_wait3A_194, %dma_wait3A_195] : memref<10112x64xf32, #tpu.memory_space<vmem_shared>> -> memref<10112x64xf32, #tpu.memory_space<vmem_shared>>
    tpu.wait_indirect_dma semaphore(%arg23 : memref<!tpu.dma_semaphore, #tpu.memory_space<semaphore_mem>>) src(%arg15 : memref<128x64xf32, #tpu.memory_space<vmem>>) dst(%dma_wait3A_196 : memref<10112x64xf32, #tpu.memory_space<vmem_shared>>)
    %dma_wait3A_197 = arith.constant 0 : i32
    %dma_wait3A_198 = arith.constant 163 : i32
    %dma_wait3A_199 = arith.constant 0 : i32
    %dma_wait3A_200 = tpu.memref_slice %arg6[%dma_wait3A_198, %dma_wait3A_199] : memref<164x128xi32, #tpu.memory_space<vmem>> -> memref<1x128xi32, #tpu.memory_space<vmem>>
    %dma_wait3A_201 = tpu.memref_squeeze %dma_wait3A_200 : memref<1x128xi32, #tpu.memory_space<vmem>> -> memref<128xi32, #tpu.memory_space<vmem>>
    %dma_wait3A_202 = arith.constant 0 : i32
    %dma_wait3A_203 = arith.constant 0 : i32
    %dma_wait3A_204 = tpu.memref_slice %arg2[%arg0, %dma_wait3A_197, %dma_wait3A_202, %dma_wait3A_203] : memref<2x1x10112x32xi32, #tpu.memory_space<hbm>> -> memref<1x1x10112x32xi32, #tpu.memory_space<hbm>>
    %dma_wait3A_205 = tpu.memref_squeeze %dma_wait3A_204 : memref<1x1x10112x32xi32, #tpu.memory_space<hbm>> -> memref<10112x32xi32, #tpu.memory_space<hbm>>
    %dma_wait3A_206 = arith.constant 0 : i32
    %dma_wait3A_207 = arith.constant 0 : i32
    %dma_wait3A_208 = tpu.memref_slice %dma_wait3A_205[%dma_wait3A_206, %dma_wait3A_207] : memref<10112x32xi32, #tpu.memory_space<hbm>> -> memref<10112x32xi32, #tpu.memory_space<hbm>>
    tpu.wait_indirect_dma semaphore(%arg19 : memref<!tpu.dma_semaphore, #tpu.memory_space<semaphore_mem>>) src(%dma_wait3A_208 : memref<10112x32xi32, #tpu.memory_space<hbm>>) dst(%arg11 : memref<128x32xi32, #tpu.memory_space<vmem>>)
    %barrier3A_209 = arith.constant 0 : index
    tpu.barrier barrier_id(%barrier3A_209)
    %mul3A_210 = arith.constant 632 : i32
    %mul3A_211 = arith.muli %arg1, %mul3A_210 : i32
    %add3A_212 = arith.constant 0 : i32
    %add3A_213 = arith.addi %mul3A_211, %add3A_212 : i32
    "tpu.region"() ({
      %run_scoped3A_254 = tpu.sem_alloc : memref<!tpu.dma_semaphore, #tpu.memory_space<semaphore_mem>>
      %dma_start3A_255 = arith.constant 0 : i32
      %dma_start3A_256 = arith.constant 0 : i32
      %dma_start3A_257 = tpu.memref_slice %arg12[%dma_start3A_255, %dma_start3A_256] : memref<128x64xf32, #tpu.memory_space<vmem>> -> memref<128x64xf32, #tpu.memory_space<vmem>>
      %dma_start3A_258 = arith.constant 0 : i32
      %dma_start3A_259 = tpu.memref_slice %arg24[%add3A_213, %dma_start3A_258] : memref<10112x64xf32, #tpu.memory_space<vmem_shared>> -> memref<128x64xf32, #tpu.memory_space<vmem_shared>>
      %dma_start3A_260 = arith.constant 0 : i32
      %dma_start3A_261 = arith.constant 0 : i32
      %dma_start3A_262 = tpu.memref_slice %arg12[%dma_start3A_260, %dma_start3A_261] : memref<128x64xf32, #tpu.memory_space<vmem>> -> memref<128x64xf32, #tpu.memory_space<vmem>>
      %dma_start3A_263 = arith.constant 0 : i32
      %dma_start3A_264 = tpu.memref_slice %arg24[%add3A_213, %dma_start3A_263] : memref<10112x64xf32, #tpu.memory_space<vmem_shared>> -> memref<128x64xf32, #tpu.memory_space<vmem_shared>>
      tpu.enqueue_dma source(%dma_start3A_264 : memref<128x64xf32, #tpu.memory_space<vmem_shared>>) target(%dma_start3A_262 : memref<128x64xf32, #tpu.memory_space<vmem>>) target_semaphore(%run_scoped3A_254 : memref<!tpu.dma_semaphore, #tpu.memory_space<semaphore_mem>>)
      %dma_wait3A_265 = arith.constant 0 : i32
      %dma_wait3A_266 = arith.constant 0 : i32
      %dma_wait3A_267 = tpu.memref_slice %arg12[%dma_wait3A_265, %dma_wait3A_266] : memref<128x64xf32, #tpu.memory_space<vmem>> -> memref<128x64xf32, #tpu.memory_space<vmem>>
      %dma_wait3A_268 = arith.constant 0 : i32
      %dma_wait3A_269 = tpu.memref_slice %arg24[%add3A_213, %dma_wait3A_268] : memref<10112x64xf32, #tpu.memory_space<vmem_shared>> -> memref<128x64xf32, #tpu.memory_space<vmem_shared>>
      %dma_wait3A_270 = arith.constant 0 : i32
      %dma_wait3A_271 = arith.constant 0 : i32
      %dma_wait3A_272 = tpu.memref_slice %arg12[%dma_wait3A_270, %dma_wait3A_271] : memref<128x64xf32, #tpu.memory_space<vmem>> -> memref<128x64xf32, #tpu.memory_space<vmem>>
      %dma_wait3A_273 = arith.constant 0 : i32
      %dma_wait3A_274 = tpu.memref_slice %arg24[%add3A_213, %dma_wait3A_273] : memref<10112x64xf32, #tpu.memory_space<vmem_shared>> -> memref<128x64xf32, #tpu.memory_space<vmem_shared>>
      tpu.wait_dma2 semaphore(%run_scoped3A_254 : memref<!tpu.dma_semaphore, #tpu.memory_space<semaphore_mem>>) src(%dma_wait3A_274 : memref<128x64xf32, #tpu.memory_space<vmem_shared>>) dst(%dma_wait3A_272 : memref<128x64xf32, #tpu.memory_space<vmem>>)
      tpu.yield
    }) : () -> ()
    %mul3A_214 = arith.constant 632 : i32
    %mul3A_215 = arith.muli %arg1, %mul3A_214 : i32
    %add3A_216 = arith.constant 0 : i32
    %add3A_217 = arith.addi %mul3A_215, %add3A_216 : i32
    %run_scoped3A = arith.constant 0 : i32
    "tpu.region"() ({
      %run_scoped3A_254 = tpu.sem_alloc : memref<!tpu.dma_semaphore, #tpu.memory_space<semaphore_mem>>
      %dma_start3A_255 = arith.constant 0 : i32
      %dma_start3A_256 = arith.constant 0 : i32
      %dma_start3A_257 = tpu.memref_slice %arg12[%dma_start3A_255, %dma_start3A_256] : memref<128x64xf32, #tpu.memory_space<vmem>> -> memref<128x64xf32, #tpu.memory_space<vmem>>
      %dma_start3A_258 = arith.constant 0 : i32
      %dma_start3A_259 = tpu.memref_slice %arg5[%arg0, %run_scoped3A, %add3A_217, %dma_start3A_258] : memref<2x1x10112x64xf32, #tpu.memory_space<hbm>> -> memref<1x1x128x64xf32, #tpu.memory_space<hbm>>
      %dma_start3A_260 = tpu.memref_squeeze %dma_start3A_259 : memref<1x1x128x64xf32, #tpu.memory_space<hbm>> -> memref<128x64xf32, #tpu.memory_space<hbm>>
      %dma_start3A_261 = arith.constant 0 : i32
      %dma_start3A_262 = tpu.memref_slice %arg5[%arg0, %run_scoped3A, %add3A_217, %dma_start3A_261] : memref<2x1x10112x64xf32, #tpu.memory_space<hbm>> -> memref<1x1x128x64xf32, #tpu.memory_space<hbm>>
      %dma_start3A_263 = tpu.memref_squeeze %dma_start3A_262 : memref<1x1x128x64xf32, #tpu.memory_space<hbm>> -> memref<128x64xf32, #tpu.memory_space<hbm>>
      %dma_start3A_264 = arith.constant 0 : i32
      %dma_start3A_265 = arith.constant 0 : i32
      %dma_start3A_266 = tpu.memref_slice %arg12[%dma_start3A_264, %dma_start3A_265] : memref<128x64xf32, #tpu.memory_space<vmem>> -> memref<128x64xf32, #tpu.memory_space<vmem>>
      tpu.enqueue_dma source(%dma_start3A_266 : memref<128x64xf32, #tpu.memory_space<vmem>>) target(%dma_start3A_263 : memref<128x64xf32, #tpu.memory_space<hbm>>) target_semaphore(%run_scoped3A_254 : memref<!tpu.dma_semaphore, #tpu.memory_space<semaphore_mem>>)
      %dma_wait3A_267 = arith.constant 0 : i32
      %dma_wait3A_268 = arith.constant 0 : i32
      %dma_wait3A_269 = tpu.memref_slice %arg12[%dma_wait3A_267, %dma_wait3A_268] : memref<128x64xf32, #tpu.memory_space<vmem>> -> memref<128x64xf32, #tpu.memory_space<vmem>>
      %dma_wait3A_270 = arith.constant 0 : i32
      %dma_wait3A_271 = tpu.memref_slice %arg5[%arg0, %run_scoped3A, %add3A_217, %dma_wait3A_270] : memref<2x1x10112x64xf32, #tpu.memory_space<hbm>> -> memref<1x1x128x64xf32, #tpu.memory_space<hbm>>
      %dma_wait3A_272 = tpu.memref_squeeze %dma_wait3A_271 : memref<1x1x128x64xf32, #tpu.memory_space<hbm>> -> memref<128x64xf32, #tpu.memory_space<hbm>>
      %dma_wait3A_273 = arith.constant 0 : i32
      %dma_wait3A_274 = tpu.memref_slice %arg5[%arg0, %run_scoped3A, %add3A_217, %dma_wait3A_273] : memref<2x1x10112x64xf32, #tpu.memory_space<hbm>> -> memref<1x1x128x64xf32, #tpu.memory_space<hbm>>
      %dma_wait3A_275 = tpu.memref_squeeze %dma_wait3A_274 : memref<1x1x128x64xf32, #tpu.memory_space<hbm>> -> memref<128x64xf32, #tpu.memory_space<hbm>>
      %dma_wait3A_276 = arith.constant 0 : i32
      %dma_wait3A_277 = arith.constant 0 : i32
      %dma_wait3A_278 = tpu.memref_slice %arg12[%dma_wait3A_276, %dma_wait3A_277] : memref<128x64xf32, #tpu.memory_space<vmem>> -> memref<128x64xf32, #tpu.memory_space<vmem>>
      tpu.wait_dma2 semaphore(%run_scoped3A_254 : memref<!tpu.dma_semaphore, #tpu.memory_space<semaphore_mem>>) src(%dma_wait3A_278 : memref<128x64xf32, #tpu.memory_space<vmem>>) dst(%dma_wait3A_275 : memref<128x64xf32, #tpu.memory_space<hbm>>)
      tpu.yield
    }) : () -> ()
    %mul3A_218 = arith.constant 632 : i32
    %mul3A_219 = arith.muli %arg1, %mul3A_218 : i32
    %add3A_220 = arith.constant 128 : i32
    %add3A_221 = arith.addi %mul3A_219, %add3A_220 : i32
    "tpu.region"() ({
      %run_scoped3A_254 = tpu.sem_alloc : memref<!tpu.dma_semaphore, #tpu.memory_space<semaphore_mem>>
      %dma_start3A_255 = arith.constant 0 : i32
      %dma_start3A_256 = arith.constant 0 : i32
      %dma_start3A_257 = tpu.memref_slice %arg12[%dma_start3A_255, %dma_start3A_256] : memref<128x64xf32, #tpu.memory_space<vmem>> -> memref<128x64xf32, #tpu.memory_space<vmem>>
      %dma_start3A_258 = arith.constant 0 : i32
      %dma_start3A_259 = tpu.memref_slice %arg24[%add3A_221, %dma_start3A_258] : memref<10112x64xf32, #tpu.memory_space<vmem_shared>> -> memref<128x64xf32, #tpu.memory_space<vmem_shared>>
      %dma_start3A_260 = arith.constant 0 : i32
      %dma_start3A_261 = arith.constant 0 : i32
      %dma_start3A_262 = tpu.memref_slice %arg12[%dma_start3A_260, %dma_start3A_261] : memref<128x64xf32, #tpu.memory_space<vmem>> -> memref<128x64xf32, #tpu.memory_space<vmem>>
      %dma_start3A_263 = arith.constant 0 : i32
      %dma_start3A_264 = tpu.memref_slice %arg24[%add3A_221, %dma_start3A_263] : memref<10112x64xf32, #tpu.memory_space<vmem_shared>> -> memref<128x64xf32, #tpu.memory_space<vmem_shared>>
      tpu.enqueue_dma source(%dma_start3A_264 : memref<128x64xf32, #tpu.memory_space<vmem_shared>>) target(%dma_start3A_262 : memref<128x64xf32, #tpu.memory_space<vmem>>) target_semaphore(%run_scoped3A_254 : memref<!tpu.dma_semaphore, #tpu.memory_space<semaphore_mem>>)
      %dma_wait3A_265 = arith.constant 0 : i32
      %dma_wait3A_266 = arith.constant 0 : i32
      %dma_wait3A_267 = tpu.memref_slice %arg12[%dma_wait3A_265, %dma_wait3A_266] : memref<128x64xf32, #tpu.memory_space<vmem>> -> memref<128x64xf32, #tpu.memory_space<vmem>>
      %dma_wait3A_268 = arith.constant 0 : i32
      %dma_wait3A_269 = tpu.memref_slice %arg24[%add3A_221, %dma_wait3A_268] : memref<10112x64xf32, #tpu.memory_space<vmem_shared>> -> memref<128x64xf32, #tpu.memory_space<vmem_shared>>
      %dma_wait3A_270 = arith.constant 0 : i32
      %dma_wait3A_271 = arith.constant 0 : i32
      %dma_wait3A_272 = tpu.memref_slice %arg12[%dma_wait3A_270, %dma_wait3A_271] : memref<128x64xf32, #tpu.memory_space<vmem>> -> memref<128x64xf32, #tpu.memory_space<vmem>>
      %dma_wait3A_273 = arith.constant 0 : i32
      %dma_wait3A_274 = tpu.memref_slice %arg24[%add3A_221, %dma_wait3A_273] : memref<10112x64xf32, #tpu.memory_space<vmem_shared>> -> memref<128x64xf32, #tpu.memory_space<vmem_shared>>
      tpu.wait_dma2 semaphore(%run_scoped3A_254 : memref<!tpu.dma_semaphore, #tpu.memory_space<semaphore_mem>>) src(%dma_wait3A_274 : memref<128x64xf32, #tpu.memory_space<vmem_shared>>) dst(%dma_wait3A_272 : memref<128x64xf32, #tpu.memory_space<vmem>>)
      tpu.yield
    }) : () -> ()
    %mul3A_222 = arith.constant 632 : i32
    %mul3A_223 = arith.muli %arg1, %mul3A_222 : i32
    %add3A_224 = arith.constant 128 : i32
    %add3A_225 = arith.addi %mul3A_223, %add3A_224 : i32
    %run_scoped3A_226 = arith.constant 0 : i32
    "tpu.region"() ({
      %run_scoped3A_254 = tpu.sem_alloc : memref<!tpu.dma_semaphore, #tpu.memory_space<semaphore_mem>>
      %dma_start3A_255 = arith.constant 0 : i32
      %dma_start3A_256 = arith.constant 0 : i32
      %dma_start3A_257 = tpu.memref_slice %arg12[%dma_start3A_255, %dma_start3A_256] : memref<128x64xf32, #tpu.memory_space<vmem>> -> memref<128x64xf32, #tpu.memory_space<vmem>>
      %dma_start3A_258 = arith.constant 0 : i32
      %dma_start3A_259 = tpu.memref_slice %arg5[%arg0, %run_scoped3A_226, %add3A_225, %dma_start3A_258] : memref<2x1x10112x64xf32, #tpu.memory_space<hbm>> -> memref<1x1x128x64xf32, #tpu.memory_space<hbm>>
      %dma_start3A_260 = tpu.memref_squeeze %dma_start3A_259 : memref<1x1x128x64xf32, #tpu.memory_space<hbm>> -> memref<128x64xf32, #tpu.memory_space<hbm>>
      %dma_start3A_261 = arith.constant 0 : i32
      %dma_start3A_262 = tpu.memref_slice %arg5[%arg0, %run_scoped3A_226, %add3A_225, %dma_start3A_261] : memref<2x1x10112x64xf32, #tpu.memory_space<hbm>> -> memref<1x1x128x64xf32, #tpu.memory_space<hbm>>
      %dma_start3A_263 = tpu.memref_squeeze %dma_start3A_262 : memref<1x1x128x64xf32, #tpu.memory_space<hbm>> -> memref<128x64xf32, #tpu.memory_space<hbm>>
      %dma_start3A_264 = arith.constant 0 : i32
      %dma_start3A_265 = arith.constant 0 : i32
      %dma_start3A_266 = tpu.memref_slice %arg12[%dma_start3A_264, %dma_start3A_265] : memref<128x64xf32, #tpu.memory_space<vmem>> -> memref<128x64xf32, #tpu.memory_space<vmem>>
      tpu.enqueue_dma source(%dma_start3A_266 : memref<128x64xf32, #tpu.memory_space<vmem>>) target(%dma_start3A_263 : memref<128x64xf32, #tpu.memory_space<hbm>>) target_semaphore(%run_scoped3A_254 : memref<!tpu.dma_semaphore, #tpu.memory_space<semaphore_mem>>)
      %dma_wait3A_267 = arith.constant 0 : i32
      %dma_wait3A_268 = arith.constant 0 : i32
      %dma_wait3A_269 = tpu.memref_slice %arg12[%dma_wait3A_267, %dma_wait3A_268] : memref<128x64xf32, #tpu.memory_space<vmem>> -> memref<128x64xf32, #tpu.memory_space<vmem>>
      %dma_wait3A_270 = arith.constant 0 : i32
      %dma_wait3A_271 = tpu.memref_slice %arg5[%arg0, %run_scoped3A_226, %add3A_225, %dma_wait3A_270] : memref<2x1x10112x64xf32, #tpu.memory_space<hbm>> -> memref<1x1x128x64xf32, #tpu.memory_space<hbm>>
      %dma_wait3A_272 = tpu.memref_squeeze %dma_wait3A_271 : memref<1x1x128x64xf32, #tpu.memory_space<hbm>> -> memref<128x64xf32, #tpu.memory_space<hbm>>
      %dma_wait3A_273 = arith.constant 0 : i32
      %dma_wait3A_274 = tpu.memref_slice %arg5[%arg0, %run_scoped3A_226, %add3A_225, %dma_wait3A_273] : memref<2x1x10112x64xf32, #tpu.memory_space<hbm>> -> memref<1x1x128x64xf32, #tpu.memory_space<hbm>>
      %dma_wait3A_275 = tpu.memref_squeeze %dma_wait3A_274 : memref<1x1x128x64xf32, #tpu.memory_space<hbm>> -> memref<128x64xf32, #tpu.memory_space<hbm>>
      %dma_wait3A_276 = arith.constant 0 : i32
      %dma_wait3A_277 = arith.constant 0 : i32
      %dma_wait3A_278 = tpu.memref_slice %arg12[%dma_wait3A_276, %dma_wait3A_277] : memref<128x64xf32, #tpu.memory_space<vmem>> -> memref<128x64xf32, #tpu.memory_space<vmem>>
      tpu.wait_dma2 semaphore(%run_scoped3A_254 : memref<!tpu.dma_semaphore, #tpu.memory_space<semaphore_mem>>) src(%dma_wait3A_278 : memref<128x64xf32, #tpu.memory_space<vmem>>) dst(%dma_wait3A_275 : memref<128x64xf32, #tpu.memory_space<hbm>>)
      tpu.yield
    }) : () -> ()
    %mul3A_227 = arith.constant 632 : i32
    %mul3A_228 = arith.muli %arg1, %mul3A_227 : i32
    %add3A_229 = arith.constant 256 : i32
    %add3A_230 = arith.addi %mul3A_228, %add3A_229 : i32
    "tpu.region"() ({
      %run_scoped3A_254 = tpu.sem_alloc : memref<!tpu.dma_semaphore, #tpu.memory_space<semaphore_mem>>
      %dma_start3A_255 = arith.constant 0 : i32
      %dma_start3A_256 = arith.constant 0 : i32
      %dma_start3A_257 = tpu.memref_slice %arg12[%dma_start3A_255, %dma_start3A_256] : memref<128x64xf32, #tpu.memory_space<vmem>> -> memref<128x64xf32, #tpu.memory_space<vmem>>
      %dma_start3A_258 = arith.constant 0 : i32
      %dma_start3A_259 = tpu.memref_slice %arg24[%add3A_230, %dma_start3A_258] : memref<10112x64xf32, #tpu.memory_space<vmem_shared>> -> memref<128x64xf32, #tpu.memory_space<vmem_shared>>
      %dma_start3A_260 = arith.constant 0 : i32
      %dma_start3A_261 = arith.constant 0 : i32
      %dma_start3A_262 = tpu.memref_slice %arg12[%dma_start3A_260, %dma_start3A_261] : memref<128x64xf32, #tpu.memory_space<vmem>> -> memref<128x64xf32, #tpu.memory_space<vmem>>
      %dma_start3A_263 = arith.constant 0 : i32
      %dma_start3A_264 = tpu.memref_slice %arg24[%add3A_230, %dma_start3A_263] : memref<10112x64xf32, #tpu.memory_space<vmem_shared>> -> memref<128x64xf32, #tpu.memory_space<vmem_shared>>
      tpu.enqueue_dma source(%dma_start3A_264 : memref<128x64xf32, #tpu.memory_space<vmem_shared>>) target(%dma_start3A_262 : memref<128x64xf32, #tpu.memory_space<vmem>>) target_semaphore(%run_scoped3A_254 : memref<!tpu.dma_semaphore, #tpu.memory_space<semaphore_mem>>)
      %dma_wait3A_265 = arith.constant 0 : i32
      %dma_wait3A_266 = arith.constant 0 : i32
      %dma_wait3A_267 = tpu.memref_slice %arg12[%dma_wait3A_265, %dma_wait3A_266] : memref<128x64xf32, #tpu.memory_space<vmem>> -> memref<128x64xf32, #tpu.memory_space<vmem>>
      %dma_wait3A_268 = arith.constant 0 : i32
      %dma_wait3A_269 = tpu.memref_slice %arg24[%add3A_230, %dma_wait3A_268] : memref<10112x64xf32, #tpu.memory_space<vmem_shared>> -> memref<128x64xf32, #tpu.memory_space<vmem_shared>>
      %dma_wait3A_270 = arith.constant 0 : i32
      %dma_wait3A_271 = arith.constant 0 : i32
      %dma_wait3A_272 = tpu.memref_slice %arg12[%dma_wait3A_270, %dma_wait3A_271] : memref<128x64xf32, #tpu.memory_space<vmem>> -> memref<128x64xf32, #tpu.memory_space<vmem>>
      %dma_wait3A_273 = arith.constant 0 : i32
      %dma_wait3A_274 = tpu.memref_slice %arg24[%add3A_230, %dma_wait3A_273] : memref<10112x64xf32, #tpu.memory_space<vmem_shared>> -> memref<128x64xf32, #tpu.memory_space<vmem_shared>>
      tpu.wait_dma2 semaphore(%run_scoped3A_254 : memref<!tpu.dma_semaphore, #tpu.memory_space<semaphore_mem>>) src(%dma_wait3A_274 : memref<128x64xf32, #tpu.memory_space<vmem_shared>>) dst(%dma_wait3A_272 : memref<128x64xf32, #tpu.memory_space<vmem>>)
      tpu.yield
    }) : () -> ()
    %mul3A_231 = arith.constant 632 : i32
    %mul3A_232 = arith.muli %arg1, %mul3A_231 : i32
    %add3A_233 = arith.constant 256 : i32
    %add3A_234 = arith.addi %mul3A_232, %add3A_233 : i32
    %run_scoped3A_235 = arith.constant 0 : i32
    "tpu.region"() ({
      %run_scoped3A_254 = tpu.sem_alloc : memref<!tpu.dma_semaphore, #tpu.memory_space<semaphore_mem>>
      %dma_start3A_255 = arith.constant 0 : i32
      %dma_start3A_256 = arith.constant 0 : i32
      %dma_start3A_257 = tpu.memref_slice %arg12[%dma_start3A_255, %dma_start3A_256] : memref<128x64xf32, #tpu.memory_space<vmem>> -> memref<128x64xf32, #tpu.memory_space<vmem>>
      %dma_start3A_258 = arith.constant 0 : i32
      %dma_start3A_259 = tpu.memref_slice %arg5[%arg0, %run_scoped3A_235, %add3A_234, %dma_start3A_258] : memref<2x1x10112x64xf32, #tpu.memory_space<hbm>> -> memref<1x1x128x64xf32, #tpu.memory_space<hbm>>
      %dma_start3A_260 = tpu.memref_squeeze %dma_start3A_259 : memref<1x1x128x64xf32, #tpu.memory_space<hbm>> -> memref<128x64xf32, #tpu.memory_space<hbm>>
      %dma_start3A_261 = arith.constant 0 : i32
      %dma_start3A_262 = tpu.memref_slice %arg5[%arg0, %run_scoped3A_235, %add3A_234, %dma_start3A_261] : memref<2x1x10112x64xf32, #tpu.memory_space<hbm>> -> memref<1x1x128x64xf32, #tpu.memory_space<hbm>>
      %dma_start3A_263 = tpu.memref_squeeze %dma_start3A_262 : memref<1x1x128x64xf32, #tpu.memory_space<hbm>> -> memref<128x64xf32, #tpu.memory_space<hbm>>
      %dma_start3A_264 = arith.constant 0 : i32
      %dma_start3A_265 = arith.constant 0 : i32
      %dma_start3A_266 = tpu.memref_slice %arg12[%dma_start3A_264, %dma_start3A_265] : memref<128x64xf32, #tpu.memory_space<vmem>> -> memref<128x64xf32, #tpu.memory_space<vmem>>
      tpu.enqueue_dma source(%dma_start3A_266 : memref<128x64xf32, #tpu.memory_space<vmem>>) target(%dma_start3A_263 : memref<128x64xf32, #tpu.memory_space<hbm>>) target_semaphore(%run_scoped3A_254 : memref<!tpu.dma_semaphore, #tpu.memory_space<semaphore_mem>>)
      %dma_wait3A_267 = arith.constant 0 : i32
      %dma_wait3A_268 = arith.constant 0 : i32
      %dma_wait3A_269 = tpu.memref_slice %arg12[%dma_wait3A_267, %dma_wait3A_268] : memref<128x64xf32, #tpu.memory_space<vmem>> -> memref<128x64xf32, #tpu.memory_space<vmem>>
      %dma_wait3A_270 = arith.constant 0 : i32
      %dma_wait3A_271 = tpu.memref_slice %arg5[%arg0, %run_scoped3A_235, %add3A_234, %dma_wait3A_270] : memref<2x1x10112x64xf32, #tpu.memory_space<hbm>> -> memref<1x1x128x64xf32, #tpu.memory_space<hbm>>
      %dma_wait3A_272 = tpu.memref_squeeze %dma_wait3A_271 : memref<1x1x128x64xf32, #tpu.memory_space<hbm>> -> memref<128x64xf32, #tpu.memory_space<hbm>>
      %dma_wait3A_273 = arith.constant 0 : i32
      %dma_wait3A_274 = tpu.memref_slice %arg5[%arg0, %run_scoped3A_235, %add3A_234, %dma_wait3A_273] : memref<2x1x10112x64xf32, #tpu.memory_space<hbm>> -> memref<1x1x128x64xf32, #tpu.memory_space<hbm>>
      %dma_wait3A_275 = tpu.memref_squeeze %dma_wait3A_274 : memref<1x1x128x64xf32, #tpu.memory_space<hbm>> -> memref<128x64xf32, #tpu.memory_space<hbm>>
      %dma_wait3A_276 = arith.constant 0 : i32
      %dma_wait3A_277 = arith.constant 0 : i32
      %dma_wait3A_278 = tpu.memref_slice %arg12[%dma_wait3A_276, %dma_wait3A_277] : memref<128x64xf32, #tpu.memory_space<vmem>> -> memref<128x64xf32, #tpu.memory_space<vmem>>
      tpu.wait_dma2 semaphore(%run_scoped3A_254 : memref<!tpu.dma_semaphore, #tpu.memory_space<semaphore_mem>>) src(%dma_wait3A_278 : memref<128x64xf32, #tpu.memory_space<vmem>>) dst(%dma_wait3A_275 : memref<128x64xf32, #tpu.memory_space<hbm>>)
      tpu.yield
    }) : () -> ()
    %mul3A_236 = arith.constant 632 : i32
    %mul3A_237 = arith.muli %arg1, %mul3A_236 : i32
    %add3A_238 = arith.constant 384 : i32
    %add3A_239 = arith.addi %mul3A_237, %add3A_238 : i32
    "tpu.region"() ({
      %run_scoped3A_254 = tpu.sem_alloc : memref<!tpu.dma_semaphore, #tpu.memory_space<semaphore_mem>>
      %dma_start3A_255 = arith.constant 0 : i32
      %dma_start3A_256 = arith.constant 0 : i32
      %dma_start3A_257 = tpu.memref_slice %arg12[%dma_start3A_255, %dma_start3A_256] : memref<128x64xf32, #tpu.memory_space<vmem>> -> memref<128x64xf32, #tpu.memory_space<vmem>>
      %dma_start3A_258 = arith.constant 0 : i32
      %dma_start3A_259 = tpu.memref_slice %arg24[%add3A_239, %dma_start3A_258] : memref<10112x64xf32, #tpu.memory_space<vmem_shared>> -> memref<128x64xf32, #tpu.memory_space<vmem_shared>>
      %dma_start3A_260 = arith.constant 0 : i32
      %dma_start3A_261 = arith.constant 0 : i32
      %dma_start3A_262 = tpu.memref_slice %arg12[%dma_start3A_260, %dma_start3A_261] : memref<128x64xf32, #tpu.memory_space<vmem>> -> memref<128x64xf32, #tpu.memory_space<vmem>>
      %dma_start3A_263 = arith.constant 0 : i32
      %dma_start3A_264 = tpu.memref_slice %arg24[%add3A_239, %dma_start3A_263] : memref<10112x64xf32, #tpu.memory_space<vmem_shared>> -> memref<128x64xf32, #tpu.memory_space<vmem_shared>>
      tpu.enqueue_dma source(%dma_start3A_264 : memref<128x64xf32, #tpu.memory_space<vmem_shared>>) target(%dma_start3A_262 : memref<128x64xf32, #tpu.memory_space<vmem>>) target_semaphore(%run_scoped3A_254 : memref<!tpu.dma_semaphore, #tpu.memory_space<semaphore_mem>>)
      %dma_wait3A_265 = arith.constant 0 : i32
      %dma_wait3A_266 = arith.constant 0 : i32
      %dma_wait3A_267 = tpu.memref_slice %arg12[%dma_wait3A_265, %dma_wait3A_266] : memref<128x64xf32, #tpu.memory_space<vmem>> -> memref<128x64xf32, #tpu.memory_space<vmem>>
      %dma_wait3A_268 = arith.constant 0 : i32
      %dma_wait3A_269 = tpu.memref_slice %arg24[%add3A_239, %dma_wait3A_268] : memref<10112x64xf32, #tpu.memory_space<vmem_shared>> -> memref<128x64xf32, #tpu.memory_space<vmem_shared>>
      %dma_wait3A_270 = arith.constant 0 : i32
      %dma_wait3A_271 = arith.constant 0 : i32
      %dma_wait3A_272 = tpu.memref_slice %arg12[%dma_wait3A_270, %dma_wait3A_271] : memref<128x64xf32, #tpu.memory_space<vmem>> -> memref<128x64xf32, #tpu.memory_space<vmem>>
      %dma_wait3A_273 = arith.constant 0 : i32
      %dma_wait3A_274 = tpu.memref_slice %arg24[%add3A_239, %dma_wait3A_273] : memref<10112x64xf32, #tpu.memory_space<vmem_shared>> -> memref<128x64xf32, #tpu.memory_space<vmem_shared>>
      tpu.wait_dma2 semaphore(%run_scoped3A_254 : memref<!tpu.dma_semaphore, #tpu.memory_space<semaphore_mem>>) src(%dma_wait3A_274 : memref<128x64xf32, #tpu.memory_space<vmem_shared>>) dst(%dma_wait3A_272 : memref<128x64xf32, #tpu.memory_space<vmem>>)
      tpu.yield
    }) : () -> ()
    %mul3A_240 = arith.constant 632 : i32
    %mul3A_241 = arith.muli %arg1, %mul3A_240 : i32
    %add3A_242 = arith.constant 384 : i32
    %add3A_243 = arith.addi %mul3A_241, %add3A_242 : i32
    %run_scoped3A_244 = arith.constant 0 : i32
    "tpu.region"() ({
      %run_scoped3A_254 = tpu.sem_alloc : memref<!tpu.dma_semaphore, #tpu.memory_space<semaphore_mem>>
      %dma_start3A_255 = arith.constant 0 : i32
      %dma_start3A_256 = arith.constant 0 : i32
      %dma_start3A_257 = tpu.memref_slice %arg12[%dma_start3A_255, %dma_start3A_256] : memref<128x64xf32, #tpu.memory_space<vmem>> -> memref<128x64xf32, #tpu.memory_space<vmem>>
      %dma_start3A_258 = arith.constant 0 : i32
      %dma_start3A_259 = tpu.memref_slice %arg5[%arg0, %run_scoped3A_244, %add3A_243, %dma_start3A_258] : memref<2x1x10112x64xf32, #tpu.memory_space<hbm>> -> memref<1x1x128x64xf32, #tpu.memory_space<hbm>>
      %dma_start3A_260 = tpu.memref_squeeze %dma_start3A_259 : memref<1x1x128x64xf32, #tpu.memory_space<hbm>> -> memref<128x64xf32, #tpu.memory_space<hbm>>
      %dma_start3A_261 = arith.constant 0 : i32
      %dma_start3A_262 = tpu.memref_slice %arg5[%arg0, %run_scoped3A_244, %add3A_243, %dma_start3A_261] : memref<2x1x10112x64xf32, #tpu.memory_space<hbm>> -> memref<1x1x128x64xf32, #tpu.memory_space<hbm>>
      %dma_start3A_263 = tpu.memref_squeeze %dma_start3A_262 : memref<1x1x128x64xf32, #tpu.memory_space<hbm>> -> memref<128x64xf32, #tpu.memory_space<hbm>>
      %dma_start3A_264 = arith.constant 0 : i32
      %dma_start3A_265 = arith.constant 0 : i32
      %dma_start3A_266 = tpu.memref_slice %arg12[%dma_start3A_264, %dma_start3A_265] : memref<128x64xf32, #tpu.memory_space<vmem>> -> memref<128x64xf32, #tpu.memory_space<vmem>>
      tpu.enqueue_dma source(%dma_start3A_266 : memref<128x64xf32, #tpu.memory_space<vmem>>) target(%dma_start3A_263 : memref<128x64xf32, #tpu.memory_space<hbm>>) target_semaphore(%run_scoped3A_254 : memref<!tpu.dma_semaphore, #tpu.memory_space<semaphore_mem>>)
      %dma_wait3A_267 = arith.constant 0 : i32
      %dma_wait3A_268 = arith.constant 0 : i32
      %dma_wait3A_269 = tpu.memref_slice %arg12[%dma_wait3A_267, %dma_wait3A_268] : memref<128x64xf32, #tpu.memory_space<vmem>> -> memref<128x64xf32, #tpu.memory_space<vmem>>
      %dma_wait3A_270 = arith.constant 0 : i32
      %dma_wait3A_271 = tpu.memref_slice %arg5[%arg0, %run_scoped3A_244, %add3A_243, %dma_wait3A_270] : memref<2x1x10112x64xf32, #tpu.memory_space<hbm>> -> memref<1x1x128x64xf32, #tpu.memory_space<hbm>>
      %dma_wait3A_272 = tpu.memref_squeeze %dma_wait3A_271 : memref<1x1x128x64xf32, #tpu.memory_space<hbm>> -> memref<128x64xf32, #tpu.memory_space<hbm>>
      %dma_wait3A_273 = arith.constant 0 : i32
      %dma_wait3A_274 = tpu.memref_slice %arg5[%arg0, %run_scoped3A_244, %add3A_243, %dma_wait3A_273] : memref<2x1x10112x64xf32, #tpu.memory_space<hbm>> -> memref<1x1x128x64xf32, #tpu.memory_space<hbm>>
      %dma_wait3A_275 = tpu.memref_squeeze %dma_wait3A_274 : memref<1x1x128x64xf32, #tpu.memory_space<hbm>> -> memref<128x64xf32, #tpu.memory_space<hbm>>
      %dma_wait3A_276 = arith.constant 0 : i32
      %dma_wait3A_277 = arith.constant 0 : i32
      %dma_wait3A_278 = tpu.memref_slice %arg12[%dma_wait3A_276, %dma_wait3A_277] : memref<128x64xf32, #tpu.memory_space<vmem>> -> memref<128x64xf32, #tpu.memory_space<vmem>>
      tpu.wait_dma2 semaphore(%run_scoped3A_254 : memref<!tpu.dma_semaphore, #tpu.memory_space<semaphore_mem>>) src(%dma_wait3A_278 : memref<128x64xf32, #tpu.memory_space<vmem>>) dst(%dma_wait3A_275 : memref<128x64xf32, #tpu.memory_space<hbm>>)
      tpu.yield
    }) : () -> ()
    %mul3A_245 = arith.constant 632 : i32
    %mul3A_246 = arith.muli %arg1, %mul3A_245 : i32
    %add3A_247 = arith.constant 512 : i32
    %add3A_248 = arith.addi %mul3A_246, %add3A_247 : i32
    "tpu.region"() ({
      %run_scoped3A_254 = tpu.sem_alloc : memref<!tpu.dma_semaphore, #tpu.memory_space<semaphore_mem>>
      %dma_start3A_255 = arith.constant 0 : i32
      %dma_start3A_256 = arith.constant 0 : i32
      %dma_start3A_257 = tpu.memref_slice %arg12[%dma_start3A_255, %dma_start3A_256] : memref<128x64xf32, #tpu.memory_space<vmem>> -> memref<120x64xf32, #tpu.memory_space<vmem>>
      %dma_start3A_258 = arith.constant 0 : i32
      %dma_start3A_259 = tpu.memref_slice %arg24[%add3A_248, %dma_start3A_258] : memref<10112x64xf32, #tpu.memory_space<vmem_shared>> -> memref<120x64xf32, #tpu.memory_space<vmem_shared>>
      %dma_start3A_260 = arith.constant 0 : i32
      %dma_start3A_261 = arith.constant 0 : i32
      %dma_start3A_262 = tpu.memref_slice %arg12[%dma_start3A_260, %dma_start3A_261] : memref<128x64xf32, #tpu.memory_space<vmem>> -> memref<120x64xf32, #tpu.memory_space<vmem>>
      %dma_start3A_263 = arith.constant 0 : i32
      %dma_start3A_264 = tpu.memref_slice %arg24[%add3A_248, %dma_start3A_263] : memref<10112x64xf32, #tpu.memory_space<vmem_shared>> -> memref<120x64xf32, #tpu.memory_space<vmem_shared>>
      tpu.enqueue_dma source(%dma_start3A_264 : memref<120x64xf32, #tpu.memory_space<vmem_shared>>) target(%dma_start3A_262 : memref<120x64xf32, #tpu.memory_space<vmem>>) target_semaphore(%run_scoped3A_254 : memref<!tpu.dma_semaphore, #tpu.memory_space<semaphore_mem>>)
      %dma_wait3A_265 = arith.constant 0 : i32
      %dma_wait3A_266 = arith.constant 0 : i32
      %dma_wait3A_267 = tpu.memref_slice %arg12[%dma_wait3A_265, %dma_wait3A_266] : memref<128x64xf32, #tpu.memory_space<vmem>> -> memref<120x64xf32, #tpu.memory_space<vmem>>
      %dma_wait3A_268 = arith.constant 0 : i32
      %dma_wait3A_269 = tpu.memref_slice %arg24[%add3A_248, %dma_wait3A_268] : memref<10112x64xf32, #tpu.memory_space<vmem_shared>> -> memref<120x64xf32, #tpu.memory_space<vmem_shared>>
      %dma_wait3A_270 = arith.constant 0 : i32
      %dma_wait3A_271 = arith.constant 0 : i32
      %dma_wait3A_272 = tpu.memref_slice %arg12[%dma_wait3A_270, %dma_wait3A_271] : memref<128x64xf32, #tpu.memory_space<vmem>> -> memref<120x64xf32, #tpu.memory_space<vmem>>
      %dma_wait3A_273 = arith.constant 0 : i32
      %dma_wait3A_274 = tpu.memref_slice %arg24[%add3A_248, %dma_wait3A_273] : memref<10112x64xf32, #tpu.memory_space<vmem_shared>> -> memref<120x64xf32, #tpu.memory_space<vmem_shared>>
      tpu.wait_dma2 semaphore(%run_scoped3A_254 : memref<!tpu.dma_semaphore, #tpu.memory_space<semaphore_mem>>) src(%dma_wait3A_274 : memref<120x64xf32, #tpu.memory_space<vmem_shared>>) dst(%dma_wait3A_272 : memref<120x64xf32, #tpu.memory_space<vmem>>)
      tpu.yield
    }) : () -> ()
    %mul3A_249 = arith.constant 632 : i32
    %mul3A_250 = arith.muli %arg1, %mul3A_249 : i32
    %add3A_251 = arith.constant 512 : i32
    %add3A_252 = arith.addi %mul3A_250, %add3A_251 : i32
    %run_scoped3A_253 = arith.constant 0 : i32
    "tpu.region"() ({
      %run_scoped3A_254 = tpu.sem_alloc : memref<!tpu.dma_semaphore, #tpu.memory_space<semaphore_mem>>
      %dma_start3A_255 = arith.constant 0 : i32
      %dma_start3A_256 = arith.constant 0 : i32
      %dma_start3A_257 = tpu.memref_slice %arg12[%dma_start3A_255, %dma_start3A_256] : memref<128x64xf32, #tpu.memory_space<vmem>> -> memref<120x64xf32, #tpu.memory_space<vmem>>
      %dma_start3A_258 = arith.constant 0 : i32
      %dma_start3A_259 = tpu.memref_slice %arg5[%arg0, %run_scoped3A_253, %add3A_252, %dma_start3A_258] : memref<2x1x10112x64xf32, #tpu.memory_space<hbm>> -> memref<1x1x120x64xf32, #tpu.memory_space<hbm>>
      %dma_start3A_260 = tpu.memref_squeeze %dma_start3A_259 : memref<1x1x120x64xf32, #tpu.memory_space<hbm>> -> memref<120x64xf32, #tpu.memory_space<hbm>>
      %dma_start3A_261 = arith.constant 0 : i32
      %dma_start3A_262 = tpu.memref_slice %arg5[%arg0, %run_scoped3A_253, %add3A_252, %dma_start3A_261] : memref<2x1x10112x64xf32, #tpu.memory_space<hbm>> -> memref<1x1x120x64xf32, #tpu.memory_space<hbm>>
      %dma_start3A_263 = tpu.memref_squeeze %dma_start3A_262 : memref<1x1x120x64xf32, #tpu.memory_space<hbm>> -> memref<120x64xf32, #tpu.memory_space<hbm>>
      %dma_start3A_264 = arith.constant 0 : i32
      %dma_start3A_265 = arith.constant 0 : i32
      %dma_start3A_266 = tpu.memref_slice %arg12[%dma_start3A_264, %dma_start3A_265] : memref<128x64xf32, #tpu.memory_space<vmem>> -> memref<120x64xf32, #tpu.memory_space<vmem>>
      tpu.enqueue_dma source(%dma_start3A_266 : memref<120x64xf32, #tpu.memory_space<vmem>>) target(%dma_start3A_263 : memref<120x64xf32, #tpu.memory_space<hbm>>) target_semaphore(%run_scoped3A_254 : memref<!tpu.dma_semaphore, #tpu.memory_space<semaphore_mem>>)
      %dma_wait3A_267 = arith.constant 0 : i32
      %dma_wait3A_268 = arith.constant 0 : i32
      %dma_wait3A_269 = tpu.memref_slice %arg12[%dma_wait3A_267, %dma_wait3A_268] : memref<128x64xf32, #tpu.memory_space<vmem>> -> memref<120x64xf32, #tpu.memory_space<vmem>>
      %dma_wait3A_270 = arith.constant 0 : i32
      %dma_wait3A_271 = tpu.memref_slice %arg5[%arg0, %run_scoped3A_253, %add3A_252, %dma_wait3A_270] : memref<2x1x10112x64xf32, #tpu.memory_space<hbm>> -> memref<1x1x120x64xf32, #tpu.memory_space<hbm>>
      %dma_wait3A_272 = tpu.memref_squeeze %dma_wait3A_271 : memref<1x1x120x64xf32, #tpu.memory_space<hbm>> -> memref<120x64xf32, #tpu.memory_space<hbm>>
      %dma_wait3A_273 = arith.constant 0 : i32
      %dma_wait3A_274 = tpu.memref_slice %arg5[%arg0, %run_scoped3A_253, %add3A_252, %dma_wait3A_273] : memref<2x1x10112x64xf32, #tpu.memory_space<hbm>> -> memref<1x1x120x64xf32, #tpu.memory_space<hbm>>
      %dma_wait3A_275 = tpu.memref_squeeze %dma_wait3A_274 : memref<1x1x120x64xf32, #tpu.memory_space<hbm>> -> memref<120x64xf32, #tpu.memory_space<hbm>>
      %dma_wait3A_276 = arith.constant 0 : i32
      %dma_wait3A_277 = arith.constant 0 : i32
      %dma_wait3A_278 = tpu.memref_slice %arg12[%dma_wait3A_276, %dma_wait3A_277] : memref<128x64xf32, #tpu.memory_space<vmem>> -> memref<120x64xf32, #tpu.memory_space<vmem>>
      tpu.wait_dma2 semaphore(%run_scoped3A_254 : memref<!tpu.dma_semaphore, #tpu.memory_space<semaphore_mem>>) src(%dma_wait3A_278 : memref<120x64xf32, #tpu.memory_space<vmem>>) dst(%dma_wait3A_275 : memref<120x64xf32, #tpu.memory_space<hbm>>)
      tpu.yield
    }) : () -> ()
    return
  }
}

#map = affine_map<(d0, d1) -> (0, 0)>
#map1 = affine_map<(d0, d1) -> (0, 0, 0)>
module attributes {stable_mosaic.version = 14 : i64} {
  func.func @_deg_body(%arg0: i32, %arg1: i32, %arg2: memref<2560x128xi32, #tpu.memory_space<hbm>>, %arg3: memref<2x10112x16xf32, #tpu.memory_space<hbm>>, %arg4: memref<80x128xi32, #tpu.memory_space<vmem>>, %arg5: memref<128x16xf32, #tpu.memory_space<vmem>>, %arg6: memref<632x16xf32, #tpu.memory_space<vmem>>, %arg7: memref<10112x16xf32, #tpu.memory_space<vmem_shared>>) attributes {dimension_semantics = [#tpu.dimension_semantics<core_parallel>, #tpu.dimension_semantics<subcore_parallel>], iteration_bounds = array<i64: 2, 16>, scalar_prefetch = 0 : i64, scratch_operands = 4 : i64, tpu.core_type = #tpu.core_type<sc_vector_subcore>, window_params = [{transform_indices = #map}, {transform_indices = #map1}]} {
    %mul3A = arith.constant 2 : i32
    %mul3A_0 = arith.muli %arg1, %mul3A : i32
    %add3A = arith.addi %mul3A_0, %arg0 : i32
    %scan3A = arith.constant 0 : i32
    %scan3A_1 = arith.constant 128 : i32
    %scan3A_2 = arith.addi %scan3A, %scan3A_1 : i32
    %scan3A_3 = arith.constant 1 : i32
    scf.for %scan3A_25 = %scan3A to %scan3A_2 step %scan3A_3  : i32 {
      %mul3A_26 = arith.constant 1 : i32
      %mul3A_27 = arith.muli %scan3A_25, %mul3A_26 : i32
      %add3A_28 = arith.constant 0 : i32
      %add3A_29 = arith.addi %add3A_28, %mul3A_27 : i32
      %broadcast_in_dim3A_30 = arith.constant 1.000000e+00 : f32
      %broadcast_in_dim3A_31 = vector.broadcast %broadcast_in_dim3A_30 : f32 to vector<16xf32>
      %swap3A = arith.index_cast %add3A_29 : i32 to index
      %swap3A_32 = arith.constant 0 : index
      %swap3A_33 = tpu.vector_load %arg5[%swap3A, %swap3A_32] {strides = array<i32>} : memref<128x16xf32, #tpu.memory_space<vmem>>, vector<1x16xf32>,
      %swap3A_34 = vector.shape_cast %swap3A_33 : vector<1x16xf32> to vector<16xf32>
      %swap3A_35 = vector.shape_cast %broadcast_in_dim3A_31 : vector<16xf32> to vector<1x16xf32>
      tpu.vector_store %arg5[%swap3A, %swap3A_32], %swap3A_35 {strides = array<i32>} : memref<128x16xf32, #tpu.memory_space<vmem>>, vector<1x16xf32>,
    }
    %scan3A_4 = arith.constant 128 : i32
    %broadcast_in_dim3A = arith.constant 0.000000e+00 : f32
    %broadcast_in_dim3A_5 = vector.broadcast %broadcast_in_dim3A : f32 to vector<16xf32>
    %scan3A_6 = arith.constant 0 : i32
    %scan3A_7 = arith.constant 632 : i32
    %scan3A_8 = arith.addi %scan3A_6, %scan3A_7 : i32
    %scan3A_9 = arith.constant 1 : i32
    scf.for %scan3A_25 = %scan3A_6 to %scan3A_8 step %scan3A_9  : i32 {
      %mul3A_26 = arith.constant 1 : i32
      %mul3A_27 = arith.muli %scan3A_25, %mul3A_26 : i32
      %add3A_28 = arith.constant 0 : i32
      %add3A_29 = arith.addi %add3A_28, %mul3A_27 : i32
      %scan3A_30 = arith.constant 0 : i32
      %mul3A_31 = arith.constant 16 : i32
      %mul3A_32 = arith.muli %scan3A_30, %mul3A_31 : i32
      %add3A_33 = arith.constant 0 : i32
      %add3A_34 = arith.addi %add3A_33, %mul3A_32 : i32
      %swap3A = arith.index_cast %add3A_29 : i32 to index
      %swap3A_35 = arith.index_cast %add3A_34 : i32 to index
      %swap3A_36 = tpu.vector_load %arg6[%swap3A, %swap3A_35] {strides = array<i32>} : memref<632x16xf32, #tpu.memory_space<vmem>>, vector<1x16xf32>,
      %swap3A_37 = vector.shape_cast %swap3A_36 : vector<1x16xf32> to vector<16xf32>
      %swap3A_38 = vector.shape_cast %broadcast_in_dim3A_5 : vector<16xf32> to vector<1x16xf32>
      tpu.vector_store %arg6[%swap3A, %swap3A_35], %swap3A_38 {strides = array<i32>} : memref<632x16xf32, #tpu.memory_space<vmem>>, vector<1x16xf32>,
      %scan3A_39 = arith.constant 1 : i32
    }
    %scan3A_10 = arith.constant 632 : i32
    %mul3A_11 = arith.constant 632 : i32
    %mul3A_12 = arith.muli %arg1, %mul3A_11 : i32
    "tpu.region"() ({
      %run_scoped3A = tpu.sem_alloc : memref<!tpu.dma_semaphore, #tpu.memory_space<semaphore_mem>>
      %dma_start3A = arith.constant 0 : i32
      %dma_start3A_25 = tpu.memref_slice %arg7[%mul3A_12, %dma_start3A] : memref<10112x16xf32, #tpu.memory_space<vmem_shared>> -> memref<632x16xf32, #tpu.memory_space<vmem_shared>>
      %dma_start3A_26 = arith.constant 0 : i32
      %dma_start3A_27 = tpu.memref_slice %arg7[%mul3A_12, %dma_start3A_26] : memref<10112x16xf32, #tpu.memory_space<vmem_shared>> -> memref<632x16xf32, #tpu.memory_space<vmem_shared>>
      tpu.enqueue_dma source(%arg6 : memref<632x16xf32, #tpu.memory_space<vmem>>) target(%dma_start3A_27 : memref<632x16xf32, #tpu.memory_space<vmem_shared>>) target_semaphore(%run_scoped3A : memref<!tpu.dma_semaphore, #tpu.memory_space<semaphore_mem>>)
      %dma_wait3A = arith.constant 0 : i32
      %dma_wait3A_28 = tpu.memref_slice %arg7[%mul3A_12, %dma_wait3A] : memref<10112x16xf32, #tpu.memory_space<vmem_shared>> -> memref<632x16xf32, #tpu.memory_space<vmem_shared>>
      %dma_wait3A_29 = arith.constant 0 : i32
      %dma_wait3A_30 = tpu.memref_slice %arg7[%mul3A_12, %dma_wait3A_29] : memref<10112x16xf32, #tpu.memory_space<vmem_shared>> -> memref<632x16xf32, #tpu.memory_space<vmem_shared>>
      tpu.wait_dma2 semaphore(%run_scoped3A : memref<!tpu.dma_semaphore, #tpu.memory_space<semaphore_mem>>) src(%arg6 : memref<632x16xf32, #tpu.memory_space<vmem>>) dst(%dma_wait3A_30 : memref<632x16xf32, #tpu.memory_space<vmem_shared>>)
      tpu.yield
    }) : () -> ()
    %barrier3A = arith.constant 0 : index
    tpu.barrier barrier_id(%barrier3A)
    %mul3A_13 = arith.constant 80 : i32
    %mul3A_14 = arith.muli %add3A, %mul3A_13 : i32
    "tpu.region"() ({
      %run_scoped3A = tpu.sem_alloc : memref<!tpu.dma_semaphore, #tpu.memory_space<semaphore_mem>>
      %dma_start3A = arith.constant 0 : i32
      %dma_start3A_25 = tpu.memref_slice %arg2[%mul3A_14, %dma_start3A] : memref<2560x128xi32, #tpu.memory_space<hbm>> -> memref<80x128xi32, #tpu.memory_space<hbm>>
      %dma_start3A_26 = arith.constant 0 : i32
      %dma_start3A_27 = tpu.memref_slice %arg2[%mul3A_14, %dma_start3A_26] : memref<2560x128xi32, #tpu.memory_space<hbm>> -> memref<80x128xi32, #tpu.memory_space<hbm>>
      tpu.enqueue_dma source(%dma_start3A_27 : memref<80x128xi32, #tpu.memory_space<hbm>>) target(%arg4 : memref<80x128xi32, #tpu.memory_space<vmem>>) target_semaphore(%run_scoped3A : memref<!tpu.dma_semaphore, #tpu.memory_space<semaphore_mem>>)
      %dma_wait3A = arith.constant 0 : i32
      %dma_wait3A_28 = tpu.memref_slice %arg2[%mul3A_14, %dma_wait3A] : memref<2560x128xi32, #tpu.memory_space<hbm>> -> memref<80x128xi32, #tpu.memory_space<hbm>>
      %dma_wait3A_29 = arith.constant 0 : i32
      %dma_wait3A_30 = tpu.memref_slice %arg2[%mul3A_14, %dma_wait3A_29] : memref<2560x128xi32, #tpu.memory_space<hbm>> -> memref<80x128xi32, #tpu.memory_space<hbm>>
      tpu.wait_dma2 semaphore(%run_scoped3A : memref<!tpu.dma_semaphore, #tpu.memory_space<semaphore_mem>>) src(%dma_wait3A_30 : memref<80x128xi32, #tpu.memory_space<hbm>>) dst(%arg4 : memref<80x128xi32, #tpu.memory_space<vmem>>)
      tpu.yield
    }) : () -> ()
    %scan3A_15 = arith.constant 0 : i32
    %scan3A_16 = arith.constant 80 : i32
    %scan3A_17 = arith.addi %scan3A_15, %scan3A_16 : i32
    %scan3A_18 = arith.constant 1 : i32
    scf.for %scan3A_25 = %scan3A_15 to %scan3A_17 step %scan3A_18  : i32 {
      %mul3A_26 = arith.constant 1 : i32
      %mul3A_27 = arith.muli %scan3A_25, %mul3A_26 : i32
      %add3A_28 = arith.constant 0 : i32
      %add3A_29 = arith.addi %add3A_28, %mul3A_27 : i32
      "tpu.region"() ({
        %run_scoped3A = tpu.sem_alloc : memref<!tpu.dma_semaphore, #tpu.memory_space<semaphore_mem>>
        %dma_start3A = arith.constant 0 : i32
        %dma_start3A_30 = tpu.memref_slice %arg4[%add3A_29, %dma_start3A] : memref<80x128xi32, #tpu.memory_space<vmem>> -> memref<1x128xi32, #tpu.memory_space<vmem>>
        %dma_start3A_31 = tpu.memref_squeeze %dma_start3A_30 : memref<1x128xi32, #tpu.memory_space<vmem>> -> memref<128xi32, #tpu.memory_space<vmem>>
        %dma_start3A_32 = arith.constant 0 : i32
        %dma_start3A_33 = arith.constant 0 : i32
        %dma_start3A_34 = tpu.memref_slice %arg7[%dma_start3A_32, %dma_start3A_33] : memref<10112x16xf32, #tpu.memory_space<vmem_shared>> -> memref<10112x16xf32, #tpu.memory_space<vmem_shared>>
        tpu.enqueue_indirect_dma source(%arg5 : memref<128x16xf32, #tpu.memory_space<vmem>>) target(%dma_start3A_34 : memref<10112x16xf32, #tpu.memory_space<vmem_shared>>) offsets(%dma_start3A_31 : memref<128xi32, #tpu.memory_space<vmem>>) semaphore(%run_scoped3A : memref<!tpu.dma_semaphore, #tpu.memory_space<semaphore_mem>>) {add = true}
        %dma_wait3A = arith.constant 0 : i32
        %dma_wait3A_35 = tpu.memref_slice %arg4[%add3A_29, %dma_wait3A] : memref<80x128xi32, #tpu.memory_space<vmem>> -> memref<1x128xi32, #tpu.memory_space<vmem>>
        %dma_wait3A_36 = tpu.memref_squeeze %dma_wait3A_35 : memref<1x128xi32, #tpu.memory_space<vmem>> -> memref<128xi32, #tpu.memory_space<vmem>>
        %dma_wait3A_37 = arith.constant 0 : i32
        %dma_wait3A_38 = arith.constant 0 : i32
        %dma_wait3A_39 = tpu.memref_slice %arg7[%dma_wait3A_37, %dma_wait3A_38] : memref<10112x16xf32, #tpu.memory_space<vmem_shared>> -> memref<10112x16xf32, #tpu.memory_space<vmem_shared>>
        tpu.wait_indirect_dma semaphore(%run_scoped3A : memref<!tpu.dma_semaphore, #tpu.memory_space<semaphore_mem>>) src(%arg5 : memref<128x16xf32, #tpu.memory_space<vmem>>) dst(%dma_wait3A_39 : memref<10112x16xf32, #tpu.memory_space<vmem_shared>>)
        tpu.yield
      }) : () -> ()
    }
    %scan3A_19 = arith.constant 80 : i32
    %barrier3A_20 = arith.constant 0 : index
    tpu.barrier barrier_id(%barrier3A_20)
    %mul3A_21 = arith.constant 632 : i32
    %mul3A_22 = arith.muli %arg1, %mul3A_21 : i32
    "tpu.region"() ({
      %run_scoped3A = tpu.sem_alloc : memref<!tpu.dma_semaphore, #tpu.memory_space<semaphore_mem>>
      %dma_start3A = arith.constant 0 : i32
      %dma_start3A_25 = tpu.memref_slice %arg7[%mul3A_22, %dma_start3A] : memref<10112x16xf32, #tpu.memory_space<vmem_shared>> -> memref<632x16xf32, #tpu.memory_space<vmem_shared>>
      %dma_start3A_26 = arith.constant 0 : i32
      %dma_start3A_27 = tpu.memref_slice %arg7[%mul3A_22, %dma_start3A_26] : memref<10112x16xf32, #tpu.memory_space<vmem_shared>> -> memref<632x16xf32, #tpu.memory_space<vmem_shared>>
      tpu.enqueue_dma source(%dma_start3A_27 : memref<632x16xf32, #tpu.memory_space<vmem_shared>>) target(%arg6 : memref<632x16xf32, #tpu.memory_space<vmem>>) target_semaphore(%run_scoped3A : memref<!tpu.dma_semaphore, #tpu.memory_space<semaphore_mem>>)
      %dma_wait3A = arith.constant 0 : i32
      %dma_wait3A_28 = tpu.memref_slice %arg7[%mul3A_22, %dma_wait3A] : memref<10112x16xf32, #tpu.memory_space<vmem_shared>> -> memref<632x16xf32, #tpu.memory_space<vmem_shared>>
      %dma_wait3A_29 = arith.constant 0 : i32
      %dma_wait3A_30 = tpu.memref_slice %arg7[%mul3A_22, %dma_wait3A_29] : memref<10112x16xf32, #tpu.memory_space<vmem_shared>> -> memref<632x16xf32, #tpu.memory_space<vmem_shared>>
      tpu.wait_dma2 semaphore(%run_scoped3A : memref<!tpu.dma_semaphore, #tpu.memory_space<semaphore_mem>>) src(%dma_wait3A_30 : memref<632x16xf32, #tpu.memory_space<vmem_shared>>) dst(%arg6 : memref<632x16xf32, #tpu.memory_space<vmem>>)
      tpu.yield
    }) : () -> ()
    %mul3A_23 = arith.constant 632 : i32
    %mul3A_24 = arith.muli %arg1, %mul3A_23 : i32
    "tpu.region"() ({
      %run_scoped3A = tpu.sem_alloc : memref<!tpu.dma_semaphore, #tpu.memory_space<semaphore_mem>>
      %dma_start3A = arith.constant 0 : i32
      %dma_start3A_25 = tpu.memref_slice %arg3[%arg0, %mul3A_24, %dma_start3A] : memref<2x10112x16xf32, #tpu.memory_space<hbm>> -> memref<1x632x16xf32, #tpu.memory_space<hbm>>
      %dma_start3A_26 = tpu.memref_squeeze %dma_start3A_25 : memref<1x632x16xf32, #tpu.memory_space<hbm>> -> memref<632x16xf32, #tpu.memory_space<hbm>>
      %dma_start3A_27 = arith.constant 0 : i32
      %dma_start3A_28 = tpu.memref_slice %arg3[%arg0, %mul3A_24, %dma_start3A_27] : memref<2x10112x16xf32, #tpu.memory_space<hbm>> -> memref<1x632x16xf32, #tpu.memory_space<hbm>>
      %dma_start3A_29 = tpu.memref_squeeze %dma_start3A_28 : memref<1x632x16xf32, #tpu.memory_space<hbm>> -> memref<632x16xf32, #tpu.memory_space<hbm>>
      tpu.enqueue_dma source(%arg6 : memref<632x16xf32, #tpu.memory_space<vmem>>) target(%dma_start3A_29 : memref<632x16xf32, #tpu.memory_space<hbm>>) target_semaphore(%run_scoped3A : memref<!tpu.dma_semaphore, #tpu.memory_space<semaphore_mem>>)
      %dma_wait3A = arith.constant 0 : i32
      %dma_wait3A_30 = tpu.memref_slice %arg3[%arg0, %mul3A_24, %dma_wait3A] : memref<2x10112x16xf32, #tpu.memory_space<hbm>> -> memref<1x632x16xf32, #tpu.memory_space<hbm>>
      %dma_wait3A_31 = tpu.memref_squeeze %dma_wait3A_30 : memref<1x632x16xf32, #tpu.memory_space<hbm>> -> memref<632x16xf32, #tpu.memory_space<hbm>>
      %dma_wait3A_32 = arith.constant 0 : i32
      %dma_wait3A_33 = tpu.memref_slice %arg3[%arg0, %mul3A_24, %dma_wait3A_32] : memref<2x10112x16xf32, #tpu.memory_space<hbm>> -> memref<1x632x16xf32, #tpu.memory_space<hbm>>
      %dma_wait3A_34 = tpu.memref_squeeze %dma_wait3A_33 : memref<1x632x16xf32, #tpu.memory_space<hbm>> -> memref<632x16xf32, #tpu.memory_space<hbm>>
      tpu.wait_dma2 semaphore(%run_scoped3A : memref<!tpu.dma_semaphore, #tpu.memory_space<semaphore_mem>>) src(%arg6 : memref<632x16xf32, #tpu.memory_space<vmem>>) dst(%dma_wait3A_34 : memref<632x16xf32, #tpu.memory_space<hbm>>)
      tpu.yield
    }) : () -> ()
    return
  }
}

#map = affine_map<(d0, d1) -> (0, 0, 0, 0)>
#map1 = affine_map<(d0, d1) -> (0, 0)>
module attributes {stable_mosaic.version = 14 : i64} {
  func.func @_edge_body(%arg0: i32, %arg1: i32, %arg2: memref<2x2x10112x32xi32, #tpu.memory_space<hbm>>, %arg3: memref<2560x128xi32, #tpu.memory_space<hbm>>, %arg4: memref<2560x128xi32, #tpu.memory_space<hbm>>, %arg5: memref<2x2x10112x64xf32, #tpu.memory_space<hbm>>, %arg6: memref<164x128xi32, #tpu.memory_space<vmem>>, %arg7: memref<160x128xi32, #tpu.memory_space<vmem>>, %arg8: memref<128x32xi32, #tpu.memory_space<vmem>>, %arg9: memref<128x32xi32, #tpu.memory_space<vmem>>, %arg10: memref<128x32xi32, #tpu.memory_space<vmem>>, %arg11: memref<128x32xi32, #tpu.memory_space<vmem>>, %arg12: memref<128x64xf32, #tpu.memory_space<vmem>>, %arg13: memref<128x64xf32, #tpu.memory_space<vmem>>, %arg14: memref<128x64xf32, #tpu.memory_space<vmem>>, %arg15: memref<128x64xf32, #tpu.memory_space<vmem>>, %arg16: memref<!tpu.dma_semaphore, #tpu.memory_space<semaphore_mem>>, %arg17: memref<!tpu.dma_semaphore, #tpu.memory_space<semaphore_mem>>, %arg18: memref<!tpu.dma_semaphore, #tpu.memory_space<semaphore_mem>>, %arg19: memref<!tpu.dma_semaphore, #tpu.memory_space<semaphore_mem>>, %arg20: memref<!tpu.dma_semaphore, #tpu.memory_space<semaphore_mem>>, %arg21: memref<!tpu.dma_semaphore, #tpu.memory_space<semaphore_mem>>, %arg22: memref<!tpu.dma_semaphore, #tpu.memory_space<semaphore_mem>>, %arg23: memref<!tpu.dma_semaphore, #tpu.memory_space<semaphore_mem>>, %arg24: memref<10112x64xf32, #tpu.memory_space<vmem_shared>>) attributes {dimension_semantics = [#tpu.dimension_semantics<core_parallel>, #tpu.dimension_semantics<subcore_parallel>], iteration_bounds = array<i64: 2, 16>, scalar_prefetch = 0 : i64, scratch_operands = 19 : i64, tpu.core_type = #tpu.core_type<sc_vector_subcore>, window_params = [{transform_indices = #map}, {transform_indices = #map1}, {transform_indices = #map1}, {transform_indices = #map}]} {
    %mul3A = arith.constant 160 : i32
    %mul3A_0 = arith.muli %arg1, %mul3A : i32
    "tpu.region"() ({
      %run_scoped3A_507 = tpu.sem_alloc : memref<!tpu.dma_semaphore, #tpu.memory_space<semaphore_mem>>
      %dma_start3A_508 = arith.constant 0 : i32
      %dma_start3A_509 = arith.constant 0 : i32
      %dma_start3A_510 = tpu.memref_slice %arg6[%dma_start3A_508, %dma_start3A_509] : memref<164x128xi32, #tpu.memory_space<vmem>> -> memref<160x128xi32, #tpu.memory_space<vmem>>
      %dma_start3A_511 = arith.constant 0 : i32
      %dma_start3A_512 = tpu.memref_slice %arg3[%mul3A_0, %dma_start3A_511] : memref<2560x128xi32, #tpu.memory_space<hbm>> -> memref<160x128xi32, #tpu.memory_space<hbm>>
      %dma_start3A_513 = arith.constant 0 : i32
      %dma_start3A_514 = arith.constant 0 : i32
      %dma_start3A_515 = tpu.memref_slice %arg6[%dma_start3A_513, %dma_start3A_514] : memref<164x128xi32, #tpu.memory_space<vmem>> -> memref<160x128xi32, #tpu.memory_space<vmem>>
      %dma_start3A_516 = arith.constant 0 : i32
      %dma_start3A_517 = tpu.memref_slice %arg3[%mul3A_0, %dma_start3A_516] : memref<2560x128xi32, #tpu.memory_space<hbm>> -> memref<160x128xi32, #tpu.memory_space<hbm>>
      tpu.enqueue_dma source(%dma_start3A_517 : memref<160x128xi32, #tpu.memory_space<hbm>>) target(%dma_start3A_515 : memref<160x128xi32, #tpu.memory_space<vmem>>) target_semaphore(%run_scoped3A_507 : memref<!tpu.dma_semaphore, #tpu.memory_space<semaphore_mem>>)
      %dma_wait3A_518 = arith.constant 0 : i32
      %dma_wait3A_519 = arith.constant 0 : i32
      %dma_wait3A_520 = tpu.memref_slice %arg6[%dma_wait3A_518, %dma_wait3A_519] : memref<164x128xi32, #tpu.memory_space<vmem>> -> memref<160x128xi32, #tpu.memory_space<vmem>>
      %dma_wait3A_521 = arith.constant 0 : i32
      %dma_wait3A_522 = tpu.memref_slice %arg3[%mul3A_0, %dma_wait3A_521] : memref<2560x128xi32, #tpu.memory_space<hbm>> -> memref<160x128xi32, #tpu.memory_space<hbm>>
      %dma_wait3A_523 = arith.constant 0 : i32
      %dma_wait3A_524 = arith.constant 0 : i32
      %dma_wait3A_525 = tpu.memref_slice %arg6[%dma_wait3A_523, %dma_wait3A_524] : memref<164x128xi32, #tpu.memory_space<vmem>> -> memref<160x128xi32, #tpu.memory_space<vmem>>
      %dma_wait3A_526 = arith.constant 0 : i32
      %dma_wait3A_527 = tpu.memref_slice %arg3[%mul3A_0, %dma_wait3A_526] : memref<2560x128xi32, #tpu.memory_space<hbm>> -> memref<160x128xi32, #tpu.memory_space<hbm>>
      tpu.wait_dma2 semaphore(%run_scoped3A_507 : memref<!tpu.dma_semaphore, #tpu.memory_space<semaphore_mem>>) src(%dma_wait3A_527 : memref<160x128xi32, #tpu.memory_space<hbm>>) dst(%dma_wait3A_525 : memref<160x128xi32, #tpu.memory_space<vmem>>)
      tpu.yield
    }) : () -> ()
    "tpu.region"() ({
      %run_scoped3A_507 = tpu.sem_alloc : memref<!tpu.dma_semaphore, #tpu.memory_space<semaphore_mem>>
      %dma_start3A_508 = arith.constant 0 : i32
      %dma_start3A_509 = tpu.memref_slice %arg4[%mul3A_0, %dma_start3A_508] : memref<2560x128xi32, #tpu.memory_space<hbm>> -> memref<160x128xi32, #tpu.memory_space<hbm>>
      %dma_start3A_510 = arith.constant 0 : i32
      %dma_start3A_511 = tpu.memref_slice %arg4[%mul3A_0, %dma_start3A_510] : memref<2560x128xi32, #tpu.memory_space<hbm>> -> memref<160x128xi32, #tpu.memory_space<hbm>>
      tpu.enqueue_dma source(%dma_start3A_511 : memref<160x128xi32, #tpu.memory_space<hbm>>) target(%arg7 : memref<160x128xi32, #tpu.memory_space<vmem>>) target_semaphore(%run_scoped3A_507 : memref<!tpu.dma_semaphore, #tpu.memory_space<semaphore_mem>>)
      %dma_wait3A_512 = arith.constant 0 : i32
      %dma_wait3A_513 = tpu.memref_slice %arg4[%mul3A_0, %dma_wait3A_512] : memref<2560x128xi32, #tpu.memory_space<hbm>> -> memref<160x128xi32, #tpu.memory_space<hbm>>
      %dma_wait3A_514 = arith.constant 0 : i32
      %dma_wait3A_515 = tpu.memref_slice %arg4[%mul3A_0, %dma_wait3A_514] : memref<2560x128xi32, #tpu.memory_space<hbm>> -> memref<160x128xi32, #tpu.memory_space<hbm>>
      tpu.wait_dma2 semaphore(%run_scoped3A_507 : memref<!tpu.dma_semaphore, #tpu.memory_space<semaphore_mem>>) src(%dma_wait3A_515 : memref<160x128xi32, #tpu.memory_space<hbm>>) dst(%arg7 : memref<160x128xi32, #tpu.memory_space<vmem>>)
      tpu.yield
    }) : () -> ()
    %broadcast_in_dim3A = arith.constant 10000 : i32
    %broadcast_in_dim3A_1 = vector.broadcast %broadcast_in_dim3A : i32 to vector<16xi32>
    %scan3A = arith.constant 0 : i32
    %scan3A_2 = arith.constant 4 : i32
    %scan3A_3 = arith.addi %scan3A, %scan3A_2 : i32
    %scan3A_4 = arith.constant 1 : i32
    scf.for %scan3A_507 = %scan3A to %scan3A_3 step %scan3A_4  : i32 {
      %mul3A_508 = arith.constant 1 : i32
      %mul3A_509 = arith.muli %scan3A_507, %mul3A_508 : i32
      %add3A_510 = arith.constant 160 : i32
      %add3A_511 = arith.addi %add3A_510, %mul3A_509 : i32
      %scan3A_512 = arith.constant 0 : i32
      %scan3A_513 = arith.constant 8 : i32
      %scan3A_514 = arith.addi %scan3A_512, %scan3A_513 : i32
      %scan3A_515 = arith.constant 1 : i32
      scf.for %scan3A_517 = %scan3A_512 to %scan3A_514 step %scan3A_515  : i32 {
        %mul3A_518 = arith.constant 16 : i32
        %mul3A_519 = arith.muli %scan3A_517, %mul3A_518 : i32
        %add3A_520 = arith.constant 0 : i32
        %add3A_521 = arith.addi %add3A_520, %mul3A_519 : i32
        %swap3A = arith.index_cast %add3A_511 : i32 to index
        %swap3A_522 = arith.index_cast %add3A_521 : i32 to index
        %swap3A_523 = tpu.vector_load %arg6[%swap3A, %swap3A_522] {strides = array<i32>} : memref<164x128xi32, #tpu.memory_space<vmem>>, vector<16xi32>,
        tpu.vector_store %arg6[%swap3A, %swap3A_522], %broadcast_in_dim3A_1 {strides = array<i32>} : memref<164x128xi32, #tpu.memory_space<vmem>>, vector<16xi32>,
      }
      %scan3A_516 = arith.constant 8 : i32
    }
    %scan3A_5 = arith.constant 4 : i32
    %broadcast_in_dim3A_6 = arith.constant 0.000000e+00 : f32
    %broadcast_in_dim3A_7 = vector.broadcast %broadcast_in_dim3A_6 : f32 to vector<16xf32>
    %scan3A_8 = arith.constant 0 : i32
    %scan3A_9 = arith.constant 128 : i32
    %scan3A_10 = arith.addi %scan3A_8, %scan3A_9 : i32
    %scan3A_11 = arith.constant 1 : i32
    scf.for %scan3A_507 = %scan3A_8 to %scan3A_10 step %scan3A_11  : i32 {
      %mul3A_508 = arith.constant 1 : i32
      %mul3A_509 = arith.muli %scan3A_507, %mul3A_508 : i32
      %add3A_510 = arith.constant 0 : i32
      %add3A_511 = arith.addi %add3A_510, %mul3A_509 : i32
      %scan3A_512 = arith.constant 0 : i32
      %scan3A_513 = arith.constant 4 : i32
      %scan3A_514 = arith.addi %scan3A_512, %scan3A_513 : i32
      %scan3A_515 = arith.constant 1 : i32
      scf.for %scan3A_517 = %scan3A_512 to %scan3A_514 step %scan3A_515  : i32 {
        %mul3A_518 = arith.constant 16 : i32
        %mul3A_519 = arith.muli %scan3A_517, %mul3A_518 : i32
        %add3A_520 = arith.constant 0 : i32
        %add3A_521 = arith.addi %add3A_520, %mul3A_519 : i32
        %swap3A = arith.index_cast %add3A_511 : i32 to index
        %swap3A_522 = arith.index_cast %add3A_521 : i32 to index
        %swap3A_523 = tpu.vector_load %arg12[%swap3A, %swap3A_522] {strides = array<i32>} : memref<128x64xf32, #tpu.memory_space<vmem>>, vector<16xf32>,
        tpu.vector_store %arg12[%swap3A, %swap3A_522], %broadcast_in_dim3A_7 {strides = array<i32>} : memref<128x64xf32, #tpu.memory_space<vmem>>, vector<16xf32>,
      }
      %scan3A_516 = arith.constant 4 : i32
    }
    %scan3A_12 = arith.constant 128 : i32
    %broadcast_in_dim3A_13 = arith.constant 0.000000e+00 : f32
    %broadcast_in_dim3A_14 = vector.broadcast %broadcast_in_dim3A_13 : f32 to vector<16xf32>
    %scan3A_15 = arith.constant 0 : i32
    %scan3A_16 = arith.constant 128 : i32
    %scan3A_17 = arith.addi %scan3A_15, %scan3A_16 : i32
    %scan3A_18 = arith.constant 1 : i32
    scf.for %scan3A_507 = %scan3A_15 to %scan3A_17 step %scan3A_18  : i32 {
      %mul3A_508 = arith.constant 1 : i32
      %mul3A_509 = arith.muli %scan3A_507, %mul3A_508 : i32
      %add3A_510 = arith.constant 0 : i32
      %add3A_511 = arith.addi %add3A_510, %mul3A_509 : i32
      %scan3A_512 = arith.constant 0 : i32
      %scan3A_513 = arith.constant 4 : i32
      %scan3A_514 = arith.addi %scan3A_512, %scan3A_513 : i32
      %scan3A_515 = arith.constant 1 : i32
      scf.for %scan3A_517 = %scan3A_512 to %scan3A_514 step %scan3A_515  : i32 {
        %mul3A_518 = arith.constant 16 : i32
        %mul3A_519 = arith.muli %scan3A_517, %mul3A_518 : i32
        %add3A_520 = arith.constant 0 : i32
        %add3A_521 = arith.addi %add3A_520, %mul3A_519 : i32
        %swap3A = arith.index_cast %add3A_511 : i32 to index
        %swap3A_522 = arith.index_cast %add3A_521 : i32 to index
        %swap3A_523 = tpu.vector_load %arg13[%swap3A, %swap3A_522] {strides = array<i32>} : memref<128x64xf32, #tpu.memory_space<vmem>>, vector<16xf32>,
        tpu.vector_store %arg13[%swap3A, %swap3A_522], %broadcast_in_dim3A_14 {strides = array<i32>} : memref<128x64xf32, #tpu.memory_space<vmem>>, vector<16xf32>,
      }
      %scan3A_516 = arith.constant 4 : i32
    }
    %scan3A_19 = arith.constant 128 : i32
    %broadcast_in_dim3A_20 = arith.constant 0.000000e+00 : f32
    %broadcast_in_dim3A_21 = vector.broadcast %broadcast_in_dim3A_20 : f32 to vector<16xf32>
    %scan3A_22 = arith.constant 0 : i32
    %scan3A_23 = arith.constant 128 : i32
    %scan3A_24 = arith.addi %scan3A_22, %scan3A_23 : i32
    %scan3A_25 = arith.constant 1 : i32
    scf.for %scan3A_507 = %scan3A_22 to %scan3A_24 step %scan3A_25  : i32 {
      %mul3A_508 = arith.constant 1 : i32
      %mul3A_509 = arith.muli %scan3A_507, %mul3A_508 : i32
      %add3A_510 = arith.constant 0 : i32
      %add3A_511 = arith.addi %add3A_510, %mul3A_509 : i32
      %scan3A_512 = arith.constant 0 : i32
      %scan3A_513 = arith.constant 4 : i32
      %scan3A_514 = arith.addi %scan3A_512, %scan3A_513 : i32
      %scan3A_515 = arith.constant 1 : i32
      scf.for %scan3A_517 = %scan3A_512 to %scan3A_514 step %scan3A_515  : i32 {
        %mul3A_518 = arith.constant 16 : i32
        %mul3A_519 = arith.muli %scan3A_517, %mul3A_518 : i32
        %add3A_520 = arith.constant 0 : i32
        %add3A_521 = arith.addi %add3A_520, %mul3A_519 : i32
        %swap3A = arith.index_cast %add3A_511 : i32 to index
        %swap3A_522 = arith.index_cast %add3A_521 : i32 to index
        %swap3A_523 = tpu.vector_load %arg14[%swap3A, %swap3A_522] {strides = array<i32>} : memref<128x64xf32, #tpu.memory_space<vmem>>, vector<16xf32>,
        tpu.vector_store %arg14[%swap3A, %swap3A_522], %broadcast_in_dim3A_21 {strides = array<i32>} : memref<128x64xf32, #tpu.memory_space<vmem>>, vector<16xf32>,
      }
      %scan3A_516 = arith.constant 4 : i32
    }
    %scan3A_26 = arith.constant 128 : i32
    %broadcast_in_dim3A_27 = arith.constant 0.000000e+00 : f32
    %broadcast_in_dim3A_28 = vector.broadcast %broadcast_in_dim3A_27 : f32 to vector<16xf32>
    %scan3A_29 = arith.constant 0 : i32
    %scan3A_30 = arith.constant 128 : i32
    %scan3A_31 = arith.addi %scan3A_29, %scan3A_30 : i32
    %scan3A_32 = arith.constant 1 : i32
    scf.for %scan3A_507 = %scan3A_29 to %scan3A_31 step %scan3A_32  : i32 {
      %mul3A_508 = arith.constant 1 : i32
      %mul3A_509 = arith.muli %scan3A_507, %mul3A_508 : i32
      %add3A_510 = arith.constant 0 : i32
      %add3A_511 = arith.addi %add3A_510, %mul3A_509 : i32
      %scan3A_512 = arith.constant 0 : i32
      %scan3A_513 = arith.constant 4 : i32
      %scan3A_514 = arith.addi %scan3A_512, %scan3A_513 : i32
      %scan3A_515 = arith.constant 1 : i32
      scf.for %scan3A_517 = %scan3A_512 to %scan3A_514 step %scan3A_515  : i32 {
        %mul3A_518 = arith.constant 16 : i32
        %mul3A_519 = arith.muli %scan3A_517, %mul3A_518 : i32
        %add3A_520 = arith.constant 0 : i32
        %add3A_521 = arith.addi %add3A_520, %mul3A_519 : i32
        %swap3A = arith.index_cast %add3A_511 : i32 to index
        %swap3A_522 = arith.index_cast %add3A_521 : i32 to index
        %swap3A_523 = tpu.vector_load %arg15[%swap3A, %swap3A_522] {strides = array<i32>} : memref<128x64xf32, #tpu.memory_space<vmem>>, vector<16xf32>,
        tpu.vector_store %arg15[%swap3A, %swap3A_522], %broadcast_in_dim3A_28 {strides = array<i32>} : memref<128x64xf32, #tpu.memory_space<vmem>>, vector<16xf32>,
      }
      %scan3A_516 = arith.constant 4 : i32
    }
    %scan3A_33 = arith.constant 128 : i32
    %mul3A_34 = arith.constant 632 : i32
    %mul3A_35 = arith.muli %arg1, %mul3A_34 : i32
    %add3A = arith.constant 0 : i32
    %add3A_36 = arith.addi %mul3A_35, %add3A : i32
    "tpu.region"() ({
      %run_scoped3A_507 = tpu.sem_alloc : memref<!tpu.dma_semaphore, #tpu.memory_space<semaphore_mem>>
      %dma_start3A_508 = arith.constant 0 : i32
      %dma_start3A_509 = arith.constant 0 : i32
      %dma_start3A_510 = tpu.memref_slice %arg12[%dma_start3A_508, %dma_start3A_509] : memref<128x64xf32, #tpu.memory_space<vmem>> -> memref<128x64xf32, #tpu.memory_space<vmem>>
      %dma_start3A_511 = arith.constant 0 : i32
      %dma_start3A_512 = tpu.memref_slice %arg24[%add3A_36, %dma_start3A_511] : memref<10112x64xf32, #tpu.memory_space<vmem_shared>> -> memref<128x64xf32, #tpu.memory_space<vmem_shared>>
      %dma_start3A_513 = arith.constant 0 : i32
      %dma_start3A_514 = tpu.memref_slice %arg24[%add3A_36, %dma_start3A_513] : memref<10112x64xf32, #tpu.memory_space<vmem_shared>> -> memref<128x64xf32, #tpu.memory_space<vmem_shared>>
      %dma_start3A_515 = arith.constant 0 : i32
      %dma_start3A_516 = arith.constant 0 : i32
      %dma_start3A_517 = tpu.memref_slice %arg12[%dma_start3A_515, %dma_start3A_516] : memref<128x64xf32, #tpu.memory_space<vmem>> -> memref<128x64xf32, #tpu.memory_space<vmem>>
      tpu.enqueue_dma source(%dma_start3A_517 : memref<128x64xf32, #tpu.memory_space<vmem>>) target(%dma_start3A_514 : memref<128x64xf32, #tpu.memory_space<vmem_shared>>) target_semaphore(%run_scoped3A_507 : memref<!tpu.dma_semaphore, #tpu.memory_space<semaphore_mem>>)
      %dma_wait3A_518 = arith.constant 0 : i32
      %dma_wait3A_519 = arith.constant 0 : i32
      %dma_wait3A_520 = tpu.memref_slice %arg12[%dma_wait3A_518, %dma_wait3A_519] : memref<128x64xf32, #tpu.memory_space<vmem>> -> memref<128x64xf32, #tpu.memory_space<vmem>>
      %dma_wait3A_521 = arith.constant 0 : i32
      %dma_wait3A_522 = tpu.memref_slice %arg24[%add3A_36, %dma_wait3A_521] : memref<10112x64xf32, #tpu.memory_space<vmem_shared>> -> memref<128x64xf32, #tpu.memory_space<vmem_shared>>
      %dma_wait3A_523 = arith.constant 0 : i32
      %dma_wait3A_524 = tpu.memref_slice %arg24[%add3A_36, %dma_wait3A_523] : memref<10112x64xf32, #tpu.memory_space<vmem_shared>> -> memref<128x64xf32, #tpu.memory_space<vmem_shared>>
      %dma_wait3A_525 = arith.constant 0 : i32
      %dma_wait3A_526 = arith.constant 0 : i32
      %dma_wait3A_527 = tpu.memref_slice %arg12[%dma_wait3A_525, %dma_wait3A_526] : memref<128x64xf32, #tpu.memory_space<vmem>> -> memref<128x64xf32, #tpu.memory_space<vmem>>
      tpu.wait_dma2 semaphore(%run_scoped3A_507 : memref<!tpu.dma_semaphore, #tpu.memory_space<semaphore_mem>>) src(%dma_wait3A_527 : memref<128x64xf32, #tpu.memory_space<vmem>>) dst(%dma_wait3A_524 : memref<128x64xf32, #tpu.memory_space<vmem_shared>>)
      tpu.yield
    }) : () -> ()
    %mul3A_37 = arith.constant 632 : i32
    %mul3A_38 = arith.muli %arg1, %mul3A_37 : i32
    %add3A_39 = arith.constant 128 : i32
    %add3A_40 = arith.addi %mul3A_38, %add3A_39 : i32
    "tpu.region"() ({
      %run_scoped3A_507 = tpu.sem_alloc : memref<!tpu.dma_semaphore, #tpu.memory_space<semaphore_mem>>
      %dma_start3A_508 = arith.constant 0 : i32
      %dma_start3A_509 = arith.constant 0 : i32
      %dma_start3A_510 = tpu.memref_slice %arg12[%dma_start3A_508, %dma_start3A_509] : memref<128x64xf32, #tpu.memory_space<vmem>> -> memref<128x64xf32, #tpu.memory_space<vmem>>
      %dma_start3A_511 = arith.constant 0 : i32
      %dma_start3A_512 = tpu.memref_slice %arg24[%add3A_40, %dma_start3A_511] : memref<10112x64xf32, #tpu.memory_space<vmem_shared>> -> memref<128x64xf32, #tpu.memory_space<vmem_shared>>
      %dma_start3A_513 = arith.constant 0 : i32
      %dma_start3A_514 = tpu.memref_slice %arg24[%add3A_40, %dma_start3A_513] : memref<10112x64xf32, #tpu.memory_space<vmem_shared>> -> memref<128x64xf32, #tpu.memory_space<vmem_shared>>
      %dma_start3A_515 = arith.constant 0 : i32
      %dma_start3A_516 = arith.constant 0 : i32
      %dma_start3A_517 = tpu.memref_slice %arg12[%dma_start3A_515, %dma_start3A_516] : memref<128x64xf32, #tpu.memory_space<vmem>> -> memref<128x64xf32, #tpu.memory_space<vmem>>
      tpu.enqueue_dma source(%dma_start3A_517 : memref<128x64xf32, #tpu.memory_space<vmem>>) target(%dma_start3A_514 : memref<128x64xf32, #tpu.memory_space<vmem_shared>>) target_semaphore(%run_scoped3A_507 : memref<!tpu.dma_semaphore, #tpu.memory_space<semaphore_mem>>)
      %dma_wait3A_518 = arith.constant 0 : i32
      %dma_wait3A_519 = arith.constant 0 : i32
      %dma_wait3A_520 = tpu.memref_slice %arg12[%dma_wait3A_518, %dma_wait3A_519] : memref<128x64xf32, #tpu.memory_space<vmem>> -> memref<128x64xf32, #tpu.memory_space<vmem>>
      %dma_wait3A_521 = arith.constant 0 : i32
      %dma_wait3A_522 = tpu.memref_slice %arg24[%add3A_40, %dma_wait3A_521] : memref<10112x64xf32, #tpu.memory_space<vmem_shared>> -> memref<128x64xf32, #tpu.memory_space<vmem_shared>>
      %dma_wait3A_523 = arith.constant 0 : i32
      %dma_wait3A_524 = tpu.memref_slice %arg24[%add3A_40, %dma_wait3A_523] : memref<10112x64xf32, #tpu.memory_space<vmem_shared>> -> memref<128x64xf32, #tpu.memory_space<vmem_shared>>
      %dma_wait3A_525 = arith.constant 0 : i32
      %dma_wait3A_526 = arith.constant 0 : i32
      %dma_wait3A_527 = tpu.memref_slice %arg12[%dma_wait3A_525, %dma_wait3A_526] : memref<128x64xf32, #tpu.memory_space<vmem>> -> memref<128x64xf32, #tpu.memory_space<vmem>>
      tpu.wait_dma2 semaphore(%run_scoped3A_507 : memref<!tpu.dma_semaphore, #tpu.memory_space<semaphore_mem>>) src(%dma_wait3A_527 : memref<128x64xf32, #tpu.memory_space<vmem>>) dst(%dma_wait3A_524 : memref<128x64xf32, #tpu.memory_space<vmem_shared>>)
      tpu.yield
    }) : () -> ()
    %mul3A_41 = arith.constant 632 : i32
    %mul3A_42 = arith.muli %arg1, %mul3A_41 : i32
    %add3A_43 = arith.constant 256 : i32
    %add3A_44 = arith.addi %mul3A_42, %add3A_43 : i32
    "tpu.region"() ({
      %run_scoped3A_507 = tpu.sem_alloc : memref<!tpu.dma_semaphore, #tpu.memory_space<semaphore_mem>>
      %dma_start3A_508 = arith.constant 0 : i32
      %dma_start3A_509 = arith.constant 0 : i32
      %dma_start3A_510 = tpu.memref_slice %arg12[%dma_start3A_508, %dma_start3A_509] : memref<128x64xf32, #tpu.memory_space<vmem>> -> memref<128x64xf32, #tpu.memory_space<vmem>>
      %dma_start3A_511 = arith.constant 0 : i32
      %dma_start3A_512 = tpu.memref_slice %arg24[%add3A_44, %dma_start3A_511] : memref<10112x64xf32, #tpu.memory_space<vmem_shared>> -> memref<128x64xf32, #tpu.memory_space<vmem_shared>>
      %dma_start3A_513 = arith.constant 0 : i32
      %dma_start3A_514 = tpu.memref_slice %arg24[%add3A_44, %dma_start3A_513] : memref<10112x64xf32, #tpu.memory_space<vmem_shared>> -> memref<128x64xf32, #tpu.memory_space<vmem_shared>>
      %dma_start3A_515 = arith.constant 0 : i32
      %dma_start3A_516 = arith.constant 0 : i32
      %dma_start3A_517 = tpu.memref_slice %arg12[%dma_start3A_515, %dma_start3A_516] : memref<128x64xf32, #tpu.memory_space<vmem>> -> memref<128x64xf32, #tpu.memory_space<vmem>>
      tpu.enqueue_dma source(%dma_start3A_517 : memref<128x64xf32, #tpu.memory_space<vmem>>) target(%dma_start3A_514 : memref<128x64xf32, #tpu.memory_space<vmem_shared>>) target_semaphore(%run_scoped3A_507 : memref<!tpu.dma_semaphore, #tpu.memory_space<semaphore_mem>>)
      %dma_wait3A_518 = arith.constant 0 : i32
      %dma_wait3A_519 = arith.constant 0 : i32
      %dma_wait3A_520 = tpu.memref_slice %arg12[%dma_wait3A_518, %dma_wait3A_519] : memref<128x64xf32, #tpu.memory_space<vmem>> -> memref<128x64xf32, #tpu.memory_space<vmem>>
      %dma_wait3A_521 = arith.constant 0 : i32
      %dma_wait3A_522 = tpu.memref_slice %arg24[%add3A_44, %dma_wait3A_521] : memref<10112x64xf32, #tpu.memory_space<vmem_shared>> -> memref<128x64xf32, #tpu.memory_space<vmem_shared>>
      %dma_wait3A_523 = arith.constant 0 : i32
      %dma_wait3A_524 = tpu.memref_slice %arg24[%add3A_44, %dma_wait3A_523] : memref<10112x64xf32, #tpu.memory_space<vmem_shared>> -> memref<128x64xf32, #tpu.memory_space<vmem_shared>>
      %dma_wait3A_525 = arith.constant 0 : i32
      %dma_wait3A_526 = arith.constant 0 : i32
      %dma_wait3A_527 = tpu.memref_slice %arg12[%dma_wait3A_525, %dma_wait3A_526] : memref<128x64xf32, #tpu.memory_space<vmem>> -> memref<128x64xf32, #tpu.memory_space<vmem>>
      tpu.wait_dma2 semaphore(%run_scoped3A_507 : memref<!tpu.dma_semaphore, #tpu.memory_space<semaphore_mem>>) src(%dma_wait3A_527 : memref<128x64xf32, #tpu.memory_space<vmem>>) dst(%dma_wait3A_524 : memref<128x64xf32, #tpu.memory_space<vmem_shared>>)
      tpu.yield
    }) : () -> ()
    %mul3A_45 = arith.constant 632 : i32
    %mul3A_46 = arith.muli %arg1, %mul3A_45 : i32
    %add3A_47 = arith.constant 384 : i32
    %add3A_48 = arith.addi %mul3A_46, %add3A_47 : i32
    "tpu.region"() ({
      %run_scoped3A_507 = tpu.sem_alloc : memref<!tpu.dma_semaphore, #tpu.memory_space<semaphore_mem>>
      %dma_start3A_508 = arith.constant 0 : i32
      %dma_start3A_509 = arith.constant 0 : i32
      %dma_start3A_510 = tpu.memref_slice %arg12[%dma_start3A_508, %dma_start3A_509] : memref<128x64xf32, #tpu.memory_space<vmem>> -> memref<128x64xf32, #tpu.memory_space<vmem>>
      %dma_start3A_511 = arith.constant 0 : i32
      %dma_start3A_512 = tpu.memref_slice %arg24[%add3A_48, %dma_start3A_511] : memref<10112x64xf32, #tpu.memory_space<vmem_shared>> -> memref<128x64xf32, #tpu.memory_space<vmem_shared>>
      %dma_start3A_513 = arith.constant 0 : i32
      %dma_start3A_514 = tpu.memref_slice %arg24[%add3A_48, %dma_start3A_513] : memref<10112x64xf32, #tpu.memory_space<vmem_shared>> -> memref<128x64xf32, #tpu.memory_space<vmem_shared>>
      %dma_start3A_515 = arith.constant 0 : i32
      %dma_start3A_516 = arith.constant 0 : i32
      %dma_start3A_517 = tpu.memref_slice %arg12[%dma_start3A_515, %dma_start3A_516] : memref<128x64xf32, #tpu.memory_space<vmem>> -> memref<128x64xf32, #tpu.memory_space<vmem>>
      tpu.enqueue_dma source(%dma_start3A_517 : memref<128x64xf32, #tpu.memory_space<vmem>>) target(%dma_start3A_514 : memref<128x64xf32, #tpu.memory_space<vmem_shared>>) target_semaphore(%run_scoped3A_507 : memref<!tpu.dma_semaphore, #tpu.memory_space<semaphore_mem>>)
      %dma_wait3A_518 = arith.constant 0 : i32
      %dma_wait3A_519 = arith.constant 0 : i32
      %dma_wait3A_520 = tpu.memref_slice %arg12[%dma_wait3A_518, %dma_wait3A_519] : memref<128x64xf32, #tpu.memory_space<vmem>> -> memref<128x64xf32, #tpu.memory_space<vmem>>
      %dma_wait3A_521 = arith.constant 0 : i32
      %dma_wait3A_522 = tpu.memref_slice %arg24[%add3A_48, %dma_wait3A_521] : memref<10112x64xf32, #tpu.memory_space<vmem_shared>> -> memref<128x64xf32, #tpu.memory_space<vmem_shared>>
      %dma_wait3A_523 = arith.constant 0 : i32
      %dma_wait3A_524 = tpu.memref_slice %arg24[%add3A_48, %dma_wait3A_523] : memref<10112x64xf32, #tpu.memory_space<vmem_shared>> -> memref<128x64xf32, #tpu.memory_space<vmem_shared>>
      %dma_wait3A_525 = arith.constant 0 : i32
      %dma_wait3A_526 = arith.constant 0 : i32
      %dma_wait3A_527 = tpu.memref_slice %arg12[%dma_wait3A_525, %dma_wait3A_526] : memref<128x64xf32, #tpu.memory_space<vmem>> -> memref<128x64xf32, #tpu.memory_space<vmem>>
      tpu.wait_dma2 semaphore(%run_scoped3A_507 : memref<!tpu.dma_semaphore, #tpu.memory_space<semaphore_mem>>) src(%dma_wait3A_527 : memref<128x64xf32, #tpu.memory_space<vmem>>) dst(%dma_wait3A_524 : memref<128x64xf32, #tpu.memory_space<vmem_shared>>)
      tpu.yield
    }) : () -> ()
    %mul3A_49 = arith.constant 632 : i32
    %mul3A_50 = arith.muli %arg1, %mul3A_49 : i32
    %add3A_51 = arith.constant 512 : i32
    %add3A_52 = arith.addi %mul3A_50, %add3A_51 : i32
    "tpu.region"() ({
      %run_scoped3A_507 = tpu.sem_alloc : memref<!tpu.dma_semaphore, #tpu.memory_space<semaphore_mem>>
      %dma_start3A_508 = arith.constant 0 : i32
      %dma_start3A_509 = arith.constant 0 : i32
      %dma_start3A_510 = tpu.memref_slice %arg12[%dma_start3A_508, %dma_start3A_509] : memref<128x64xf32, #tpu.memory_space<vmem>> -> memref<120x64xf32, #tpu.memory_space<vmem>>
      %dma_start3A_511 = arith.constant 0 : i32
      %dma_start3A_512 = tpu.memref_slice %arg24[%add3A_52, %dma_start3A_511] : memref<10112x64xf32, #tpu.memory_space<vmem_shared>> -> memref<120x64xf32, #tpu.memory_space<vmem_shared>>
      %dma_start3A_513 = arith.constant 0 : i32
      %dma_start3A_514 = tpu.memref_slice %arg24[%add3A_52, %dma_start3A_513] : memref<10112x64xf32, #tpu.memory_space<vmem_shared>> -> memref<120x64xf32, #tpu.memory_space<vmem_shared>>
      %dma_start3A_515 = arith.constant 0 : i32
      %dma_start3A_516 = arith.constant 0 : i32
      %dma_start3A_517 = tpu.memref_slice %arg12[%dma_start3A_515, %dma_start3A_516] : memref<128x64xf32, #tpu.memory_space<vmem>> -> memref<120x64xf32, #tpu.memory_space<vmem>>
      tpu.enqueue_dma source(%dma_start3A_517 : memref<120x64xf32, #tpu.memory_space<vmem>>) target(%dma_start3A_514 : memref<120x64xf32, #tpu.memory_space<vmem_shared>>) target_semaphore(%run_scoped3A_507 : memref<!tpu.dma_semaphore, #tpu.memory_space<semaphore_mem>>)
      %dma_wait3A_518 = arith.constant 0 : i32
      %dma_wait3A_519 = arith.constant 0 : i32
      %dma_wait3A_520 = tpu.memref_slice %arg12[%dma_wait3A_518, %dma_wait3A_519] : memref<128x64xf32, #tpu.memory_space<vmem>> -> memref<120x64xf32, #tpu.memory_space<vmem>>
      %dma_wait3A_521 = arith.constant 0 : i32
      %dma_wait3A_522 = tpu.memref_slice %arg24[%add3A_52, %dma_wait3A_521] : memref<10112x64xf32, #tpu.memory_space<vmem_shared>> -> memref<120x64xf32, #tpu.memory_space<vmem_shared>>
      %dma_wait3A_523 = arith.constant 0 : i32
      %dma_wait3A_524 = tpu.memref_slice %arg24[%add3A_52, %dma_wait3A_523] : memref<10112x64xf32, #tpu.memory_space<vmem_shared>> -> memref<120x64xf32, #tpu.memory_space<vmem_shared>>
      %dma_wait3A_525 = arith.constant 0 : i32
      %dma_wait3A_526 = arith.constant 0 : i32
      %dma_wait3A_527 = tpu.memref_slice %arg12[%dma_wait3A_525, %dma_wait3A_526] : memref<128x64xf32, #tpu.memory_space<vmem>> -> memref<120x64xf32, #tpu.memory_space<vmem>>
      tpu.wait_dma2 semaphore(%run_scoped3A_507 : memref<!tpu.dma_semaphore, #tpu.memory_space<semaphore_mem>>) src(%dma_wait3A_527 : memref<120x64xf32, #tpu.memory_space<vmem>>) dst(%dma_wait3A_524 : memref<120x64xf32, #tpu.memory_space<vmem_shared>>)
      tpu.yield
    }) : () -> ()
    %barrier3A = arith.constant 0 : index
    tpu.barrier barrier_id(%barrier3A)
    %dma_start3A = arith.constant 0 : i32
    %dma_start3A_53 = arith.constant 0 : i32
    %dma_start3A_54 = arith.constant 0 : i32
    %dma_start3A_55 = tpu.memref_slice %arg6[%dma_start3A_53, %dma_start3A_54] : memref<164x128xi32, #tpu.memory_space<vmem>> -> memref<1x128xi32, #tpu.memory_space<vmem>>
    %dma_start3A_56 = tpu.memref_squeeze %dma_start3A_55 : memref<1x128xi32, #tpu.memory_space<vmem>> -> memref<128xi32, #tpu.memory_space<vmem>>
    %dma_start3A_57 = arith.constant 0 : i32
    %dma_start3A_58 = arith.constant 0 : i32
    %dma_start3A_59 = tpu.memref_slice %arg2[%arg0, %dma_start3A, %dma_start3A_57, %dma_start3A_58] : memref<2x2x10112x32xi32, #tpu.memory_space<hbm>> -> memref<1x1x10112x32xi32, #tpu.memory_space<hbm>>
    %dma_start3A_60 = tpu.memref_squeeze %dma_start3A_59 : memref<1x1x10112x32xi32, #tpu.memory_space<hbm>> -> memref<10112x32xi32, #tpu.memory_space<hbm>>
    %dma_start3A_61 = arith.constant 0 : i32
    %dma_start3A_62 = arith.constant 0 : i32
    %dma_start3A_63 = tpu.memref_slice %dma_start3A_60[%dma_start3A_61, %dma_start3A_62] : memref<10112x32xi32, #tpu.memory_space<hbm>> -> memref<10112x32xi32, #tpu.memory_space<hbm>>
    tpu.enqueue_indirect_dma source(%dma_start3A_63 : memref<10112x32xi32, #tpu.memory_space<hbm>>) target(%arg8 : memref<128x32xi32, #tpu.memory_space<vmem>>) offsets(%dma_start3A_56 : memref<128xi32, #tpu.memory_space<vmem>>) semaphore(%arg16 : memref<!tpu.dma_semaphore, #tpu.memory_space<semaphore_mem>>)
    %dma_start3A_64 = arith.constant 160 : i32
    %dma_start3A_65 = arith.constant 0 : i32
    %dma_start3A_66 = tpu.memref_slice %arg6[%dma_start3A_64, %dma_start3A_65] : memref<164x128xi32, #tpu.memory_space<vmem>> -> memref<1x128xi32, #tpu.memory_space<vmem>>
    %dma_start3A_67 = tpu.memref_squeeze %dma_start3A_66 : memref<1x128xi32, #tpu.memory_space<vmem>> -> memref<128xi32, #tpu.memory_space<vmem>>
    %dma_start3A_68 = arith.constant 0 : i32
    %dma_start3A_69 = arith.constant 0 : i32
    %dma_start3A_70 = tpu.memref_slice %arg24[%dma_start3A_68, %dma_start3A_69] : memref<10112x64xf32, #tpu.memory_space<vmem_shared>> -> memref<10112x64xf32, #tpu.memory_space<vmem_shared>>
    tpu.enqueue_indirect_dma source(%arg12 : memref<128x64xf32, #tpu.memory_space<vmem>>) target(%dma_start3A_70 : memref<10112x64xf32, #tpu.memory_space<vmem_shared>>) offsets(%dma_start3A_67 : memref<128xi32, #tpu.memory_space<vmem>>) semaphore(%arg20 : memref<!tpu.dma_semaphore, #tpu.memory_space<semaphore_mem>>) {add = true}
    %dma_start3A_71 = arith.constant 0 : i32
    %dma_start3A_72 = arith.constant 1 : i32
    %dma_start3A_73 = arith.constant 0 : i32
    %dma_start3A_74 = tpu.memref_slice %arg6[%dma_start3A_72, %dma_start3A_73] : memref<164x128xi32, #tpu.memory_space<vmem>> -> memref<1x128xi32, #tpu.memory_space<vmem>>
    %dma_start3A_75 = tpu.memref_squeeze %dma_start3A_74 : memref<1x128xi32, #tpu.memory_space<vmem>> -> memref<128xi32, #tpu.memory_space<vmem>>
    %dma_start3A_76 = arith.constant 0 : i32
    %dma_start3A_77 = arith.constant 0 : i32
    %dma_start3A_78 = tpu.memref_slice %arg2[%arg0, %dma_start3A_71, %dma_start3A_76, %dma_start3A_77] : memref<2x2x10112x32xi32, #tpu.memory_space<hbm>> -> memref<1x1x10112x32xi32, #tpu.memory_space<hbm>>
    %dma_start3A_79 = tpu.memref_squeeze %dma_start3A_78 : memref<1x1x10112x32xi32, #tpu.memory_space<hbm>> -> memref<10112x32xi32, #tpu.memory_space<hbm>>
    %dma_start3A_80 = arith.constant 0 : i32
    %dma_start3A_81 = arith.constant 0 : i32
    %dma_start3A_82 = tpu.memref_slice %dma_start3A_79[%dma_start3A_80, %dma_start3A_81] : memref<10112x32xi32, #tpu.memory_space<hbm>> -> memref<10112x32xi32, #tpu.memory_space<hbm>>
    tpu.enqueue_indirect_dma source(%dma_start3A_82 : memref<10112x32xi32, #tpu.memory_space<hbm>>) target(%arg9 : memref<128x32xi32, #tpu.memory_space<vmem>>) offsets(%dma_start3A_75 : memref<128xi32, #tpu.memory_space<vmem>>) semaphore(%arg17 : memref<!tpu.dma_semaphore, #tpu.memory_space<semaphore_mem>>)
    %dma_start3A_83 = arith.constant 160 : i32
    %dma_start3A_84 = arith.constant 0 : i32
    %dma_start3A_85 = tpu.memref_slice %arg6[%dma_start3A_83, %dma_start3A_84] : memref<164x128xi32, #tpu.memory_space<vmem>> -> memref<1x128xi32, #tpu.memory_space<vmem>>
    %dma_start3A_86 = tpu.memref_squeeze %dma_start3A_85 : memref<1x128xi32, #tpu.memory_space<vmem>> -> memref<128xi32, #tpu.memory_space<vmem>>
    %dma_start3A_87 = arith.constant 0 : i32
    %dma_start3A_88 = arith.constant 0 : i32
    %dma_start3A_89 = tpu.memref_slice %arg24[%dma_start3A_87, %dma_start3A_88] : memref<10112x64xf32, #tpu.memory_space<vmem_shared>> -> memref<10112x64xf32, #tpu.memory_space<vmem_shared>>
    tpu.enqueue_indirect_dma source(%arg13 : memref<128x64xf32, #tpu.memory_space<vmem>>) target(%dma_start3A_89 : memref<10112x64xf32, #tpu.memory_space<vmem_shared>>) offsets(%dma_start3A_86 : memref<128xi32, #tpu.memory_space<vmem>>) semaphore(%arg21 : memref<!tpu.dma_semaphore, #tpu.memory_space<semaphore_mem>>) {add = true}
    %dma_start3A_90 = arith.constant 0 : i32
    %dma_start3A_91 = arith.constant 2 : i32
    %dma_start3A_92 = arith.constant 0 : i32
    %dma_start3A_93 = tpu.memref_slice %arg6[%dma_start3A_91, %dma_start3A_92] : memref<164x128xi32, #tpu.memory_space<vmem>> -> memref<1x128xi32, #tpu.memory_space<vmem>>
    %dma_start3A_94 = tpu.memref_squeeze %dma_start3A_93 : memref<1x128xi32, #tpu.memory_space<vmem>> -> memref<128xi32, #tpu.memory_space<vmem>>
    %dma_start3A_95 = arith.constant 0 : i32
    %dma_start3A_96 = arith.constant 0 : i32
    %dma_start3A_97 = tpu.memref_slice %arg2[%arg0, %dma_start3A_90, %dma_start3A_95, %dma_start3A_96] : memref<2x2x10112x32xi32, #tpu.memory_space<hbm>> -> memref<1x1x10112x32xi32, #tpu.memory_space<hbm>>
    %dma_start3A_98 = tpu.memref_squeeze %dma_start3A_97 : memref<1x1x10112x32xi32, #tpu.memory_space<hbm>> -> memref<10112x32xi32, #tpu.memory_space<hbm>>
    %dma_start3A_99 = arith.constant 0 : i32
    %dma_start3A_100 = arith.constant 0 : i32
    %dma_start3A_101 = tpu.memref_slice %dma_start3A_98[%dma_start3A_99, %dma_start3A_100] : memref<10112x32xi32, #tpu.memory_space<hbm>> -> memref<10112x32xi32, #tpu.memory_space<hbm>>
    tpu.enqueue_indirect_dma source(%dma_start3A_101 : memref<10112x32xi32, #tpu.memory_space<hbm>>) target(%arg10 : memref<128x32xi32, #tpu.memory_space<vmem>>) offsets(%dma_start3A_94 : memref<128xi32, #tpu.memory_space<vmem>>) semaphore(%arg18 : memref<!tpu.dma_semaphore, #tpu.memory_space<semaphore_mem>>)
    %dma_start3A_102 = arith.constant 160 : i32
    %dma_start3A_103 = arith.constant 0 : i32
    %dma_start3A_104 = tpu.memref_slice %arg6[%dma_start3A_102, %dma_start3A_103] : memref<164x128xi32, #tpu.memory_space<vmem>> -> memref<1x128xi32, #tpu.memory_space<vmem>>
    %dma_start3A_105 = tpu.memref_squeeze %dma_start3A_104 : memref<1x128xi32, #tpu.memory_space<vmem>> -> memref<128xi32, #tpu.memory_space<vmem>>
    %dma_start3A_106 = arith.constant 0 : i32
    %dma_start3A_107 = arith.constant 0 : i32
    %dma_start3A_108 = tpu.memref_slice %arg24[%dma_start3A_106, %dma_start3A_107] : memref<10112x64xf32, #tpu.memory_space<vmem_shared>> -> memref<10112x64xf32, #tpu.memory_space<vmem_shared>>
    tpu.enqueue_indirect_dma source(%arg14 : memref<128x64xf32, #tpu.memory_space<vmem>>) target(%dma_start3A_108 : memref<10112x64xf32, #tpu.memory_space<vmem_shared>>) offsets(%dma_start3A_105 : memref<128xi32, #tpu.memory_space<vmem>>) semaphore(%arg22 : memref<!tpu.dma_semaphore, #tpu.memory_space<semaphore_mem>>) {add = true}
    %dma_start3A_109 = arith.constant 0 : i32
    %dma_start3A_110 = arith.constant 3 : i32
    %dma_start3A_111 = arith.constant 0 : i32
    %dma_start3A_112 = tpu.memref_slice %arg6[%dma_start3A_110, %dma_start3A_111] : memref<164x128xi32, #tpu.memory_space<vmem>> -> memref<1x128xi32, #tpu.memory_space<vmem>>
    %dma_start3A_113 = tpu.memref_squeeze %dma_start3A_112 : memref<1x128xi32, #tpu.memory_space<vmem>> -> memref<128xi32, #tpu.memory_space<vmem>>
    %dma_start3A_114 = arith.constant 0 : i32
    %dma_start3A_115 = arith.constant 0 : i32
    %dma_start3A_116 = tpu.memref_slice %arg2[%arg0, %dma_start3A_109, %dma_start3A_114, %dma_start3A_115] : memref<2x2x10112x32xi32, #tpu.memory_space<hbm>> -> memref<1x1x10112x32xi32, #tpu.memory_space<hbm>>
    %dma_start3A_117 = tpu.memref_squeeze %dma_start3A_116 : memref<1x1x10112x32xi32, #tpu.memory_space<hbm>> -> memref<10112x32xi32, #tpu.memory_space<hbm>>
    %dma_start3A_118 = arith.constant 0 : i32
    %dma_start3A_119 = arith.constant 0 : i32
    %dma_start3A_120 = tpu.memref_slice %dma_start3A_117[%dma_start3A_118, %dma_start3A_119] : memref<10112x32xi32, #tpu.memory_space<hbm>> -> memref<10112x32xi32, #tpu.memory_space<hbm>>
    tpu.enqueue_indirect_dma source(%dma_start3A_120 : memref<10112x32xi32, #tpu.memory_space<hbm>>) target(%arg11 : memref<128x32xi32, #tpu.memory_space<vmem>>) offsets(%dma_start3A_113 : memref<128xi32, #tpu.memory_space<vmem>>) semaphore(%arg19 : memref<!tpu.dma_semaphore, #tpu.memory_space<semaphore_mem>>)
    %dma_start3A_121 = arith.constant 160 : i32
    %dma_start3A_122 = arith.constant 0 : i32
    %dma_start3A_123 = tpu.memref_slice %arg6[%dma_start3A_121, %dma_start3A_122] : memref<164x128xi32, #tpu.memory_space<vmem>> -> memref<1x128xi32, #tpu.memory_space<vmem>>
    %dma_start3A_124 = tpu.memref_squeeze %dma_start3A_123 : memref<1x128xi32, #tpu.memory_space<vmem>> -> memref<128xi32, #tpu.memory_space<vmem>>
    %dma_start3A_125 = arith.constant 0 : i32
    %dma_start3A_126 = arith.constant 0 : i32
    %dma_start3A_127 = tpu.memref_slice %arg24[%dma_start3A_125, %dma_start3A_126] : memref<10112x64xf32, #tpu.memory_space<vmem_shared>> -> memref<10112x64xf32, #tpu.memory_space<vmem_shared>>
    tpu.enqueue_indirect_dma source(%arg15 : memref<128x64xf32, #tpu.memory_space<vmem>>) target(%dma_start3A_127 : memref<10112x64xf32, #tpu.memory_space<vmem_shared>>) offsets(%dma_start3A_124 : memref<128xi32, #tpu.memory_space<vmem>>) semaphore(%arg23 : memref<!tpu.dma_semaphore, #tpu.memory_space<semaphore_mem>>) {add = true}
    %scan3A_128 = arith.constant 0 : i32
    %scan3A_129 = arith.constant 0 : i32
    %scan3A_130 = arith.constant 40 : i32
    %scan3A_131 = arith.addi %scan3A_129, %scan3A_130 : i32
    %scan3A_132 = arith.constant 1 : i32
    scf.for %scan3A_507 = %scan3A_129 to %scan3A_131 step %scan3A_132  : i32 {
      %mul3A_508 = arith.constant 4 : i32
      %mul3A_509 = arith.muli %scan3A_507, %mul3A_508 : i32
      %add3A_510 = arith.constant 0 : i32
      %add3A_511 = arith.addi %add3A_510, %mul3A_509 : i32
      %add3A_512 = arith.constant 0 : i32
      %add3A_513 = arith.addi %add3A_511, %add3A_512 : i32
      %dma_wait3A_514 = arith.constant 0 : i32
      %dma_wait3A_515 = tpu.memref_slice %arg6[%add3A_513, %dma_wait3A_514] : memref<164x128xi32, #tpu.memory_space<vmem>> -> memref<1x128xi32, #tpu.memory_space<vmem>>
      %dma_wait3A_516 = tpu.memref_squeeze %dma_wait3A_515 : memref<1x128xi32, #tpu.memory_space<vmem>> -> memref<128xi32, #tpu.memory_space<vmem>>
      %dma_wait3A_517 = arith.constant 0 : i32
      %dma_wait3A_518 = arith.constant 0 : i32
      %dma_wait3A_519 = tpu.memref_slice %arg2[%arg0, %scan3A_128, %dma_wait3A_517, %dma_wait3A_518] : memref<2x2x10112x32xi32, #tpu.memory_space<hbm>> -> memref<1x1x10112x32xi32, #tpu.memory_space<hbm>>
      %dma_wait3A_520 = tpu.memref_squeeze %dma_wait3A_519 : memref<1x1x10112x32xi32, #tpu.memory_space<hbm>> -> memref<10112x32xi32, #tpu.memory_space<hbm>>
      %dma_wait3A_521 = arith.constant 0 : i32
      %dma_wait3A_522 = arith.constant 0 : i32
      %dma_wait3A_523 = tpu.memref_slice %dma_wait3A_520[%dma_wait3A_521, %dma_wait3A_522] : memref<10112x32xi32, #tpu.memory_space<hbm>> -> memref<10112x32xi32, #tpu.memory_space<hbm>>
      tpu.wait_indirect_dma semaphore(%arg16 : memref<!tpu.dma_semaphore, #tpu.memory_space<semaphore_mem>>) src(%dma_wait3A_523 : memref<10112x32xi32, #tpu.memory_space<hbm>>) dst(%arg8 : memref<128x32xi32, #tpu.memory_space<vmem>>)
      %add3A_524 = arith.constant 0 : i32
      %add3A_525 = arith.addi %add3A_511, %add3A_524 : i32
      %dma_wait3A_526 = arith.constant 0 : i32
      %dma_wait3A_527 = tpu.memref_slice %arg7[%add3A_525, %dma_wait3A_526] : memref<160x128xi32, #tpu.memory_space<vmem>> -> memref<1x128xi32, #tpu.memory_space<vmem>>
      %dma_wait3A_528 = tpu.memref_squeeze %dma_wait3A_527 : memref<1x128xi32, #tpu.memory_space<vmem>> -> memref<128xi32, #tpu.memory_space<vmem>>
      %dma_wait3A_529 = arith.constant 0 : i32
      %dma_wait3A_530 = arith.constant 0 : i32
      %dma_wait3A_531 = tpu.memref_slice %arg24[%dma_wait3A_529, %dma_wait3A_530] : memref<10112x64xf32, #tpu.memory_space<vmem_shared>> -> memref<10112x64xf32, #tpu.memory_space<vmem_shared>>
      tpu.wait_indirect_dma semaphore(%arg20 : memref<!tpu.dma_semaphore, #tpu.memory_space<semaphore_mem>>) src(%arg12 : memref<128x64xf32, #tpu.memory_space<vmem>>) dst(%dma_wait3A_531 : memref<10112x64xf32, #tpu.memory_space<vmem_shared>>)
      %scan3A_532 = arith.constant 0 : i32
      %scan3A_533 = arith.constant 128 : i32
      %scan3A_534 = arith.addi %scan3A_532, %scan3A_533 : i32
      %scan3A_535 = arith.constant 1 : i32
      scf.for %scan3A_700 = %scan3A_532 to %scan3A_534 step %scan3A_535  : i32 {
        %mul3A_701 = arith.constant 1 : i32
        %mul3A_702 = arith.muli %scan3A_700, %mul3A_701 : i32
        %add3A_703 = arith.constant 0 : i32
        %add3A_704 = arith.addi %add3A_703, %mul3A_702 : i32
        %get3A = arith.index_cast %add3A_704 : i32 to index
        %get3A_705 = arith.constant 0 : index
        %get3A_706 = tpu.vector_load %arg8[%get3A, %get3A_705] {strides = array<i32>} : memref<128x32xi32, #tpu.memory_space<vmem>>, vector<16xi32>,
        %shift_left3A = arith.constant 16 : i32
        %shift_left3A_707 = vector.broadcast %shift_left3A : i32 to vector<16xi32>
        %shift_left3A_708 = arith.shli %get3A_706, %shift_left3A_707 : vector<16xi32>
        %bitcast3A = vector.bitcast %shift_left3A_708 : vector<16xi32> to vector<16xf32>
        %and3A = arith.constant -65536 : i32
        %and3A_709 = vector.broadcast %and3A : i32 to vector<16xi32>
        %and3A_710 = arith.andi %get3A_706, %and3A_709 : vector<16xi32>
        %bitcast3A_711 = vector.bitcast %and3A_710 : vector<16xi32> to vector<16xf32>
        %swap3A = arith.index_cast %add3A_704 : i32 to index
        %swap3A_712 = arith.constant 0 : index
        %swap3A_713 = tpu.vector_load %arg12[%swap3A, %swap3A_712] {strides = array<i32>} : memref<128x64xf32, #tpu.memory_space<vmem>>, vector<16xf32>,
        tpu.vector_store %arg12[%swap3A, %swap3A_712], %bitcast3A {strides = array<i32>} : memref<128x64xf32, #tpu.memory_space<vmem>>, vector<16xf32>,
        %swap3A_714 = arith.index_cast %add3A_704 : i32 to index
        %swap3A_715 = arith.constant 32 : index
        %swap3A_716 = tpu.vector_load %arg12[%swap3A_714, %swap3A_715] {strides = array<i32>} : memref<128x64xf32, #tpu.memory_space<vmem>>, vector<16xf32>,
        tpu.vector_store %arg12[%swap3A_714, %swap3A_715], %bitcast3A_711 {strides = array<i32>} : memref<128x64xf32, #tpu.memory_space<vmem>>, vector<16xf32>,
        %get3A_717 = arith.index_cast %add3A_704 : i32 to index
        %get3A_718 = arith.constant 16 : index
        %get3A_719 = tpu.vector_load %arg8[%get3A_717, %get3A_718] {strides = array<i32>} : memref<128x32xi32, #tpu.memory_space<vmem>>, vector<16xi32>,
        %shift_left3A_720 = arith.constant 16 : i32
        %shift_left3A_721 = vector.broadcast %shift_left3A_720 : i32 to vector<16xi32>
        %shift_left3A_722 = arith.shli %get3A_719, %shift_left3A_721 : vector<16xi32>
        %bitcast3A_723 = vector.bitcast %shift_left3A_722 : vector<16xi32> to vector<16xf32>
        %and3A_724 = arith.constant -65536 : i32
        %and3A_725 = vector.broadcast %and3A_724 : i32 to vector<16xi32>
        %and3A_726 = arith.andi %get3A_719, %and3A_725 : vector<16xi32>
        %bitcast3A_727 = vector.bitcast %and3A_726 : vector<16xi32> to vector<16xf32>
        %swap3A_728 = arith.index_cast %add3A_704 : i32 to index
        %swap3A_729 = arith.constant 16 : index
        %swap3A_730 = tpu.vector_load %arg12[%swap3A_728, %swap3A_729] {strides = array<i32>} : memref<128x64xf32, #tpu.memory_space<vmem>>, vector<16xf32>,
        tpu.vector_store %arg12[%swap3A_728, %swap3A_729], %bitcast3A_723 {strides = array<i32>} : memref<128x64xf32, #tpu.memory_space<vmem>>, vector<16xf32>,
        %swap3A_731 = arith.index_cast %add3A_704 : i32 to index
        %swap3A_732 = arith.constant 48 : index
        %swap3A_733 = tpu.vector_load %arg12[%swap3A_731, %swap3A_732] {strides = array<i32>} : memref<128x64xf32, #tpu.memory_space<vmem>>, vector<16xf32>,
        tpu.vector_store %arg12[%swap3A_731, %swap3A_732], %bitcast3A_727 {strides = array<i32>} : memref<128x64xf32, #tpu.memory_space<vmem>>, vector<16xf32>,
      }
      %scan3A_536 = arith.constant 128 : i32
      %add3A_537 = arith.constant 0 : i32
      %add3A_538 = arith.addi %add3A_511, %add3A_537 : i32
      %dma_start3A_539 = arith.constant 0 : i32
      %dma_start3A_540 = tpu.memref_slice %arg7[%add3A_538, %dma_start3A_539] : memref<160x128xi32, #tpu.memory_space<vmem>> -> memref<1x128xi32, #tpu.memory_space<vmem>>
      %dma_start3A_541 = tpu.memref_squeeze %dma_start3A_540 : memref<1x128xi32, #tpu.memory_space<vmem>> -> memref<128xi32, #tpu.memory_space<vmem>>
      %dma_start3A_542 = arith.constant 0 : i32
      %dma_start3A_543 = arith.constant 0 : i32
      %dma_start3A_544 = tpu.memref_slice %arg24[%dma_start3A_542, %dma_start3A_543] : memref<10112x64xf32, #tpu.memory_space<vmem_shared>> -> memref<10112x64xf32, #tpu.memory_space<vmem_shared>>
      tpu.enqueue_indirect_dma source(%arg12 : memref<128x64xf32, #tpu.memory_space<vmem>>) target(%dma_start3A_544 : memref<10112x64xf32, #tpu.memory_space<vmem_shared>>) offsets(%dma_start3A_541 : memref<128xi32, #tpu.memory_space<vmem>>) semaphore(%arg20 : memref<!tpu.dma_semaphore, #tpu.memory_space<semaphore_mem>>) {add = true}
      %add3A_545 = arith.constant 0 : i32
      %add3A_546 = arith.addi %add3A_511, %add3A_545 : i32
      %add3A_547 = arith.constant 4 : i32
      %add3A_548 = arith.addi %add3A_546, %add3A_547 : i32
      %dma_start3A_549 = arith.constant 0 : i32
      %dma_start3A_550 = tpu.memref_slice %arg6[%add3A_548, %dma_start3A_549] : memref<164x128xi32, #tpu.memory_space<vmem>> -> memref<1x128xi32, #tpu.memory_space<vmem>>
      %dma_start3A_551 = tpu.memref_squeeze %dma_start3A_550 : memref<1x128xi32, #tpu.memory_space<vmem>> -> memref<128xi32, #tpu.memory_space<vmem>>
      %dma_start3A_552 = arith.constant 0 : i32
      %dma_start3A_553 = arith.constant 0 : i32
      %dma_start3A_554 = tpu.memref_slice %arg2[%arg0, %scan3A_128, %dma_start3A_552, %dma_start3A_553] : memref<2x2x10112x32xi32, #tpu.memory_space<hbm>> -> memref<1x1x10112x32xi32, #tpu.memory_space<hbm>>
      %dma_start3A_555 = tpu.memref_squeeze %dma_start3A_554 : memref<1x1x10112x32xi32, #tpu.memory_space<hbm>> -> memref<10112x32xi32, #tpu.memory_space<hbm>>
      %dma_start3A_556 = arith.constant 0 : i32
      %dma_start3A_557 = arith.constant 0 : i32
      %dma_start3A_558 = tpu.memref_slice %dma_start3A_555[%dma_start3A_556, %dma_start3A_557] : memref<10112x32xi32, #tpu.memory_space<hbm>> -> memref<10112x32xi32, #tpu.memory_space<hbm>>
      tpu.enqueue_indirect_dma source(%dma_start3A_558 : memref<10112x32xi32, #tpu.memory_space<hbm>>) target(%arg8 : memref<128x32xi32, #tpu.memory_space<vmem>>) offsets(%dma_start3A_551 : memref<128xi32, #tpu.memory_space<vmem>>) semaphore(%arg16 : memref<!tpu.dma_semaphore, #tpu.memory_space<semaphore_mem>>)
      %add3A_559 = arith.constant 1 : i32
      %add3A_560 = arith.addi %add3A_511, %add3A_559 : i32
      %dma_wait3A_561 = arith.constant 0 : i32
      %dma_wait3A_562 = tpu.memref_slice %arg6[%add3A_560, %dma_wait3A_561] : memref<164x128xi32, #tpu.memory_space<vmem>> -> memref<1x128xi32, #tpu.memory_space<vmem>>
      %dma_wait3A_563 = tpu.memref_squeeze %dma_wait3A_562 : memref<1x128xi32, #tpu.memory_space<vmem>> -> memref<128xi32, #tpu.memory_space<vmem>>
      %dma_wait3A_564 = arith.constant 0 : i32
      %dma_wait3A_565 = arith.constant 0 : i32
      %dma_wait3A_566 = tpu.memref_slice %arg2[%arg0, %scan3A_128, %dma_wait3A_564, %dma_wait3A_565] : memref<2x2x10112x32xi32, #tpu.memory_space<hbm>> -> memref<1x1x10112x32xi32, #tpu.memory_space<hbm>>
      %dma_wait3A_567 = tpu.memref_squeeze %dma_wait3A_566 : memref<1x1x10112x32xi32, #tpu.memory_space<hbm>> -> memref<10112x32xi32, #tpu.memory_space<hbm>>
      %dma_wait3A_568 = arith.constant 0 : i32
      %dma_wait3A_569 = arith.constant 0 : i32
      %dma_wait3A_570 = tpu.memref_slice %dma_wait3A_567[%dma_wait3A_568, %dma_wait3A_569] : memref<10112x32xi32, #tpu.memory_space<hbm>> -> memref<10112x32xi32, #tpu.memory_space<hbm>>
      tpu.wait_indirect_dma semaphore(%arg17 : memref<!tpu.dma_semaphore, #tpu.memory_space<semaphore_mem>>) src(%dma_wait3A_570 : memref<10112x32xi32, #tpu.memory_space<hbm>>) dst(%arg9 : memref<128x32xi32, #tpu.memory_space<vmem>>)
      %add3A_571 = arith.constant 1 : i32
      %add3A_572 = arith.addi %add3A_511, %add3A_571 : i32
      %dma_wait3A_573 = arith.constant 0 : i32
      %dma_wait3A_574 = tpu.memref_slice %arg7[%add3A_572, %dma_wait3A_573] : memref<160x128xi32, #tpu.memory_space<vmem>> -> memref<1x128xi32, #tpu.memory_space<vmem>>
      %dma_wait3A_575 = tpu.memref_squeeze %dma_wait3A_574 : memref<1x128xi32, #tpu.memory_space<vmem>> -> memref<128xi32, #tpu.memory_space<vmem>>
      %dma_wait3A_576 = arith.constant 0 : i32
      %dma_wait3A_577 = arith.constant 0 : i32
      %dma_wait3A_578 = tpu.memref_slice %arg24[%dma_wait3A_576, %dma_wait3A_577] : memref<10112x64xf32, #tpu.memory_space<vmem_shared>> -> memref<10112x64xf32, #tpu.memory_space<vmem_shared>>
      tpu.wait_indirect_dma semaphore(%arg21 : memref<!tpu.dma_semaphore, #tpu.memory_space<semaphore_mem>>) src(%arg13 : memref<128x64xf32, #tpu.memory_space<vmem>>) dst(%dma_wait3A_578 : memref<10112x64xf32, #tpu.memory_space<vmem_shared>>)
      %scan3A_579 = arith.constant 0 : i32
      %scan3A_580 = arith.constant 128 : i32
      %scan3A_581 = arith.addi %scan3A_579, %scan3A_580 : i32
      %scan3A_582 = arith.constant 1 : i32
      scf.for %scan3A_700 = %scan3A_579 to %scan3A_581 step %scan3A_582  : i32 {
        %mul3A_701 = arith.constant 1 : i32
        %mul3A_702 = arith.muli %scan3A_700, %mul3A_701 : i32
        %add3A_703 = arith.constant 0 : i32
        %add3A_704 = arith.addi %add3A_703, %mul3A_702 : i32
        %get3A = arith.index_cast %add3A_704 : i32 to index
        %get3A_705 = arith.constant 0 : index
        %get3A_706 = tpu.vector_load %arg9[%get3A, %get3A_705] {strides = array<i32>} : memref<128x32xi32, #tpu.memory_space<vmem>>, vector<16xi32>,
        %shift_left3A = arith.constant 16 : i32
        %shift_left3A_707 = vector.broadcast %shift_left3A : i32 to vector<16xi32>
        %shift_left3A_708 = arith.shli %get3A_706, %shift_left3A_707 : vector<16xi32>
        %bitcast3A = vector.bitcast %shift_left3A_708 : vector<16xi32> to vector<16xf32>
        %and3A = arith.constant -65536 : i32
        %and3A_709 = vector.broadcast %and3A : i32 to vector<16xi32>
        %and3A_710 = arith.andi %get3A_706, %and3A_709 : vector<16xi32>
        %bitcast3A_711 = vector.bitcast %and3A_710 : vector<16xi32> to vector<16xf32>
        %swap3A = arith.index_cast %add3A_704 : i32 to index
        %swap3A_712 = arith.constant 0 : index
        %swap3A_713 = tpu.vector_load %arg13[%swap3A, %swap3A_712] {strides = array<i32>} : memref<128x64xf32, #tpu.memory_space<vmem>>, vector<16xf32>,
        tpu.vector_store %arg13[%swap3A, %swap3A_712], %bitcast3A {strides = array<i32>} : memref<128x64xf32, #tpu.memory_space<vmem>>, vector<16xf32>,
        %swap3A_714 = arith.index_cast %add3A_704 : i32 to index
        %swap3A_715 = arith.constant 32 : index
        %swap3A_716 = tpu.vector_load %arg13[%swap3A_714, %swap3A_715] {strides = array<i32>} : memref<128x64xf32, #tpu.memory_space<vmem>>, vector<16xf32>,
        tpu.vector_store %arg13[%swap3A_714, %swap3A_715], %bitcast3A_711 {strides = array<i32>} : memref<128x64xf32, #tpu.memory_space<vmem>>, vector<16xf32>,
        %get3A_717 = arith.index_cast %add3A_704 : i32 to index
        %get3A_718 = arith.constant 16 : index
        %get3A_719 = tpu.vector_load %arg9[%get3A_717, %get3A_718] {strides = array<i32>} : memref<128x32xi32, #tpu.memory_space<vmem>>, vector<16xi32>,
        %shift_left3A_720 = arith.constant 16 : i32
        %shift_left3A_721 = vector.broadcast %shift_left3A_720 : i32 to vector<16xi32>
        %shift_left3A_722 = arith.shli %get3A_719, %shift_left3A_721 : vector<16xi32>
        %bitcast3A_723 = vector.bitcast %shift_left3A_722 : vector<16xi32> to vector<16xf32>
        %and3A_724 = arith.constant -65536 : i32
        %and3A_725 = vector.broadcast %and3A_724 : i32 to vector<16xi32>
        %and3A_726 = arith.andi %get3A_719, %and3A_725 : vector<16xi32>
        %bitcast3A_727 = vector.bitcast %and3A_726 : vector<16xi32> to vector<16xf32>
        %swap3A_728 = arith.index_cast %add3A_704 : i32 to index
        %swap3A_729 = arith.constant 16 : index
        %swap3A_730 = tpu.vector_load %arg13[%swap3A_728, %swap3A_729] {strides = array<i32>} : memref<128x64xf32, #tpu.memory_space<vmem>>, vector<16xf32>,
        tpu.vector_store %arg13[%swap3A_728, %swap3A_729], %bitcast3A_723 {strides = array<i32>} : memref<128x64xf32, #tpu.memory_space<vmem>>, vector<16xf32>,
        %swap3A_731 = arith.index_cast %add3A_704 : i32 to index
        %swap3A_732 = arith.constant 48 : index
        %swap3A_733 = tpu.vector_load %arg13[%swap3A_731, %swap3A_732] {strides = array<i32>} : memref<128x64xf32, #tpu.memory_space<vmem>>, vector<16xf32>,
        tpu.vector_store %arg13[%swap3A_731, %swap3A_732], %bitcast3A_727 {strides = array<i32>} : memref<128x64xf32, #tpu.memory_space<vmem>>, vector<16xf32>,
      }
      %scan3A_583 = arith.constant 128 : i32
      %add3A_584 = arith.constant 1 : i32
      %add3A_585 = arith.addi %add3A_511, %add3A_584 : i32
      %dma_start3A_586 = arith.constant 0 : i32
      %dma_start3A_587 = tpu.memref_slice %arg7[%add3A_585, %dma_start3A_586] : memref<160x128xi32, #tpu.memory_space<vmem>> -> memref<1x128xi32, #tpu.memory_space<vmem>>
      %dma_start3A_588 = tpu.memref_squeeze %dma_start3A_587 : memref<1x128xi32, #tpu.memory_space<vmem>> -> memref<128xi32, #tpu.memory_space<vmem>>
      %dma_start3A_589 = arith.constant 0 : i32
      %dma_start3A_590 = arith.constant 0 : i32
      %dma_start3A_591 = tpu.memref_slice %arg24[%dma_start3A_589, %dma_start3A_590] : memref<10112x64xf32, #tpu.memory_space<vmem_shared>> -> memref<10112x64xf32, #tpu.memory_space<vmem_shared>>
      tpu.enqueue_indirect_dma source(%arg13 : memref<128x64xf32, #tpu.memory_space<vmem>>) target(%dma_start3A_591 : memref<10112x64xf32, #tpu.memory_space<vmem_shared>>) offsets(%dma_start3A_588 : memref<128xi32, #tpu.memory_space<vmem>>) semaphore(%arg21 : memref<!tpu.dma_semaphore, #tpu.memory_space<semaphore_mem>>) {add = true}
      %add3A_592 = arith.constant 1 : i32
      %add3A_593 = arith.addi %add3A_511, %add3A_592 : i32
      %add3A_594 = arith.constant 4 : i32
      %add3A_595 = arith.addi %add3A_593, %add3A_594 : i32
      %dma_start3A_596 = arith.constant 0 : i32
      %dma_start3A_597 = tpu.memref_slice %arg6[%add3A_595, %dma_start3A_596] : memref<164x128xi32, #tpu.memory_space<vmem>> -> memref<1x128xi32, #tpu.memory_space<vmem>>
      %dma_start3A_598 = tpu.memref_squeeze %dma_start3A_597 : memref<1x128xi32, #tpu.memory_space<vmem>> -> memref<128xi32, #tpu.memory_space<vmem>>
      %dma_start3A_599 = arith.constant 0 : i32
      %dma_start3A_600 = arith.constant 0 : i32
      %dma_start3A_601 = tpu.memref_slice %arg2[%arg0, %scan3A_128, %dma_start3A_599, %dma_start3A_600] : memref<2x2x10112x32xi32, #tpu.memory_space<hbm>> -> memref<1x1x10112x32xi32, #tpu.memory_space<hbm>>
      %dma_start3A_602 = tpu.memref_squeeze %dma_start3A_601 : memref<1x1x10112x32xi32, #tpu.memory_space<hbm>> -> memref<10112x32xi32, #tpu.memory_space<hbm>>
      %dma_start3A_603 = arith.constant 0 : i32
      %dma_start3A_604 = arith.constant 0 : i32
      %dma_start3A_605 = tpu.memref_slice %dma_start3A_602[%dma_start3A_603, %dma_start3A_604] : memref<10112x32xi32, #tpu.memory_space<hbm>> -> memref<10112x32xi32, #tpu.memory_space<hbm>>
      tpu.enqueue_indirect_dma source(%dma_start3A_605 : memref<10112x32xi32, #tpu.memory_space<hbm>>) target(%arg9 : memref<128x32xi32, #tpu.memory_space<vmem>>) offsets(%dma_start3A_598 : memref<128xi32, #tpu.memory_space<vmem>>) semaphore(%arg17 : memref<!tpu.dma_semaphore, #tpu.memory_space<semaphore_mem>>)
      %add3A_606 = arith.constant 2 : i32
      %add3A_607 = arith.addi %add3A_511, %add3A_606 : i32
      %dma_wait3A_608 = arith.constant 0 : i32
      %dma_wait3A_609 = tpu.memref_slice %arg6[%add3A_607, %dma_wait3A_608] : memref<164x128xi32, #tpu.memory_space<vmem>> -> memref<1x128xi32, #tpu.memory_space<vmem>>
      %dma_wait3A_610 = tpu.memref_squeeze %dma_wait3A_609 : memref<1x128xi32, #tpu.memory_space<vmem>> -> memref<128xi32, #tpu.memory_space<vmem>>
      %dma_wait3A_611 = arith.constant 0 : i32
      %dma_wait3A_612 = arith.constant 0 : i32
      %dma_wait3A_613 = tpu.memref_slice %arg2[%arg0, %scan3A_128, %dma_wait3A_611, %dma_wait3A_612] : memref<2x2x10112x32xi32, #tpu.memory_space<hbm>> -> memref<1x1x10112x32xi32, #tpu.memory_space<hbm>>
      %dma_wait3A_614 = tpu.memref_squeeze %dma_wait3A_613 : memref<1x1x10112x32xi32, #tpu.memory_space<hbm>> -> memref<10112x32xi32, #tpu.memory_space<hbm>>
      %dma_wait3A_615 = arith.constant 0 : i32
      %dma_wait3A_616 = arith.constant 0 : i32
      %dma_wait3A_617 = tpu.memref_slice %dma_wait3A_614[%dma_wait3A_615, %dma_wait3A_616] : memref<10112x32xi32, #tpu.memory_space<hbm>> -> memref<10112x32xi32, #tpu.memory_space<hbm>>
      tpu.wait_indirect_dma semaphore(%arg18 : memref<!tpu.dma_semaphore, #tpu.memory_space<semaphore_mem>>) src(%dma_wait3A_617 : memref<10112x32xi32, #tpu.memory_space<hbm>>) dst(%arg10 : memref<128x32xi32, #tpu.memory_space<vmem>>)
      %add3A_618 = arith.constant 2 : i32
      %add3A_619 = arith.addi %add3A_511, %add3A_618 : i32
      %dma_wait3A_620 = arith.constant 0 : i32
      %dma_wait3A_621 = tpu.memref_slice %arg7[%add3A_619, %dma_wait3A_620] : memref<160x128xi32, #tpu.memory_space<vmem>> -> memref<1x128xi32, #tpu.memory_space<vmem>>
      %dma_wait3A_622 = tpu.memref_squeeze %dma_wait3A_621 : memref<1x128xi32, #tpu.memory_space<vmem>> -> memref<128xi32, #tpu.memory_space<vmem>>
      %dma_wait3A_623 = arith.constant 0 : i32
      %dma_wait3A_624 = arith.constant 0 : i32
      %dma_wait3A_625 = tpu.memref_slice %arg24[%dma_wait3A_623, %dma_wait3A_624] : memref<10112x64xf32, #tpu.memory_space<vmem_shared>> -> memref<10112x64xf32, #tpu.memory_space<vmem_shared>>
      tpu.wait_indirect_dma semaphore(%arg22 : memref<!tpu.dma_semaphore, #tpu.memory_space<semaphore_mem>>) src(%arg14 : memref<128x64xf32, #tpu.memory_space<vmem>>) dst(%dma_wait3A_625 : memref<10112x64xf32, #tpu.memory_space<vmem_shared>>)
      %scan3A_626 = arith.constant 0 : i32
      %scan3A_627 = arith.constant 128 : i32
      %scan3A_628 = arith.addi %scan3A_626, %scan3A_627 : i32
      %scan3A_629 = arith.constant 1 : i32
      scf.for %scan3A_700 = %scan3A_626 to %scan3A_628 step %scan3A_629  : i32 {
        %mul3A_701 = arith.constant 1 : i32
        %mul3A_702 = arith.muli %scan3A_700, %mul3A_701 : i32
        %add3A_703 = arith.constant 0 : i32
        %add3A_704 = arith.addi %add3A_703, %mul3A_702 : i32
        %get3A = arith.index_cast %add3A_704 : i32 to index
        %get3A_705 = arith.constant 0 : index
        %get3A_706 = tpu.vector_load %arg10[%get3A, %get3A_705] {strides = array<i32>} : memref<128x32xi32, #tpu.memory_space<vmem>>, vector<16xi32>,
        %shift_left3A = arith.constant 16 : i32
        %shift_left3A_707 = vector.broadcast %shift_left3A : i32 to vector<16xi32>
        %shift_left3A_708 = arith.shli %get3A_706, %shift_left3A_707 : vector<16xi32>
        %bitcast3A = vector.bitcast %shift_left3A_708 : vector<16xi32> to vector<16xf32>
        %and3A = arith.constant -65536 : i32
        %and3A_709 = vector.broadcast %and3A : i32 to vector<16xi32>
        %and3A_710 = arith.andi %get3A_706, %and3A_709 : vector<16xi32>
        %bitcast3A_711 = vector.bitcast %and3A_710 : vector<16xi32> to vector<16xf32>
        %swap3A = arith.index_cast %add3A_704 : i32 to index
        %swap3A_712 = arith.constant 0 : index
        %swap3A_713 = tpu.vector_load %arg14[%swap3A, %swap3A_712] {strides = array<i32>} : memref<128x64xf32, #tpu.memory_space<vmem>>, vector<16xf32>,
        tpu.vector_store %arg14[%swap3A, %swap3A_712], %bitcast3A {strides = array<i32>} : memref<128x64xf32, #tpu.memory_space<vmem>>, vector<16xf32>,
        %swap3A_714 = arith.index_cast %add3A_704 : i32 to index
        %swap3A_715 = arith.constant 32 : index
        %swap3A_716 = tpu.vector_load %arg14[%swap3A_714, %swap3A_715] {strides = array<i32>} : memref<128x64xf32, #tpu.memory_space<vmem>>, vector<16xf32>,
        tpu.vector_store %arg14[%swap3A_714, %swap3A_715], %bitcast3A_711 {strides = array<i32>} : memref<128x64xf32, #tpu.memory_space<vmem>>, vector<16xf32>,
        %get3A_717 = arith.index_cast %add3A_704 : i32 to index
        %get3A_718 = arith.constant 16 : index
        %get3A_719 = tpu.vector_load %arg10[%get3A_717, %get3A_718] {strides = array<i32>} : memref<128x32xi32, #tpu.memory_space<vmem>>, vector<16xi32>,
        %shift_left3A_720 = arith.constant 16 : i32
        %shift_left3A_721 = vector.broadcast %shift_left3A_720 : i32 to vector<16xi32>
        %shift_left3A_722 = arith.shli %get3A_719, %shift_left3A_721 : vector<16xi32>
        %bitcast3A_723 = vector.bitcast %shift_left3A_722 : vector<16xi32> to vector<16xf32>
        %and3A_724 = arith.constant -65536 : i32
        %and3A_725 = vector.broadcast %and3A_724 : i32 to vector<16xi32>
        %and3A_726 = arith.andi %get3A_719, %and3A_725 : vector<16xi32>
        %bitcast3A_727 = vector.bitcast %and3A_726 : vector<16xi32> to vector<16xf32>
        %swap3A_728 = arith.index_cast %add3A_704 : i32 to index
        %swap3A_729 = arith.constant 16 : index
        %swap3A_730 = tpu.vector_load %arg14[%swap3A_728, %swap3A_729] {strides = array<i32>} : memref<128x64xf32, #tpu.memory_space<vmem>>, vector<16xf32>,
        tpu.vector_store %arg14[%swap3A_728, %swap3A_729], %bitcast3A_723 {strides = array<i32>} : memref<128x64xf32, #tpu.memory_space<vmem>>, vector<16xf32>,
        %swap3A_731 = arith.index_cast %add3A_704 : i32 to index
        %swap3A_732 = arith.constant 48 : index
        %swap3A_733 = tpu.vector_load %arg14[%swap3A_731, %swap3A_732] {strides = array<i32>} : memref<128x64xf32, #tpu.memory_space<vmem>>, vector<16xf32>,
        tpu.vector_store %arg14[%swap3A_731, %swap3A_732], %bitcast3A_727 {strides = array<i32>} : memref<128x64xf32, #tpu.memory_space<vmem>>, vector<16xf32>,
      }
      %scan3A_630 = arith.constant 128 : i32
      %add3A_631 = arith.constant 2 : i32
      %add3A_632 = arith.addi %add3A_511, %add3A_631 : i32
      %dma_start3A_633 = arith.constant 0 : i32
      %dma_start3A_634 = tpu.memref_slice %arg7[%add3A_632, %dma_start3A_633] : memref<160x128xi32, #tpu.memory_space<vmem>> -> memref<1x128xi32, #tpu.memory_space<vmem>>
      %dma_start3A_635 = tpu.memref_squeeze %dma_start3A_634 : memref<1x128xi32, #tpu.memory_space<vmem>> -> memref<128xi32, #tpu.memory_space<vmem>>
      %dma_start3A_636 = arith.constant 0 : i32
      %dma_start3A_637 = arith.constant 0 : i32
      %dma_start3A_638 = tpu.memref_slice %arg24[%dma_start3A_636, %dma_start3A_637] : memref<10112x64xf32, #tpu.memory_space<vmem_shared>> -> memref<10112x64xf32, #tpu.memory_space<vmem_shared>>
      tpu.enqueue_indirect_dma source(%arg14 : memref<128x64xf32, #tpu.memory_space<vmem>>) target(%dma_start3A_638 : memref<10112x64xf32, #tpu.memory_space<vmem_shared>>) offsets(%dma_start3A_635 : memref<128xi32, #tpu.memory_space<vmem>>) semaphore(%arg22 : memref<!tpu.dma_semaphore, #tpu.memory_space<semaphore_mem>>) {add = true}
      %add3A_639 = arith.constant 2 : i32
      %add3A_640 = arith.addi %add3A_511, %add3A_639 : i32
      %add3A_641 = arith.constant 4 : i32
      %add3A_642 = arith.addi %add3A_640, %add3A_641 : i32
      %dma_start3A_643 = arith.constant 0 : i32
      %dma_start3A_644 = tpu.memref_slice %arg6[%add3A_642, %dma_start3A_643] : memref<164x128xi32, #tpu.memory_space<vmem>> -> memref<1x128xi32, #tpu.memory_space<vmem>>
      %dma_start3A_645 = tpu.memref_squeeze %dma_start3A_644 : memref<1x128xi32, #tpu.memory_space<vmem>> -> memref<128xi32, #tpu.memory_space<vmem>>
      %dma_start3A_646 = arith.constant 0 : i32
      %dma_start3A_647 = arith.constant 0 : i32
      %dma_start3A_648 = tpu.memref_slice %arg2[%arg0, %scan3A_128, %dma_start3A_646, %dma_start3A_647] : memref<2x2x10112x32xi32, #tpu.memory_space<hbm>> -> memref<1x1x10112x32xi32, #tpu.memory_space<hbm>>
      %dma_start3A_649 = tpu.memref_squeeze %dma_start3A_648 : memref<1x1x10112x32xi32, #tpu.memory_space<hbm>> -> memref<10112x32xi32, #tpu.memory_space<hbm>>
      %dma_start3A_650 = arith.constant 0 : i32
      %dma_start3A_651 = arith.constant 0 : i32
      %dma_start3A_652 = tpu.memref_slice %dma_start3A_649[%dma_start3A_650, %dma_start3A_651] : memref<10112x32xi32, #tpu.memory_space<hbm>> -> memref<10112x32xi32, #tpu.memory_space<hbm>>
      tpu.enqueue_indirect_dma source(%dma_start3A_652 : memref<10112x32xi32, #tpu.memory_space<hbm>>) target(%arg10 : memref<128x32xi32, #tpu.memory_space<vmem>>) offsets(%dma_start3A_645 : memref<128xi32, #tpu.memory_space<vmem>>) semaphore(%arg18 : memref<!tpu.dma_semaphore, #tpu.memory_space<semaphore_mem>>)
      %add3A_653 = arith.constant 3 : i32
      %add3A_654 = arith.addi %add3A_511, %add3A_653 : i32
      %dma_wait3A_655 = arith.constant 0 : i32
      %dma_wait3A_656 = tpu.memref_slice %arg6[%add3A_654, %dma_wait3A_655] : memref<164x128xi32, #tpu.memory_space<vmem>> -> memref<1x128xi32, #tpu.memory_space<vmem>>
      %dma_wait3A_657 = tpu.memref_squeeze %dma_wait3A_656 : memref<1x128xi32, #tpu.memory_space<vmem>> -> memref<128xi32, #tpu.memory_space<vmem>>
      %dma_wait3A_658 = arith.constant 0 : i32
      %dma_wait3A_659 = arith.constant 0 : i32
      %dma_wait3A_660 = tpu.memref_slice %arg2[%arg0, %scan3A_128, %dma_wait3A_658, %dma_wait3A_659] : memref<2x2x10112x32xi32, #tpu.memory_space<hbm>> -> memref<1x1x10112x32xi32, #tpu.memory_space<hbm>>
      %dma_wait3A_661 = tpu.memref_squeeze %dma_wait3A_660 : memref<1x1x10112x32xi32, #tpu.memory_space<hbm>> -> memref<10112x32xi32, #tpu.memory_space<hbm>>
      %dma_wait3A_662 = arith.constant 0 : i32
      %dma_wait3A_663 = arith.constant 0 : i32
      %dma_wait3A_664 = tpu.memref_slice %dma_wait3A_661[%dma_wait3A_662, %dma_wait3A_663] : memref<10112x32xi32, #tpu.memory_space<hbm>> -> memref<10112x32xi32, #tpu.memory_space<hbm>>
      tpu.wait_indirect_dma semaphore(%arg19 : memref<!tpu.dma_semaphore, #tpu.memory_space<semaphore_mem>>) src(%dma_wait3A_664 : memref<10112x32xi32, #tpu.memory_space<hbm>>) dst(%arg11 : memref<128x32xi32, #tpu.memory_space<vmem>>)
      %add3A_665 = arith.constant 3 : i32
      %add3A_666 = arith.addi %add3A_511, %add3A_665 : i32
      %dma_wait3A_667 = arith.constant 0 : i32
      %dma_wait3A_668 = tpu.memref_slice %arg7[%add3A_666, %dma_wait3A_667] : memref<160x128xi32, #tpu.memory_space<vmem>> -> memref<1x128xi32, #tpu.memory_space<vmem>>
      %dma_wait3A_669 = tpu.memref_squeeze %dma_wait3A_668 : memref<1x128xi32, #tpu.memory_space<vmem>> -> memref<128xi32, #tpu.memory_space<vmem>>
      %dma_wait3A_670 = arith.constant 0 : i32
      %dma_wait3A_671 = arith.constant 0 : i32
      %dma_wait3A_672 = tpu.memref_slice %arg24[%dma_wait3A_670, %dma_wait3A_671] : memref<10112x64xf32, #tpu.memory_space<vmem_shared>> -> memref<10112x64xf32, #tpu.memory_space<vmem_shared>>
      tpu.wait_indirect_dma semaphore(%arg23 : memref<!tpu.dma_semaphore, #tpu.memory_space<semaphore_mem>>) src(%arg15 : memref<128x64xf32, #tpu.memory_space<vmem>>) dst(%dma_wait3A_672 : memref<10112x64xf32, #tpu.memory_space<vmem_shared>>)
      %scan3A_673 = arith.constant 0 : i32
      %scan3A_674 = arith.constant 128 : i32
      %scan3A_675 = arith.addi %scan3A_673, %scan3A_674 : i32
      %scan3A_676 = arith.constant 1 : i32
      scf.for %scan3A_700 = %scan3A_673 to %scan3A_675 step %scan3A_676  : i32 {
        %mul3A_701 = arith.constant 1 : i32
        %mul3A_702 = arith.muli %scan3A_700, %mul3A_701 : i32
        %add3A_703 = arith.constant 0 : i32
        %add3A_704 = arith.addi %add3A_703, %mul3A_702 : i32
        %get3A = arith.index_cast %add3A_704 : i32 to index
        %get3A_705 = arith.constant 0 : index
        %get3A_706 = tpu.vector_load %arg11[%get3A, %get3A_705] {strides = array<i32>} : memref<128x32xi32, #tpu.memory_space<vmem>>, vector<16xi32>,
        %shift_left3A = arith.constant 16 : i32
        %shift_left3A_707 = vector.broadcast %shift_left3A : i32 to vector<16xi32>
        %shift_left3A_708 = arith.shli %get3A_706, %shift_left3A_707 : vector<16xi32>
        %bitcast3A = vector.bitcast %shift_left3A_708 : vector<16xi32> to vector<16xf32>
        %and3A = arith.constant -65536 : i32
        %and3A_709 = vector.broadcast %and3A : i32 to vector<16xi32>
        %and3A_710 = arith.andi %get3A_706, %and3A_709 : vector<16xi32>
        %bitcast3A_711 = vector.bitcast %and3A_710 : vector<16xi32> to vector<16xf32>
        %swap3A = arith.index_cast %add3A_704 : i32 to index
        %swap3A_712 = arith.constant 0 : index
        %swap3A_713 = tpu.vector_load %arg15[%swap3A, %swap3A_712] {strides = array<i32>} : memref<128x64xf32, #tpu.memory_space<vmem>>, vector<16xf32>,
        tpu.vector_store %arg15[%swap3A, %swap3A_712], %bitcast3A {strides = array<i32>} : memref<128x64xf32, #tpu.memory_space<vmem>>, vector<16xf32>,
        %swap3A_714 = arith.index_cast %add3A_704 : i32 to index
        %swap3A_715 = arith.constant 32 : index
        %swap3A_716 = tpu.vector_load %arg15[%swap3A_714, %swap3A_715] {strides = array<i32>} : memref<128x64xf32, #tpu.memory_space<vmem>>, vector<16xf32>,
        tpu.vector_store %arg15[%swap3A_714, %swap3A_715], %bitcast3A_711 {strides = array<i32>} : memref<128x64xf32, #tpu.memory_space<vmem>>, vector<16xf32>,
        %get3A_717 = arith.index_cast %add3A_704 : i32 to index
        %get3A_718 = arith.constant 16 : index
        %get3A_719 = tpu.vector_load %arg11[%get3A_717, %get3A_718] {strides = array<i32>} : memref<128x32xi32, #tpu.memory_space<vmem>>, vector<16xi32>,
        %shift_left3A_720 = arith.constant 16 : i32
        %shift_left3A_721 = vector.broadcast %shift_left3A_720 : i32 to vector<16xi32>
        %shift_left3A_722 = arith.shli %get3A_719, %shift_left3A_721 : vector<16xi32>
        %bitcast3A_723 = vector.bitcast %shift_left3A_722 : vector<16xi32> to vector<16xf32>
        %and3A_724 = arith.constant -65536 : i32
        %and3A_725 = vector.broadcast %and3A_724 : i32 to vector<16xi32>
        %and3A_726 = arith.andi %get3A_719, %and3A_725 : vector<16xi32>
        %bitcast3A_727 = vector.bitcast %and3A_726 : vector<16xi32> to vector<16xf32>
        %swap3A_728 = arith.index_cast %add3A_704 : i32 to index
        %swap3A_729 = arith.constant 16 : index
        %swap3A_730 = tpu.vector_load %arg15[%swap3A_728, %swap3A_729] {strides = array<i32>} : memref<128x64xf32, #tpu.memory_space<vmem>>, vector<16xf32>,
        tpu.vector_store %arg15[%swap3A_728, %swap3A_729], %bitcast3A_723 {strides = array<i32>} : memref<128x64xf32, #tpu.memory_space<vmem>>, vector<16xf32>,
        %swap3A_731 = arith.index_cast %add3A_704 : i32 to index
        %swap3A_732 = arith.constant 48 : index
        %swap3A_733 = tpu.vector_load %arg15[%swap3A_731, %swap3A_732] {strides = array<i32>} : memref<128x64xf32, #tpu.memory_space<vmem>>, vector<16xf32>,
        tpu.vector_store %arg15[%swap3A_731, %swap3A_732], %bitcast3A_727 {strides = array<i32>} : memref<128x64xf32, #tpu.memory_space<vmem>>, vector<16xf32>,
      }
      %scan3A_677 = arith.constant 128 : i32
      %add3A_678 = arith.constant 3 : i32
      %add3A_679 = arith.addi %add3A_511, %add3A_678 : i32
      %dma_start3A_680 = arith.constant 0 : i32
      %dma_start3A_681 = tpu.memref_slice %arg7[%add3A_679, %dma_start3A_680] : memref<160x128xi32, #tpu.memory_space<vmem>> -> memref<1x128xi32, #tpu.memory_space<vmem>>
      %dma_start3A_682 = tpu.memref_squeeze %dma_start3A_681 : memref<1x128xi32, #tpu.memory_space<vmem>> -> memref<128xi32, #tpu.memory_space<vmem>>
      %dma_start3A_683 = arith.constant 0 : i32
      %dma_start3A_684 = arith.constant 0 : i32
      %dma_start3A_685 = tpu.memref_slice %arg24[%dma_start3A_683, %dma_start3A_684] : memref<10112x64xf32, #tpu.memory_space<vmem_shared>> -> memref<10112x64xf32, #tpu.memory_space<vmem_shared>>
      tpu.enqueue_indirect_dma source(%arg15 : memref<128x64xf32, #tpu.memory_space<vmem>>) target(%dma_start3A_685 : memref<10112x64xf32, #tpu.memory_space<vmem_shared>>) offsets(%dma_start3A_682 : memref<128xi32, #tpu.memory_space<vmem>>) semaphore(%arg23 : memref<!tpu.dma_semaphore, #tpu.memory_space<semaphore_mem>>) {add = true}
      %add3A_686 = arith.constant 3 : i32
      %add3A_687 = arith.addi %add3A_511, %add3A_686 : i32
      %add3A_688 = arith.constant 4 : i32
      %add3A_689 = arith.addi %add3A_687, %add3A_688 : i32
      %dma_start3A_690 = arith.constant 0 : i32
      %dma_start3A_691 = tpu.memref_slice %arg6[%add3A_689, %dma_start3A_690] : memref<164x128xi32, #tpu.memory_space<vmem>> -> memref<1x128xi32, #tpu.memory_space<vmem>>
      %dma_start3A_692 = tpu.memref_squeeze %dma_start3A_691 : memref<1x128xi32, #tpu.memory_space<vmem>> -> memref<128xi32, #tpu.memory_space<vmem>>
      %dma_start3A_693 = arith.constant 0 : i32
      %dma_start3A_694 = arith.constant 0 : i32
      %dma_start3A_695 = tpu.memref_slice %arg2[%arg0, %scan3A_128, %dma_start3A_693, %dma_start3A_694] : memref<2x2x10112x32xi32, #tpu.memory_space<hbm>> -> memref<1x1x10112x32xi32, #tpu.memory_space<hbm>>
      %dma_start3A_696 = tpu.memref_squeeze %dma_start3A_695 : memref<1x1x10112x32xi32, #tpu.memory_space<hbm>> -> memref<10112x32xi32, #tpu.memory_space<hbm>>
      %dma_start3A_697 = arith.constant 0 : i32
      %dma_start3A_698 = arith.constant 0 : i32
      %dma_start3A_699 = tpu.memref_slice %dma_start3A_696[%dma_start3A_697, %dma_start3A_698] : memref<10112x32xi32, #tpu.memory_space<hbm>> -> memref<10112x32xi32, #tpu.memory_space<hbm>>
      tpu.enqueue_indirect_dma source(%dma_start3A_699 : memref<10112x32xi32, #tpu.memory_space<hbm>>) target(%arg11 : memref<128x32xi32, #tpu.memory_space<vmem>>) offsets(%dma_start3A_692 : memref<128xi32, #tpu.memory_space<vmem>>) semaphore(%arg19 : memref<!tpu.dma_semaphore, #tpu.memory_space<semaphore_mem>>)
    }
    %scan3A_133 = arith.constant 40 : i32
    %dma_wait3A = arith.constant 0 : i32
    %dma_wait3A_134 = arith.constant 0 : i32
    %dma_wait3A_135 = tpu.memref_slice %arg7[%dma_wait3A, %dma_wait3A_134] : memref<160x128xi32, #tpu.memory_space<vmem>> -> memref<1x128xi32, #tpu.memory_space<vmem>>
    %dma_wait3A_136 = tpu.memref_squeeze %dma_wait3A_135 : memref<1x128xi32, #tpu.memory_space<vmem>> -> memref<128xi32, #tpu.memory_space<vmem>>
    %dma_wait3A_137 = arith.constant 0 : i32
    %dma_wait3A_138 = arith.constant 0 : i32
    %dma_wait3A_139 = tpu.memref_slice %arg24[%dma_wait3A_137, %dma_wait3A_138] : memref<10112x64xf32, #tpu.memory_space<vmem_shared>> -> memref<10112x64xf32, #tpu.memory_space<vmem_shared>>
    tpu.wait_indirect_dma semaphore(%arg20 : memref<!tpu.dma_semaphore, #tpu.memory_space<semaphore_mem>>) src(%arg12 : memref<128x64xf32, #tpu.memory_space<vmem>>) dst(%dma_wait3A_139 : memref<10112x64xf32, #tpu.memory_space<vmem_shared>>)
    %dma_wait3A_140 = arith.constant 0 : i32
    %dma_wait3A_141 = arith.constant 160 : i32
    %dma_wait3A_142 = arith.constant 0 : i32
    %dma_wait3A_143 = tpu.memref_slice %arg6[%dma_wait3A_141, %dma_wait3A_142] : memref<164x128xi32, #tpu.memory_space<vmem>> -> memref<1x128xi32, #tpu.memory_space<vmem>>
    %dma_wait3A_144 = tpu.memref_squeeze %dma_wait3A_143 : memref<1x128xi32, #tpu.memory_space<vmem>> -> memref<128xi32, #tpu.memory_space<vmem>>
    %dma_wait3A_145 = arith.constant 0 : i32
    %dma_wait3A_146 = arith.constant 0 : i32
    %dma_wait3A_147 = tpu.memref_slice %arg2[%arg0, %dma_wait3A_140, %dma_wait3A_145, %dma_wait3A_146] : memref<2x2x10112x32xi32, #tpu.memory_space<hbm>> -> memref<1x1x10112x32xi32, #tpu.memory_space<hbm>>
    %dma_wait3A_148 = tpu.memref_squeeze %dma_wait3A_147 : memref<1x1x10112x32xi32, #tpu.memory_space<hbm>> -> memref<10112x32xi32, #tpu.memory_space<hbm>>
    %dma_wait3A_149 = arith.constant 0 : i32
    %dma_wait3A_150 = arith.constant 0 : i32
    %dma_wait3A_151 = tpu.memref_slice %dma_wait3A_148[%dma_wait3A_149, %dma_wait3A_150] : memref<10112x32xi32, #tpu.memory_space<hbm>> -> memref<10112x32xi32, #tpu.memory_space<hbm>>
    tpu.wait_indirect_dma semaphore(%arg16 : memref<!tpu.dma_semaphore, #tpu.memory_space<semaphore_mem>>) src(%dma_wait3A_151 : memref<10112x32xi32, #tpu.memory_space<hbm>>) dst(%arg8 : memref<128x32xi32, #tpu.memory_space<vmem>>)
    %dma_wait3A_152 = arith.constant 0 : i32
    %dma_wait3A_153 = arith.constant 0 : i32
    %dma_wait3A_154 = tpu.memref_slice %arg7[%dma_wait3A_152, %dma_wait3A_153] : memref<160x128xi32, #tpu.memory_space<vmem>> -> memref<1x128xi32, #tpu.memory_space<vmem>>
    %dma_wait3A_155 = tpu.memref_squeeze %dma_wait3A_154 : memref<1x128xi32, #tpu.memory_space<vmem>> -> memref<128xi32, #tpu.memory_space<vmem>>
    %dma_wait3A_156 = arith.constant 0 : i32
    %dma_wait3A_157 = arith.constant 0 : i32
    %dma_wait3A_158 = tpu.memref_slice %arg24[%dma_wait3A_156, %dma_wait3A_157] : memref<10112x64xf32, #tpu.memory_space<vmem_shared>> -> memref<10112x64xf32, #tpu.memory_space<vmem_shared>>
    tpu.wait_indirect_dma semaphore(%arg21 : memref<!tpu.dma_semaphore, #tpu.memory_space<semaphore_mem>>) src(%arg13 : memref<128x64xf32, #tpu.memory_space<vmem>>) dst(%dma_wait3A_158 : memref<10112x64xf32, #tpu.memory_space<vmem_shared>>)
    %dma_wait3A_159 = arith.constant 0 : i32
    %dma_wait3A_160 = arith.constant 161 : i32
    %dma_wait3A_161 = arith.constant 0 : i32
    %dma_wait3A_162 = tpu.memref_slice %arg6[%dma_wait3A_160, %dma_wait3A_161] : memref<164x128xi32, #tpu.memory_space<vmem>> -> memref<1x128xi32, #tpu.memory_space<vmem>>
    %dma_wait3A_163 = tpu.memref_squeeze %dma_wait3A_162 : memref<1x128xi32, #tpu.memory_space<vmem>> -> memref<128xi32, #tpu.memory_space<vmem>>
    %dma_wait3A_164 = arith.constant 0 : i32
    %dma_wait3A_165 = arith.constant 0 : i32
    %dma_wait3A_166 = tpu.memref_slice %arg2[%arg0, %dma_wait3A_159, %dma_wait3A_164, %dma_wait3A_165] : memref<2x2x10112x32xi32, #tpu.memory_space<hbm>> -> memref<1x1x10112x32xi32, #tpu.memory_space<hbm>>
    %dma_wait3A_167 = tpu.memref_squeeze %dma_wait3A_166 : memref<1x1x10112x32xi32, #tpu.memory_space<hbm>> -> memref<10112x32xi32, #tpu.memory_space<hbm>>
    %dma_wait3A_168 = arith.constant 0 : i32
    %dma_wait3A_169 = arith.constant 0 : i32
    %dma_wait3A_170 = tpu.memref_slice %dma_wait3A_167[%dma_wait3A_168, %dma_wait3A_169] : memref<10112x32xi32, #tpu.memory_space<hbm>> -> memref<10112x32xi32, #tpu.memory_space<hbm>>
    tpu.wait_indirect_dma semaphore(%arg17 : memref<!tpu.dma_semaphore, #tpu.memory_space<semaphore_mem>>) src(%dma_wait3A_170 : memref<10112x32xi32, #tpu.memory_space<hbm>>) dst(%arg9 : memref<128x32xi32, #tpu.memory_space<vmem>>)
    %dma_wait3A_171 = arith.constant 0 : i32
    %dma_wait3A_172 = arith.constant 0 : i32
    %dma_wait3A_173 = tpu.memref_slice %arg7[%dma_wait3A_171, %dma_wait3A_172] : memref<160x128xi32, #tpu.memory_space<vmem>> -> memref<1x128xi32, #tpu.memory_space<vmem>>
    %dma_wait3A_174 = tpu.memref_squeeze %dma_wait3A_173 : memref<1x128xi32, #tpu.memory_space<vmem>> -> memref<128xi32, #tpu.memory_space<vmem>>
    %dma_wait3A_175 = arith.constant 0 : i32
    %dma_wait3A_176 = arith.constant 0 : i32
    %dma_wait3A_177 = tpu.memref_slice %arg24[%dma_wait3A_175, %dma_wait3A_176] : memref<10112x64xf32, #tpu.memory_space<vmem_shared>> -> memref<10112x64xf32, #tpu.memory_space<vmem_shared>>
    tpu.wait_indirect_dma semaphore(%arg22 : memref<!tpu.dma_semaphore, #tpu.memory_space<semaphore_mem>>) src(%arg14 : memref<128x64xf32, #tpu.memory_space<vmem>>) dst(%dma_wait3A_177 : memref<10112x64xf32, #tpu.memory_space<vmem_shared>>)
    %dma_wait3A_178 = arith.constant 0 : i32
    %dma_wait3A_179 = arith.constant 162 : i32
    %dma_wait3A_180 = arith.constant 0 : i32
    %dma_wait3A_181 = tpu.memref_slice %arg6[%dma_wait3A_179, %dma_wait3A_180] : memref<164x128xi32, #tpu.memory_space<vmem>> -> memref<1x128xi32, #tpu.memory_space<vmem>>
    %dma_wait3A_182 = tpu.memref_squeeze %dma_wait3A_181 : memref<1x128xi32, #tpu.memory_space<vmem>> -> memref<128xi32, #tpu.memory_space<vmem>>
    %dma_wait3A_183 = arith.constant 0 : i32
    %dma_wait3A_184 = arith.constant 0 : i32
    %dma_wait3A_185 = tpu.memref_slice %arg2[%arg0, %dma_wait3A_178, %dma_wait3A_183, %dma_wait3A_184] : memref<2x2x10112x32xi32, #tpu.memory_space<hbm>> -> memref<1x1x10112x32xi32, #tpu.memory_space<hbm>>
    %dma_wait3A_186 = tpu.memref_squeeze %dma_wait3A_185 : memref<1x1x10112x32xi32, #tpu.memory_space<hbm>> -> memref<10112x32xi32, #tpu.memory_space<hbm>>
    %dma_wait3A_187 = arith.constant 0 : i32
    %dma_wait3A_188 = arith.constant 0 : i32
    %dma_wait3A_189 = tpu.memref_slice %dma_wait3A_186[%dma_wait3A_187, %dma_wait3A_188] : memref<10112x32xi32, #tpu.memory_space<hbm>> -> memref<10112x32xi32, #tpu.memory_space<hbm>>
    tpu.wait_indirect_dma semaphore(%arg18 : memref<!tpu.dma_semaphore, #tpu.memory_space<semaphore_mem>>) src(%dma_wait3A_189 : memref<10112x32xi32, #tpu.memory_space<hbm>>) dst(%arg10 : memref<128x32xi32, #tpu.memory_space<vmem>>)
    %dma_wait3A_190 = arith.constant 0 : i32
    %dma_wait3A_191 = arith.constant 0 : i32
    %dma_wait3A_192 = tpu.memref_slice %arg7[%dma_wait3A_190, %dma_wait3A_191] : memref<160x128xi32, #tpu.memory_space<vmem>> -> memref<1x128xi32, #tpu.memory_space<vmem>>
    %dma_wait3A_193 = tpu.memref_squeeze %dma_wait3A_192 : memref<1x128xi32, #tpu.memory_space<vmem>> -> memref<128xi32, #tpu.memory_space<vmem>>
    %dma_wait3A_194 = arith.constant 0 : i32
    %dma_wait3A_195 = arith.constant 0 : i32
    %dma_wait3A_196 = tpu.memref_slice %arg24[%dma_wait3A_194, %dma_wait3A_195] : memref<10112x64xf32, #tpu.memory_space<vmem_shared>> -> memref<10112x64xf32, #tpu.memory_space<vmem_shared>>
    tpu.wait_indirect_dma semaphore(%arg23 : memref<!tpu.dma_semaphore, #tpu.memory_space<semaphore_mem>>) src(%arg15 : memref<128x64xf32, #tpu.memory_space<vmem>>) dst(%dma_wait3A_196 : memref<10112x64xf32, #tpu.memory_space<vmem_shared>>)
    %dma_wait3A_197 = arith.constant 0 : i32
    %dma_wait3A_198 = arith.constant 163 : i32
    %dma_wait3A_199 = arith.constant 0 : i32
    %dma_wait3A_200 = tpu.memref_slice %arg6[%dma_wait3A_198, %dma_wait3A_199] : memref<164x128xi32, #tpu.memory_space<vmem>> -> memref<1x128xi32, #tpu.memory_space<vmem>>
    %dma_wait3A_201 = tpu.memref_squeeze %dma_wait3A_200 : memref<1x128xi32, #tpu.memory_space<vmem>> -> memref<128xi32, #tpu.memory_space<vmem>>
    %dma_wait3A_202 = arith.constant 0 : i32
    %dma_wait3A_203 = arith.constant 0 : i32
    %dma_wait3A_204 = tpu.memref_slice %arg2[%arg0, %dma_wait3A_197, %dma_wait3A_202, %dma_wait3A_203] : memref<2x2x10112x32xi32, #tpu.memory_space<hbm>> -> memref<1x1x10112x32xi32, #tpu.memory_space<hbm>>
    %dma_wait3A_205 = tpu.memref_squeeze %dma_wait3A_204 : memref<1x1x10112x32xi32, #tpu.memory_space<hbm>> -> memref<10112x32xi32, #tpu.memory_space<hbm>>
    %dma_wait3A_206 = arith.constant 0 : i32
    %dma_wait3A_207 = arith.constant 0 : i32
    %dma_wait3A_208 = tpu.memref_slice %dma_wait3A_205[%dma_wait3A_206, %dma_wait3A_207] : memref<10112x32xi32, #tpu.memory_space<hbm>> -> memref<10112x32xi32, #tpu.memory_space<hbm>>
    tpu.wait_indirect_dma semaphore(%arg19 : memref<!tpu.dma_semaphore, #tpu.memory_space<semaphore_mem>>) src(%dma_wait3A_208 : memref<10112x32xi32, #tpu.memory_space<hbm>>) dst(%arg11 : memref<128x32xi32, #tpu.memory_space<vmem>>)
    %barrier3A_209 = arith.constant 0 : index
    tpu.barrier barrier_id(%barrier3A_209)
    %mul3A_210 = arith.constant 632 : i32
    %mul3A_211 = arith.muli %arg1, %mul3A_210 : i32
    %add3A_212 = arith.constant 0 : i32
    %add3A_213 = arith.addi %mul3A_211, %add3A_212 : i32
    "tpu.region"() ({
      %run_scoped3A_507 = tpu.sem_alloc : memref<!tpu.dma_semaphore, #tpu.memory_space<semaphore_mem>>
      %dma_start3A_508 = arith.constant 0 : i32
      %dma_start3A_509 = arith.constant 0 : i32
      %dma_start3A_510 = tpu.memref_slice %arg12[%dma_start3A_508, %dma_start3A_509] : memref<128x64xf32, #tpu.memory_space<vmem>> -> memref<128x64xf32, #tpu.memory_space<vmem>>
      %dma_start3A_511 = arith.constant 0 : i32
      %dma_start3A_512 = tpu.memref_slice %arg24[%add3A_213, %dma_start3A_511] : memref<10112x64xf32, #tpu.memory_space<vmem_shared>> -> memref<128x64xf32, #tpu.memory_space<vmem_shared>>
      %dma_start3A_513 = arith.constant 0 : i32
      %dma_start3A_514 = arith.constant 0 : i32
      %dma_start3A_515 = tpu.memref_slice %arg12[%dma_start3A_513, %dma_start3A_514] : memref<128x64xf32, #tpu.memory_space<vmem>> -> memref<128x64xf32, #tpu.memory_space<vmem>>
      %dma_start3A_516 = arith.constant 0 : i32
      %dma_start3A_517 = tpu.memref_slice %arg24[%add3A_213, %dma_start3A_516] : memref<10112x64xf32, #tpu.memory_space<vmem_shared>> -> memref<128x64xf32, #tpu.memory_space<vmem_shared>>
      tpu.enqueue_dma source(%dma_start3A_517 : memref<128x64xf32, #tpu.memory_space<vmem_shared>>) target(%dma_start3A_515 : memref<128x64xf32, #tpu.memory_space<vmem>>) target_semaphore(%run_scoped3A_507 : memref<!tpu.dma_semaphore, #tpu.memory_space<semaphore_mem>>)
      %dma_wait3A_518 = arith.constant 0 : i32
      %dma_wait3A_519 = arith.constant 0 : i32
      %dma_wait3A_520 = tpu.memref_slice %arg12[%dma_wait3A_518, %dma_wait3A_519] : memref<128x64xf32, #tpu.memory_space<vmem>> -> memref<128x64xf32, #tpu.memory_space<vmem>>
      %dma_wait3A_521 = arith.constant 0 : i32
      %dma_wait3A_522 = tpu.memref_slice %arg24[%add3A_213, %dma_wait3A_521] : memref<10112x64xf32, #tpu.memory_space<vmem_shared>> -> memref<128x64xf32, #tpu.memory_space<vmem_shared>>
      %dma_wait3A_523 = arith.constant 0 : i32
      %dma_wait3A_524 = arith.constant 0 : i32
      %dma_wait3A_525 = tpu.memref_slice %arg12[%dma_wait3A_523, %dma_wait3A_524] : memref<128x64xf32, #tpu.memory_space<vmem>> -> memref<128x64xf32, #tpu.memory_space<vmem>>
      %dma_wait3A_526 = arith.constant 0 : i32
      %dma_wait3A_527 = tpu.memref_slice %arg24[%add3A_213, %dma_wait3A_526] : memref<10112x64xf32, #tpu.memory_space<vmem_shared>> -> memref<128x64xf32, #tpu.memory_space<vmem_shared>>
      tpu.wait_dma2 semaphore(%run_scoped3A_507 : memref<!tpu.dma_semaphore, #tpu.memory_space<semaphore_mem>>) src(%dma_wait3A_527 : memref<128x64xf32, #tpu.memory_space<vmem_shared>>) dst(%dma_wait3A_525 : memref<128x64xf32, #tpu.memory_space<vmem>>)
      tpu.yield
    }) : () -> ()
    %mul3A_214 = arith.constant 632 : i32
    %mul3A_215 = arith.muli %arg1, %mul3A_214 : i32
    %add3A_216 = arith.constant 0 : i32
    %add3A_217 = arith.addi %mul3A_215, %add3A_216 : i32
    %run_scoped3A = arith.constant 0 : i32
    "tpu.region"() ({
      %run_scoped3A_507 = tpu.sem_alloc : memref<!tpu.dma_semaphore, #tpu.memory_space<semaphore_mem>>
      %dma_start3A_508 = arith.constant 0 : i32
      %dma_start3A_509 = arith.constant 0 : i32
      %dma_start3A_510 = tpu.memref_slice %arg12[%dma_start3A_508, %dma_start3A_509] : memref<128x64xf32, #tpu.memory_space<vmem>> -> memref<128x64xf32, #tpu.memory_space<vmem>>
      %dma_start3A_511 = arith.constant 0 : i32
      %dma_start3A_512 = tpu.memref_slice %arg5[%arg0, %run_scoped3A, %add3A_217, %dma_start3A_511] : memref<2x2x10112x64xf32, #tpu.memory_space<hbm>> -> memref<1x1x128x64xf32, #tpu.memory_space<hbm>>
      %dma_start3A_513 = tpu.memref_squeeze %dma_start3A_512 : memref<1x1x128x64xf32, #tpu.memory_space<hbm>> -> memref<128x64xf32, #tpu.memory_space<hbm>>
      %dma_start3A_514 = arith.constant 0 : i32
      %dma_start3A_515 = tpu.memref_slice %arg5[%arg0, %run_scoped3A, %add3A_217, %dma_start3A_514] : memref<2x2x10112x64xf32, #tpu.memory_space<hbm>> -> memref<1x1x128x64xf32, #tpu.memory_space<hbm>>
      %dma_start3A_516 = tpu.memref_squeeze %dma_start3A_515 : memref<1x1x128x64xf32, #tpu.memory_space<hbm>> -> memref<128x64xf32, #tpu.memory_space<hbm>>
      %dma_start3A_517 = arith.constant 0 : i32
      %dma_start3A_518 = arith.constant 0 : i32
      %dma_start3A_519 = tpu.memref_slice %arg12[%dma_start3A_517, %dma_start3A_518] : memref<128x64xf32, #tpu.memory_space<vmem>> -> memref<128x64xf32, #tpu.memory_space<vmem>>
      tpu.enqueue_dma source(%dma_start3A_519 : memref<128x64xf32, #tpu.memory_space<vmem>>) target(%dma_start3A_516 : memref<128x64xf32, #tpu.memory_space<hbm>>) target_semaphore(%run_scoped3A_507 : memref<!tpu.dma_semaphore, #tpu.memory_space<semaphore_mem>>)
      %dma_wait3A_520 = arith.constant 0 : i32
      %dma_wait3A_521 = arith.constant 0 : i32
      %dma_wait3A_522 = tpu.memref_slice %arg12[%dma_wait3A_520, %dma_wait3A_521] : memref<128x64xf32, #tpu.memory_space<vmem>> -> memref<128x64xf32, #tpu.memory_space<vmem>>
      %dma_wait3A_523 = arith.constant 0 : i32
      %dma_wait3A_524 = tpu.memref_slice %arg5[%arg0, %run_scoped3A, %add3A_217, %dma_wait3A_523] : memref<2x2x10112x64xf32, #tpu.memory_space<hbm>> -> memref<1x1x128x64xf32, #tpu.memory_space<hbm>>
      %dma_wait3A_525 = tpu.memref_squeeze %dma_wait3A_524 : memref<1x1x128x64xf32, #tpu.memory_space<hbm>> -> memref<128x64xf32, #tpu.memory_space<hbm>>
      %dma_wait3A_526 = arith.constant 0 : i32
      %dma_wait3A_527 = tpu.memref_slice %arg5[%arg0, %run_scoped3A, %add3A_217, %dma_wait3A_526] : memref<2x2x10112x64xf32, #tpu.memory_space<hbm>> -> memref<1x1x128x64xf32, #tpu.memory_space<hbm>>
      %dma_wait3A_528 = tpu.memref_squeeze %dma_wait3A_527 : memref<1x1x128x64xf32, #tpu.memory_space<hbm>> -> memref<128x64xf32, #tpu.memory_space<hbm>>
      %dma_wait3A_529 = arith.constant 0 : i32
      %dma_wait3A_530 = arith.constant 0 : i32
      %dma_wait3A_531 = tpu.memref_slice %arg12[%dma_wait3A_529, %dma_wait3A_530] : memref<128x64xf32, #tpu.memory_space<vmem>> -> memref<128x64xf32, #tpu.memory_space<vmem>>
      tpu.wait_dma2 semaphore(%run_scoped3A_507 : memref<!tpu.dma_semaphore, #tpu.memory_space<semaphore_mem>>) src(%dma_wait3A_531 : memref<128x64xf32, #tpu.memory_space<vmem>>) dst(%dma_wait3A_528 : memref<128x64xf32, #tpu.memory_space<hbm>>)
      tpu.yield
    }) : () -> ()
    %mul3A_218 = arith.constant 632 : i32
    %mul3A_219 = arith.muli %arg1, %mul3A_218 : i32
    %add3A_220 = arith.constant 128 : i32
    %add3A_221 = arith.addi %mul3A_219, %add3A_220 : i32
    "tpu.region"() ({
      %run_scoped3A_507 = tpu.sem_alloc : memref<!tpu.dma_semaphore, #tpu.memory_space<semaphore_mem>>
      %dma_start3A_508 = arith.constant 0 : i32
      %dma_start3A_509 = arith.constant 0 : i32
      %dma_start3A_510 = tpu.memref_slice %arg12[%dma_start3A_508, %dma_start3A_509] : memref<128x64xf32, #tpu.memory_space<vmem>> -> memref<128x64xf32, #tpu.memory_space<vmem>>
      %dma_start3A_511 = arith.constant 0 : i32
      %dma_start3A_512 = tpu.memref_slice %arg24[%add3A_221, %dma_start3A_511] : memref<10112x64xf32, #tpu.memory_space<vmem_shared>> -> memref<128x64xf32, #tpu.memory_space<vmem_shared>>
      %dma_start3A_513 = arith.constant 0 : i32
      %dma_start3A_514 = arith.constant 0 : i32
      %dma_start3A_515 = tpu.memref_slice %arg12[%dma_start3A_513, %dma_start3A_514] : memref<128x64xf32, #tpu.memory_space<vmem>> -> memref<128x64xf32, #tpu.memory_space<vmem>>
      %dma_start3A_516 = arith.constant 0 : i32
      %dma_start3A_517 = tpu.memref_slice %arg24[%add3A_221, %dma_start3A_516] : memref<10112x64xf32, #tpu.memory_space<vmem_shared>> -> memref<128x64xf32, #tpu.memory_space<vmem_shared>>
      tpu.enqueue_dma source(%dma_start3A_517 : memref<128x64xf32, #tpu.memory_space<vmem_shared>>) target(%dma_start3A_515 : memref<128x64xf32, #tpu.memory_space<vmem>>) target_semaphore(%run_scoped3A_507 : memref<!tpu.dma_semaphore, #tpu.memory_space<semaphore_mem>>)
      %dma_wait3A_518 = arith.constant 0 : i32
      %dma_wait3A_519 = arith.constant 0 : i32
      %dma_wait3A_520 = tpu.memref_slice %arg12[%dma_wait3A_518, %dma_wait3A_519] : memref<128x64xf32, #tpu.memory_space<vmem>> -> memref<128x64xf32, #tpu.memory_space<vmem>>
      %dma_wait3A_521 = arith.constant 0 : i32
      %dma_wait3A_522 = tpu.memref_slice %arg24[%add3A_221, %dma_wait3A_521] : memref<10112x64xf32, #tpu.memory_space<vmem_shared>> -> memref<128x64xf32, #tpu.memory_space<vmem_shared>>
      %dma_wait3A_523 = arith.constant 0 : i32
      %dma_wait3A_524 = arith.constant 0 : i32
      %dma_wait3A_525 = tpu.memref_slice %arg12[%dma_wait3A_523, %dma_wait3A_524] : memref<128x64xf32, #tpu.memory_space<vmem>> -> memref<128x64xf32, #tpu.memory_space<vmem>>
      %dma_wait3A_526 = arith.constant 0 : i32
      %dma_wait3A_527 = tpu.memref_slice %arg24[%add3A_221, %dma_wait3A_526] : memref<10112x64xf32, #tpu.memory_space<vmem_shared>> -> memref<128x64xf32, #tpu.memory_space<vmem_shared>>
      tpu.wait_dma2 semaphore(%run_scoped3A_507 : memref<!tpu.dma_semaphore, #tpu.memory_space<semaphore_mem>>) src(%dma_wait3A_527 : memref<128x64xf32, #tpu.memory_space<vmem_shared>>) dst(%dma_wait3A_525 : memref<128x64xf32, #tpu.memory_space<vmem>>)
      tpu.yield
    }) : () -> ()
    %mul3A_222 = arith.constant 632 : i32
    %mul3A_223 = arith.muli %arg1, %mul3A_222 : i32
    %add3A_224 = arith.constant 128 : i32
    %add3A_225 = arith.addi %mul3A_223, %add3A_224 : i32
    %run_scoped3A_226 = arith.constant 0 : i32
    "tpu.region"() ({
      %run_scoped3A_507 = tpu.sem_alloc : memref<!tpu.dma_semaphore, #tpu.memory_space<semaphore_mem>>
      %dma_start3A_508 = arith.constant 0 : i32
      %dma_start3A_509 = arith.constant 0 : i32
      %dma_start3A_510 = tpu.memref_slice %arg12[%dma_start3A_508, %dma_start3A_509] : memref<128x64xf32, #tpu.memory_space<vmem>> -> memref<128x64xf32, #tpu.memory_space<vmem>>
      %dma_start3A_511 = arith.constant 0 : i32
      %dma_start3A_512 = tpu.memref_slice %arg5[%arg0, %run_scoped3A_226, %add3A_225, %dma_start3A_511] : memref<2x2x10112x64xf32, #tpu.memory_space<hbm>> -> memref<1x1x128x64xf32, #tpu.memory_space<hbm>>
      %dma_start3A_513 = tpu.memref_squeeze %dma_start3A_512 : memref<1x1x128x64xf32, #tpu.memory_space<hbm>> -> memref<128x64xf32, #tpu.memory_space<hbm>>
      %dma_start3A_514 = arith.constant 0 : i32
      %dma_start3A_515 = tpu.memref_slice %arg5[%arg0, %run_scoped3A_226, %add3A_225, %dma_start3A_514] : memref<2x2x10112x64xf32, #tpu.memory_space<hbm>> -> memref<1x1x128x64xf32, #tpu.memory_space<hbm>>
      %dma_start3A_516 = tpu.memref_squeeze %dma_start3A_515 : memref<1x1x128x64xf32, #tpu.memory_space<hbm>> -> memref<128x64xf32, #tpu.memory_space<hbm>>
      %dma_start3A_517 = arith.constant 0 : i32
      %dma_start3A_518 = arith.constant 0 : i32
      %dma_start3A_519 = tpu.memref_slice %arg12[%dma_start3A_517, %dma_start3A_518] : memref<128x64xf32, #tpu.memory_space<vmem>> -> memref<128x64xf32, #tpu.memory_space<vmem>>
      tpu.enqueue_dma source(%dma_start3A_519 : memref<128x64xf32, #tpu.memory_space<vmem>>) target(%dma_start3A_516 : memref<128x64xf32, #tpu.memory_space<hbm>>) target_semaphore(%run_scoped3A_507 : memref<!tpu.dma_semaphore, #tpu.memory_space<semaphore_mem>>)
      %dma_wait3A_520 = arith.constant 0 : i32
      %dma_wait3A_521 = arith.constant 0 : i32
      %dma_wait3A_522 = tpu.memref_slice %arg12[%dma_wait3A_520, %dma_wait3A_521] : memref<128x64xf32, #tpu.memory_space<vmem>> -> memref<128x64xf32, #tpu.memory_space<vmem>>
      %dma_wait3A_523 = arith.constant 0 : i32
      %dma_wait3A_524 = tpu.memref_slice %arg5[%arg0, %run_scoped3A_226, %add3A_225, %dma_wait3A_523] : memref<2x2x10112x64xf32, #tpu.memory_space<hbm>> -> memref<1x1x128x64xf32, #tpu.memory_space<hbm>>
      %dma_wait3A_525 = tpu.memref_squeeze %dma_wait3A_524 : memref<1x1x128x64xf32, #tpu.memory_space<hbm>> -> memref<128x64xf32, #tpu.memory_space<hbm>>
      %dma_wait3A_526 = arith.constant 0 : i32
      %dma_wait3A_527 = tpu.memref_slice %arg5[%arg0, %run_scoped3A_226, %add3A_225, %dma_wait3A_526] : memref<2x2x10112x64xf32, #tpu.memory_space<hbm>> -> memref<1x1x128x64xf32, #tpu.memory_space<hbm>>
      %dma_wait3A_528 = tpu.memref_squeeze %dma_wait3A_527 : memref<1x1x128x64xf32, #tpu.memory_space<hbm>> -> memref<128x64xf32, #tpu.memory_space<hbm>>
      %dma_wait3A_529 = arith.constant 0 : i32
      %dma_wait3A_530 = arith.constant 0 : i32
      %dma_wait3A_531 = tpu.memref_slice %arg12[%dma_wait3A_529, %dma_wait3A_530] : memref<128x64xf32, #tpu.memory_space<vmem>> -> memref<128x64xf32, #tpu.memory_space<vmem>>
      tpu.wait_dma2 semaphore(%run_scoped3A_507 : memref<!tpu.dma_semaphore, #tpu.memory_space<semaphore_mem>>) src(%dma_wait3A_531 : memref<128x64xf32, #tpu.memory_space<vmem>>) dst(%dma_wait3A_528 : memref<128x64xf32, #tpu.memory_space<hbm>>)
      tpu.yield
    }) : () -> ()
    %mul3A_227 = arith.constant 632 : i32
    %mul3A_228 = arith.muli %arg1, %mul3A_227 : i32
    %add3A_229 = arith.constant 256 : i32
    %add3A_230 = arith.addi %mul3A_228, %add3A_229 : i32
    "tpu.region"() ({
      %run_scoped3A_507 = tpu.sem_alloc : memref<!tpu.dma_semaphore, #tpu.memory_space<semaphore_mem>>
      %dma_start3A_508 = arith.constant 0 : i32
      %dma_start3A_509 = arith.constant 0 : i32
      %dma_start3A_510 = tpu.memref_slice %arg12[%dma_start3A_508, %dma_start3A_509] : memref<128x64xf32, #tpu.memory_space<vmem>> -> memref<128x64xf32, #tpu.memory_space<vmem>>
      %dma_start3A_511 = arith.constant 0 : i32
      %dma_start3A_512 = tpu.memref_slice %arg24[%add3A_230, %dma_start3A_511] : memref<10112x64xf32, #tpu.memory_space<vmem_shared>> -> memref<128x64xf32, #tpu.memory_space<vmem_shared>>
      %dma_start3A_513 = arith.constant 0 : i32
      %dma_start3A_514 = arith.constant 0 : i32
      %dma_start3A_515 = tpu.memref_slice %arg12[%dma_start3A_513, %dma_start3A_514] : memref<128x64xf32, #tpu.memory_space<vmem>> -> memref<128x64xf32, #tpu.memory_space<vmem>>
      %dma_start3A_516 = arith.constant 0 : i32
      %dma_start3A_517 = tpu.memref_slice %arg24[%add3A_230, %dma_start3A_516] : memref<10112x64xf32, #tpu.memory_space<vmem_shared>> -> memref<128x64xf32, #tpu.memory_space<vmem_shared>>
      tpu.enqueue_dma source(%dma_start3A_517 : memref<128x64xf32, #tpu.memory_space<vmem_shared>>) target(%dma_start3A_515 : memref<128x64xf32, #tpu.memory_space<vmem>>) target_semaphore(%run_scoped3A_507 : memref<!tpu.dma_semaphore, #tpu.memory_space<semaphore_mem>>)
      %dma_wait3A_518 = arith.constant 0 : i32
      %dma_wait3A_519 = arith.constant 0 : i32
      %dma_wait3A_520 = tpu.memref_slice %arg12[%dma_wait3A_518, %dma_wait3A_519] : memref<128x64xf32, #tpu.memory_space<vmem>> -> memref<128x64xf32, #tpu.memory_space<vmem>>
      %dma_wait3A_521 = arith.constant 0 : i32
      %dma_wait3A_522 = tpu.memref_slice %arg24[%add3A_230, %dma_wait3A_521] : memref<10112x64xf32, #tpu.memory_space<vmem_shared>> -> memref<128x64xf32, #tpu.memory_space<vmem_shared>>
      %dma_wait3A_523 = arith.constant 0 : i32
      %dma_wait3A_524 = arith.constant 0 : i32
      %dma_wait3A_525 = tpu.memref_slice %arg12[%dma_wait3A_523, %dma_wait3A_524] : memref<128x64xf32, #tpu.memory_space<vmem>> -> memref<128x64xf32, #tpu.memory_space<vmem>>
      %dma_wait3A_526 = arith.constant 0 : i32
      %dma_wait3A_527 = tpu.memref_slice %arg24[%add3A_230, %dma_wait3A_526] : memref<10112x64xf32, #tpu.memory_space<vmem_shared>> -> memref<128x64xf32, #tpu.memory_space<vmem_shared>>
      tpu.wait_dma2 semaphore(%run_scoped3A_507 : memref<!tpu.dma_semaphore, #tpu.memory_space<semaphore_mem>>) src(%dma_wait3A_527 : memref<128x64xf32, #tpu.memory_space<vmem_shared>>) dst(%dma_wait3A_525 : memref<128x64xf32, #tpu.memory_space<vmem>>)
      tpu.yield
    }) : () -> ()
    %mul3A_231 = arith.constant 632 : i32
    %mul3A_232 = arith.muli %arg1, %mul3A_231 : i32
    %add3A_233 = arith.constant 256 : i32
    %add3A_234 = arith.addi %mul3A_232, %add3A_233 : i32
    %run_scoped3A_235 = arith.constant 0 : i32
    "tpu.region"() ({
      %run_scoped3A_507 = tpu.sem_alloc : memref<!tpu.dma_semaphore, #tpu.memory_space<semaphore_mem>>
      %dma_start3A_508 = arith.constant 0 : i32
      %dma_start3A_509 = arith.constant 0 : i32
      %dma_start3A_510 = tpu.memref_slice %arg12[%dma_start3A_508, %dma_start3A_509] : memref<128x64xf32, #tpu.memory_space<vmem>> -> memref<128x64xf32, #tpu.memory_space<vmem>>
      %dma_start3A_511 = arith.constant 0 : i32
      %dma_start3A_512 = tpu.memref_slice %arg5[%arg0, %run_scoped3A_235, %add3A_234, %dma_start3A_511] : memref<2x2x10112x64xf32, #tpu.memory_space<hbm>> -> memref<1x1x128x64xf32, #tpu.memory_space<hbm>>
      %dma_start3A_513 = tpu.memref_squeeze %dma_start3A_512 : memref<1x1x128x64xf32, #tpu.memory_space<hbm>> -> memref<128x64xf32, #tpu.memory_space<hbm>>
      %dma_start3A_514 = arith.constant 0 : i32
      %dma_start3A_515 = tpu.memref_slice %arg5[%arg0, %run_scoped3A_235, %add3A_234, %dma_start3A_514] : memref<2x2x10112x64xf32, #tpu.memory_space<hbm>> -> memref<1x1x128x64xf32, #tpu.memory_space<hbm>>
      %dma_start3A_516 = tpu.memref_squeeze %dma_start3A_515 : memref<1x1x128x64xf32, #tpu.memory_space<hbm>> -> memref<128x64xf32, #tpu.memory_space<hbm>>
      %dma_start3A_517 = arith.constant 0 : i32
      %dma_start3A_518 = arith.constant 0 : i32
      %dma_start3A_519 = tpu.memref_slice %arg12[%dma_start3A_517, %dma_start3A_518] : memref<128x64xf32, #tpu.memory_space<vmem>> -> memref<128x64xf32, #tpu.memory_space<vmem>>
      tpu.enqueue_dma source(%dma_start3A_519 : memref<128x64xf32, #tpu.memory_space<vmem>>) target(%dma_start3A_516 : memref<128x64xf32, #tpu.memory_space<hbm>>) target_semaphore(%run_scoped3A_507 : memref<!tpu.dma_semaphore, #tpu.memory_space<semaphore_mem>>)
      %dma_wait3A_520 = arith.constant 0 : i32
      %dma_wait3A_521 = arith.constant 0 : i32
      %dma_wait3A_522 = tpu.memref_slice %arg12[%dma_wait3A_520, %dma_wait3A_521] : memref<128x64xf32, #tpu.memory_space<vmem>> -> memref<128x64xf32, #tpu.memory_space<vmem>>
      %dma_wait3A_523 = arith.constant 0 : i32
      %dma_wait3A_524 = tpu.memref_slice %arg5[%arg0, %run_scoped3A_235, %add3A_234, %dma_wait3A_523] : memref<2x2x10112x64xf32, #tpu.memory_space<hbm>> -> memref<1x1x128x64xf32, #tpu.memory_space<hbm>>
      %dma_wait3A_525 = tpu.memref_squeeze %dma_wait3A_524 : memref<1x1x128x64xf32, #tpu.memory_space<hbm>> -> memref<128x64xf32, #tpu.memory_space<hbm>>
      %dma_wait3A_526 = arith.constant 0 : i32
      %dma_wait3A_527 = tpu.memref_slice %arg5[%arg0, %run_scoped3A_235, %add3A_234, %dma_wait3A_526] : memref<2x2x10112x64xf32, #tpu.memory_space<hbm>> -> memref<1x1x128x64xf32, #tpu.memory_space<hbm>>
      %dma_wait3A_528 = tpu.memref_squeeze %dma_wait3A_527 : memref<1x1x128x64xf32, #tpu.memory_space<hbm>> -> memref<128x64xf32, #tpu.memory_space<hbm>>
      %dma_wait3A_529 = arith.constant 0 : i32
      %dma_wait3A_530 = arith.constant 0 : i32
      %dma_wait3A_531 = tpu.memref_slice %arg12[%dma_wait3A_529, %dma_wait3A_530] : memref<128x64xf32, #tpu.memory_space<vmem>> -> memref<128x64xf32, #tpu.memory_space<vmem>>
      tpu.wait_dma2 semaphore(%run_scoped3A_507 : memref<!tpu.dma_semaphore, #tpu.memory_space<semaphore_mem>>) src(%dma_wait3A_531 : memref<128x64xf32, #tpu.memory_space<vmem>>) dst(%dma_wait3A_528 : memref<128x64xf32, #tpu.memory_space<hbm>>)
      tpu.yield
    }) : () -> ()
    %mul3A_236 = arith.constant 632 : i32
    %mul3A_237 = arith.muli %arg1, %mul3A_236 : i32
    %add3A_238 = arith.constant 384 : i32
    %add3A_239 = arith.addi %mul3A_237, %add3A_238 : i32
    "tpu.region"() ({
      %run_scoped3A_507 = tpu.sem_alloc : memref<!tpu.dma_semaphore, #tpu.memory_space<semaphore_mem>>
      %dma_start3A_508 = arith.constant 0 : i32
      %dma_start3A_509 = arith.constant 0 : i32
      %dma_start3A_510 = tpu.memref_slice %arg12[%dma_start3A_508, %dma_start3A_509] : memref<128x64xf32, #tpu.memory_space<vmem>> -> memref<128x64xf32, #tpu.memory_space<vmem>>
      %dma_start3A_511 = arith.constant 0 : i32
      %dma_start3A_512 = tpu.memref_slice %arg24[%add3A_239, %dma_start3A_511] : memref<10112x64xf32, #tpu.memory_space<vmem_shared>> -> memref<128x64xf32, #tpu.memory_space<vmem_shared>>
      %dma_start3A_513 = arith.constant 0 : i32
      %dma_start3A_514 = arith.constant 0 : i32
      %dma_start3A_515 = tpu.memref_slice %arg12[%dma_start3A_513, %dma_start3A_514] : memref<128x64xf32, #tpu.memory_space<vmem>> -> memref<128x64xf32, #tpu.memory_space<vmem>>
      %dma_start3A_516 = arith.constant 0 : i32
      %dma_start3A_517 = tpu.memref_slice %arg24[%add3A_239, %dma_start3A_516] : memref<10112x64xf32, #tpu.memory_space<vmem_shared>> -> memref<128x64xf32, #tpu.memory_space<vmem_shared>>
      tpu.enqueue_dma source(%dma_start3A_517 : memref<128x64xf32, #tpu.memory_space<vmem_shared>>) target(%dma_start3A_515 : memref<128x64xf32, #tpu.memory_space<vmem>>) target_semaphore(%run_scoped3A_507 : memref<!tpu.dma_semaphore, #tpu.memory_space<semaphore_mem>>)
      %dma_wait3A_518 = arith.constant 0 : i32
      %dma_wait3A_519 = arith.constant 0 : i32
      %dma_wait3A_520 = tpu.memref_slice %arg12[%dma_wait3A_518, %dma_wait3A_519] : memref<128x64xf32, #tpu.memory_space<vmem>> -> memref<128x64xf32, #tpu.memory_space<vmem>>
      %dma_wait3A_521 = arith.constant 0 : i32
      %dma_wait3A_522 = tpu.memref_slice %arg24[%add3A_239, %dma_wait3A_521] : memref<10112x64xf32, #tpu.memory_space<vmem_shared>> -> memref<128x64xf32, #tpu.memory_space<vmem_shared>>
      %dma_wait3A_523 = arith.constant 0 : i32
      %dma_wait3A_524 = arith.constant 0 : i32
      %dma_wait3A_525 = tpu.memref_slice %arg12[%dma_wait3A_523, %dma_wait3A_524] : memref<128x64xf32, #tpu.memory_space<vmem>> -> memref<128x64xf32, #tpu.memory_space<vmem>>
      %dma_wait3A_526 = arith.constant 0 : i32
      %dma_wait3A_527 = tpu.memref_slice %arg24[%add3A_239, %dma_wait3A_526] : memref<10112x64xf32, #tpu.memory_space<vmem_shared>> -> memref<128x64xf32, #tpu.memory_space<vmem_shared>>
      tpu.wait_dma2 semaphore(%run_scoped3A_507 : memref<!tpu.dma_semaphore, #tpu.memory_space<semaphore_mem>>) src(%dma_wait3A_527 : memref<128x64xf32, #tpu.memory_space<vmem_shared>>) dst(%dma_wait3A_525 : memref<128x64xf32, #tpu.memory_space<vmem>>)
      tpu.yield
    }) : () -> ()
    %mul3A_240 = arith.constant 632 : i32
    %mul3A_241 = arith.muli %arg1, %mul3A_240 : i32
    %add3A_242 = arith.constant 384 : i32
    %add3A_243 = arith.addi %mul3A_241, %add3A_242 : i32
    %run_scoped3A_244 = arith.constant 0 : i32
    "tpu.region"() ({
      %run_scoped3A_507 = tpu.sem_alloc : memref<!tpu.dma_semaphore, #tpu.memory_space<semaphore_mem>>
      %dma_start3A_508 = arith.constant 0 : i32
      %dma_start3A_509 = arith.constant 0 : i32
      %dma_start3A_510 = tpu.memref_slice %arg12[%dma_start3A_508, %dma_start3A_509] : memref<128x64xf32, #tpu.memory_space<vmem>> -> memref<128x64xf32, #tpu.memory_space<vmem>>
      %dma_start3A_511 = arith.constant 0 : i32
      %dma_start3A_512 = tpu.memref_slice %arg5[%arg0, %run_scoped3A_244, %add3A_243, %dma_start3A_511] : memref<2x2x10112x64xf32, #tpu.memory_space<hbm>> -> memref<1x1x128x64xf32, #tpu.memory_space<hbm>>
      %dma_start3A_513 = tpu.memref_squeeze %dma_start3A_512 : memref<1x1x128x64xf32, #tpu.memory_space<hbm>> -> memref<128x64xf32, #tpu.memory_space<hbm>>
      %dma_start3A_514 = arith.constant 0 : i32
      %dma_start3A_515 = tpu.memref_slice %arg5[%arg0, %run_scoped3A_244, %add3A_243, %dma_start3A_514] : memref<2x2x10112x64xf32, #tpu.memory_space<hbm>> -> memref<1x1x128x64xf32, #tpu.memory_space<hbm>>
      %dma_start3A_516 = tpu.memref_squeeze %dma_start3A_515 : memref<1x1x128x64xf32, #tpu.memory_space<hbm>> -> memref<128x64xf32, #tpu.memory_space<hbm>>
      %dma_start3A_517 = arith.constant 0 : i32
      %dma_start3A_518 = arith.constant 0 : i32
      %dma_start3A_519 = tpu.memref_slice %arg12[%dma_start3A_517, %dma_start3A_518] : memref<128x64xf32, #tpu.memory_space<vmem>> -> memref<128x64xf32, #tpu.memory_space<vmem>>
      tpu.enqueue_dma source(%dma_start3A_519 : memref<128x64xf32, #tpu.memory_space<vmem>>) target(%dma_start3A_516 : memref<128x64xf32, #tpu.memory_space<hbm>>) target_semaphore(%run_scoped3A_507 : memref<!tpu.dma_semaphore, #tpu.memory_space<semaphore_mem>>)
      %dma_wait3A_520 = arith.constant 0 : i32
      %dma_wait3A_521 = arith.constant 0 : i32
      %dma_wait3A_522 = tpu.memref_slice %arg12[%dma_wait3A_520, %dma_wait3A_521] : memref<128x64xf32, #tpu.memory_space<vmem>> -> memref<128x64xf32, #tpu.memory_space<vmem>>
      %dma_wait3A_523 = arith.constant 0 : i32
      %dma_wait3A_524 = tpu.memref_slice %arg5[%arg0, %run_scoped3A_244, %add3A_243, %dma_wait3A_523] : memref<2x2x10112x64xf32, #tpu.memory_space<hbm>> -> memref<1x1x128x64xf32, #tpu.memory_space<hbm>>
      %dma_wait3A_525 = tpu.memref_squeeze %dma_wait3A_524 : memref<1x1x128x64xf32, #tpu.memory_space<hbm>> -> memref<128x64xf32, #tpu.memory_space<hbm>>
      %dma_wait3A_526 = arith.constant 0 : i32
      %dma_wait3A_527 = tpu.memref_slice %arg5[%arg0, %run_scoped3A_244, %add3A_243, %dma_wait3A_526] : memref<2x2x10112x64xf32, #tpu.memory_space<hbm>> -> memref<1x1x128x64xf32, #tpu.memory_space<hbm>>
      %dma_wait3A_528 = tpu.memref_squeeze %dma_wait3A_527 : memref<1x1x128x64xf32, #tpu.memory_space<hbm>> -> memref<128x64xf32, #tpu.memory_space<hbm>>
      %dma_wait3A_529 = arith.constant 0 : i32
      %dma_wait3A_530 = arith.constant 0 : i32
      %dma_wait3A_531 = tpu.memref_slice %arg12[%dma_wait3A_529, %dma_wait3A_530] : memref<128x64xf32, #tpu.memory_space<vmem>> -> memref<128x64xf32, #tpu.memory_space<vmem>>
      tpu.wait_dma2 semaphore(%run_scoped3A_507 : memref<!tpu.dma_semaphore, #tpu.memory_space<semaphore_mem>>) src(%dma_wait3A_531 : memref<128x64xf32, #tpu.memory_space<vmem>>) dst(%dma_wait3A_528 : memref<128x64xf32, #tpu.memory_space<hbm>>)
      tpu.yield
    }) : () -> ()
    %mul3A_245 = arith.constant 632 : i32
    %mul3A_246 = arith.muli %arg1, %mul3A_245 : i32
    %add3A_247 = arith.constant 512 : i32
    %add3A_248 = arith.addi %mul3A_246, %add3A_247 : i32
    "tpu.region"() ({
      %run_scoped3A_507 = tpu.sem_alloc : memref<!tpu.dma_semaphore, #tpu.memory_space<semaphore_mem>>
      %dma_start3A_508 = arith.constant 0 : i32
      %dma_start3A_509 = arith.constant 0 : i32
      %dma_start3A_510 = tpu.memref_slice %arg12[%dma_start3A_508, %dma_start3A_509] : memref<128x64xf32, #tpu.memory_space<vmem>> -> memref<120x64xf32, #tpu.memory_space<vmem>>
      %dma_start3A_511 = arith.constant 0 : i32
      %dma_start3A_512 = tpu.memref_slice %arg24[%add3A_248, %dma_start3A_511] : memref<10112x64xf32, #tpu.memory_space<vmem_shared>> -> memref<120x64xf32, #tpu.memory_space<vmem_shared>>
      %dma_start3A_513 = arith.constant 0 : i32
      %dma_start3A_514 = arith.constant 0 : i32
      %dma_start3A_515 = tpu.memref_slice %arg12[%dma_start3A_513, %dma_start3A_514] : memref<128x64xf32, #tpu.memory_space<vmem>> -> memref<120x64xf32, #tpu.memory_space<vmem>>
      %dma_start3A_516 = arith.constant 0 : i32
      %dma_start3A_517 = tpu.memref_slice %arg24[%add3A_248, %dma_start3A_516] : memref<10112x64xf32, #tpu.memory_space<vmem_shared>> -> memref<120x64xf32, #tpu.memory_space<vmem_shared>>
      tpu.enqueue_dma source(%dma_start3A_517 : memref<120x64xf32, #tpu.memory_space<vmem_shared>>) target(%dma_start3A_515 : memref<120x64xf32, #tpu.memory_space<vmem>>) target_semaphore(%run_scoped3A_507 : memref<!tpu.dma_semaphore, #tpu.memory_space<semaphore_mem>>)
      %dma_wait3A_518 = arith.constant 0 : i32
      %dma_wait3A_519 = arith.constant 0 : i32
      %dma_wait3A_520 = tpu.memref_slice %arg12[%dma_wait3A_518, %dma_wait3A_519] : memref<128x64xf32, #tpu.memory_space<vmem>> -> memref<120x64xf32, #tpu.memory_space<vmem>>
      %dma_wait3A_521 = arith.constant 0 : i32
      %dma_wait3A_522 = tpu.memref_slice %arg24[%add3A_248, %dma_wait3A_521] : memref<10112x64xf32, #tpu.memory_space<vmem_shared>> -> memref<120x64xf32, #tpu.memory_space<vmem_shared>>
      %dma_wait3A_523 = arith.constant 0 : i32
      %dma_wait3A_524 = arith.constant 0 : i32
      %dma_wait3A_525 = tpu.memref_slice %arg12[%dma_wait3A_523, %dma_wait3A_524] : memref<128x64xf32, #tpu.memory_space<vmem>> -> memref<120x64xf32, #tpu.memory_space<vmem>>
      %dma_wait3A_526 = arith.constant 0 : i32
      %dma_wait3A_527 = tpu.memref_slice %arg24[%add3A_248, %dma_wait3A_526] : memref<10112x64xf32, #tpu.memory_space<vmem_shared>> -> memref<120x64xf32, #tpu.memory_space<vmem_shared>>
      tpu.wait_dma2 semaphore(%run_scoped3A_507 : memref<!tpu.dma_semaphore, #tpu.memory_space<semaphore_mem>>) src(%dma_wait3A_527 : memref<120x64xf32, #tpu.memory_space<vmem_shared>>) dst(%dma_wait3A_525 : memref<120x64xf32, #tpu.memory_space<vmem>>)
      tpu.yield
    }) : () -> ()
    %mul3A_249 = arith.constant 632 : i32
    %mul3A_250 = arith.muli %arg1, %mul3A_249 : i32
    %add3A_251 = arith.constant 512 : i32
    %add3A_252 = arith.addi %mul3A_250, %add3A_251 : i32
    %run_scoped3A_253 = arith.constant 0 : i32
    "tpu.region"() ({
      %run_scoped3A_507 = tpu.sem_alloc : memref<!tpu.dma_semaphore, #tpu.memory_space<semaphore_mem>>
      %dma_start3A_508 = arith.constant 0 : i32
      %dma_start3A_509 = arith.constant 0 : i32
      %dma_start3A_510 = tpu.memref_slice %arg12[%dma_start3A_508, %dma_start3A_509] : memref<128x64xf32, #tpu.memory_space<vmem>> -> memref<120x64xf32, #tpu.memory_space<vmem>>
      %dma_start3A_511 = arith.constant 0 : i32
      %dma_start3A_512 = tpu.memref_slice %arg5[%arg0, %run_scoped3A_253, %add3A_252, %dma_start3A_511] : memref<2x2x10112x64xf32, #tpu.memory_space<hbm>> -> memref<1x1x120x64xf32, #tpu.memory_space<hbm>>
      %dma_start3A_513 = tpu.memref_squeeze %dma_start3A_512 : memref<1x1x120x64xf32, #tpu.memory_space<hbm>> -> memref<120x64xf32, #tpu.memory_space<hbm>>
      %dma_start3A_514 = arith.constant 0 : i32
      %dma_start3A_515 = tpu.memref_slice %arg5[%arg0, %run_scoped3A_253, %add3A_252, %dma_start3A_514] : memref<2x2x10112x64xf32, #tpu.memory_space<hbm>> -> memref<1x1x120x64xf32, #tpu.memory_space<hbm>>
      %dma_start3A_516 = tpu.memref_squeeze %dma_start3A_515 : memref<1x1x120x64xf32, #tpu.memory_space<hbm>> -> memref<120x64xf32, #tpu.memory_space<hbm>>
      %dma_start3A_517 = arith.constant 0 : i32
      %dma_start3A_518 = arith.constant 0 : i32
      %dma_start3A_519 = tpu.memref_slice %arg12[%dma_start3A_517, %dma_start3A_518] : memref<128x64xf32, #tpu.memory_space<vmem>> -> memref<120x64xf32, #tpu.memory_space<vmem>>
      tpu.enqueue_dma source(%dma_start3A_519 : memref<120x64xf32, #tpu.memory_space<vmem>>) target(%dma_start3A_516 : memref<120x64xf32, #tpu.memory_space<hbm>>) target_semaphore(%run_scoped3A_507 : memref<!tpu.dma_semaphore, #tpu.memory_space<semaphore_mem>>)
      %dma_wait3A_520 = arith.constant 0 : i32
      %dma_wait3A_521 = arith.constant 0 : i32
      %dma_wait3A_522 = tpu.memref_slice %arg12[%dma_wait3A_520, %dma_wait3A_521] : memref<128x64xf32, #tpu.memory_space<vmem>> -> memref<120x64xf32, #tpu.memory_space<vmem>>
      %dma_wait3A_523 = arith.constant 0 : i32
      %dma_wait3A_524 = tpu.memref_slice %arg5[%arg0, %run_scoped3A_253, %add3A_252, %dma_wait3A_523] : memref<2x2x10112x64xf32, #tpu.memory_space<hbm>> -> memref<1x1x120x64xf32, #tpu.memory_space<hbm>>
      %dma_wait3A_525 = tpu.memref_squeeze %dma_wait3A_524 : memref<1x1x120x64xf32, #tpu.memory_space<hbm>> -> memref<120x64xf32, #tpu.memory_space<hbm>>
      %dma_wait3A_526 = arith.constant 0 : i32
      %dma_wait3A_527 = tpu.memref_slice %arg5[%arg0, %run_scoped3A_253, %add3A_252, %dma_wait3A_526] : memref<2x2x10112x64xf32, #tpu.memory_space<hbm>> -> memref<1x1x120x64xf32, #tpu.memory_space<hbm>>
      %dma_wait3A_528 = tpu.memref_squeeze %dma_wait3A_527 : memref<1x1x120x64xf32, #tpu.memory_space<hbm>> -> memref<120x64xf32, #tpu.memory_space<hbm>>
      %dma_wait3A_529 = arith.constant 0 : i32
      %dma_wait3A_530 = arith.constant 0 : i32
      %dma_wait3A_531 = tpu.memref_slice %arg12[%dma_wait3A_529, %dma_wait3A_530] : memref<128x64xf32, #tpu.memory_space<vmem>> -> memref<120x64xf32, #tpu.memory_space<vmem>>
      tpu.wait_dma2 semaphore(%run_scoped3A_507 : memref<!tpu.dma_semaphore, #tpu.memory_space<semaphore_mem>>) src(%dma_wait3A_531 : memref<120x64xf32, #tpu.memory_space<vmem>>) dst(%dma_wait3A_528 : memref<120x64xf32, #tpu.memory_space<hbm>>)
      tpu.yield
    }) : () -> ()
    %broadcast_in_dim3A_254 = arith.constant 0.000000e+00 : f32
    %broadcast_in_dim3A_255 = vector.broadcast %broadcast_in_dim3A_254 : f32 to vector<16xf32>
    %scan3A_256 = arith.constant 0 : i32
    %scan3A_257 = arith.constant 128 : i32
    %scan3A_258 = arith.addi %scan3A_256, %scan3A_257 : i32
    %scan3A_259 = arith.constant 1 : i32
    scf.for %scan3A_507 = %scan3A_256 to %scan3A_258 step %scan3A_259  : i32 {
      %mul3A_508 = arith.constant 1 : i32
      %mul3A_509 = arith.muli %scan3A_507, %mul3A_508 : i32
      %add3A_510 = arith.constant 0 : i32
      %add3A_511 = arith.addi %add3A_510, %mul3A_509 : i32
      %scan3A_512 = arith.constant 0 : i32
      %scan3A_513 = arith.constant 4 : i32
      %scan3A_514 = arith.addi %scan3A_512, %scan3A_513 : i32
      %scan3A_515 = arith.constant 1 : i32
      scf.for %scan3A_517 = %scan3A_512 to %scan3A_514 step %scan3A_515  : i32 {
        %mul3A_518 = arith.constant 16 : i32
        %mul3A_519 = arith.muli %scan3A_517, %mul3A_518 : i32
        %add3A_520 = arith.constant 0 : i32
        %add3A_521 = arith.addi %add3A_520, %mul3A_519 : i32
        %swap3A = arith.index_cast %add3A_511 : i32 to index
        %swap3A_522 = arith.index_cast %add3A_521 : i32 to index
        %swap3A_523 = tpu.vector_load %arg12[%swap3A, %swap3A_522] {strides = array<i32>} : memref<128x64xf32, #tpu.memory_space<vmem>>, vector<16xf32>,
        tpu.vector_store %arg12[%swap3A, %swap3A_522], %broadcast_in_dim3A_255 {strides = array<i32>} : memref<128x64xf32, #tpu.memory_space<vmem>>, vector<16xf32>,
      }
      %scan3A_516 = arith.constant 4 : i32
    }
    %scan3A_260 = arith.constant 128 : i32
    %broadcast_in_dim3A_261 = arith.constant 0.000000e+00 : f32
    %broadcast_in_dim3A_262 = vector.broadcast %broadcast_in_dim3A_261 : f32 to vector<16xf32>
    %scan3A_263 = arith.constant 0 : i32
    %scan3A_264 = arith.constant 128 : i32
    %scan3A_265 = arith.addi %scan3A_263, %scan3A_264 : i32
    %scan3A_266 = arith.constant 1 : i32
    scf.for %scan3A_507 = %scan3A_263 to %scan3A_265 step %scan3A_266  : i32 {
      %mul3A_508 = arith.constant 1 : i32
      %mul3A_509 = arith.muli %scan3A_507, %mul3A_508 : i32
      %add3A_510 = arith.constant 0 : i32
      %add3A_511 = arith.addi %add3A_510, %mul3A_509 : i32
      %scan3A_512 = arith.constant 0 : i32
      %scan3A_513 = arith.constant 4 : i32
      %scan3A_514 = arith.addi %scan3A_512, %scan3A_513 : i32
      %scan3A_515 = arith.constant 1 : i32
      scf.for %scan3A_517 = %scan3A_512 to %scan3A_514 step %scan3A_515  : i32 {
        %mul3A_518 = arith.constant 16 : i32
        %mul3A_519 = arith.muli %scan3A_517, %mul3A_518 : i32
        %add3A_520 = arith.constant 0 : i32
        %add3A_521 = arith.addi %add3A_520, %mul3A_519 : i32
        %swap3A = arith.index_cast %add3A_511 : i32 to index
        %swap3A_522 = arith.index_cast %add3A_521 : i32 to index
        %swap3A_523 = tpu.vector_load %arg13[%swap3A, %swap3A_522] {strides = array<i32>} : memref<128x64xf32, #tpu.memory_space<vmem>>, vector<16xf32>,
        tpu.vector_store %arg13[%swap3A, %swap3A_522], %broadcast_in_dim3A_262 {strides = array<i32>} : memref<128x64xf32, #tpu.memory_space<vmem>>, vector<16xf32>,
      }
      %scan3A_516 = arith.constant 4 : i32
    }
    %scan3A_267 = arith.constant 128 : i32
    %broadcast_in_dim3A_268 = arith.constant 0.000000e+00 : f32
    %broadcast_in_dim3A_269 = vector.broadcast %broadcast_in_dim3A_268 : f32 to vector<16xf32>
    %scan3A_270 = arith.constant 0 : i32
    %scan3A_271 = arith.constant 128 : i32
    %scan3A_272 = arith.addi %scan3A_270, %scan3A_271 : i32
    %scan3A_273 = arith.constant 1 : i32
    scf.for %scan3A_507 = %scan3A_270 to %scan3A_272 step %scan3A_273  : i32 {
      %mul3A_508 = arith.constant 1 : i32
      %mul3A_509 = arith.muli %scan3A_507, %mul3A_508 : i32
      %add3A_510 = arith.constant 0 : i32
      %add3A_511 = arith.addi %add3A_510, %mul3A_509 : i32
      %scan3A_512 = arith.constant 0 : i32
      %scan3A_513 = arith.constant 4 : i32
      %scan3A_514 = arith.addi %scan3A_512, %scan3A_513 : i32
      %scan3A_515 = arith.constant 1 : i32
      scf.for %scan3A_517 = %scan3A_512 to %scan3A_514 step %scan3A_515  : i32 {
        %mul3A_518 = arith.constant 16 : i32
        %mul3A_519 = arith.muli %scan3A_517, %mul3A_518 : i32
        %add3A_520 = arith.constant 0 : i32
        %add3A_521 = arith.addi %add3A_520, %mul3A_519 : i32
        %swap3A = arith.index_cast %add3A_511 : i32 to index
        %swap3A_522 = arith.index_cast %add3A_521 : i32 to index
        %swap3A_523 = tpu.vector_load %arg14[%swap3A, %swap3A_522] {strides = array<i32>} : memref<128x64xf32, #tpu.memory_space<vmem>>, vector<16xf32>,
        tpu.vector_store %arg14[%swap3A, %swap3A_522], %broadcast_in_dim3A_269 {strides = array<i32>} : memref<128x64xf32, #tpu.memory_space<vmem>>, vector<16xf32>,
      }
      %scan3A_516 = arith.constant 4 : i32
    }
    %scan3A_274 = arith.constant 128 : i32
    %broadcast_in_dim3A_275 = arith.constant 0.000000e+00 : f32
    %broadcast_in_dim3A_276 = vector.broadcast %broadcast_in_dim3A_275 : f32 to vector<16xf32>
    %scan3A_277 = arith.constant 0 : i32
    %scan3A_278 = arith.constant 128 : i32
    %scan3A_279 = arith.addi %scan3A_277, %scan3A_278 : i32
    %scan3A_280 = arith.constant 1 : i32
    scf.for %scan3A_507 = %scan3A_277 to %scan3A_279 step %scan3A_280  : i32 {
      %mul3A_508 = arith.constant 1 : i32
      %mul3A_509 = arith.muli %scan3A_507, %mul3A_508 : i32
      %add3A_510 = arith.constant 0 : i32
      %add3A_511 = arith.addi %add3A_510, %mul3A_509 : i32
      %scan3A_512 = arith.constant 0 : i32
      %scan3A_513 = arith.constant 4 : i32
      %scan3A_514 = arith.addi %scan3A_512, %scan3A_513 : i32
      %scan3A_515 = arith.constant 1 : i32
      scf.for %scan3A_517 = %scan3A_512 to %scan3A_514 step %scan3A_515  : i32 {
        %mul3A_518 = arith.constant 16 : i32
        %mul3A_519 = arith.muli %scan3A_517, %mul3A_518 : i32
        %add3A_520 = arith.constant 0 : i32
        %add3A_521 = arith.addi %add3A_520, %mul3A_519 : i32
        %swap3A = arith.index_cast %add3A_511 : i32 to index
        %swap3A_522 = arith.index_cast %add3A_521 : i32 to index
        %swap3A_523 = tpu.vector_load %arg15[%swap3A, %swap3A_522] {strides = array<i32>} : memref<128x64xf32, #tpu.memory_space<vmem>>, vector<16xf32>,
        tpu.vector_store %arg15[%swap3A, %swap3A_522], %broadcast_in_dim3A_276 {strides = array<i32>} : memref<128x64xf32, #tpu.memory_space<vmem>>, vector<16xf32>,
      }
      %scan3A_516 = arith.constant 4 : i32
    }
    %scan3A_281 = arith.constant 128 : i32
    %mul3A_282 = arith.constant 632 : i32
    %mul3A_283 = arith.muli %arg1, %mul3A_282 : i32
    %add3A_284 = arith.constant 0 : i32
    %add3A_285 = arith.addi %mul3A_283, %add3A_284 : i32
    "tpu.region"() ({
      %run_scoped3A_507 = tpu.sem_alloc : memref<!tpu.dma_semaphore, #tpu.memory_space<semaphore_mem>>
      %dma_start3A_508 = arith.constant 0 : i32
      %dma_start3A_509 = arith.constant 0 : i32
      %dma_start3A_510 = tpu.memref_slice %arg12[%dma_start3A_508, %dma_start3A_509] : memref<128x64xf32, #tpu.memory_space<vmem>> -> memref<128x64xf32, #tpu.memory_space<vmem>>
      %dma_start3A_511 = arith.constant 0 : i32
      %dma_start3A_512 = tpu.memref_slice %arg24[%add3A_285, %dma_start3A_511] : memref<10112x64xf32, #tpu.memory_space<vmem_shared>> -> memref<128x64xf32, #tpu.memory_space<vmem_shared>>
      %dma_start3A_513 = arith.constant 0 : i32
      %dma_start3A_514 = tpu.memref_slice %arg24[%add3A_285, %dma_start3A_513] : memref<10112x64xf32, #tpu.memory_space<vmem_shared>> -> memref<128x64xf32, #tpu.memory_space<vmem_shared>>
      %dma_start3A_515 = arith.constant 0 : i32
      %dma_start3A_516 = arith.constant 0 : i32
      %dma_start3A_517 = tpu.memref_slice %arg12[%dma_start3A_515, %dma_start3A_516] : memref<128x64xf32, #tpu.memory_space<vmem>> -> memref<128x64xf32, #tpu.memory_space<vmem>>
      tpu.enqueue_dma source(%dma_start3A_517 : memref<128x64xf32, #tpu.memory_space<vmem>>) target(%dma_start3A_514 : memref<128x64xf32, #tpu.memory_space<vmem_shared>>) target_semaphore(%run_scoped3A_507 : memref<!tpu.dma_semaphore, #tpu.memory_space<semaphore_mem>>)
      %dma_wait3A_518 = arith.constant 0 : i32
      %dma_wait3A_519 = arith.constant 0 : i32
      %dma_wait3A_520 = tpu.memref_slice %arg12[%dma_wait3A_518, %dma_wait3A_519] : memref<128x64xf32, #tpu.memory_space<vmem>> -> memref<128x64xf32, #tpu.memory_space<vmem>>
      %dma_wait3A_521 = arith.constant 0 : i32
      %dma_wait3A_522 = tpu.memref_slice %arg24[%add3A_285, %dma_wait3A_521] : memref<10112x64xf32, #tpu.memory_space<vmem_shared>> -> memref<128x64xf32, #tpu.memory_space<vmem_shared>>
      %dma_wait3A_523 = arith.constant 0 : i32
      %dma_wait3A_524 = tpu.memref_slice %arg24[%add3A_285, %dma_wait3A_523] : memref<10112x64xf32, #tpu.memory_space<vmem_shared>> -> memref<128x64xf32, #tpu.memory_space<vmem_shared>>
      %dma_wait3A_525 = arith.constant 0 : i32
      %dma_wait3A_526 = arith.constant 0 : i32
      %dma_wait3A_527 = tpu.memref_slice %arg12[%dma_wait3A_525, %dma_wait3A_526] : memref<128x64xf32, #tpu.memory_space<vmem>> -> memref<128x64xf32, #tpu.memory_space<vmem>>
      tpu.wait_dma2 semaphore(%run_scoped3A_507 : memref<!tpu.dma_semaphore, #tpu.memory_space<semaphore_mem>>) src(%dma_wait3A_527 : memref<128x64xf32, #tpu.memory_space<vmem>>) dst(%dma_wait3A_524 : memref<128x64xf32, #tpu.memory_space<vmem_shared>>)
      tpu.yield
    }) : () -> ()
    %mul3A_286 = arith.constant 632 : i32
    %mul3A_287 = arith.muli %arg1, %mul3A_286 : i32
    %add3A_288 = arith.constant 128 : i32
    %add3A_289 = arith.addi %mul3A_287, %add3A_288 : i32
    "tpu.region"() ({
      %run_scoped3A_507 = tpu.sem_alloc : memref<!tpu.dma_semaphore, #tpu.memory_space<semaphore_mem>>
      %dma_start3A_508 = arith.constant 0 : i32
      %dma_start3A_509 = arith.constant 0 : i32
      %dma_start3A_510 = tpu.memref_slice %arg12[%dma_start3A_508, %dma_start3A_509] : memref<128x64xf32, #tpu.memory_space<vmem>> -> memref<128x64xf32, #tpu.memory_space<vmem>>
      %dma_start3A_511 = arith.constant 0 : i32
      %dma_start3A_512 = tpu.memref_slice %arg24[%add3A_289, %dma_start3A_511] : memref<10112x64xf32, #tpu.memory_space<vmem_shared>> -> memref<128x64xf32, #tpu.memory_space<vmem_shared>>
      %dma_start3A_513 = arith.constant 0 : i32
      %dma_start3A_514 = tpu.memref_slice %arg24[%add3A_289, %dma_start3A_513] : memref<10112x64xf32, #tpu.memory_space<vmem_shared>> -> memref<128x64xf32, #tpu.memory_space<vmem_shared>>
      %dma_start3A_515 = arith.constant 0 : i32
      %dma_start3A_516 = arith.constant 0 : i32
      %dma_start3A_517 = tpu.memref_slice %arg12[%dma_start3A_515, %dma_start3A_516] : memref<128x64xf32, #tpu.memory_space<vmem>> -> memref<128x64xf32, #tpu.memory_space<vmem>>
      tpu.enqueue_dma source(%dma_start3A_517 : memref<128x64xf32, #tpu.memory_space<vmem>>) target(%dma_start3A_514 : memref<128x64xf32, #tpu.memory_space<vmem_shared>>) target_semaphore(%run_scoped3A_507 : memref<!tpu.dma_semaphore, #tpu.memory_space<semaphore_mem>>)
      %dma_wait3A_518 = arith.constant 0 : i32
      %dma_wait3A_519 = arith.constant 0 : i32
      %dma_wait3A_520 = tpu.memref_slice %arg12[%dma_wait3A_518, %dma_wait3A_519] : memref<128x64xf32, #tpu.memory_space<vmem>> -> memref<128x64xf32, #tpu.memory_space<vmem>>
      %dma_wait3A_521 = arith.constant 0 : i32
      %dma_wait3A_522 = tpu.memref_slice %arg24[%add3A_289, %dma_wait3A_521] : memref<10112x64xf32, #tpu.memory_space<vmem_shared>> -> memref<128x64xf32, #tpu.memory_space<vmem_shared>>
      %dma_wait3A_523 = arith.constant 0 : i32
      %dma_wait3A_524 = tpu.memref_slice %arg24[%add3A_289, %dma_wait3A_523] : memref<10112x64xf32, #tpu.memory_space<vmem_shared>> -> memref<128x64xf32, #tpu.memory_space<vmem_shared>>
      %dma_wait3A_525 = arith.constant 0 : i32
      %dma_wait3A_526 = arith.constant 0 : i32
      %dma_wait3A_527 = tpu.memref_slice %arg12[%dma_wait3A_525, %dma_wait3A_526] : memref<128x64xf32, #tpu.memory_space<vmem>> -> memref<128x64xf32, #tpu.memory_space<vmem>>
      tpu.wait_dma2 semaphore(%run_scoped3A_507 : memref<!tpu.dma_semaphore, #tpu.memory_space<semaphore_mem>>) src(%dma_wait3A_527 : memref<128x64xf32, #tpu.memory_space<vmem>>) dst(%dma_wait3A_524 : memref<128x64xf32, #tpu.memory_space<vmem_shared>>)
      tpu.yield
    }) : () -> ()
    %mul3A_290 = arith.constant 632 : i32
    %mul3A_291 = arith.muli %arg1, %mul3A_290 : i32
    %add3A_292 = arith.constant 256 : i32
    %add3A_293 = arith.addi %mul3A_291, %add3A_292 : i32
    "tpu.region"() ({
      %run_scoped3A_507 = tpu.sem_alloc : memref<!tpu.dma_semaphore, #tpu.memory_space<semaphore_mem>>
      %dma_start3A_508 = arith.constant 0 : i32
      %dma_start3A_509 = arith.constant 0 : i32
      %dma_start3A_510 = tpu.memref_slice %arg12[%dma_start3A_508, %dma_start3A_509] : memref<128x64xf32, #tpu.memory_space<vmem>> -> memref<128x64xf32, #tpu.memory_space<vmem>>
      %dma_start3A_511 = arith.constant 0 : i32
      %dma_start3A_512 = tpu.memref_slice %arg24[%add3A_293, %dma_start3A_511] : memref<10112x64xf32, #tpu.memory_space<vmem_shared>> -> memref<128x64xf32, #tpu.memory_space<vmem_shared>>
      %dma_start3A_513 = arith.constant 0 : i32
      %dma_start3A_514 = tpu.memref_slice %arg24[%add3A_293, %dma_start3A_513] : memref<10112x64xf32, #tpu.memory_space<vmem_shared>> -> memref<128x64xf32, #tpu.memory_space<vmem_shared>>
      %dma_start3A_515 = arith.constant 0 : i32
      %dma_start3A_516 = arith.constant 0 : i32
      %dma_start3A_517 = tpu.memref_slice %arg12[%dma_start3A_515, %dma_start3A_516] : memref<128x64xf32, #tpu.memory_space<vmem>> -> memref<128x64xf32, #tpu.memory_space<vmem>>
      tpu.enqueue_dma source(%dma_start3A_517 : memref<128x64xf32, #tpu.memory_space<vmem>>) target(%dma_start3A_514 : memref<128x64xf32, #tpu.memory_space<vmem_shared>>) target_semaphore(%run_scoped3A_507 : memref<!tpu.dma_semaphore, #tpu.memory_space<semaphore_mem>>)
      %dma_wait3A_518 = arith.constant 0 : i32
      %dma_wait3A_519 = arith.constant 0 : i32
      %dma_wait3A_520 = tpu.memref_slice %arg12[%dma_wait3A_518, %dma_wait3A_519] : memref<128x64xf32, #tpu.memory_space<vmem>> -> memref<128x64xf32, #tpu.memory_space<vmem>>
      %dma_wait3A_521 = arith.constant 0 : i32
      %dma_wait3A_522 = tpu.memref_slice %arg24[%add3A_293, %dma_wait3A_521] : memref<10112x64xf32, #tpu.memory_space<vmem_shared>> -> memref<128x64xf32, #tpu.memory_space<vmem_shared>>
      %dma_wait3A_523 = arith.constant 0 : i32
      %dma_wait3A_524 = tpu.memref_slice %arg24[%add3A_293, %dma_wait3A_523] : memref<10112x64xf32, #tpu.memory_space<vmem_shared>> -> memref<128x64xf32, #tpu.memory_space<vmem_shared>>
      %dma_wait3A_525 = arith.constant 0 : i32
      %dma_wait3A_526 = arith.constant 0 : i32
      %dma_wait3A_527 = tpu.memref_slice %arg12[%dma_wait3A_525, %dma_wait3A_526] : memref<128x64xf32, #tpu.memory_space<vmem>> -> memref<128x64xf32, #tpu.memory_space<vmem>>
      tpu.wait_dma2 semaphore(%run_scoped3A_507 : memref<!tpu.dma_semaphore, #tpu.memory_space<semaphore_mem>>) src(%dma_wait3A_527 : memref<128x64xf32, #tpu.memory_space<vmem>>) dst(%dma_wait3A_524 : memref<128x64xf32, #tpu.memory_space<vmem_shared>>)
      tpu.yield
    }) : () -> ()
    %mul3A_294 = arith.constant 632 : i32
    %mul3A_295 = arith.muli %arg1, %mul3A_294 : i32
    %add3A_296 = arith.constant 384 : i32
    %add3A_297 = arith.addi %mul3A_295, %add3A_296 : i32
    "tpu.region"() ({
      %run_scoped3A_507 = tpu.sem_alloc : memref<!tpu.dma_semaphore, #tpu.memory_space<semaphore_mem>>
      %dma_start3A_508 = arith.constant 0 : i32
      %dma_start3A_509 = arith.constant 0 : i32
      %dma_start3A_510 = tpu.memref_slice %arg12[%dma_start3A_508, %dma_start3A_509] : memref<128x64xf32, #tpu.memory_space<vmem>> -> memref<128x64xf32, #tpu.memory_space<vmem>>
      %dma_start3A_511 = arith.constant 0 : i32
      %dma_start3A_512 = tpu.memref_slice %arg24[%add3A_297, %dma_start3A_511] : memref<10112x64xf32, #tpu.memory_space<vmem_shared>> -> memref<128x64xf32, #tpu.memory_space<vmem_shared>>
      %dma_start3A_513 = arith.constant 0 : i32
      %dma_start3A_514 = tpu.memref_slice %arg24[%add3A_297, %dma_start3A_513] : memref<10112x64xf32, #tpu.memory_space<vmem_shared>> -> memref<128x64xf32, #tpu.memory_space<vmem_shared>>
      %dma_start3A_515 = arith.constant 0 : i32
      %dma_start3A_516 = arith.constant 0 : i32
      %dma_start3A_517 = tpu.memref_slice %arg12[%dma_start3A_515, %dma_start3A_516] : memref<128x64xf32, #tpu.memory_space<vmem>> -> memref<128x64xf32, #tpu.memory_space<vmem>>
      tpu.enqueue_dma source(%dma_start3A_517 : memref<128x64xf32, #tpu.memory_space<vmem>>) target(%dma_start3A_514 : memref<128x64xf32, #tpu.memory_space<vmem_shared>>) target_semaphore(%run_scoped3A_507 : memref<!tpu.dma_semaphore, #tpu.memory_space<semaphore_mem>>)
      %dma_wait3A_518 = arith.constant 0 : i32
      %dma_wait3A_519 = arith.constant 0 : i32
      %dma_wait3A_520 = tpu.memref_slice %arg12[%dma_wait3A_518, %dma_wait3A_519] : memref<128x64xf32, #tpu.memory_space<vmem>> -> memref<128x64xf32, #tpu.memory_space<vmem>>
      %dma_wait3A_521 = arith.constant 0 : i32
      %dma_wait3A_522 = tpu.memref_slice %arg24[%add3A_297, %dma_wait3A_521] : memref<10112x64xf32, #tpu.memory_space<vmem_shared>> -> memref<128x64xf32, #tpu.memory_space<vmem_shared>>
      %dma_wait3A_523 = arith.constant 0 : i32
      %dma_wait3A_524 = tpu.memref_slice %arg24[%add3A_297, %dma_wait3A_523] : memref<10112x64xf32, #tpu.memory_space<vmem_shared>> -> memref<128x64xf32, #tpu.memory_space<vmem_shared>>
      %dma_wait3A_525 = arith.constant 0 : i32
      %dma_wait3A_526 = arith.constant 0 : i32
      %dma_wait3A_527 = tpu.memref_slice %arg12[%dma_wait3A_525, %dma_wait3A_526] : memref<128x64xf32, #tpu.memory_space<vmem>> -> memref<128x64xf32, #tpu.memory_space<vmem>>
      tpu.wait_dma2 semaphore(%run_scoped3A_507 : memref<!tpu.dma_semaphore, #tpu.memory_space<semaphore_mem>>) src(%dma_wait3A_527 : memref<128x64xf32, #tpu.memory_space<vmem>>) dst(%dma_wait3A_524 : memref<128x64xf32, #tpu.memory_space<vmem_shared>>)
      tpu.yield
    }) : () -> ()
    %mul3A_298 = arith.constant 632 : i32
    %mul3A_299 = arith.muli %arg1, %mul3A_298 : i32
    %add3A_300 = arith.constant 512 : i32
    %add3A_301 = arith.addi %mul3A_299, %add3A_300 : i32
    "tpu.region"() ({
      %run_scoped3A_507 = tpu.sem_alloc : memref<!tpu.dma_semaphore, #tpu.memory_space<semaphore_mem>>
      %dma_start3A_508 = arith.constant 0 : i32
      %dma_start3A_509 = arith.constant 0 : i32
      %dma_start3A_510 = tpu.memref_slice %arg12[%dma_start3A_508, %dma_start3A_509] : memref<128x64xf32, #tpu.memory_space<vmem>> -> memref<120x64xf32, #tpu.memory_space<vmem>>
      %dma_start3A_511 = arith.constant 0 : i32
      %dma_start3A_512 = tpu.memref_slice %arg24[%add3A_301, %dma_start3A_511] : memref<10112x64xf32, #tpu.memory_space<vmem_shared>> -> memref<120x64xf32, #tpu.memory_space<vmem_shared>>
      %dma_start3A_513 = arith.constant 0 : i32
      %dma_start3A_514 = tpu.memref_slice %arg24[%add3A_301, %dma_start3A_513] : memref<10112x64xf32, #tpu.memory_space<vmem_shared>> -> memref<120x64xf32, #tpu.memory_space<vmem_shared>>
      %dma_start3A_515 = arith.constant 0 : i32
      %dma_start3A_516 = arith.constant 0 : i32
      %dma_start3A_517 = tpu.memref_slice %arg12[%dma_start3A_515, %dma_start3A_516] : memref<128x64xf32, #tpu.memory_space<vmem>> -> memref<120x64xf32, #tpu.memory_space<vmem>>
      tpu.enqueue_dma source(%dma_start3A_517 : memref<120x64xf32, #tpu.memory_space<vmem>>) target(%dma_start3A_514 : memref<120x64xf32, #tpu.memory_space<vmem_shared>>) target_semaphore(%run_scoped3A_507 : memref<!tpu.dma_semaphore, #tpu.memory_space<semaphore_mem>>)
      %dma_wait3A_518 = arith.constant 0 : i32
      %dma_wait3A_519 = arith.constant 0 : i32
      %dma_wait3A_520 = tpu.memref_slice %arg12[%dma_wait3A_518, %dma_wait3A_519] : memref<128x64xf32, #tpu.memory_space<vmem>> -> memref<120x64xf32, #tpu.memory_space<vmem>>
      %dma_wait3A_521 = arith.constant 0 : i32
      %dma_wait3A_522 = tpu.memref_slice %arg24[%add3A_301, %dma_wait3A_521] : memref<10112x64xf32, #tpu.memory_space<vmem_shared>> -> memref<120x64xf32, #tpu.memory_space<vmem_shared>>
      %dma_wait3A_523 = arith.constant 0 : i32
      %dma_wait3A_524 = tpu.memref_slice %arg24[%add3A_301, %dma_wait3A_523] : memref<10112x64xf32, #tpu.memory_space<vmem_shared>> -> memref<120x64xf32, #tpu.memory_space<vmem_shared>>
      %dma_wait3A_525 = arith.constant 0 : i32
      %dma_wait3A_526 = arith.constant 0 : i32
      %dma_wait3A_527 = tpu.memref_slice %arg12[%dma_wait3A_525, %dma_wait3A_526] : memref<128x64xf32, #tpu.memory_space<vmem>> -> memref<120x64xf32, #tpu.memory_space<vmem>>
      tpu.wait_dma2 semaphore(%run_scoped3A_507 : memref<!tpu.dma_semaphore, #tpu.memory_space<semaphore_mem>>) src(%dma_wait3A_527 : memref<120x64xf32, #tpu.memory_space<vmem>>) dst(%dma_wait3A_524 : memref<120x64xf32, #tpu.memory_space<vmem_shared>>)
      tpu.yield
    }) : () -> ()
    %barrier3A_302 = arith.constant 0 : index
    tpu.barrier barrier_id(%barrier3A_302)
    %dma_start3A_303 = arith.constant 1 : i32
    %dma_start3A_304 = arith.constant 0 : i32
    %dma_start3A_305 = arith.constant 0 : i32
    %dma_start3A_306 = tpu.memref_slice %arg6[%dma_start3A_304, %dma_start3A_305] : memref<164x128xi32, #tpu.memory_space<vmem>> -> memref<1x128xi32, #tpu.memory_space<vmem>>
    %dma_start3A_307 = tpu.memref_squeeze %dma_start3A_306 : memref<1x128xi32, #tpu.memory_space<vmem>> -> memref<128xi32, #tpu.memory_space<vmem>>
    %dma_start3A_308 = arith.constant 0 : i32
    %dma_start3A_309 = arith.constant 0 : i32
    %dma_start3A_310 = tpu.memref_slice %arg2[%arg0, %dma_start3A_303, %dma_start3A_308, %dma_start3A_309] : memref<2x2x10112x32xi32, #tpu.memory_space<hbm>> -> memref<1x1x10112x32xi32, #tpu.memory_space<hbm>>
    %dma_start3A_311 = tpu.memref_squeeze %dma_start3A_310 : memref<1x1x10112x32xi32, #tpu.memory_space<hbm>> -> memref<10112x32xi32, #tpu.memory_space<hbm>>
    %dma_start3A_312 = arith.constant 0 : i32
    %dma_start3A_313 = arith.constant 0 : i32
    %dma_start3A_314 = tpu.memref_slice %dma_start3A_311[%dma_start3A_312, %dma_start3A_313] : memref<10112x32xi32, #tpu.memory_space<hbm>> -> memref<10112x32xi32, #tpu.memory_space<hbm>>
    tpu.enqueue_indirect_dma source(%dma_start3A_314 : memref<10112x32xi32, #tpu.memory_space<hbm>>) target(%arg8 : memref<128x32xi32, #tpu.memory_space<vmem>>) offsets(%dma_start3A_307 : memref<128xi32, #tpu.memory_space<vmem>>) semaphore(%arg16 : memref<!tpu.dma_semaphore, #tpu.memory_space<semaphore_mem>>)
    %dma_start3A_315 = arith.constant 160 : i32
    %dma_start3A_316 = arith.constant 0 : i32
    %dma_start3A_317 = tpu.memref_slice %arg6[%dma_start3A_315, %dma_start3A_316] : memref<164x128xi32, #tpu.memory_space<vmem>> -> memref<1x128xi32, #tpu.memory_space<vmem>>
    %dma_start3A_318 = tpu.memref_squeeze %dma_start3A_317 : memref<1x128xi32, #tpu.memory_space<vmem>> -> memref<128xi32, #tpu.memory_space<vmem>>
    %dma_start3A_319 = arith.constant 0 : i32
    %dma_start3A_320 = arith.constant 0 : i32
    %dma_start3A_321 = tpu.memref_slice %arg24[%dma_start3A_319, %dma_start3A_320] : memref<10112x64xf32, #tpu.memory_space<vmem_shared>> -> memref<10112x64xf32, #tpu.memory_space<vmem_shared>>
    tpu.enqueue_indirect_dma source(%arg12 : memref<128x64xf32, #tpu.memory_space<vmem>>) target(%dma_start3A_321 : memref<10112x64xf32, #tpu.memory_space<vmem_shared>>) offsets(%dma_start3A_318 : memref<128xi32, #tpu.memory_space<vmem>>) semaphore(%arg20 : memref<!tpu.dma_semaphore, #tpu.memory_space<semaphore_mem>>) {add = true}
    %dma_start3A_322 = arith.constant 1 : i32
    %dma_start3A_323 = arith.constant 1 : i32
    %dma_start3A_324 = arith.constant 0 : i32
    %dma_start3A_325 = tpu.memref_slice %arg6[%dma_start3A_323, %dma_start3A_324] : memref<164x128xi32, #tpu.memory_space<vmem>> -> memref<1x128xi32, #tpu.memory_space<vmem>>
    %dma_start3A_326 = tpu.memref_squeeze %dma_start3A_325 : memref<1x128xi32, #tpu.memory_space<vmem>> -> memref<128xi32, #tpu.memory_space<vmem>>
    %dma_start3A_327 = arith.constant 0 : i32
    %dma_start3A_328 = arith.constant 0 : i32
    %dma_start3A_329 = tpu.memref_slice %arg2[%arg0, %dma_start3A_322, %dma_start3A_327, %dma_start3A_328] : memref<2x2x10112x32xi32, #tpu.memory_space<hbm>> -> memref<1x1x10112x32xi32, #tpu.memory_space<hbm>>
    %dma_start3A_330 = tpu.memref_squeeze %dma_start3A_329 : memref<1x1x10112x32xi32, #tpu.memory_space<hbm>> -> memref<10112x32xi32, #tpu.memory_space<hbm>>
    %dma_start3A_331 = arith.constant 0 : i32
    %dma_start3A_332 = arith.constant 0 : i32
    %dma_start3A_333 = tpu.memref_slice %dma_start3A_330[%dma_start3A_331, %dma_start3A_332] : memref<10112x32xi32, #tpu.memory_space<hbm>> -> memref<10112x32xi32, #tpu.memory_space<hbm>>
    tpu.enqueue_indirect_dma source(%dma_start3A_333 : memref<10112x32xi32, #tpu.memory_space<hbm>>) target(%arg9 : memref<128x32xi32, #tpu.memory_space<vmem>>) offsets(%dma_start3A_326 : memref<128xi32, #tpu.memory_space<vmem>>) semaphore(%arg17 : memref<!tpu.dma_semaphore, #tpu.memory_space<semaphore_mem>>)
    %dma_start3A_334 = arith.constant 160 : i32
    %dma_start3A_335 = arith.constant 0 : i32
    %dma_start3A_336 = tpu.memref_slice %arg6[%dma_start3A_334, %dma_start3A_335] : memref<164x128xi32, #tpu.memory_space<vmem>> -> memref<1x128xi32, #tpu.memory_space<vmem>>
    %dma_start3A_337 = tpu.memref_squeeze %dma_start3A_336 : memref<1x128xi32, #tpu.memory_space<vmem>> -> memref<128xi32, #tpu.memory_space<vmem>>
    %dma_start3A_338 = arith.constant 0 : i32
    %dma_start3A_339 = arith.constant 0 : i32
    %dma_start3A_340 = tpu.memref_slice %arg24[%dma_start3A_338, %dma_start3A_339] : memref<10112x64xf32, #tpu.memory_space<vmem_shared>> -> memref<10112x64xf32, #tpu.memory_space<vmem_shared>>
    tpu.enqueue_indirect_dma source(%arg13 : memref<128x64xf32, #tpu.memory_space<vmem>>) target(%dma_start3A_340 : memref<10112x64xf32, #tpu.memory_space<vmem_shared>>) offsets(%dma_start3A_337 : memref<128xi32, #tpu.memory_space<vmem>>) semaphore(%arg21 : memref<!tpu.dma_semaphore, #tpu.memory_space<semaphore_mem>>) {add = true}
    %dma_start3A_341 = arith.constant 1 : i32
    %dma_start3A_342 = arith.constant 2 : i32
    %dma_start3A_343 = arith.constant 0 : i32
    %dma_start3A_344 = tpu.memref_slice %arg6[%dma_start3A_342, %dma_start3A_343] : memref<164x128xi32, #tpu.memory_space<vmem>> -> memref<1x128xi32, #tpu.memory_space<vmem>>
    %dma_start3A_345 = tpu.memref_squeeze %dma_start3A_344 : memref<1x128xi32, #tpu.memory_space<vmem>> -> memref<128xi32, #tpu.memory_space<vmem>>
    %dma_start3A_346 = arith.constant 0 : i32
    %dma_start3A_347 = arith.constant 0 : i32
    %dma_start3A_348 = tpu.memref_slice %arg2[%arg0, %dma_start3A_341, %dma_start3A_346, %dma_start3A_347] : memref<2x2x10112x32xi32, #tpu.memory_space<hbm>> -> memref<1x1x10112x32xi32, #tpu.memory_space<hbm>>
    %dma_start3A_349 = tpu.memref_squeeze %dma_start3A_348 : memref<1x1x10112x32xi32, #tpu.memory_space<hbm>> -> memref<10112x32xi32, #tpu.memory_space<hbm>>
    %dma_start3A_350 = arith.constant 0 : i32
    %dma_start3A_351 = arith.constant 0 : i32
    %dma_start3A_352 = tpu.memref_slice %dma_start3A_349[%dma_start3A_350, %dma_start3A_351] : memref<10112x32xi32, #tpu.memory_space<hbm>> -> memref<10112x32xi32, #tpu.memory_space<hbm>>
    tpu.enqueue_indirect_dma source(%dma_start3A_352 : memref<10112x32xi32, #tpu.memory_space<hbm>>) target(%arg10 : memref<128x32xi32, #tpu.memory_space<vmem>>) offsets(%dma_start3A_345 : memref<128xi32, #tpu.memory_space<vmem>>) semaphore(%arg18 : memref<!tpu.dma_semaphore, #tpu.memory_space<semaphore_mem>>)
    %dma_start3A_353 = arith.constant 160 : i32
    %dma_start3A_354 = arith.constant 0 : i32
    %dma_start3A_355 = tpu.memref_slice %arg6[%dma_start3A_353, %dma_start3A_354] : memref<164x128xi32, #tpu.memory_space<vmem>> -> memref<1x128xi32, #tpu.memory_space<vmem>>
    %dma_start3A_356 = tpu.memref_squeeze %dma_start3A_355 : memref<1x128xi32, #tpu.memory_space<vmem>> -> memref<128xi32, #tpu.memory_space<vmem>>
    %dma_start3A_357 = arith.constant 0 : i32
    %dma_start3A_358 = arith.constant 0 : i32
    %dma_start3A_359 = tpu.memref_slice %arg24[%dma_start3A_357, %dma_start3A_358] : memref<10112x64xf32, #tpu.memory_space<vmem_shared>> -> memref<10112x64xf32, #tpu.memory_space<vmem_shared>>
    tpu.enqueue_indirect_dma source(%arg14 : memref<128x64xf32, #tpu.memory_space<vmem>>) target(%dma_start3A_359 : memref<10112x64xf32, #tpu.memory_space<vmem_shared>>) offsets(%dma_start3A_356 : memref<128xi32, #tpu.memory_space<vmem>>) semaphore(%arg22 : memref<!tpu.dma_semaphore, #tpu.memory_space<semaphore_mem>>) {add = true}
    %dma_start3A_360 = arith.constant 1 : i32
    %dma_start3A_361 = arith.constant 3 : i32
    %dma_start3A_362 = arith.constant 0 : i32
    %dma_start3A_363 = tpu.memref_slice %arg6[%dma_start3A_361, %dma_start3A_362] : memref<164x128xi32, #tpu.memory_space<vmem>> -> memref<1x128xi32, #tpu.memory_space<vmem>>
    %dma_start3A_364 = tpu.memref_squeeze %dma_start3A_363 : memref<1x128xi32, #tpu.memory_space<vmem>> -> memref<128xi32, #tpu.memory_space<vmem>>
    %dma_start3A_365 = arith.constant 0 : i32
    %dma_start3A_366 = arith.constant 0 : i32
    %dma_start3A_367 = tpu.memref_slice %arg2[%arg0, %dma_start3A_360, %dma_start3A_365, %dma_start3A_366] : memref<2x2x10112x32xi32, #tpu.memory_space<hbm>> -> memref<1x1x10112x32xi32, #tpu.memory_space<hbm>>
    %dma_start3A_368 = tpu.memref_squeeze %dma_start3A_367 : memref<1x1x10112x32xi32, #tpu.memory_space<hbm>> -> memref<10112x32xi32, #tpu.memory_space<hbm>>
    %dma_start3A_369 = arith.constant 0 : i32
    %dma_start3A_370 = arith.constant 0 : i32
    %dma_start3A_371 = tpu.memref_slice %dma_start3A_368[%dma_start3A_369, %dma_start3A_370] : memref<10112x32xi32, #tpu.memory_space<hbm>> -> memref<10112x32xi32, #tpu.memory_space<hbm>>
    tpu.enqueue_indirect_dma source(%dma_start3A_371 : memref<10112x32xi32, #tpu.memory_space<hbm>>) target(%arg11 : memref<128x32xi32, #tpu.memory_space<vmem>>) offsets(%dma_start3A_364 : memref<128xi32, #tpu.memory_space<vmem>>) semaphore(%arg19 : memref<!tpu.dma_semaphore, #tpu.memory_space<semaphore_mem>>)
    %dma_start3A_372 = arith.constant 160 : i32
    %dma_start3A_373 = arith.constant 0 : i32
    %dma_start3A_374 = tpu.memref_slice %arg6[%dma_start3A_372, %dma_start3A_373] : memref<164x128xi32, #tpu.memory_space<vmem>> -> memref<1x128xi32, #tpu.memory_space<vmem>>
    %dma_start3A_375 = tpu.memref_squeeze %dma_start3A_374 : memref<1x128xi32, #tpu.memory_space<vmem>> -> memref<128xi32, #tpu.memory_space<vmem>>
    %dma_start3A_376 = arith.constant 0 : i32
    %dma_start3A_377 = arith.constant 0 : i32
    %dma_start3A_378 = tpu.memref_slice %arg24[%dma_start3A_376, %dma_start3A_377] : memref<10112x64xf32, #tpu.memory_space<vmem_shared>> -> memref<10112x64xf32, #tpu.memory_space<vmem_shared>>
    tpu.enqueue_indirect_dma source(%arg15 : memref<128x64xf32, #tpu.memory_space<vmem>>) target(%dma_start3A_378 : memref<10112x64xf32, #tpu.memory_space<vmem_shared>>) offsets(%dma_start3A_375 : memref<128xi32, #tpu.memory_space<vmem>>) semaphore(%arg23 : memref<!tpu.dma_semaphore, #tpu.memory_space<semaphore_mem>>) {add = true}
    %scan3A_379 = arith.constant 1 : i32
    %scan3A_380 = arith.constant 0 : i32
    %scan3A_381 = arith.constant 40 : i32
    %scan3A_382 = arith.addi %scan3A_380, %scan3A_381 : i32
    %scan3A_383 = arith.constant 1 : i32
    scf.for %scan3A_507 = %scan3A_380 to %scan3A_382 step %scan3A_383  : i32 {
      %mul3A_508 = arith.constant 4 : i32
      %mul3A_509 = arith.muli %scan3A_507, %mul3A_508 : i32
      %add3A_510 = arith.constant 0 : i32
      %add3A_511 = arith.addi %add3A_510, %mul3A_509 : i32
      %add3A_512 = arith.constant 0 : i32
      %add3A_513 = arith.addi %add3A_511, %add3A_512 : i32
      %dma_wait3A_514 = arith.constant 0 : i32
      %dma_wait3A_515 = tpu.memref_slice %arg6[%add3A_513, %dma_wait3A_514] : memref<164x128xi32, #tpu.memory_space<vmem>> -> memref<1x128xi32, #tpu.memory_space<vmem>>
      %dma_wait3A_516 = tpu.memref_squeeze %dma_wait3A_515 : memref<1x128xi32, #tpu.memory_space<vmem>> -> memref<128xi32, #tpu.memory_space<vmem>>
      %dma_wait3A_517 = arith.constant 0 : i32
      %dma_wait3A_518 = arith.constant 0 : i32
      %dma_wait3A_519 = tpu.memref_slice %arg2[%arg0, %scan3A_379, %dma_wait3A_517, %dma_wait3A_518] : memref<2x2x10112x32xi32, #tpu.memory_space<hbm>> -> memref<1x1x10112x32xi32, #tpu.memory_space<hbm>>
      %dma_wait3A_520 = tpu.memref_squeeze %dma_wait3A_519 : memref<1x1x10112x32xi32, #tpu.memory_space<hbm>> -> memref<10112x32xi32, #tpu.memory_space<hbm>>
      %dma_wait3A_521 = arith.constant 0 : i32
      %dma_wait3A_522 = arith.constant 0 : i32
      %dma_wait3A_523 = tpu.memref_slice %dma_wait3A_520[%dma_wait3A_521, %dma_wait3A_522] : memref<10112x32xi32, #tpu.memory_space<hbm>> -> memref<10112x32xi32, #tpu.memory_space<hbm>>
      tpu.wait_indirect_dma semaphore(%arg16 : memref<!tpu.dma_semaphore, #tpu.memory_space<semaphore_mem>>) src(%dma_wait3A_523 : memref<10112x32xi32, #tpu.memory_space<hbm>>) dst(%arg8 : memref<128x32xi32, #tpu.memory_space<vmem>>)
      %add3A_524 = arith.constant 0 : i32
      %add3A_525 = arith.addi %add3A_511, %add3A_524 : i32
      %dma_wait3A_526 = arith.constant 0 : i32
      %dma_wait3A_527 = tpu.memref_slice %arg7[%add3A_525, %dma_wait3A_526] : memref<160x128xi32, #tpu.memory_space<vmem>> -> memref<1x128xi32, #tpu.memory_space<vmem>>
      %dma_wait3A_528 = tpu.memref_squeeze %dma_wait3A_527 : memref<1x128xi32, #tpu.memory_space<vmem>> -> memref<128xi32, #tpu.memory_space<vmem>>
      %dma_wait3A_529 = arith.constant 0 : i32
      %dma_wait3A_530 = arith.constant 0 : i32
      %dma_wait3A_531 = tpu.memref_slice %arg24[%dma_wait3A_529, %dma_wait3A_530] : memref<10112x64xf32, #tpu.memory_space<vmem_shared>> -> memref<10112x64xf32, #tpu.memory_space<vmem_shared>>
      tpu.wait_indirect_dma semaphore(%arg20 : memref<!tpu.dma_semaphore, #tpu.memory_space<semaphore_mem>>) src(%arg12 : memref<128x64xf32, #tpu.memory_space<vmem>>) dst(%dma_wait3A_531 : memref<10112x64xf32, #tpu.memory_space<vmem_shared>>)
      %scan3A_532 = arith.constant 0 : i32
      %scan3A_533 = arith.constant 128 : i32
      %scan3A_534 = arith.addi %scan3A_532, %scan3A_533 : i32
      %scan3A_535 = arith.constant 1 : i32
      scf.for %scan3A_700 = %scan3A_532 to %scan3A_534 step %scan3A_535  : i32 {
        %mul3A_701 = arith.constant 1 : i32
        %mul3A_702 = arith.muli %scan3A_700, %mul3A_701 : i32
        %add3A_703 = arith.constant 0 : i32
        %add3A_704 = arith.addi %add3A_703, %mul3A_702 : i32
        %get3A = arith.index_cast %add3A_704 : i32 to index
        %get3A_705 = arith.constant 0 : index
        %get3A_706 = tpu.vector_load %arg8[%get3A, %get3A_705] {strides = array<i32>} : memref<128x32xi32, #tpu.memory_space<vmem>>, vector<16xi32>,
        %shift_left3A = arith.constant 16 : i32
        %shift_left3A_707 = vector.broadcast %shift_left3A : i32 to vector<16xi32>
        %shift_left3A_708 = arith.shli %get3A_706, %shift_left3A_707 : vector<16xi32>
        %bitcast3A = vector.bitcast %shift_left3A_708 : vector<16xi32> to vector<16xf32>
        %and3A = arith.constant -65536 : i32
        %and3A_709 = vector.broadcast %and3A : i32 to vector<16xi32>
        %and3A_710 = arith.andi %get3A_706, %and3A_709 : vector<16xi32>
        %bitcast3A_711 = vector.bitcast %and3A_710 : vector<16xi32> to vector<16xf32>
        %swap3A = arith.index_cast %add3A_704 : i32 to index
        %swap3A_712 = arith.constant 0 : index
        %swap3A_713 = tpu.vector_load %arg12[%swap3A, %swap3A_712] {strides = array<i32>} : memref<128x64xf32, #tpu.memory_space<vmem>>, vector<16xf32>,
        tpu.vector_store %arg12[%swap3A, %swap3A_712], %bitcast3A {strides = array<i32>} : memref<128x64xf32, #tpu.memory_space<vmem>>, vector<16xf32>,
        %swap3A_714 = arith.index_cast %add3A_704 : i32 to index
        %swap3A_715 = arith.constant 32 : index
        %swap3A_716 = tpu.vector_load %arg12[%swap3A_714, %swap3A_715] {strides = array<i32>} : memref<128x64xf32, #tpu.memory_space<vmem>>, vector<16xf32>,
        tpu.vector_store %arg12[%swap3A_714, %swap3A_715], %bitcast3A_711 {strides = array<i32>} : memref<128x64xf32, #tpu.memory_space<vmem>>, vector<16xf32>,
        %get3A_717 = arith.index_cast %add3A_704 : i32 to index
        %get3A_718 = arith.constant 16 : index
        %get3A_719 = tpu.vector_load %arg8[%get3A_717, %get3A_718] {strides = array<i32>} : memref<128x32xi32, #tpu.memory_space<vmem>>, vector<16xi32>,
        %shift_left3A_720 = arith.constant 16 : i32
        %shift_left3A_721 = vector.broadcast %shift_left3A_720 : i32 to vector<16xi32>
        %shift_left3A_722 = arith.shli %get3A_719, %shift_left3A_721 : vector<16xi32>
        %bitcast3A_723 = vector.bitcast %shift_left3A_722 : vector<16xi32> to vector<16xf32>
        %and3A_724 = arith.constant -65536 : i32
        %and3A_725 = vector.broadcast %and3A_724 : i32 to vector<16xi32>
        %and3A_726 = arith.andi %get3A_719, %and3A_725 : vector<16xi32>
        %bitcast3A_727 = vector.bitcast %and3A_726 : vector<16xi32> to vector<16xf32>
        %swap3A_728 = arith.index_cast %add3A_704 : i32 to index
        %swap3A_729 = arith.constant 16 : index
        %swap3A_730 = tpu.vector_load %arg12[%swap3A_728, %swap3A_729] {strides = array<i32>} : memref<128x64xf32, #tpu.memory_space<vmem>>, vector<16xf32>,
        tpu.vector_store %arg12[%swap3A_728, %swap3A_729], %bitcast3A_723 {strides = array<i32>} : memref<128x64xf32, #tpu.memory_space<vmem>>, vector<16xf32>,
        %swap3A_731 = arith.index_cast %add3A_704 : i32 to index
        %swap3A_732 = arith.constant 48 : index
        %swap3A_733 = tpu.vector_load %arg12[%swap3A_731, %swap3A_732] {strides = array<i32>} : memref<128x64xf32, #tpu.memory_space<vmem>>, vector<16xf32>,
        tpu.vector_store %arg12[%swap3A_731, %swap3A_732], %bitcast3A_727 {strides = array<i32>} : memref<128x64xf32, #tpu.memory_space<vmem>>, vector<16xf32>,
      }
      %scan3A_536 = arith.constant 128 : i32
      %add3A_537 = arith.constant 0 : i32
      %add3A_538 = arith.addi %add3A_511, %add3A_537 : i32
      %dma_start3A_539 = arith.constant 0 : i32
      %dma_start3A_540 = tpu.memref_slice %arg7[%add3A_538, %dma_start3A_539] : memref<160x128xi32, #tpu.memory_space<vmem>> -> memref<1x128xi32, #tpu.memory_space<vmem>>
      %dma_start3A_541 = tpu.memref_squeeze %dma_start3A_540 : memref<1x128xi32, #tpu.memory_space<vmem>> -> memref<128xi32, #tpu.memory_space<vmem>>
      %dma_start3A_542 = arith.constant 0 : i32
      %dma_start3A_543 = arith.constant 0 : i32
      %dma_start3A_544 = tpu.memref_slice %arg24[%dma_start3A_542, %dma_start3A_543] : memref<10112x64xf32, #tpu.memory_space<vmem_shared>> -> memref<10112x64xf32, #tpu.memory_space<vmem_shared>>
      tpu.enqueue_indirect_dma source(%arg12 : memref<128x64xf32, #tpu.memory_space<vmem>>) target(%dma_start3A_544 : memref<10112x64xf32, #tpu.memory_space<vmem_shared>>) offsets(%dma_start3A_541 : memref<128xi32, #tpu.memory_space<vmem>>) semaphore(%arg20 : memref<!tpu.dma_semaphore, #tpu.memory_space<semaphore_mem>>) {add = true}
      %add3A_545 = arith.constant 0 : i32
      %add3A_546 = arith.addi %add3A_511, %add3A_545 : i32
      %add3A_547 = arith.constant 4 : i32
      %add3A_548 = arith.addi %add3A_546, %add3A_547 : i32
      %dma_start3A_549 = arith.constant 0 : i32
      %dma_start3A_550 = tpu.memref_slice %arg6[%add3A_548, %dma_start3A_549] : memref<164x128xi32, #tpu.memory_space<vmem>> -> memref<1x128xi32, #tpu.memory_space<vmem>>
      %dma_start3A_551 = tpu.memref_squeeze %dma_start3A_550 : memref<1x128xi32, #tpu.memory_space<vmem>> -> memref<128xi32, #tpu.memory_space<vmem>>
      %dma_start3A_552 = arith.constant 0 : i32
      %dma_start3A_553 = arith.constant 0 : i32
      %dma_start3A_554 = tpu.memref_slice %arg2[%arg0, %scan3A_379, %dma_start3A_552, %dma_start3A_553] : memref<2x2x10112x32xi32, #tpu.memory_space<hbm>> -> memref<1x1x10112x32xi32, #tpu.memory_space<hbm>>
      %dma_start3A_555 = tpu.memref_squeeze %dma_start3A_554 : memref<1x1x10112x32xi32, #tpu.memory_space<hbm>> -> memref<10112x32xi32, #tpu.memory_space<hbm>>
      %dma_start3A_556 = arith.constant 0 : i32
      %dma_start3A_557 = arith.constant 0 : i32
      %dma_start3A_558 = tpu.memref_slice %dma_start3A_555[%dma_start3A_556, %dma_start3A_557] : memref<10112x32xi32, #tpu.memory_space<hbm>> -> memref<10112x32xi32, #tpu.memory_space<hbm>>
      tpu.enqueue_indirect_dma source(%dma_start3A_558 : memref<10112x32xi32, #tpu.memory_space<hbm>>) target(%arg8 : memref<128x32xi32, #tpu.memory_space<vmem>>) offsets(%dma_start3A_551 : memref<128xi32, #tpu.memory_space<vmem>>) semaphore(%arg16 : memref<!tpu.dma_semaphore, #tpu.memory_space<semaphore_mem>>)
      %add3A_559 = arith.constant 1 : i32
      %add3A_560 = arith.addi %add3A_511, %add3A_559 : i32
      %dma_wait3A_561 = arith.constant 0 : i32
      %dma_wait3A_562 = tpu.memref_slice %arg6[%add3A_560, %dma_wait3A_561] : memref<164x128xi32, #tpu.memory_space<vmem>> -> memref<1x128xi32, #tpu.memory_space<vmem>>
      %dma_wait3A_563 = tpu.memref_squeeze %dma_wait3A_562 : memref<1x128xi32, #tpu.memory_space<vmem>> -> memref<128xi32, #tpu.memory_space<vmem>>
      %dma_wait3A_564 = arith.constant 0 : i32
      %dma_wait3A_565 = arith.constant 0 : i32
      %dma_wait3A_566 = tpu.memref_slice %arg2[%arg0, %scan3A_379, %dma_wait3A_564, %dma_wait3A_565] : memref<2x2x10112x32xi32, #tpu.memory_space<hbm>> -> memref<1x1x10112x32xi32, #tpu.memory_space<hbm>>
      %dma_wait3A_567 = tpu.memref_squeeze %dma_wait3A_566 : memref<1x1x10112x32xi32, #tpu.memory_space<hbm>> -> memref<10112x32xi32, #tpu.memory_space<hbm>>
      %dma_wait3A_568 = arith.constant 0 : i32
      %dma_wait3A_569 = arith.constant 0 : i32
      %dma_wait3A_570 = tpu.memref_slice %dma_wait3A_567[%dma_wait3A_568, %dma_wait3A_569] : memref<10112x32xi32, #tpu.memory_space<hbm>> -> memref<10112x32xi32, #tpu.memory_space<hbm>>
      tpu.wait_indirect_dma semaphore(%arg17 : memref<!tpu.dma_semaphore, #tpu.memory_space<semaphore_mem>>) src(%dma_wait3A_570 : memref<10112x32xi32, #tpu.memory_space<hbm>>) dst(%arg9 : memref<128x32xi32, #tpu.memory_space<vmem>>)
      %add3A_571 = arith.constant 1 : i32
      %add3A_572 = arith.addi %add3A_511, %add3A_571 : i32
      %dma_wait3A_573 = arith.constant 0 : i32
      %dma_wait3A_574 = tpu.memref_slice %arg7[%add3A_572, %dma_wait3A_573] : memref<160x128xi32, #tpu.memory_space<vmem>> -> memref<1x128xi32, #tpu.memory_space<vmem>>
      %dma_wait3A_575 = tpu.memref_squeeze %dma_wait3A_574 : memref<1x128xi32, #tpu.memory_space<vmem>> -> memref<128xi32, #tpu.memory_space<vmem>>
      %dma_wait3A_576 = arith.constant 0 : i32
      %dma_wait3A_577 = arith.constant 0 : i32
      %dma_wait3A_578 = tpu.memref_slice %arg24[%dma_wait3A_576, %dma_wait3A_577] : memref<10112x64xf32, #tpu.memory_space<vmem_shared>> -> memref<10112x64xf32, #tpu.memory_space<vmem_shared>>
      tpu.wait_indirect_dma semaphore(%arg21 : memref<!tpu.dma_semaphore, #tpu.memory_space<semaphore_mem>>) src(%arg13 : memref<128x64xf32, #tpu.memory_space<vmem>>) dst(%dma_wait3A_578 : memref<10112x64xf32, #tpu.memory_space<vmem_shared>>)
      %scan3A_579 = arith.constant 0 : i32
      %scan3A_580 = arith.constant 128 : i32
      %scan3A_581 = arith.addi %scan3A_579, %scan3A_580 : i32
      %scan3A_582 = arith.constant 1 : i32
      scf.for %scan3A_700 = %scan3A_579 to %scan3A_581 step %scan3A_582  : i32 {
        %mul3A_701 = arith.constant 1 : i32
        %mul3A_702 = arith.muli %scan3A_700, %mul3A_701 : i32
        %add3A_703 = arith.constant 0 : i32
        %add3A_704 = arith.addi %add3A_703, %mul3A_702 : i32
        %get3A = arith.index_cast %add3A_704 : i32 to index
        %get3A_705 = arith.constant 0 : index
        %get3A_706 = tpu.vector_load %arg9[%get3A, %get3A_705] {strides = array<i32>} : memref<128x32xi32, #tpu.memory_space<vmem>>, vector<16xi32>,
        %shift_left3A = arith.constant 16 : i32
        %shift_left3A_707 = vector.broadcast %shift_left3A : i32 to vector<16xi32>
        %shift_left3A_708 = arith.shli %get3A_706, %shift_left3A_707 : vector<16xi32>
        %bitcast3A = vector.bitcast %shift_left3A_708 : vector<16xi32> to vector<16xf32>
        %and3A = arith.constant -65536 : i32
        %and3A_709 = vector.broadcast %and3A : i32 to vector<16xi32>
        %and3A_710 = arith.andi %get3A_706, %and3A_709 : vector<16xi32>
        %bitcast3A_711 = vector.bitcast %and3A_710 : vector<16xi32> to vector<16xf32>
        %swap3A = arith.index_cast %add3A_704 : i32 to index
        %swap3A_712 = arith.constant 0 : index
        %swap3A_713 = tpu.vector_load %arg13[%swap3A, %swap3A_712] {strides = array<i32>} : memref<128x64xf32, #tpu.memory_space<vmem>>, vector<16xf32>,
        tpu.vector_store %arg13[%swap3A, %swap3A_712], %bitcast3A {strides = array<i32>} : memref<128x64xf32, #tpu.memory_space<vmem>>, vector<16xf32>,
        %swap3A_714 = arith.index_cast %add3A_704 : i32 to index
        %swap3A_715 = arith.constant 32 : index
        %swap3A_716 = tpu.vector_load %arg13[%swap3A_714, %swap3A_715] {strides = array<i32>} : memref<128x64xf32, #tpu.memory_space<vmem>>, vector<16xf32>,
        tpu.vector_store %arg13[%swap3A_714, %swap3A_715], %bitcast3A_711 {strides = array<i32>} : memref<128x64xf32, #tpu.memory_space<vmem>>, vector<16xf32>,
        %get3A_717 = arith.index_cast %add3A_704 : i32 to index
        %get3A_718 = arith.constant 16 : index
        %get3A_719 = tpu.vector_load %arg9[%get3A_717, %get3A_718] {strides = array<i32>} : memref<128x32xi32, #tpu.memory_space<vmem>>, vector<16xi32>,
        %shift_left3A_720 = arith.constant 16 : i32
        %shift_left3A_721 = vector.broadcast %shift_left3A_720 : i32 to vector<16xi32>
        %shift_left3A_722 = arith.shli %get3A_719, %shift_left3A_721 : vector<16xi32>
        %bitcast3A_723 = vector.bitcast %shift_left3A_722 : vector<16xi32> to vector<16xf32>
        %and3A_724 = arith.constant -65536 : i32
        %and3A_725 = vector.broadcast %and3A_724 : i32 to vector<16xi32>
        %and3A_726 = arith.andi %get3A_719, %and3A_725 : vector<16xi32>
        %bitcast3A_727 = vector.bitcast %and3A_726 : vector<16xi32> to vector<16xf32>
        %swap3A_728 = arith.index_cast %add3A_704 : i32 to index
        %swap3A_729 = arith.constant 16 : index
        %swap3A_730 = tpu.vector_load %arg13[%swap3A_728, %swap3A_729] {strides = array<i32>} : memref<128x64xf32, #tpu.memory_space<vmem>>, vector<16xf32>,
        tpu.vector_store %arg13[%swap3A_728, %swap3A_729], %bitcast3A_723 {strides = array<i32>} : memref<128x64xf32, #tpu.memory_space<vmem>>, vector<16xf32>,
        %swap3A_731 = arith.index_cast %add3A_704 : i32 to index
        %swap3A_732 = arith.constant 48 : index
        %swap3A_733 = tpu.vector_load %arg13[%swap3A_731, %swap3A_732] {strides = array<i32>} : memref<128x64xf32, #tpu.memory_space<vmem>>, vector<16xf32>,
        tpu.vector_store %arg13[%swap3A_731, %swap3A_732], %bitcast3A_727 {strides = array<i32>} : memref<128x64xf32, #tpu.memory_space<vmem>>, vector<16xf32>,
      }
      %scan3A_583 = arith.constant 128 : i32
      %add3A_584 = arith.constant 1 : i32
      %add3A_585 = arith.addi %add3A_511, %add3A_584 : i32
      %dma_start3A_586 = arith.constant 0 : i32
      %dma_start3A_587 = tpu.memref_slice %arg7[%add3A_585, %dma_start3A_586] : memref<160x128xi32, #tpu.memory_space<vmem>> -> memref<1x128xi32, #tpu.memory_space<vmem>>
      %dma_start3A_588 = tpu.memref_squeeze %dma_start3A_587 : memref<1x128xi32, #tpu.memory_space<vmem>> -> memref<128xi32, #tpu.memory_space<vmem>>
      %dma_start3A_589 = arith.constant 0 : i32
      %dma_start3A_590 = arith.constant 0 : i32
      %dma_start3A_591 = tpu.memref_slice %arg24[%dma_start3A_589, %dma_start3A_590] : memref<10112x64xf32, #tpu.memory_space<vmem_shared>> -> memref<10112x64xf32, #tpu.memory_space<vmem_shared>>
      tpu.enqueue_indirect_dma source(%arg13 : memref<128x64xf32, #tpu.memory_space<vmem>>) target(%dma_start3A_591 : memref<10112x64xf32, #tpu.memory_space<vmem_shared>>) offsets(%dma_start3A_588 : memref<128xi32, #tpu.memory_space<vmem>>) semaphore(%arg21 : memref<!tpu.dma_semaphore, #tpu.memory_space<semaphore_mem>>) {add = true}
      %add3A_592 = arith.constant 1 : i32
      %add3A_593 = arith.addi %add3A_511, %add3A_592 : i32
      %add3A_594 = arith.constant 4 : i32
      %add3A_595 = arith.addi %add3A_593, %add3A_594 : i32
      %dma_start3A_596 = arith.constant 0 : i32
      %dma_start3A_597 = tpu.memref_slice %arg6[%add3A_595, %dma_start3A_596] : memref<164x128xi32, #tpu.memory_space<vmem>> -> memref<1x128xi32, #tpu.memory_space<vmem>>
      %dma_start3A_598 = tpu.memref_squeeze %dma_start3A_597 : memref<1x128xi32, #tpu.memory_space<vmem>> -> memref<128xi32, #tpu.memory_space<vmem>>
      %dma_start3A_599 = arith.constant 0 : i32
      %dma_start3A_600 = arith.constant 0 : i32
      %dma_start3A_601 = tpu.memref_slice %arg2[%arg0, %scan3A_379, %dma_start3A_599, %dma_start3A_600] : memref<2x2x10112x32xi32, #tpu.memory_space<hbm>> -> memref<1x1x10112x32xi32, #tpu.memory_space<hbm>>
      %dma_start3A_602 = tpu.memref_squeeze %dma_start3A_601 : memref<1x1x10112x32xi32, #tpu.memory_space<hbm>> -> memref<10112x32xi32, #tpu.memory_space<hbm>>
      %dma_start3A_603 = arith.constant 0 : i32
      %dma_start3A_604 = arith.constant 0 : i32
      %dma_start3A_605 = tpu.memref_slice %dma_start3A_602[%dma_start3A_603, %dma_start3A_604] : memref<10112x32xi32, #tpu.memory_space<hbm>> -> memref<10112x32xi32, #tpu.memory_space<hbm>>
      tpu.enqueue_indirect_dma source(%dma_start3A_605 : memref<10112x32xi32, #tpu.memory_space<hbm>>) target(%arg9 : memref<128x32xi32, #tpu.memory_space<vmem>>) offsets(%dma_start3A_598 : memref<128xi32, #tpu.memory_space<vmem>>) semaphore(%arg17 : memref<!tpu.dma_semaphore, #tpu.memory_space<semaphore_mem>>)
      %add3A_606 = arith.constant 2 : i32
      %add3A_607 = arith.addi %add3A_511, %add3A_606 : i32
      %dma_wait3A_608 = arith.constant 0 : i32
      %dma_wait3A_609 = tpu.memref_slice %arg6[%add3A_607, %dma_wait3A_608] : memref<164x128xi32, #tpu.memory_space<vmem>> -> memref<1x128xi32, #tpu.memory_space<vmem>>
      %dma_wait3A_610 = tpu.memref_squeeze %dma_wait3A_609 : memref<1x128xi32, #tpu.memory_space<vmem>> -> memref<128xi32, #tpu.memory_space<vmem>>
      %dma_wait3A_611 = arith.constant 0 : i32
      %dma_wait3A_612 = arith.constant 0 : i32
      %dma_wait3A_613 = tpu.memref_slice %arg2[%arg0, %scan3A_379, %dma_wait3A_611, %dma_wait3A_612] : memref<2x2x10112x32xi32, #tpu.memory_space<hbm>> -> memref<1x1x10112x32xi32, #tpu.memory_space<hbm>>
      %dma_wait3A_614 = tpu.memref_squeeze %dma_wait3A_613 : memref<1x1x10112x32xi32, #tpu.memory_space<hbm>> -> memref<10112x32xi32, #tpu.memory_space<hbm>>
      %dma_wait3A_615 = arith.constant 0 : i32
      %dma_wait3A_616 = arith.constant 0 : i32
      %dma_wait3A_617 = tpu.memref_slice %dma_wait3A_614[%dma_wait3A_615, %dma_wait3A_616] : memref<10112x32xi32, #tpu.memory_space<hbm>> -> memref<10112x32xi32, #tpu.memory_space<hbm>>
      tpu.wait_indirect_dma semaphore(%arg18 : memref<!tpu.dma_semaphore, #tpu.memory_space<semaphore_mem>>) src(%dma_wait3A_617 : memref<10112x32xi32, #tpu.memory_space<hbm>>) dst(%arg10 : memref<128x32xi32, #tpu.memory_space<vmem>>)
      %add3A_618 = arith.constant 2 : i32
      %add3A_619 = arith.addi %add3A_511, %add3A_618 : i32
      %dma_wait3A_620 = arith.constant 0 : i32
      %dma_wait3A_621 = tpu.memref_slice %arg7[%add3A_619, %dma_wait3A_620] : memref<160x128xi32, #tpu.memory_space<vmem>> -> memref<1x128xi32, #tpu.memory_space<vmem>>
      %dma_wait3A_622 = tpu.memref_squeeze %dma_wait3A_621 : memref<1x128xi32, #tpu.memory_space<vmem>> -> memref<128xi32, #tpu.memory_space<vmem>>
      %dma_wait3A_623 = arith.constant 0 : i32
      %dma_wait3A_624 = arith.constant 0 : i32
      %dma_wait3A_625 = tpu.memref_slice %arg24[%dma_wait3A_623, %dma_wait3A_624] : memref<10112x64xf32, #tpu.memory_space<vmem_shared>> -> memref<10112x64xf32, #tpu.memory_space<vmem_shared>>
      tpu.wait_indirect_dma semaphore(%arg22 : memref<!tpu.dma_semaphore, #tpu.memory_space<semaphore_mem>>) src(%arg14 : memref<128x64xf32, #tpu.memory_space<vmem>>) dst(%dma_wait3A_625 : memref<10112x64xf32, #tpu.memory_space<vmem_shared>>)
      %scan3A_626 = arith.constant 0 : i32
      %scan3A_627 = arith.constant 128 : i32
      %scan3A_628 = arith.addi %scan3A_626, %scan3A_627 : i32
      %scan3A_629 = arith.constant 1 : i32
      scf.for %scan3A_700 = %scan3A_626 to %scan3A_628 step %scan3A_629  : i32 {
        %mul3A_701 = arith.constant 1 : i32
        %mul3A_702 = arith.muli %scan3A_700, %mul3A_701 : i32
        %add3A_703 = arith.constant 0 : i32
        %add3A_704 = arith.addi %add3A_703, %mul3A_702 : i32
        %get3A = arith.index_cast %add3A_704 : i32 to index
        %get3A_705 = arith.constant 0 : index
        %get3A_706 = tpu.vector_load %arg10[%get3A, %get3A_705] {strides = array<i32>} : memref<128x32xi32, #tpu.memory_space<vmem>>, vector<16xi32>,
        %shift_left3A = arith.constant 16 : i32
        %shift_left3A_707 = vector.broadcast %shift_left3A : i32 to vector<16xi32>
        %shift_left3A_708 = arith.shli %get3A_706, %shift_left3A_707 : vector<16xi32>
        %bitcast3A = vector.bitcast %shift_left3A_708 : vector<16xi32> to vector<16xf32>
        %and3A = arith.constant -65536 : i32
        %and3A_709 = vector.broadcast %and3A : i32 to vector<16xi32>
        %and3A_710 = arith.andi %get3A_706, %and3A_709 : vector<16xi32>
        %bitcast3A_711 = vector.bitcast %and3A_710 : vector<16xi32> to vector<16xf32>
        %swap3A = arith.index_cast %add3A_704 : i32 to index
        %swap3A_712 = arith.constant 0 : index
        %swap3A_713 = tpu.vector_load %arg14[%swap3A, %swap3A_712] {strides = array<i32>} : memref<128x64xf32, #tpu.memory_space<vmem>>, vector<16xf32>,
        tpu.vector_store %arg14[%swap3A, %swap3A_712], %bitcast3A {strides = array<i32>} : memref<128x64xf32, #tpu.memory_space<vmem>>, vector<16xf32>,
        %swap3A_714 = arith.index_cast %add3A_704 : i32 to index
        %swap3A_715 = arith.constant 32 : index
        %swap3A_716 = tpu.vector_load %arg14[%swap3A_714, %swap3A_715] {strides = array<i32>} : memref<128x64xf32, #tpu.memory_space<vmem>>, vector<16xf32>,
        tpu.vector_store %arg14[%swap3A_714, %swap3A_715], %bitcast3A_711 {strides = array<i32>} : memref<128x64xf32, #tpu.memory_space<vmem>>, vector<16xf32>,
        %get3A_717 = arith.index_cast %add3A_704 : i32 to index
        %get3A_718 = arith.constant 16 : index
        %get3A_719 = tpu.vector_load %arg10[%get3A_717, %get3A_718] {strides = array<i32>} : memref<128x32xi32, #tpu.memory_space<vmem>>, vector<16xi32>,
        %shift_left3A_720 = arith.constant 16 : i32
        %shift_left3A_721 = vector.broadcast %shift_left3A_720 : i32 to vector<16xi32>
        %shift_left3A_722 = arith.shli %get3A_719, %shift_left3A_721 : vector<16xi32>
        %bitcast3A_723 = vector.bitcast %shift_left3A_722 : vector<16xi32> to vector<16xf32>
        %and3A_724 = arith.constant -65536 : i32
        %and3A_725 = vector.broadcast %and3A_724 : i32 to vector<16xi32>
        %and3A_726 = arith.andi %get3A_719, %and3A_725 : vector<16xi32>
        %bitcast3A_727 = vector.bitcast %and3A_726 : vector<16xi32> to vector<16xf32>
        %swap3A_728 = arith.index_cast %add3A_704 : i32 to index
        %swap3A_729 = arith.constant 16 : index
        %swap3A_730 = tpu.vector_load %arg14[%swap3A_728, %swap3A_729] {strides = array<i32>} : memref<128x64xf32, #tpu.memory_space<vmem>>, vector<16xf32>,
        tpu.vector_store %arg14[%swap3A_728, %swap3A_729], %bitcast3A_723 {strides = array<i32>} : memref<128x64xf32, #tpu.memory_space<vmem>>, vector<16xf32>,
        %swap3A_731 = arith.index_cast %add3A_704 : i32 to index
        %swap3A_732 = arith.constant 48 : index
        %swap3A_733 = tpu.vector_load %arg14[%swap3A_731, %swap3A_732] {strides = array<i32>} : memref<128x64xf32, #tpu.memory_space<vmem>>, vector<16xf32>,
        tpu.vector_store %arg14[%swap3A_731, %swap3A_732], %bitcast3A_727 {strides = array<i32>} : memref<128x64xf32, #tpu.memory_space<vmem>>, vector<16xf32>,
      }
      %scan3A_630 = arith.constant 128 : i32
      %add3A_631 = arith.constant 2 : i32
      %add3A_632 = arith.addi %add3A_511, %add3A_631 : i32
      %dma_start3A_633 = arith.constant 0 : i32
      %dma_start3A_634 = tpu.memref_slice %arg7[%add3A_632, %dma_start3A_633] : memref<160x128xi32, #tpu.memory_space<vmem>> -> memref<1x128xi32, #tpu.memory_space<vmem>>
      %dma_start3A_635 = tpu.memref_squeeze %dma_start3A_634 : memref<1x128xi32, #tpu.memory_space<vmem>> -> memref<128xi32, #tpu.memory_space<vmem>>
      %dma_start3A_636 = arith.constant 0 : i32
      %dma_start3A_637 = arith.constant 0 : i32
      %dma_start3A_638 = tpu.memref_slice %arg24[%dma_start3A_636, %dma_start3A_637] : memref<10112x64xf32, #tpu.memory_space<vmem_shared>> -> memref<10112x64xf32, #tpu.memory_space<vmem_shared>>
      tpu.enqueue_indirect_dma source(%arg14 : memref<128x64xf32, #tpu.memory_space<vmem>>) target(%dma_start3A_638 : memref<10112x64xf32, #tpu.memory_space<vmem_shared>>) offsets(%dma_start3A_635 : memref<128xi32, #tpu.memory_space<vmem>>) semaphore(%arg22 : memref<!tpu.dma_semaphore, #tpu.memory_space<semaphore_mem>>) {add = true}
      %add3A_639 = arith.constant 2 : i32
      %add3A_640 = arith.addi %add3A_511, %add3A_639 : i32
      %add3A_641 = arith.constant 4 : i32
      %add3A_642 = arith.addi %add3A_640, %add3A_641 : i32
      %dma_start3A_643 = arith.constant 0 : i32
      %dma_start3A_644 = tpu.memref_slice %arg6[%add3A_642, %dma_start3A_643] : memref<164x128xi32, #tpu.memory_space<vmem>> -> memref<1x128xi32, #tpu.memory_space<vmem>>
      %dma_start3A_645 = tpu.memref_squeeze %dma_start3A_644 : memref<1x128xi32, #tpu.memory_space<vmem>> -> memref<128xi32, #tpu.memory_space<vmem>>
      %dma_start3A_646 = arith.constant 0 : i32
      %dma_start3A_647 = arith.constant 0 : i32
      %dma_start3A_648 = tpu.memref_slice %arg2[%arg0, %scan3A_379, %dma_start3A_646, %dma_start3A_647] : memref<2x2x10112x32xi32, #tpu.memory_space<hbm>> -> memref<1x1x10112x32xi32, #tpu.memory_space<hbm>>
      %dma_start3A_649 = tpu.memref_squeeze %dma_start3A_648 : memref<1x1x10112x32xi32, #tpu.memory_space<hbm>> -> memref<10112x32xi32, #tpu.memory_space<hbm>>
      %dma_start3A_650 = arith.constant 0 : i32
      %dma_start3A_651 = arith.constant 0 : i32
      %dma_start3A_652 = tpu.memref_slice %dma_start3A_649[%dma_start3A_650, %dma_start3A_651] : memref<10112x32xi32, #tpu.memory_space<hbm>> -> memref<10112x32xi32, #tpu.memory_space<hbm>>
      tpu.enqueue_indirect_dma source(%dma_start3A_652 : memref<10112x32xi32, #tpu.memory_space<hbm>>) target(%arg10 : memref<128x32xi32, #tpu.memory_space<vmem>>) offsets(%dma_start3A_645 : memref<128xi32, #tpu.memory_space<vmem>>) semaphore(%arg18 : memref<!tpu.dma_semaphore, #tpu.memory_space<semaphore_mem>>)
      %add3A_653 = arith.constant 3 : i32
      %add3A_654 = arith.addi %add3A_511, %add3A_653 : i32
      %dma_wait3A_655 = arith.constant 0 : i32
      %dma_wait3A_656 = tpu.memref_slice %arg6[%add3A_654, %dma_wait3A_655] : memref<164x128xi32, #tpu.memory_space<vmem>> -> memref<1x128xi32, #tpu.memory_space<vmem>>
      %dma_wait3A_657 = tpu.memref_squeeze %dma_wait3A_656 : memref<1x128xi32, #tpu.memory_space<vmem>> -> memref<128xi32, #tpu.memory_space<vmem>>
      %dma_wait3A_658 = arith.constant 0 : i32
      %dma_wait3A_659 = arith.constant 0 : i32
      %dma_wait3A_660 = tpu.memref_slice %arg2[%arg0, %scan3A_379, %dma_wait3A_658, %dma_wait3A_659] : memref<2x2x10112x32xi32, #tpu.memory_space<hbm>> -> memref<1x1x10112x32xi32, #tpu.memory_space<hbm>>
      %dma_wait3A_661 = tpu.memref_squeeze %dma_wait3A_660 : memref<1x1x10112x32xi32, #tpu.memory_space<hbm>> -> memref<10112x32xi32, #tpu.memory_space<hbm>>
      %dma_wait3A_662 = arith.constant 0 : i32
      %dma_wait3A_663 = arith.constant 0 : i32
      %dma_wait3A_664 = tpu.memref_slice %dma_wait3A_661[%dma_wait3A_662, %dma_wait3A_663] : memref<10112x32xi32, #tpu.memory_space<hbm>> -> memref<10112x32xi32, #tpu.memory_space<hbm>>
      tpu.wait_indirect_dma semaphore(%arg19 : memref<!tpu.dma_semaphore, #tpu.memory_space<semaphore_mem>>) src(%dma_wait3A_664 : memref<10112x32xi32, #tpu.memory_space<hbm>>) dst(%arg11 : memref<128x32xi32, #tpu.memory_space<vmem>>)
      %add3A_665 = arith.constant 3 : i32
      %add3A_666 = arith.addi %add3A_511, %add3A_665 : i32
      %dma_wait3A_667 = arith.constant 0 : i32
      %dma_wait3A_668 = tpu.memref_slice %arg7[%add3A_666, %dma_wait3A_667] : memref<160x128xi32, #tpu.memory_space<vmem>> -> memref<1x128xi32, #tpu.memory_space<vmem>>
      %dma_wait3A_669 = tpu.memref_squeeze %dma_wait3A_668 : memref<1x128xi32, #tpu.memory_space<vmem>> -> memref<128xi32, #tpu.memory_space<vmem>>
      %dma_wait3A_670 = arith.constant 0 : i32
      %dma_wait3A_671 = arith.constant 0 : i32
      %dma_wait3A_672 = tpu.memref_slice %arg24[%dma_wait3A_670, %dma_wait3A_671] : memref<10112x64xf32, #tpu.memory_space<vmem_shared>> -> memref<10112x64xf32, #tpu.memory_space<vmem_shared>>
      tpu.wait_indirect_dma semaphore(%arg23 : memref<!tpu.dma_semaphore, #tpu.memory_space<semaphore_mem>>) src(%arg15 : memref<128x64xf32, #tpu.memory_space<vmem>>) dst(%dma_wait3A_672 : memref<10112x64xf32, #tpu.memory_space<vmem_shared>>)
      %scan3A_673 = arith.constant 0 : i32
      %scan3A_674 = arith.constant 128 : i32
      %scan3A_675 = arith.addi %scan3A_673, %scan3A_674 : i32
      %scan3A_676 = arith.constant 1 : i32
      scf.for %scan3A_700 = %scan3A_673 to %scan3A_675 step %scan3A_676  : i32 {
        %mul3A_701 = arith.constant 1 : i32
        %mul3A_702 = arith.muli %scan3A_700, %mul3A_701 : i32
        %add3A_703 = arith.constant 0 : i32
        %add3A_704 = arith.addi %add3A_703, %mul3A_702 : i32
        %get3A = arith.index_cast %add3A_704 : i32 to index
        %get3A_705 = arith.constant 0 : index
        %get3A_706 = tpu.vector_load %arg11[%get3A, %get3A_705] {strides = array<i32>} : memref<128x32xi32, #tpu.memory_space<vmem>>, vector<16xi32>,
        %shift_left3A = arith.constant 16 : i32
        %shift_left3A_707 = vector.broadcast %shift_left3A : i32 to vector<16xi32>
        %shift_left3A_708 = arith.shli %get3A_706, %shift_left3A_707 : vector<16xi32>
        %bitcast3A = vector.bitcast %shift_left3A_708 : vector<16xi32> to vector<16xf32>
        %and3A = arith.constant -65536 : i32
        %and3A_709 = vector.broadcast %and3A : i32 to vector<16xi32>
        %and3A_710 = arith.andi %get3A_706, %and3A_709 : vector<16xi32>
        %bitcast3A_711 = vector.bitcast %and3A_710 : vector<16xi32> to vector<16xf32>
        %swap3A = arith.index_cast %add3A_704 : i32 to index
        %swap3A_712 = arith.constant 0 : index
        %swap3A_713 = tpu.vector_load %arg15[%swap3A, %swap3A_712] {strides = array<i32>} : memref<128x64xf32, #tpu.memory_space<vmem>>, vector<16xf32>,
        tpu.vector_store %arg15[%swap3A, %swap3A_712], %bitcast3A {strides = array<i32>} : memref<128x64xf32, #tpu.memory_space<vmem>>, vector<16xf32>,
        %swap3A_714 = arith.index_cast %add3A_704 : i32 to index
        %swap3A_715 = arith.constant 32 : index
        %swap3A_716 = tpu.vector_load %arg15[%swap3A_714, %swap3A_715] {strides = array<i32>} : memref<128x64xf32, #tpu.memory_space<vmem>>, vector<16xf32>,
        tpu.vector_store %arg15[%swap3A_714, %swap3A_715], %bitcast3A_711 {strides = array<i32>} : memref<128x64xf32, #tpu.memory_space<vmem>>, vector<16xf32>,
        %get3A_717 = arith.index_cast %add3A_704 : i32 to index
        %get3A_718 = arith.constant 16 : index
        %get3A_719 = tpu.vector_load %arg11[%get3A_717, %get3A_718] {strides = array<i32>} : memref<128x32xi32, #tpu.memory_space<vmem>>, vector<16xi32>,
        %shift_left3A_720 = arith.constant 16 : i32
        %shift_left3A_721 = vector.broadcast %shift_left3A_720 : i32 to vector<16xi32>
        %shift_left3A_722 = arith.shli %get3A_719, %shift_left3A_721 : vector<16xi32>
        %bitcast3A_723 = vector.bitcast %shift_left3A_722 : vector<16xi32> to vector<16xf32>
        %and3A_724 = arith.constant -65536 : i32
        %and3A_725 = vector.broadcast %and3A_724 : i32 to vector<16xi32>
        %and3A_726 = arith.andi %get3A_719, %and3A_725 : vector<16xi32>
        %bitcast3A_727 = vector.bitcast %and3A_726 : vector<16xi32> to vector<16xf32>
        %swap3A_728 = arith.index_cast %add3A_704 : i32 to index
        %swap3A_729 = arith.constant 16 : index
        %swap3A_730 = tpu.vector_load %arg15[%swap3A_728, %swap3A_729] {strides = array<i32>} : memref<128x64xf32, #tpu.memory_space<vmem>>, vector<16xf32>,
        tpu.vector_store %arg15[%swap3A_728, %swap3A_729], %bitcast3A_723 {strides = array<i32>} : memref<128x64xf32, #tpu.memory_space<vmem>>, vector<16xf32>,
        %swap3A_731 = arith.index_cast %add3A_704 : i32 to index
        %swap3A_732 = arith.constant 48 : index
        %swap3A_733 = tpu.vector_load %arg15[%swap3A_731, %swap3A_732] {strides = array<i32>} : memref<128x64xf32, #tpu.memory_space<vmem>>, vector<16xf32>,
        tpu.vector_store %arg15[%swap3A_731, %swap3A_732], %bitcast3A_727 {strides = array<i32>} : memref<128x64xf32, #tpu.memory_space<vmem>>, vector<16xf32>,
      }
      %scan3A_677 = arith.constant 128 : i32
      %add3A_678 = arith.constant 3 : i32
      %add3A_679 = arith.addi %add3A_511, %add3A_678 : i32
      %dma_start3A_680 = arith.constant 0 : i32
      %dma_start3A_681 = tpu.memref_slice %arg7[%add3A_679, %dma_start3A_680] : memref<160x128xi32, #tpu.memory_space<vmem>> -> memref<1x128xi32, #tpu.memory_space<vmem>>
      %dma_start3A_682 = tpu.memref_squeeze %dma_start3A_681 : memref<1x128xi32, #tpu.memory_space<vmem>> -> memref<128xi32, #tpu.memory_space<vmem>>
      %dma_start3A_683 = arith.constant 0 : i32
      %dma_start3A_684 = arith.constant 0 : i32
      %dma_start3A_685 = tpu.memref_slice %arg24[%dma_start3A_683, %dma_start3A_684] : memref<10112x64xf32, #tpu.memory_space<vmem_shared>> -> memref<10112x64xf32, #tpu.memory_space<vmem_shared>>
      tpu.enqueue_indirect_dma source(%arg15 : memref<128x64xf32, #tpu.memory_space<vmem>>) target(%dma_start3A_685 : memref<10112x64xf32, #tpu.memory_space<vmem_shared>>) offsets(%dma_start3A_682 : memref<128xi32, #tpu.memory_space<vmem>>) semaphore(%arg23 : memref<!tpu.dma_semaphore, #tpu.memory_space<semaphore_mem>>) {add = true}
      %add3A_686 = arith.constant 3 : i32
      %add3A_687 = arith.addi %add3A_511, %add3A_686 : i32
      %add3A_688 = arith.constant 4 : i32
      %add3A_689 = arith.addi %add3A_687, %add3A_688 : i32
      %dma_start3A_690 = arith.constant 0 : i32
      %dma_start3A_691 = tpu.memref_slice %arg6[%add3A_689, %dma_start3A_690] : memref<164x128xi32, #tpu.memory_space<vmem>> -> memref<1x128xi32, #tpu.memory_space<vmem>>
      %dma_start3A_692 = tpu.memref_squeeze %dma_start3A_691 : memref<1x128xi32, #tpu.memory_space<vmem>> -> memref<128xi32, #tpu.memory_space<vmem>>
      %dma_start3A_693 = arith.constant 0 : i32
      %dma_start3A_694 = arith.constant 0 : i32
      %dma_start3A_695 = tpu.memref_slice %arg2[%arg0, %scan3A_379, %dma_start3A_693, %dma_start3A_694] : memref<2x2x10112x32xi32, #tpu.memory_space<hbm>> -> memref<1x1x10112x32xi32, #tpu.memory_space<hbm>>
      %dma_start3A_696 = tpu.memref_squeeze %dma_start3A_695 : memref<1x1x10112x32xi32, #tpu.memory_space<hbm>> -> memref<10112x32xi32, #tpu.memory_space<hbm>>
      %dma_start3A_697 = arith.constant 0 : i32
      %dma_start3A_698 = arith.constant 0 : i32
      %dma_start3A_699 = tpu.memref_slice %dma_start3A_696[%dma_start3A_697, %dma_start3A_698] : memref<10112x32xi32, #tpu.memory_space<hbm>> -> memref<10112x32xi32, #tpu.memory_space<hbm>>
      tpu.enqueue_indirect_dma source(%dma_start3A_699 : memref<10112x32xi32, #tpu.memory_space<hbm>>) target(%arg11 : memref<128x32xi32, #tpu.memory_space<vmem>>) offsets(%dma_start3A_692 : memref<128xi32, #tpu.memory_space<vmem>>) semaphore(%arg19 : memref<!tpu.dma_semaphore, #tpu.memory_space<semaphore_mem>>)
    }
    %scan3A_384 = arith.constant 40 : i32
    %dma_wait3A_385 = arith.constant 0 : i32
    %dma_wait3A_386 = arith.constant 0 : i32
    %dma_wait3A_387 = tpu.memref_slice %arg7[%dma_wait3A_385, %dma_wait3A_386] : memref<160x128xi32, #tpu.memory_space<vmem>> -> memref<1x128xi32, #tpu.memory_space<vmem>>
    %dma_wait3A_388 = tpu.memref_squeeze %dma_wait3A_387 : memref<1x128xi32, #tpu.memory_space<vmem>> -> memref<128xi32, #tpu.memory_space<vmem>>
    %dma_wait3A_389 = arith.constant 0 : i32
    %dma_wait3A_390 = arith.constant 0 : i32
    %dma_wait3A_391 = tpu.memref_slice %arg24[%dma_wait3A_389, %dma_wait3A_390] : memref<10112x64xf32, #tpu.memory_space<vmem_shared>> -> memref<10112x64xf32, #tpu.memory_space<vmem_shared>>
    tpu.wait_indirect_dma semaphore(%arg20 : memref<!tpu.dma_semaphore, #tpu.memory_space<semaphore_mem>>) src(%arg12 : memref<128x64xf32, #tpu.memory_space<vmem>>) dst(%dma_wait3A_391 : memref<10112x64xf32, #tpu.memory_space<vmem_shared>>)
    %dma_wait3A_392 = arith.constant 1 : i32
    %dma_wait3A_393 = arith.constant 160 : i32
    %dma_wait3A_394 = arith.constant 0 : i32
    %dma_wait3A_395 = tpu.memref_slice %arg6[%dma_wait3A_393, %dma_wait3A_394] : memref<164x128xi32, #tpu.memory_space<vmem>> -> memref<1x128xi32, #tpu.memory_space<vmem>>
    %dma_wait3A_396 = tpu.memref_squeeze %dma_wait3A_395 : memref<1x128xi32, #tpu.memory_space<vmem>> -> memref<128xi32, #tpu.memory_space<vmem>>
    %dma_wait3A_397 = arith.constant 0 : i32
    %dma_wait3A_398 = arith.constant 0 : i32
    %dma_wait3A_399 = tpu.memref_slice %arg2[%arg0, %dma_wait3A_392, %dma_wait3A_397, %dma_wait3A_398] : memref<2x2x10112x32xi32, #tpu.memory_space<hbm>> -> memref<1x1x10112x32xi32, #tpu.memory_space<hbm>>
    %dma_wait3A_400 = tpu.memref_squeeze %dma_wait3A_399 : memref<1x1x10112x32xi32, #tpu.memory_space<hbm>> -> memref<10112x32xi32, #tpu.memory_space<hbm>>
    %dma_wait3A_401 = arith.constant 0 : i32
    %dma_wait3A_402 = arith.constant 0 : i32
    %dma_wait3A_403 = tpu.memref_slice %dma_wait3A_400[%dma_wait3A_401, %dma_wait3A_402] : memref<10112x32xi32, #tpu.memory_space<hbm>> -> memref<10112x32xi32, #tpu.memory_space<hbm>>
    tpu.wait_indirect_dma semaphore(%arg16 : memref<!tpu.dma_semaphore, #tpu.memory_space<semaphore_mem>>) src(%dma_wait3A_403 : memref<10112x32xi32, #tpu.memory_space<hbm>>) dst(%arg8 : memref<128x32xi32, #tpu.memory_space<vmem>>)
    %dma_wait3A_404 = arith.constant 0 : i32
    %dma_wait3A_405 = arith.constant 0 : i32
    %dma_wait3A_406 = tpu.memref_slice %arg7[%dma_wait3A_404, %dma_wait3A_405] : memref<160x128xi32, #tpu.memory_space<vmem>> -> memref<1x128xi32, #tpu.memory_space<vmem>>
    %dma_wait3A_407 = tpu.memref_squeeze %dma_wait3A_406 : memref<1x128xi32, #tpu.memory_space<vmem>> -> memref<128xi32, #tpu.memory_space<vmem>>
    %dma_wait3A_408 = arith.constant 0 : i32
    %dma_wait3A_409 = arith.constant 0 : i32
    %dma_wait3A_410 = tpu.memref_slice %arg24[%dma_wait3A_408, %dma_wait3A_409] : memref<10112x64xf32, #tpu.memory_space<vmem_shared>> -> memref<10112x64xf32, #tpu.memory_space<vmem_shared>>
    tpu.wait_indirect_dma semaphore(%arg21 : memref<!tpu.dma_semaphore, #tpu.memory_space<semaphore_mem>>) src(%arg13 : memref<128x64xf32, #tpu.memory_space<vmem>>) dst(%dma_wait3A_410 : memref<10112x64xf32, #tpu.memory_space<vmem_shared>>)
    %dma_wait3A_411 = arith.constant 1 : i32
    %dma_wait3A_412 = arith.constant 161 : i32
    %dma_wait3A_413 = arith.constant 0 : i32
    %dma_wait3A_414 = tpu.memref_slice %arg6[%dma_wait3A_412, %dma_wait3A_413] : memref<164x128xi32, #tpu.memory_space<vmem>> -> memref<1x128xi32, #tpu.memory_space<vmem>>
    %dma_wait3A_415 = tpu.memref_squeeze %dma_wait3A_414 : memref<1x128xi32, #tpu.memory_space<vmem>> -> memref<128xi32, #tpu.memory_space<vmem>>
    %dma_wait3A_416 = arith.constant 0 : i32
    %dma_wait3A_417 = arith.constant 0 : i32
    %dma_wait3A_418 = tpu.memref_slice %arg2[%arg0, %dma_wait3A_411, %dma_wait3A_416, %dma_wait3A_417] : memref<2x2x10112x32xi32, #tpu.memory_space<hbm>> -> memref<1x1x10112x32xi32, #tpu.memory_space<hbm>>
    %dma_wait3A_419 = tpu.memref_squeeze %dma_wait3A_418 : memref<1x1x10112x32xi32, #tpu.memory_space<hbm>> -> memref<10112x32xi32, #tpu.memory_space<hbm>>
    %dma_wait3A_420 = arith.constant 0 : i32
    %dma_wait3A_421 = arith.constant 0 : i32
    %dma_wait3A_422 = tpu.memref_slice %dma_wait3A_419[%dma_wait3A_420, %dma_wait3A_421] : memref<10112x32xi32, #tpu.memory_space<hbm>> -> memref<10112x32xi32, #tpu.memory_space<hbm>>
    tpu.wait_indirect_dma semaphore(%arg17 : memref<!tpu.dma_semaphore, #tpu.memory_space<semaphore_mem>>) src(%dma_wait3A_422 : memref<10112x32xi32, #tpu.memory_space<hbm>>) dst(%arg9 : memref<128x32xi32, #tpu.memory_space<vmem>>)
    %dma_wait3A_423 = arith.constant 0 : i32
    %dma_wait3A_424 = arith.constant 0 : i32
    %dma_wait3A_425 = tpu.memref_slice %arg7[%dma_wait3A_423, %dma_wait3A_424] : memref<160x128xi32, #tpu.memory_space<vmem>> -> memref<1x128xi32, #tpu.memory_space<vmem>>
    %dma_wait3A_426 = tpu.memref_squeeze %dma_wait3A_425 : memref<1x128xi32, #tpu.memory_space<vmem>> -> memref<128xi32, #tpu.memory_space<vmem>>
    %dma_wait3A_427 = arith.constant 0 : i32
    %dma_wait3A_428 = arith.constant 0 : i32
    %dma_wait3A_429 = tpu.memref_slice %arg24[%dma_wait3A_427, %dma_wait3A_428] : memref<10112x64xf32, #tpu.memory_space<vmem_shared>> -> memref<10112x64xf32, #tpu.memory_space<vmem_shared>>
    tpu.wait_indirect_dma semaphore(%arg22 : memref<!tpu.dma_semaphore, #tpu.memory_space<semaphore_mem>>) src(%arg14 : memref<128x64xf32, #tpu.memory_space<vmem>>) dst(%dma_wait3A_429 : memref<10112x64xf32, #tpu.memory_space<vmem_shared>>)
    %dma_wait3A_430 = arith.constant 1 : i32
    %dma_wait3A_431 = arith.constant 162 : i32
    %dma_wait3A_432 = arith.constant 0 : i32
    %dma_wait3A_433 = tpu.memref_slice %arg6[%dma_wait3A_431, %dma_wait3A_432] : memref<164x128xi32, #tpu.memory_space<vmem>> -> memref<1x128xi32, #tpu.memory_space<vmem>>
    %dma_wait3A_434 = tpu.memref_squeeze %dma_wait3A_433 : memref<1x128xi32, #tpu.memory_space<vmem>> -> memref<128xi32, #tpu.memory_space<vmem>>
    %dma_wait3A_435 = arith.constant 0 : i32
    %dma_wait3A_436 = arith.constant 0 : i32
    %dma_wait3A_437 = tpu.memref_slice %arg2[%arg0, %dma_wait3A_430, %dma_wait3A_435, %dma_wait3A_436] : memref<2x2x10112x32xi32, #tpu.memory_space<hbm>> -> memref<1x1x10112x32xi32, #tpu.memory_space<hbm>>
    %dma_wait3A_438 = tpu.memref_squeeze %dma_wait3A_437 : memref<1x1x10112x32xi32, #tpu.memory_space<hbm>> -> memref<10112x32xi32, #tpu.memory_space<hbm>>
    %dma_wait3A_439 = arith.constant 0 : i32
    %dma_wait3A_440 = arith.constant 0 : i32
    %dma_wait3A_441 = tpu.memref_slice %dma_wait3A_438[%dma_wait3A_439, %dma_wait3A_440] : memref<10112x32xi32, #tpu.memory_space<hbm>> -> memref<10112x32xi32, #tpu.memory_space<hbm>>
    tpu.wait_indirect_dma semaphore(%arg18 : memref<!tpu.dma_semaphore, #tpu.memory_space<semaphore_mem>>) src(%dma_wait3A_441 : memref<10112x32xi32, #tpu.memory_space<hbm>>) dst(%arg10 : memref<128x32xi32, #tpu.memory_space<vmem>>)
    %dma_wait3A_442 = arith.constant 0 : i32
    %dma_wait3A_443 = arith.constant 0 : i32
    %dma_wait3A_444 = tpu.memref_slice %arg7[%dma_wait3A_442, %dma_wait3A_443] : memref<160x128xi32, #tpu.memory_space<vmem>> -> memref<1x128xi32, #tpu.memory_space<vmem>>
    %dma_wait3A_445 = tpu.memref_squeeze %dma_wait3A_444 : memref<1x128xi32, #tpu.memory_space<vmem>> -> memref<128xi32, #tpu.memory_space<vmem>>
    %dma_wait3A_446 = arith.constant 0 : i32
    %dma_wait3A_447 = arith.constant 0 : i32
    %dma_wait3A_448 = tpu.memref_slice %arg24[%dma_wait3A_446, %dma_wait3A_447] : memref<10112x64xf32, #tpu.memory_space<vmem_shared>> -> memref<10112x64xf32, #tpu.memory_space<vmem_shared>>
    tpu.wait_indirect_dma semaphore(%arg23 : memref<!tpu.dma_semaphore, #tpu.memory_space<semaphore_mem>>) src(%arg15 : memref<128x64xf32, #tpu.memory_space<vmem>>) dst(%dma_wait3A_448 : memref<10112x64xf32, #tpu.memory_space<vmem_shared>>)
    %dma_wait3A_449 = arith.constant 1 : i32
    %dma_wait3A_450 = arith.constant 163 : i32
    %dma_wait3A_451 = arith.constant 0 : i32
    %dma_wait3A_452 = tpu.memref_slice %arg6[%dma_wait3A_450, %dma_wait3A_451] : memref<164x128xi32, #tpu.memory_space<vmem>> -> memref<1x128xi32, #tpu.memory_space<vmem>>
    %dma_wait3A_453 = tpu.memref_squeeze %dma_wait3A_452 : memref<1x128xi32, #tpu.memory_space<vmem>> -> memref<128xi32, #tpu.memory_space<vmem>>
    %dma_wait3A_454 = arith.constant 0 : i32
    %dma_wait3A_455 = arith.constant 0 : i32
    %dma_wait3A_456 = tpu.memref_slice %arg2[%arg0, %dma_wait3A_449, %dma_wait3A_454, %dma_wait3A_455] : memref<2x2x10112x32xi32, #tpu.memory_space<hbm>> -> memref<1x1x10112x32xi32, #tpu.memory_space<hbm>>
    %dma_wait3A_457 = tpu.memref_squeeze %dma_wait3A_456 : memref<1x1x10112x32xi32, #tpu.memory_space<hbm>> -> memref<10112x32xi32, #tpu.memory_space<hbm>>
    %dma_wait3A_458 = arith.constant 0 : i32
    %dma_wait3A_459 = arith.constant 0 : i32
    %dma_wait3A_460 = tpu.memref_slice %dma_wait3A_457[%dma_wait3A_458, %dma_wait3A_459] : memref<10112x32xi32, #tpu.memory_space<hbm>> -> memref<10112x32xi32, #tpu.memory_space<hbm>>
    tpu.wait_indirect_dma semaphore(%arg19 : memref<!tpu.dma_semaphore, #tpu.memory_space<semaphore_mem>>) src(%dma_wait3A_460 : memref<10112x32xi32, #tpu.memory_space<hbm>>) dst(%arg11 : memref<128x32xi32, #tpu.memory_space<vmem>>)
    %barrier3A_461 = arith.constant 0 : index
    tpu.barrier barrier_id(%barrier3A_461)
    %mul3A_462 = arith.constant 632 : i32
    %mul3A_463 = arith.muli %arg1, %mul3A_462 : i32
    %add3A_464 = arith.constant 0 : i32
    %add3A_465 = arith.addi %mul3A_463, %add3A_464 : i32
    "tpu.region"() ({
      %run_scoped3A_507 = tpu.sem_alloc : memref<!tpu.dma_semaphore, #tpu.memory_space<semaphore_mem>>
      %dma_start3A_508 = arith.constant 0 : i32
      %dma_start3A_509 = arith.constant 0 : i32
      %dma_start3A_510 = tpu.memref_slice %arg12[%dma_start3A_508, %dma_start3A_509] : memref<128x64xf32, #tpu.memory_space<vmem>> -> memref<128x64xf32, #tpu.memory_space<vmem>>
      %dma_start3A_511 = arith.constant 0 : i32
      %dma_start3A_512 = tpu.memref_slice %arg24[%add3A_465, %dma_start3A_511] : memref<10112x64xf32, #tpu.memory_space<vmem_shared>> -> memref<128x64xf32, #tpu.memory_space<vmem_shared>>
      %dma_start3A_513 = arith.constant 0 : i32
      %dma_start3A_514 = arith.constant 0 : i32
      %dma_start3A_515 = tpu.memref_slice %arg12[%dma_start3A_513, %dma_start3A_514] : memref<128x64xf32, #tpu.memory_space<vmem>> -> memref<128x64xf32, #tpu.memory_space<vmem>>
      %dma_start3A_516 = arith.constant 0 : i32
      %dma_start3A_517 = tpu.memref_slice %arg24[%add3A_465, %dma_start3A_516] : memref<10112x64xf32, #tpu.memory_space<vmem_shared>> -> memref<128x64xf32, #tpu.memory_space<vmem_shared>>
      tpu.enqueue_dma source(%dma_start3A_517 : memref<128x64xf32, #tpu.memory_space<vmem_shared>>) target(%dma_start3A_515 : memref<128x64xf32, #tpu.memory_space<vmem>>) target_semaphore(%run_scoped3A_507 : memref<!tpu.dma_semaphore, #tpu.memory_space<semaphore_mem>>)
      %dma_wait3A_518 = arith.constant 0 : i32
      %dma_wait3A_519 = arith.constant 0 : i32
      %dma_wait3A_520 = tpu.memref_slice %arg12[%dma_wait3A_518, %dma_wait3A_519] : memref<128x64xf32, #tpu.memory_space<vmem>> -> memref<128x64xf32, #tpu.memory_space<vmem>>
      %dma_wait3A_521 = arith.constant 0 : i32
      %dma_wait3A_522 = tpu.memref_slice %arg24[%add3A_465, %dma_wait3A_521] : memref<10112x64xf32, #tpu.memory_space<vmem_shared>> -> memref<128x64xf32, #tpu.memory_space<vmem_shared>>
      %dma_wait3A_523 = arith.constant 0 : i32
      %dma_wait3A_524 = arith.constant 0 : i32
      %dma_wait3A_525 = tpu.memref_slice %arg12[%dma_wait3A_523, %dma_wait3A_524] : memref<128x64xf32, #tpu.memory_space<vmem>> -> memref<128x64xf32, #tpu.memory_space<vmem>>
      %dma_wait3A_526 = arith.constant 0 : i32
      %dma_wait3A_527 = tpu.memref_slice %arg24[%add3A_465, %dma_wait3A_526] : memref<10112x64xf32, #tpu.memory_space<vmem_shared>> -> memref<128x64xf32, #tpu.memory_space<vmem_shared>>
      tpu.wait_dma2 semaphore(%run_scoped3A_507 : memref<!tpu.dma_semaphore, #tpu.memory_space<semaphore_mem>>) src(%dma_wait3A_527 : memref<128x64xf32, #tpu.memory_space<vmem_shared>>) dst(%dma_wait3A_525 : memref<128x64xf32, #tpu.memory_space<vmem>>)
      tpu.yield
    }) : () -> ()
    %mul3A_466 = arith.constant 632 : i32
    %mul3A_467 = arith.muli %arg1, %mul3A_466 : i32
    %add3A_468 = arith.constant 0 : i32
    %add3A_469 = arith.addi %mul3A_467, %add3A_468 : i32
    %run_scoped3A_470 = arith.constant 1 : i32
    "tpu.region"() ({
      %run_scoped3A_507 = tpu.sem_alloc : memref<!tpu.dma_semaphore, #tpu.memory_space<semaphore_mem>>
      %dma_start3A_508 = arith.constant 0 : i32
      %dma_start3A_509 = arith.constant 0 : i32
      %dma_start3A_510 = tpu.memref_slice %arg12[%dma_start3A_508, %dma_start3A_509] : memref<128x64xf32, #tpu.memory_space<vmem>> -> memref<128x64xf32, #tpu.memory_space<vmem>>
      %dma_start3A_511 = arith.constant 0 : i32
      %dma_start3A_512 = tpu.memref_slice %arg5[%arg0, %run_scoped3A_470, %add3A_469, %dma_start3A_511] : memref<2x2x10112x64xf32, #tpu.memory_space<hbm>> -> memref<1x1x128x64xf32, #tpu.memory_space<hbm>>
      %dma_start3A_513 = tpu.memref_squeeze %dma_start3A_512 : memref<1x1x128x64xf32, #tpu.memory_space<hbm>> -> memref<128x64xf32, #tpu.memory_space<hbm>>
      %dma_start3A_514 = arith.constant 0 : i32
      %dma_start3A_515 = tpu.memref_slice %arg5[%arg0, %run_scoped3A_470, %add3A_469, %dma_start3A_514] : memref<2x2x10112x64xf32, #tpu.memory_space<hbm>> -> memref<1x1x128x64xf32, #tpu.memory_space<hbm>>
      %dma_start3A_516 = tpu.memref_squeeze %dma_start3A_515 : memref<1x1x128x64xf32, #tpu.memory_space<hbm>> -> memref<128x64xf32, #tpu.memory_space<hbm>>
      %dma_start3A_517 = arith.constant 0 : i32
      %dma_start3A_518 = arith.constant 0 : i32
      %dma_start3A_519 = tpu.memref_slice %arg12[%dma_start3A_517, %dma_start3A_518] : memref<128x64xf32, #tpu.memory_space<vmem>> -> memref<128x64xf32, #tpu.memory_space<vmem>>
      tpu.enqueue_dma source(%dma_start3A_519 : memref<128x64xf32, #tpu.memory_space<vmem>>) target(%dma_start3A_516 : memref<128x64xf32, #tpu.memory_space<hbm>>) target_semaphore(%run_scoped3A_507 : memref<!tpu.dma_semaphore, #tpu.memory_space<semaphore_mem>>)
      %dma_wait3A_520 = arith.constant 0 : i32
      %dma_wait3A_521 = arith.constant 0 : i32
      %dma_wait3A_522 = tpu.memref_slice %arg12[%dma_wait3A_520, %dma_wait3A_521] : memref<128x64xf32, #tpu.memory_space<vmem>> -> memref<128x64xf32, #tpu.memory_space<vmem>>
      %dma_wait3A_523 = arith.constant 0 : i32
      %dma_wait3A_524 = tpu.memref_slice %arg5[%arg0, %run_scoped3A_470, %add3A_469, %dma_wait3A_523] : memref<2x2x10112x64xf32, #tpu.memory_space<hbm>> -> memref<1x1x128x64xf32, #tpu.memory_space<hbm>>
      %dma_wait3A_525 = tpu.memref_squeeze %dma_wait3A_524 : memref<1x1x128x64xf32, #tpu.memory_space<hbm>> -> memref<128x64xf32, #tpu.memory_space<hbm>>
      %dma_wait3A_526 = arith.constant 0 : i32
      %dma_wait3A_527 = tpu.memref_slice %arg5[%arg0, %run_scoped3A_470, %add3A_469, %dma_wait3A_526] : memref<2x2x10112x64xf32, #tpu.memory_space<hbm>> -> memref<1x1x128x64xf32, #tpu.memory_space<hbm>>
      %dma_wait3A_528 = tpu.memref_squeeze %dma_wait3A_527 : memref<1x1x128x64xf32, #tpu.memory_space<hbm>> -> memref<128x64xf32, #tpu.memory_space<hbm>>
      %dma_wait3A_529 = arith.constant 0 : i32
      %dma_wait3A_530 = arith.constant 0 : i32
      %dma_wait3A_531 = tpu.memref_slice %arg12[%dma_wait3A_529, %dma_wait3A_530] : memref<128x64xf32, #tpu.memory_space<vmem>> -> memref<128x64xf32, #tpu.memory_space<vmem>>
      tpu.wait_dma2 semaphore(%run_scoped3A_507 : memref<!tpu.dma_semaphore, #tpu.memory_space<semaphore_mem>>) src(%dma_wait3A_531 : memref<128x64xf32, #tpu.memory_space<vmem>>) dst(%dma_wait3A_528 : memref<128x64xf32, #tpu.memory_space<hbm>>)
      tpu.yield
    }) : () -> ()
    %mul3A_471 = arith.constant 632 : i32
    %mul3A_472 = arith.muli %arg1, %mul3A_471 : i32
    %add3A_473 = arith.constant 128 : i32
    %add3A_474 = arith.addi %mul3A_472, %add3A_473 : i32
    "tpu.region"() ({
      %run_scoped3A_507 = tpu.sem_alloc : memref<!tpu.dma_semaphore, #tpu.memory_space<semaphore_mem>>
      %dma_start3A_508 = arith.constant 0 : i32
      %dma_start3A_509 = arith.constant 0 : i32
      %dma_start3A_510 = tpu.memref_slice %arg12[%dma_start3A_508, %dma_start3A_509] : memref<128x64xf32, #tpu.memory_space<vmem>> -> memref<128x64xf32, #tpu.memory_space<vmem>>
      %dma_start3A_511 = arith.constant 0 : i32
      %dma_start3A_512 = tpu.memref_slice %arg24[%add3A_474, %dma_start3A_511] : memref<10112x64xf32, #tpu.memory_space<vmem_shared>> -> memref<128x64xf32, #tpu.memory_space<vmem_shared>>
      %dma_start3A_513 = arith.constant 0 : i32
      %dma_start3A_514 = arith.constant 0 : i32
      %dma_start3A_515 = tpu.memref_slice %arg12[%dma_start3A_513, %dma_start3A_514] : memref<128x64xf32, #tpu.memory_space<vmem>> -> memref<128x64xf32, #tpu.memory_space<vmem>>
      %dma_start3A_516 = arith.constant 0 : i32
      %dma_start3A_517 = tpu.memref_slice %arg24[%add3A_474, %dma_start3A_516] : memref<10112x64xf32, #tpu.memory_space<vmem_shared>> -> memref<128x64xf32, #tpu.memory_space<vmem_shared>>
      tpu.enqueue_dma source(%dma_start3A_517 : memref<128x64xf32, #tpu.memory_space<vmem_shared>>) target(%dma_start3A_515 : memref<128x64xf32, #tpu.memory_space<vmem>>) target_semaphore(%run_scoped3A_507 : memref<!tpu.dma_semaphore, #tpu.memory_space<semaphore_mem>>)
      %dma_wait3A_518 = arith.constant 0 : i32
      %dma_wait3A_519 = arith.constant 0 : i32
      %dma_wait3A_520 = tpu.memref_slice %arg12[%dma_wait3A_518, %dma_wait3A_519] : memref<128x64xf32, #tpu.memory_space<vmem>> -> memref<128x64xf32, #tpu.memory_space<vmem>>
      %dma_wait3A_521 = arith.constant 0 : i32
      %dma_wait3A_522 = tpu.memref_slice %arg24[%add3A_474, %dma_wait3A_521] : memref<10112x64xf32, #tpu.memory_space<vmem_shared>> -> memref<128x64xf32, #tpu.memory_space<vmem_shared>>
      %dma_wait3A_523 = arith.constant 0 : i32
      %dma_wait3A_524 = arith.constant 0 : i32
      %dma_wait3A_525 = tpu.memref_slice %arg12[%dma_wait3A_523, %dma_wait3A_524] : memref<128x64xf32, #tpu.memory_space<vmem>> -> memref<128x64xf32, #tpu.memory_space<vmem>>
      %dma_wait3A_526 = arith.constant 0 : i32
      %dma_wait3A_527 = tpu.memref_slice %arg24[%add3A_474, %dma_wait3A_526] : memref<10112x64xf32, #tpu.memory_space<vmem_shared>> -> memref<128x64xf32, #tpu.memory_space<vmem_shared>>
      tpu.wait_dma2 semaphore(%run_scoped3A_507 : memref<!tpu.dma_semaphore, #tpu.memory_space<semaphore_mem>>) src(%dma_wait3A_527 : memref<128x64xf32, #tpu.memory_space<vmem_shared>>) dst(%dma_wait3A_525 : memref<128x64xf32, #tpu.memory_space<vmem>>)
      tpu.yield
    }) : () -> ()
    %mul3A_475 = arith.constant 632 : i32
    %mul3A_476 = arith.muli %arg1, %mul3A_475 : i32
    %add3A_477 = arith.constant 128 : i32
    %add3A_478 = arith.addi %mul3A_476, %add3A_477 : i32
    %run_scoped3A_479 = arith.constant 1 : i32
    "tpu.region"() ({
      %run_scoped3A_507 = tpu.sem_alloc : memref<!tpu.dma_semaphore, #tpu.memory_space<semaphore_mem>>
      %dma_start3A_508 = arith.constant 0 : i32
      %dma_start3A_509 = arith.constant 0 : i32
      %dma_start3A_510 = tpu.memref_slice %arg12[%dma_start3A_508, %dma_start3A_509] : memref<128x64xf32, #tpu.memory_space<vmem>> -> memref<128x64xf32, #tpu.memory_space<vmem>>
      %dma_start3A_511 = arith.constant 0 : i32
      %dma_start3A_512 = tpu.memref_slice %arg5[%arg0, %run_scoped3A_479, %add3A_478, %dma_start3A_511] : memref<2x2x10112x64xf32, #tpu.memory_space<hbm>> -> memref<1x1x128x64xf32, #tpu.memory_space<hbm>>
      %dma_start3A_513 = tpu.memref_squeeze %dma_start3A_512 : memref<1x1x128x64xf32, #tpu.memory_space<hbm>> -> memref<128x64xf32, #tpu.memory_space<hbm>>
      %dma_start3A_514 = arith.constant 0 : i32
      %dma_start3A_515 = tpu.memref_slice %arg5[%arg0, %run_scoped3A_479, %add3A_478, %dma_start3A_514] : memref<2x2x10112x64xf32, #tpu.memory_space<hbm>> -> memref<1x1x128x64xf32, #tpu.memory_space<hbm>>
      %dma_start3A_516 = tpu.memref_squeeze %dma_start3A_515 : memref<1x1x128x64xf32, #tpu.memory_space<hbm>> -> memref<128x64xf32, #tpu.memory_space<hbm>>
      %dma_start3A_517 = arith.constant 0 : i32
      %dma_start3A_518 = arith.constant 0 : i32
      %dma_start3A_519 = tpu.memref_slice %arg12[%dma_start3A_517, %dma_start3A_518] : memref<128x64xf32, #tpu.memory_space<vmem>> -> memref<128x64xf32, #tpu.memory_space<vmem>>
      tpu.enqueue_dma source(%dma_start3A_519 : memref<128x64xf32, #tpu.memory_space<vmem>>) target(%dma_start3A_516 : memref<128x64xf32, #tpu.memory_space<hbm>>) target_semaphore(%run_scoped3A_507 : memref<!tpu.dma_semaphore, #tpu.memory_space<semaphore_mem>>)
      %dma_wait3A_520 = arith.constant 0 : i32
      %dma_wait3A_521 = arith.constant 0 : i32
      %dma_wait3A_522 = tpu.memref_slice %arg12[%dma_wait3A_520, %dma_wait3A_521] : memref<128x64xf32, #tpu.memory_space<vmem>> -> memref<128x64xf32, #tpu.memory_space<vmem>>
      %dma_wait3A_523 = arith.constant 0 : i32
      %dma_wait3A_524 = tpu.memref_slice %arg5[%arg0, %run_scoped3A_479, %add3A_478, %dma_wait3A_523] : memref<2x2x10112x64xf32, #tpu.memory_space<hbm>> -> memref<1x1x128x64xf32, #tpu.memory_space<hbm>>
      %dma_wait3A_525 = tpu.memref_squeeze %dma_wait3A_524 : memref<1x1x128x64xf32, #tpu.memory_space<hbm>> -> memref<128x64xf32, #tpu.memory_space<hbm>>
      %dma_wait3A_526 = arith.constant 0 : i32
      %dma_wait3A_527 = tpu.memref_slice %arg5[%arg0, %run_scoped3A_479, %add3A_478, %dma_wait3A_526] : memref<2x2x10112x64xf32, #tpu.memory_space<hbm>> -> memref<1x1x128x64xf32, #tpu.memory_space<hbm>>
      %dma_wait3A_528 = tpu.memref_squeeze %dma_wait3A_527 : memref<1x1x128x64xf32, #tpu.memory_space<hbm>> -> memref<128x64xf32, #tpu.memory_space<hbm>>
      %dma_wait3A_529 = arith.constant 0 : i32
      %dma_wait3A_530 = arith.constant 0 : i32
      %dma_wait3A_531 = tpu.memref_slice %arg12[%dma_wait3A_529, %dma_wait3A_530] : memref<128x64xf32, #tpu.memory_space<vmem>> -> memref<128x64xf32, #tpu.memory_space<vmem>>
      tpu.wait_dma2 semaphore(%run_scoped3A_507 : memref<!tpu.dma_semaphore, #tpu.memory_space<semaphore_mem>>) src(%dma_wait3A_531 : memref<128x64xf32, #tpu.memory_space<vmem>>) dst(%dma_wait3A_528 : memref<128x64xf32, #tpu.memory_space<hbm>>)
      tpu.yield
    }) : () -> ()
    %mul3A_480 = arith.constant 632 : i32
    %mul3A_481 = arith.muli %arg1, %mul3A_480 : i32
    %add3A_482 = arith.constant 256 : i32
    %add3A_483 = arith.addi %mul3A_481, %add3A_482 : i32
    "tpu.region"() ({
      %run_scoped3A_507 = tpu.sem_alloc : memref<!tpu.dma_semaphore, #tpu.memory_space<semaphore_mem>>
      %dma_start3A_508 = arith.constant 0 : i32
      %dma_start3A_509 = arith.constant 0 : i32
      %dma_start3A_510 = tpu.memref_slice %arg12[%dma_start3A_508, %dma_start3A_509] : memref<128x64xf32, #tpu.memory_space<vmem>> -> memref<128x64xf32, #tpu.memory_space<vmem>>
      %dma_start3A_511 = arith.constant 0 : i32
      %dma_start3A_512 = tpu.memref_slice %arg24[%add3A_483, %dma_start3A_511] : memref<10112x64xf32, #tpu.memory_space<vmem_shared>> -> memref<128x64xf32, #tpu.memory_space<vmem_shared>>
      %dma_start3A_513 = arith.constant 0 : i32
      %dma_start3A_514 = arith.constant 0 : i32
      %dma_start3A_515 = tpu.memref_slice %arg12[%dma_start3A_513, %dma_start3A_514] : memref<128x64xf32, #tpu.memory_space<vmem>> -> memref<128x64xf32, #tpu.memory_space<vmem>>
      %dma_start3A_516 = arith.constant 0 : i32
      %dma_start3A_517 = tpu.memref_slice %arg24[%add3A_483, %dma_start3A_516] : memref<10112x64xf32, #tpu.memory_space<vmem_shared>> -> memref<128x64xf32, #tpu.memory_space<vmem_shared>>
      tpu.enqueue_dma source(%dma_start3A_517 : memref<128x64xf32, #tpu.memory_space<vmem_shared>>) target(%dma_start3A_515 : memref<128x64xf32, #tpu.memory_space<vmem>>) target_semaphore(%run_scoped3A_507 : memref<!tpu.dma_semaphore, #tpu.memory_space<semaphore_mem>>)
      %dma_wait3A_518 = arith.constant 0 : i32
      %dma_wait3A_519 = arith.constant 0 : i32
      %dma_wait3A_520 = tpu.memref_slice %arg12[%dma_wait3A_518, %dma_wait3A_519] : memref<128x64xf32, #tpu.memory_space<vmem>> -> memref<128x64xf32, #tpu.memory_space<vmem>>
      %dma_wait3A_521 = arith.constant 0 : i32
      %dma_wait3A_522 = tpu.memref_slice %arg24[%add3A_483, %dma_wait3A_521] : memref<10112x64xf32, #tpu.memory_space<vmem_shared>> -> memref<128x64xf32, #tpu.memory_space<vmem_shared>>
      %dma_wait3A_523 = arith.constant 0 : i32
      %dma_wait3A_524 = arith.constant 0 : i32
      %dma_wait3A_525 = tpu.memref_slice %arg12[%dma_wait3A_523, %dma_wait3A_524] : memref<128x64xf32, #tpu.memory_space<vmem>> -> memref<128x64xf32, #tpu.memory_space<vmem>>
      %dma_wait3A_526 = arith.constant 0 : i32
      %dma_wait3A_527 = tpu.memref_slice %arg24[%add3A_483, %dma_wait3A_526] : memref<10112x64xf32, #tpu.memory_space<vmem_shared>> -> memref<128x64xf32, #tpu.memory_space<vmem_shared>>
      tpu.wait_dma2 semaphore(%run_scoped3A_507 : memref<!tpu.dma_semaphore, #tpu.memory_space<semaphore_mem>>) src(%dma_wait3A_527 : memref<128x64xf32, #tpu.memory_space<vmem_shared>>) dst(%dma_wait3A_525 : memref<128x64xf32, #tpu.memory_space<vmem>>)
      tpu.yield
    }) : () -> ()
    %mul3A_484 = arith.constant 632 : i32
    %mul3A_485 = arith.muli %arg1, %mul3A_484 : i32
    %add3A_486 = arith.constant 256 : i32
    %add3A_487 = arith.addi %mul3A_485, %add3A_486 : i32
    %run_scoped3A_488 = arith.constant 1 : i32
    "tpu.region"() ({
      %run_scoped3A_507 = tpu.sem_alloc : memref<!tpu.dma_semaphore, #tpu.memory_space<semaphore_mem>>
      %dma_start3A_508 = arith.constant 0 : i32
      %dma_start3A_509 = arith.constant 0 : i32
      %dma_start3A_510 = tpu.memref_slice %arg12[%dma_start3A_508, %dma_start3A_509] : memref<128x64xf32, #tpu.memory_space<vmem>> -> memref<128x64xf32, #tpu.memory_space<vmem>>
      %dma_start3A_511 = arith.constant 0 : i32
      %dma_start3A_512 = tpu.memref_slice %arg5[%arg0, %run_scoped3A_488, %add3A_487, %dma_start3A_511] : memref<2x2x10112x64xf32, #tpu.memory_space<hbm>> -> memref<1x1x128x64xf32, #tpu.memory_space<hbm>>
      %dma_start3A_513 = tpu.memref_squeeze %dma_start3A_512 : memref<1x1x128x64xf32, #tpu.memory_space<hbm>> -> memref<128x64xf32, #tpu.memory_space<hbm>>
      %dma_start3A_514 = arith.constant 0 : i32
      %dma_start3A_515 = tpu.memref_slice %arg5[%arg0, %run_scoped3A_488, %add3A_487, %dma_start3A_514] : memref<2x2x10112x64xf32, #tpu.memory_space<hbm>> -> memref<1x1x128x64xf32, #tpu.memory_space<hbm>>
      %dma_start3A_516 = tpu.memref_squeeze %dma_start3A_515 : memref<1x1x128x64xf32, #tpu.memory_space<hbm>> -> memref<128x64xf32, #tpu.memory_space<hbm>>
      %dma_start3A_517 = arith.constant 0 : i32
      %dma_start3A_518 = arith.constant 0 : i32
      %dma_start3A_519 = tpu.memref_slice %arg12[%dma_start3A_517, %dma_start3A_518] : memref<128x64xf32, #tpu.memory_space<vmem>> -> memref<128x64xf32, #tpu.memory_space<vmem>>
      tpu.enqueue_dma source(%dma_start3A_519 : memref<128x64xf32, #tpu.memory_space<vmem>>) target(%dma_start3A_516 : memref<128x64xf32, #tpu.memory_space<hbm>>) target_semaphore(%run_scoped3A_507 : memref<!tpu.dma_semaphore, #tpu.memory_space<semaphore_mem>>)
      %dma_wait3A_520 = arith.constant 0 : i32
      %dma_wait3A_521 = arith.constant 0 : i32
      %dma_wait3A_522 = tpu.memref_slice %arg12[%dma_wait3A_520, %dma_wait3A_521] : memref<128x64xf32, #tpu.memory_space<vmem>> -> memref<128x64xf32, #tpu.memory_space<vmem>>
      %dma_wait3A_523 = arith.constant 0 : i32
      %dma_wait3A_524 = tpu.memref_slice %arg5[%arg0, %run_scoped3A_488, %add3A_487, %dma_wait3A_523] : memref<2x2x10112x64xf32, #tpu.memory_space<hbm>> -> memref<1x1x128x64xf32, #tpu.memory_space<hbm>>
      %dma_wait3A_525 = tpu.memref_squeeze %dma_wait3A_524 : memref<1x1x128x64xf32, #tpu.memory_space<hbm>> -> memref<128x64xf32, #tpu.memory_space<hbm>>
      %dma_wait3A_526 = arith.constant 0 : i32
      %dma_wait3A_527 = tpu.memref_slice %arg5[%arg0, %run_scoped3A_488, %add3A_487, %dma_wait3A_526] : memref<2x2x10112x64xf32, #tpu.memory_space<hbm>> -> memref<1x1x128x64xf32, #tpu.memory_space<hbm>>
      %dma_wait3A_528 = tpu.memref_squeeze %dma_wait3A_527 : memref<1x1x128x64xf32, #tpu.memory_space<hbm>> -> memref<128x64xf32, #tpu.memory_space<hbm>>
      %dma_wait3A_529 = arith.constant 0 : i32
      %dma_wait3A_530 = arith.constant 0 : i32
      %dma_wait3A_531 = tpu.memref_slice %arg12[%dma_wait3A_529, %dma_wait3A_530] : memref<128x64xf32, #tpu.memory_space<vmem>> -> memref<128x64xf32, #tpu.memory_space<vmem>>
      tpu.wait_dma2 semaphore(%run_scoped3A_507 : memref<!tpu.dma_semaphore, #tpu.memory_space<semaphore_mem>>) src(%dma_wait3A_531 : memref<128x64xf32, #tpu.memory_space<vmem>>) dst(%dma_wait3A_528 : memref<128x64xf32, #tpu.memory_space<hbm>>)
      tpu.yield
    }) : () -> ()
    %mul3A_489 = arith.constant 632 : i32
    %mul3A_490 = arith.muli %arg1, %mul3A_489 : i32
    %add3A_491 = arith.constant 384 : i32
    %add3A_492 = arith.addi %mul3A_490, %add3A_491 : i32
    "tpu.region"() ({
      %run_scoped3A_507 = tpu.sem_alloc : memref<!tpu.dma_semaphore, #tpu.memory_space<semaphore_mem>>
      %dma_start3A_508 = arith.constant 0 : i32
      %dma_start3A_509 = arith.constant 0 : i32
      %dma_start3A_510 = tpu.memref_slice %arg12[%dma_start3A_508, %dma_start3A_509] : memref<128x64xf32, #tpu.memory_space<vmem>> -> memref<128x64xf32, #tpu.memory_space<vmem>>
      %dma_start3A_511 = arith.constant 0 : i32
      %dma_start3A_512 = tpu.memref_slice %arg24[%add3A_492, %dma_start3A_511] : memref<10112x64xf32, #tpu.memory_space<vmem_shared>> -> memref<128x64xf32, #tpu.memory_space<vmem_shared>>
      %dma_start3A_513 = arith.constant 0 : i32
      %dma_start3A_514 = arith.constant 0 : i32
      %dma_start3A_515 = tpu.memref_slice %arg12[%dma_start3A_513, %dma_start3A_514] : memref<128x64xf32, #tpu.memory_space<vmem>> -> memref<128x64xf32, #tpu.memory_space<vmem>>
      %dma_start3A_516 = arith.constant 0 : i32
      %dma_start3A_517 = tpu.memref_slice %arg24[%add3A_492, %dma_start3A_516] : memref<10112x64xf32, #tpu.memory_space<vmem_shared>> -> memref<128x64xf32, #tpu.memory_space<vmem_shared>>
      tpu.enqueue_dma source(%dma_start3A_517 : memref<128x64xf32, #tpu.memory_space<vmem_shared>>) target(%dma_start3A_515 : memref<128x64xf32, #tpu.memory_space<vmem>>) target_semaphore(%run_scoped3A_507 : memref<!tpu.dma_semaphore, #tpu.memory_space<semaphore_mem>>)
      %dma_wait3A_518 = arith.constant 0 : i32
      %dma_wait3A_519 = arith.constant 0 : i32
      %dma_wait3A_520 = tpu.memref_slice %arg12[%dma_wait3A_518, %dma_wait3A_519] : memref<128x64xf32, #tpu.memory_space<vmem>> -> memref<128x64xf32, #tpu.memory_space<vmem>>
      %dma_wait3A_521 = arith.constant 0 : i32
      %dma_wait3A_522 = tpu.memref_slice %arg24[%add3A_492, %dma_wait3A_521] : memref<10112x64xf32, #tpu.memory_space<vmem_shared>> -> memref<128x64xf32, #tpu.memory_space<vmem_shared>>
      %dma_wait3A_523 = arith.constant 0 : i32
      %dma_wait3A_524 = arith.constant 0 : i32
      %dma_wait3A_525 = tpu.memref_slice %arg12[%dma_wait3A_523, %dma_wait3A_524] : memref<128x64xf32, #tpu.memory_space<vmem>> -> memref<128x64xf32, #tpu.memory_space<vmem>>
      %dma_wait3A_526 = arith.constant 0 : i32
      %dma_wait3A_527 = tpu.memref_slice %arg24[%add3A_492, %dma_wait3A_526] : memref<10112x64xf32, #tpu.memory_space<vmem_shared>> -> memref<128x64xf32, #tpu.memory_space<vmem_shared>>
      tpu.wait_dma2 semaphore(%run_scoped3A_507 : memref<!tpu.dma_semaphore, #tpu.memory_space<semaphore_mem>>) src(%dma_wait3A_527 : memref<128x64xf32, #tpu.memory_space<vmem_shared>>) dst(%dma_wait3A_525 : memref<128x64xf32, #tpu.memory_space<vmem>>)
      tpu.yield
    }) : () -> ()
    %mul3A_493 = arith.constant 632 : i32
    %mul3A_494 = arith.muli %arg1, %mul3A_493 : i32
    %add3A_495 = arith.constant 384 : i32
    %add3A_496 = arith.addi %mul3A_494, %add3A_495 : i32
    %run_scoped3A_497 = arith.constant 1 : i32
    "tpu.region"() ({
      %run_scoped3A_507 = tpu.sem_alloc : memref<!tpu.dma_semaphore, #tpu.memory_space<semaphore_mem>>
      %dma_start3A_508 = arith.constant 0 : i32
      %dma_start3A_509 = arith.constant 0 : i32
      %dma_start3A_510 = tpu.memref_slice %arg12[%dma_start3A_508, %dma_start3A_509] : memref<128x64xf32, #tpu.memory_space<vmem>> -> memref<128x64xf32, #tpu.memory_space<vmem>>
      %dma_start3A_511 = arith.constant 0 : i32
      %dma_start3A_512 = tpu.memref_slice %arg5[%arg0, %run_scoped3A_497, %add3A_496, %dma_start3A_511] : memref<2x2x10112x64xf32, #tpu.memory_space<hbm>> -> memref<1x1x128x64xf32, #tpu.memory_space<hbm>>
      %dma_start3A_513 = tpu.memref_squeeze %dma_start3A_512 : memref<1x1x128x64xf32, #tpu.memory_space<hbm>> -> memref<128x64xf32, #tpu.memory_space<hbm>>
      %dma_start3A_514 = arith.constant 0 : i32
      %dma_start3A_515 = tpu.memref_slice %arg5[%arg0, %run_scoped3A_497, %add3A_496, %dma_start3A_514] : memref<2x2x10112x64xf32, #tpu.memory_space<hbm>> -> memref<1x1x128x64xf32, #tpu.memory_space<hbm>>
      %dma_start3A_516 = tpu.memref_squeeze %dma_start3A_515 : memref<1x1x128x64xf32, #tpu.memory_space<hbm>> -> memref<128x64xf32, #tpu.memory_space<hbm>>
      %dma_start3A_517 = arith.constant 0 : i32
      %dma_start3A_518 = arith.constant 0 : i32
      %dma_start3A_519 = tpu.memref_slice %arg12[%dma_start3A_517, %dma_start3A_518] : memref<128x64xf32, #tpu.memory_space<vmem>> -> memref<128x64xf32, #tpu.memory_space<vmem>>
      tpu.enqueue_dma source(%dma_start3A_519 : memref<128x64xf32, #tpu.memory_space<vmem>>) target(%dma_start3A_516 : memref<128x64xf32, #tpu.memory_space<hbm>>) target_semaphore(%run_scoped3A_507 : memref<!tpu.dma_semaphore, #tpu.memory_space<semaphore_mem>>)
      %dma_wait3A_520 = arith.constant 0 : i32
      %dma_wait3A_521 = arith.constant 0 : i32
      %dma_wait3A_522 = tpu.memref_slice %arg12[%dma_wait3A_520, %dma_wait3A_521] : memref<128x64xf32, #tpu.memory_space<vmem>> -> memref<128x64xf32, #tpu.memory_space<vmem>>
      %dma_wait3A_523 = arith.constant 0 : i32
      %dma_wait3A_524 = tpu.memref_slice %arg5[%arg0, %run_scoped3A_497, %add3A_496, %dma_wait3A_523] : memref<2x2x10112x64xf32, #tpu.memory_space<hbm>> -> memref<1x1x128x64xf32, #tpu.memory_space<hbm>>
      %dma_wait3A_525 = tpu.memref_squeeze %dma_wait3A_524 : memref<1x1x128x64xf32, #tpu.memory_space<hbm>> -> memref<128x64xf32, #tpu.memory_space<hbm>>
      %dma_wait3A_526 = arith.constant 0 : i32
      %dma_wait3A_527 = tpu.memref_slice %arg5[%arg0, %run_scoped3A_497, %add3A_496, %dma_wait3A_526] : memref<2x2x10112x64xf32, #tpu.memory_space<hbm>> -> memref<1x1x128x64xf32, #tpu.memory_space<hbm>>
      %dma_wait3A_528 = tpu.memref_squeeze %dma_wait3A_527 : memref<1x1x128x64xf32, #tpu.memory_space<hbm>> -> memref<128x64xf32, #tpu.memory_space<hbm>>
      %dma_wait3A_529 = arith.constant 0 : i32
      %dma_wait3A_530 = arith.constant 0 : i32
      %dma_wait3A_531 = tpu.memref_slice %arg12[%dma_wait3A_529, %dma_wait3A_530] : memref<128x64xf32, #tpu.memory_space<vmem>> -> memref<128x64xf32, #tpu.memory_space<vmem>>
      tpu.wait_dma2 semaphore(%run_scoped3A_507 : memref<!tpu.dma_semaphore, #tpu.memory_space<semaphore_mem>>) src(%dma_wait3A_531 : memref<128x64xf32, #tpu.memory_space<vmem>>) dst(%dma_wait3A_528 : memref<128x64xf32, #tpu.memory_space<hbm>>)
      tpu.yield
    }) : () -> ()
    %mul3A_498 = arith.constant 632 : i32
    %mul3A_499 = arith.muli %arg1, %mul3A_498 : i32
    %add3A_500 = arith.constant 512 : i32
    %add3A_501 = arith.addi %mul3A_499, %add3A_500 : i32
    "tpu.region"() ({
      %run_scoped3A_507 = tpu.sem_alloc : memref<!tpu.dma_semaphore, #tpu.memory_space<semaphore_mem>>
      %dma_start3A_508 = arith.constant 0 : i32
      %dma_start3A_509 = arith.constant 0 : i32
      %dma_start3A_510 = tpu.memref_slice %arg12[%dma_start3A_508, %dma_start3A_509] : memref<128x64xf32, #tpu.memory_space<vmem>> -> memref<120x64xf32, #tpu.memory_space<vmem>>
      %dma_start3A_511 = arith.constant 0 : i32
      %dma_start3A_512 = tpu.memref_slice %arg24[%add3A_501, %dma_start3A_511] : memref<10112x64xf32, #tpu.memory_space<vmem_shared>> -> memref<120x64xf32, #tpu.memory_space<vmem_shared>>
      %dma_start3A_513 = arith.constant 0 : i32
      %dma_start3A_514 = arith.constant 0 : i32
      %dma_start3A_515 = tpu.memref_slice %arg12[%dma_start3A_513, %dma_start3A_514] : memref<128x64xf32, #tpu.memory_space<vmem>> -> memref<120x64xf32, #tpu.memory_space<vmem>>
      %dma_start3A_516 = arith.constant 0 : i32
      %dma_start3A_517 = tpu.memref_slice %arg24[%add3A_501, %dma_start3A_516] : memref<10112x64xf32, #tpu.memory_space<vmem_shared>> -> memref<120x64xf32, #tpu.memory_space<vmem_shared>>
      tpu.enqueue_dma source(%dma_start3A_517 : memref<120x64xf32, #tpu.memory_space<vmem_shared>>) target(%dma_start3A_515 : memref<120x64xf32, #tpu.memory_space<vmem>>) target_semaphore(%run_scoped3A_507 : memref<!tpu.dma_semaphore, #tpu.memory_space<semaphore_mem>>)
      %dma_wait3A_518 = arith.constant 0 : i32
      %dma_wait3A_519 = arith.constant 0 : i32
      %dma_wait3A_520 = tpu.memref_slice %arg12[%dma_wait3A_518, %dma_wait3A_519] : memref<128x64xf32, #tpu.memory_space<vmem>> -> memref<120x64xf32, #tpu.memory_space<vmem>>
      %dma_wait3A_521 = arith.constant 0 : i32
      %dma_wait3A_522 = tpu.memref_slice %arg24[%add3A_501, %dma_wait3A_521] : memref<10112x64xf32, #tpu.memory_space<vmem_shared>> -> memref<120x64xf32, #tpu.memory_space<vmem_shared>>
      %dma_wait3A_523 = arith.constant 0 : i32
      %dma_wait3A_524 = arith.constant 0 : i32
      %dma_wait3A_525 = tpu.memref_slice %arg12[%dma_wait3A_523, %dma_wait3A_524] : memref<128x64xf32, #tpu.memory_space<vmem>> -> memref<120x64xf32, #tpu.memory_space<vmem>>
      %dma_wait3A_526 = arith.constant 0 : i32
      %dma_wait3A_527 = tpu.memref_slice %arg24[%add3A_501, %dma_wait3A_526] : memref<10112x64xf32, #tpu.memory_space<vmem_shared>> -> memref<120x64xf32, #tpu.memory_space<vmem_shared>>
      tpu.wait_dma2 semaphore(%run_scoped3A_507 : memref<!tpu.dma_semaphore, #tpu.memory_space<semaphore_mem>>) src(%dma_wait3A_527 : memref<120x64xf32, #tpu.memory_space<vmem_shared>>) dst(%dma_wait3A_525 : memref<120x64xf32, #tpu.memory_space<vmem>>)
      tpu.yield
    }) : () -> ()
    %mul3A_502 = arith.constant 632 : i32
    %mul3A_503 = arith.muli %arg1, %mul3A_502 : i32
    %add3A_504 = arith.constant 512 : i32
    %add3A_505 = arith.addi %mul3A_503, %add3A_504 : i32
    %run_scoped3A_506 = arith.constant 1 : i32
    "tpu.region"() ({
      %run_scoped3A_507 = tpu.sem_alloc : memref<!tpu.dma_semaphore, #tpu.memory_space<semaphore_mem>>
      %dma_start3A_508 = arith.constant 0 : i32
      %dma_start3A_509 = arith.constant 0 : i32
      %dma_start3A_510 = tpu.memref_slice %arg12[%dma_start3A_508, %dma_start3A_509] : memref<128x64xf32, #tpu.memory_space<vmem>> -> memref<120x64xf32, #tpu.memory_space<vmem>>
      %dma_start3A_511 = arith.constant 0 : i32
      %dma_start3A_512 = tpu.memref_slice %arg5[%arg0, %run_scoped3A_506, %add3A_505, %dma_start3A_511] : memref<2x2x10112x64xf32, #tpu.memory_space<hbm>> -> memref<1x1x120x64xf32, #tpu.memory_space<hbm>>
      %dma_start3A_513 = tpu.memref_squeeze %dma_start3A_512 : memref<1x1x120x64xf32, #tpu.memory_space<hbm>> -> memref<120x64xf32, #tpu.memory_space<hbm>>
      %dma_start3A_514 = arith.constant 0 : i32
      %dma_start3A_515 = tpu.memref_slice %arg5[%arg0, %run_scoped3A_506, %add3A_505, %dma_start3A_514] : memref<2x2x10112x64xf32, #tpu.memory_space<hbm>> -> memref<1x1x120x64xf32, #tpu.memory_space<hbm>>
      %dma_start3A_516 = tpu.memref_squeeze %dma_start3A_515 : memref<1x1x120x64xf32, #tpu.memory_space<hbm>> -> memref<120x64xf32, #tpu.memory_space<hbm>>
      %dma_start3A_517 = arith.constant 0 : i32
      %dma_start3A_518 = arith.constant 0 : i32
      %dma_start3A_519 = tpu.memref_slice %arg12[%dma_start3A_517, %dma_start3A_518] : memref<128x64xf32, #tpu.memory_space<vmem>> -> memref<120x64xf32, #tpu.memory_space<vmem>>
      tpu.enqueue_dma source(%dma_start3A_519 : memref<120x64xf32, #tpu.memory_space<vmem>>) target(%dma_start3A_516 : memref<120x64xf32, #tpu.memory_space<hbm>>) target_semaphore(%run_scoped3A_507 : memref<!tpu.dma_semaphore, #tpu.memory_space<semaphore_mem>>)
      %dma_wait3A_520 = arith.constant 0 : i32
      %dma_wait3A_521 = arith.constant 0 : i32
      %dma_wait3A_522 = tpu.memref_slice %arg12[%dma_wait3A_520, %dma_wait3A_521] : memref<128x64xf32, #tpu.memory_space<vmem>> -> memref<120x64xf32, #tpu.memory_space<vmem>>
      %dma_wait3A_523 = arith.constant 0 : i32
      %dma_wait3A_524 = tpu.memref_slice %arg5[%arg0, %run_scoped3A_506, %add3A_505, %dma_wait3A_523] : memref<2x2x10112x64xf32, #tpu.memory_space<hbm>> -> memref<1x1x120x64xf32, #tpu.memory_space<hbm>>
      %dma_wait3A_525 = tpu.memref_squeeze %dma_wait3A_524 : memref<1x1x120x64xf32, #tpu.memory_space<hbm>> -> memref<120x64xf32, #tpu.memory_space<hbm>>
      %dma_wait3A_526 = arith.constant 0 : i32
      %dma_wait3A_527 = tpu.memref_slice %arg5[%arg0, %run_scoped3A_506, %add3A_505, %dma_wait3A_526] : memref<2x2x10112x64xf32, #tpu.memory_space<hbm>> -> memref<1x1x120x64xf32, #tpu.memory_space<hbm>>
      %dma_wait3A_528 = tpu.memref_squeeze %dma_wait3A_527 : memref<1x1x120x64xf32, #tpu.memory_space<hbm>> -> memref<120x64xf32, #tpu.memory_space<hbm>>
      %dma_wait3A_529 = arith.constant 0 : i32
      %dma_wait3A_530 = arith.constant 0 : i32
      %dma_wait3A_531 = tpu.memref_slice %arg12[%dma_wait3A_529, %dma_wait3A_530] : memref<128x64xf32, #tpu.memory_space<vmem>> -> memref<120x64xf32, #tpu.memory_space<vmem>>
      tpu.wait_dma2 semaphore(%run_scoped3A_507 : memref<!tpu.dma_semaphore, #tpu.memory_space<semaphore_mem>>) src(%dma_wait3A_531 : memref<120x64xf32, #tpu.memory_space<vmem>>) dst(%dma_wait3A_528 : memref<120x64xf32, #tpu.memory_space<hbm>>)
      tpu.yield
    }) : () -> ()
    return
  }
}

module attributes {stable_mosaic.version = 14 : i64} {
  func.func @_mm_body(%arg0: i32, %arg1: memref<2528x128xf32, #tpu.memory_space<vmem>>, %arg2: memref<128x256xf32, #tpu.memory_space<vmem>>, %arg3: memref<2528x256xf32, #tpu.memory_space<vmem>>) attributes {dimension_semantics = [#tpu.dimension_semantics<arbitrary>], iteration_bounds = array<i64: 4>, scalar_prefetch = 0 : i64, scratch_operands = 0 : i64, tpu.core_type = #tpu.core_type<tc>, window_params = [{transform_indices = @transform_0, window_bounds = array<i64: 2528, 128>}, {pipeline_mode = #tpu.pipeline_mode<synchronous>, transform_indices = @transform_1, window_bounds = array<i64: 128, 256>}, {transform_indices = @transform_2, window_bounds = array<i64: 2528, 256>}]} {
    %get3A = arith.constant 0 : index
    %get3A_0 = arith.constant 0 : index
    %get3A_1 = vector.load %arg1[%get3A, %get3A_0] : memref<2528x128xf32, #tpu.memory_space<vmem>>, vector<2528x128xf32>
    %get3A_2 = arith.constant 0 : index
    %get3A_3 = arith.constant 0 : index
    %get3A_4 = vector.load %arg2[%get3A_2, %get3A_3] : memref<128x256xf32, #tpu.memory_space<vmem>>, vector<128x256xf32>
    %dot_general3A = arith.constant dense<0.000000e+00> : vector<2528x256xf32>
    %dot_general3A_5 = tpu.matmul %get3A_1, %get3A_4, %dot_general3A {dimension_numbers = #tpu.dot_dimension_numbers<[1], [0], [0], [1], [0, 0, 1, 1], [], []>, transpose_lhs_hint = false} : vector<2528x128xf32>, vector<128x256xf32>, vector<2528x256xf32> -> vector<2528x256xf32>
    %swap3A = arith.constant 0 : index
    %swap3A_6 = arith.constant 0 : index
    %swap3A_7 = vector.load %arg3[%swap3A, %swap3A_6] : memref<2528x256xf32, #tpu.memory_space<vmem>>, vector<2528x256xf32>
    tpu.vector_store %arg3[%swap3A, %swap3A_6], %dot_general3A_5 {strides = array<i32>} : memref<2528x256xf32, #tpu.memory_space<vmem>>, vector<2528x256xf32>,
    return
  }
  func.func @transform_0(%arg0: i32) -> (i32, i32) {
    %c0_i32 = arith.constant 0 : i32
    %c0_i32_0 = arith.constant 0 : i32
    return %arg0, %c0_i32 : i32, i32
  }
  func.func @transform_1(%arg0: i32) -> (i32, i32) {
    %c0_i32 = arith.constant 0 : i32
    %c0_i32_0 = arith.constant 0 : i32
    %c0_i32_1 = arith.constant 0 : i32
    return %c0_i32, %c0_i32_0 : i32, i32
  }
  func.func @transform_2(%arg0: i32) -> (i32, i32) {
    %c0_i32 = arith.constant 0 : i32
    %c0_i32_0 = arith.constant 0 : i32
    return %arg0, %c0_i32 : i32, i32
  }
}

module attributes {stable_mosaic.version = 14 : i64} {
  func.func @_prep_body(%arg0: i32, %arg1: memref<2x2528x16xf32, #tpu.memory_space<vmem>>, %arg2: memref<2528x256xf32, #tpu.memory_space<vmem>>, %arg3: memref<2x2x2528x32xi32, #tpu.memory_space<vmem>>, %arg4: memref<2528x128xf32, #tpu.memory_space<vmem>>) attributes {dimension_semantics = [#tpu.dimension_semantics<arbitrary>], iteration_bounds = array<i64: 4>, scalar_prefetch = 0 : i64, scratch_operands = 0 : i64, tpu.core_type = #tpu.core_type<tc>, window_params = [{transform_indices = @transform_0, window_bounds = array<i64: 2, 2528, 16>}, {transform_indices = @transform_1, window_bounds = array<i64: 2528, 256>}, {transform_indices = @transform_2, window_bounds = array<i64: 2, 2, 2528, 32>}, {transform_indices = @transform_3, window_bounds = array<i64: 2528, 128>}]} {
    %get3A = arith.constant 0 : index
    %get3A_0 = arith.constant 0 : index
    %get3A_1 = arith.constant 0 : index
    %get3A_2 = vector.load %arg1[%get3A, %get3A_0, %get3A_1] : memref<2x2528x16xf32, #tpu.memory_space<vmem>>, vector<1x2528x1xf32>
    %get3A_3 = vector.shape_cast %get3A_2 : vector<1x2528x1xf32> to vector<2528x1xf32>
    %get3A_4 = arith.constant 1 : index
    %get3A_5 = arith.constant 0 : index
    %get3A_6 = arith.constant 0 : index
    %get3A_7 = vector.load %arg1[%get3A_4, %get3A_5, %get3A_6] : memref<2x2528x16xf32, #tpu.memory_space<vmem>>, vector<1x2528x1xf32>
    %get3A_8 = vector.shape_cast %get3A_7 : vector<1x2528x1xf32> to vector<2528x1xf32>
    %add3A = arith.addf %get3A_3, %get3A_8 : vector<2528x1xf32>
    %add3A_9 = arith.constant 1.000000e+00 : f32
    %add3A_10 = vector.broadcast %add3A_9 : f32 to vector<2528x1xf32>
    %add3A_11 = arith.addf %add3A, %add3A_10 : vector<2528x1xf32>
    %mul3A = arith.constant 2528 : i32
    %mul3A_12 = arith.muli %arg0, %mul3A : i32
    %iota3A = tpu.iota {dimensions = array<i32: 0>} : vector<2528x1xi32>
    %add3A_13 = vector.broadcast %mul3A_12 : i32 to vector<2528x1xi32>
    %add3A_14 = arith.addi %add3A_13, %iota3A : vector<2528x1xi32>
    %lt3A = arith.constant 10000 : i32
    %lt3A_15 = vector.broadcast %lt3A : i32 to vector<2528x1xi32>
    %lt3A_16 = arith.cmpi slt, %add3A_14, %lt3A_15 : vector<2528x1xi32>
    %rsqrt3A = math.rsqrt %add3A_11 : vector<2528x1xf32>
    %jit3A = arith.constant 0.000000e+00 : f32
    %broadcast_in_dim3A = vector.broadcast %jit3A : f32 to vector<2528x1xf32>
    %select_n3A = arith.select %lt3A_16, %rsqrt3A, %broadcast_in_dim3A : vector<2528x1xi1>, vector<2528x1xf32>
    %broadcast_in_dim3A_17 = vector.shape_cast %select_n3A : vector<2528x1xf32> to vector<2528x1xf32>
    %broadcast_in_dim3A_18 = vector.broadcast %broadcast_in_dim3A_17 : vector<2528x1xf32> to vector<2528x64xf32>
    %get3A_19 = arith.constant 0 : index
    %get3A_20 = arith.constant 0 : index
    %get3A_21 = vector.load %arg2[%get3A_19, %get3A_20] : memref<2528x256xf32, #tpu.memory_space<vmem>>, vector<2528x64xf32>
    %mul3A_22 = arith.mulf %get3A_21, %broadcast_in_dim3A_18 : vector<2528x64xf32>
    %slice3A = vector.extract_strided_slice %mul3A_22 {offsets = [0, 0], sizes = [2528, 32], strides = [1, 1]} : vector<2528x64xf32> to vector<2528x32xf32>
    %convert_element_type3A = arith.truncf %slice3A : vector<2528x32xf32> to vector<2528x32xbf16>
    %convert_element_type3A_23 = arith.extf %convert_element_type3A : vector<2528x32xbf16> to vector<2528x32xf32>
    %slice3A_24 = vector.extract_strided_slice %mul3A_22 {offsets = [0, 32], sizes = [2528, 32], strides = [1, 1]} : vector<2528x64xf32> to vector<2528x32xf32>
    %convert_element_type3A_25 = arith.truncf %slice3A_24 : vector<2528x32xf32> to vector<2528x32xbf16>
    %convert_element_type3A_26 = arith.extf %convert_element_type3A_25 : vector<2528x32xbf16> to vector<2528x32xf32>
    %bitcast_convert_type3A = tpu.bitcast %convert_element_type3A_23 : vector<2528x32xf32> -> vector<2528x32xi32>
    %shift_right_logical3A = arith.constant 16 : i32
    %shift_right_logical3A_27 = vector.broadcast %shift_right_logical3A : i32 to vector<2528x32xi32>
    %shift_right_logical3A_28 = arith.shrui %bitcast_convert_type3A, %shift_right_logical3A_27 : vector<2528x32xi32>
    %bitcast_convert_type3A_29 = tpu.bitcast %convert_element_type3A_26 : vector<2528x32xf32> -> vector<2528x32xi32>
    %and3A = arith.constant -65536 : i32
    %and3A_30 = vector.broadcast %and3A : i32 to vector<2528x32xi32>
    %and3A_31 = arith.andi %bitcast_convert_type3A_29, %and3A_30 : vector<2528x32xi32>
    %or3A = arith.ori %shift_right_logical3A_28, %and3A_31 : vector<2528x32xi32>
    %swap3A = arith.constant 0 : index
    %swap3A_32 = arith.constant 0 : index
    %swap3A_33 = arith.constant 0 : index
    %swap3A_34 = arith.constant 0 : index
    %swap3A_35 = vector.load %arg3[%swap3A, %swap3A_32, %swap3A_33, %swap3A_34] : memref<2x2x2528x32xi32, #tpu.memory_space<vmem>>, vector<1x1x2528x32xi32>
    %swap3A_36 = vector.shape_cast %swap3A_35 : vector<1x1x2528x32xi32> to vector<2528x32xi32>
    %swap3A_37 = vector.shape_cast %or3A : vector<2528x32xi32> to vector<1x1x2528x32xi32>
    tpu.vector_store %arg3[%swap3A, %swap3A_32, %swap3A_33, %swap3A_34], %swap3A_37 {strides = array<i32>} : memref<2x2x2528x32xi32, #tpu.memory_space<vmem>>, vector<1x1x2528x32xi32>,
    %get3A_38 = arith.constant 0 : index
    %get3A_39 = arith.constant 64 : index
    %get3A_40 = vector.load %arg2[%get3A_38, %get3A_39] : memref<2528x256xf32, #tpu.memory_space<vmem>>, vector<2528x64xf32>
    %mul3A_41 = arith.mulf %get3A_40, %broadcast_in_dim3A_18 : vector<2528x64xf32>
    %slice3A_42 = vector.extract_strided_slice %mul3A_41 {offsets = [0, 0], sizes = [2528, 32], strides = [1, 1]} : vector<2528x64xf32> to vector<2528x32xf32>
    %convert_element_type3A_43 = arith.truncf %slice3A_42 : vector<2528x32xf32> to vector<2528x32xbf16>
    %convert_element_type3A_44 = arith.extf %convert_element_type3A_43 : vector<2528x32xbf16> to vector<2528x32xf32>
    %slice3A_45 = vector.extract_strided_slice %mul3A_41 {offsets = [0, 32], sizes = [2528, 32], strides = [1, 1]} : vector<2528x64xf32> to vector<2528x32xf32>
    %convert_element_type3A_46 = arith.truncf %slice3A_45 : vector<2528x32xf32> to vector<2528x32xbf16>
    %convert_element_type3A_47 = arith.extf %convert_element_type3A_46 : vector<2528x32xbf16> to vector<2528x32xf32>
    %bitcast_convert_type3A_48 = tpu.bitcast %convert_element_type3A_44 : vector<2528x32xf32> -> vector<2528x32xi32>
    %shift_right_logical3A_49 = arith.constant 16 : i32
    %shift_right_logical3A_50 = vector.broadcast %shift_right_logical3A_49 : i32 to vector<2528x32xi32>
    %shift_right_logical3A_51 = arith.shrui %bitcast_convert_type3A_48, %shift_right_logical3A_50 : vector<2528x32xi32>
    %bitcast_convert_type3A_52 = tpu.bitcast %convert_element_type3A_47 : vector<2528x32xf32> -> vector<2528x32xi32>
    %and3A_53 = arith.constant -65536 : i32
    %and3A_54 = vector.broadcast %and3A_53 : i32 to vector<2528x32xi32>
    %and3A_55 = arith.andi %bitcast_convert_type3A_52, %and3A_54 : vector<2528x32xi32>
    %or3A_56 = arith.ori %shift_right_logical3A_51, %and3A_55 : vector<2528x32xi32>
    %swap3A_57 = arith.constant 0 : index
    %swap3A_58 = arith.constant 1 : index
    %swap3A_59 = arith.constant 0 : index
    %swap3A_60 = arith.constant 0 : index
    %swap3A_61 = vector.load %arg3[%swap3A_57, %swap3A_58, %swap3A_59, %swap3A_60] : memref<2x2x2528x32xi32, #tpu.memory_space<vmem>>, vector<1x1x2528x32xi32>
    %swap3A_62 = vector.shape_cast %swap3A_61 : vector<1x1x2528x32xi32> to vector<2528x32xi32>
    %swap3A_63 = vector.shape_cast %or3A_56 : vector<2528x32xi32> to vector<1x1x2528x32xi32>
    tpu.vector_store %arg3[%swap3A_57, %swap3A_58, %swap3A_59, %swap3A_60], %swap3A_63 {strides = array<i32>} : memref<2x2x2528x32xi32, #tpu.memory_space<vmem>>, vector<1x1x2528x32xi32>,
    %get3A_64 = arith.constant 0 : index
    %get3A_65 = arith.constant 128 : index
    %get3A_66 = vector.load %arg2[%get3A_64, %get3A_65] : memref<2528x256xf32, #tpu.memory_space<vmem>>, vector<2528x64xf32>
    %mul3A_67 = arith.mulf %get3A_66, %broadcast_in_dim3A_18 : vector<2528x64xf32>
    %slice3A_68 = vector.extract_strided_slice %mul3A_67 {offsets = [0, 0], sizes = [2528, 32], strides = [1, 1]} : vector<2528x64xf32> to vector<2528x32xf32>
    %convert_element_type3A_69 = arith.truncf %slice3A_68 : vector<2528x32xf32> to vector<2528x32xbf16>
    %convert_element_type3A_70 = arith.extf %convert_element_type3A_69 : vector<2528x32xbf16> to vector<2528x32xf32>
    %slice3A_71 = vector.extract_strided_slice %mul3A_67 {offsets = [0, 32], sizes = [2528, 32], strides = [1, 1]} : vector<2528x64xf32> to vector<2528x32xf32>
    %convert_element_type3A_72 = arith.truncf %slice3A_71 : vector<2528x32xf32> to vector<2528x32xbf16>
    %convert_element_type3A_73 = arith.extf %convert_element_type3A_72 : vector<2528x32xbf16> to vector<2528x32xf32>
    %bitcast_convert_type3A_74 = tpu.bitcast %convert_element_type3A_70 : vector<2528x32xf32> -> vector<2528x32xi32>
    %shift_right_logical3A_75 = arith.constant 16 : i32
    %shift_right_logical3A_76 = vector.broadcast %shift_right_logical3A_75 : i32 to vector<2528x32xi32>
    %shift_right_logical3A_77 = arith.shrui %bitcast_convert_type3A_74, %shift_right_logical3A_76 : vector<2528x32xi32>
    %bitcast_convert_type3A_78 = tpu.bitcast %convert_element_type3A_73 : vector<2528x32xf32> -> vector<2528x32xi32>
    %and3A_79 = arith.constant -65536 : i32
    %and3A_80 = vector.broadcast %and3A_79 : i32 to vector<2528x32xi32>
    %and3A_81 = arith.andi %bitcast_convert_type3A_78, %and3A_80 : vector<2528x32xi32>
    %or3A_82 = arith.ori %shift_right_logical3A_77, %and3A_81 : vector<2528x32xi32>
    %swap3A_83 = arith.constant 1 : index
    %swap3A_84 = arith.constant 0 : index
    %swap3A_85 = arith.constant 0 : index
    %swap3A_86 = arith.constant 0 : index
    %swap3A_87 = vector.load %arg3[%swap3A_83, %swap3A_84, %swap3A_85, %swap3A_86] : memref<2x2x2528x32xi32, #tpu.memory_space<vmem>>, vector<1x1x2528x32xi32>
    %swap3A_88 = vector.shape_cast %swap3A_87 : vector<1x1x2528x32xi32> to vector<2528x32xi32>
    %swap3A_89 = vector.shape_cast %or3A_82 : vector<2528x32xi32> to vector<1x1x2528x32xi32>
    tpu.vector_store %arg3[%swap3A_83, %swap3A_84, %swap3A_85, %swap3A_86], %swap3A_89 {strides = array<i32>} : memref<2x2x2528x32xi32, #tpu.memory_space<vmem>>, vector<1x1x2528x32xi32>,
    %get3A_90 = arith.constant 0 : index
    %get3A_91 = arith.constant 192 : index
    %get3A_92 = vector.load %arg2[%get3A_90, %get3A_91] : memref<2528x256xf32, #tpu.memory_space<vmem>>, vector<2528x64xf32>
    %mul3A_93 = arith.mulf %get3A_92, %broadcast_in_dim3A_18 : vector<2528x64xf32>
    %slice3A_94 = vector.extract_strided_slice %mul3A_93 {offsets = [0, 0], sizes = [2528, 32], strides = [1, 1]} : vector<2528x64xf32> to vector<2528x32xf32>
    %convert_element_type3A_95 = arith.truncf %slice3A_94 : vector<2528x32xf32> to vector<2528x32xbf16>
    %convert_element_type3A_96 = arith.extf %convert_element_type3A_95 : vector<2528x32xbf16> to vector<2528x32xf32>
    %slice3A_97 = vector.extract_strided_slice %mul3A_93 {offsets = [0, 32], sizes = [2528, 32], strides = [1, 1]} : vector<2528x64xf32> to vector<2528x32xf32>
    %convert_element_type3A_98 = arith.truncf %slice3A_97 : vector<2528x32xf32> to vector<2528x32xbf16>
    %convert_element_type3A_99 = arith.extf %convert_element_type3A_98 : vector<2528x32xbf16> to vector<2528x32xf32>
    %bitcast_convert_type3A_100 = tpu.bitcast %convert_element_type3A_96 : vector<2528x32xf32> -> vector<2528x32xi32>
    %shift_right_logical3A_101 = arith.constant 16 : i32
    %shift_right_logical3A_102 = vector.broadcast %shift_right_logical3A_101 : i32 to vector<2528x32xi32>
    %shift_right_logical3A_103 = arith.shrui %bitcast_convert_type3A_100, %shift_right_logical3A_102 : vector<2528x32xi32>
    %bitcast_convert_type3A_104 = tpu.bitcast %convert_element_type3A_99 : vector<2528x32xf32> -> vector<2528x32xi32>
    %and3A_105 = arith.constant -65536 : i32
    %and3A_106 = vector.broadcast %and3A_105 : i32 to vector<2528x32xi32>
    %and3A_107 = arith.andi %bitcast_convert_type3A_104, %and3A_106 : vector<2528x32xi32>
    %or3A_108 = arith.ori %shift_right_logical3A_103, %and3A_107 : vector<2528x32xi32>
    %swap3A_109 = arith.constant 1 : index
    %swap3A_110 = arith.constant 1 : index
    %swap3A_111 = arith.constant 0 : index
    %swap3A_112 = arith.constant 0 : index
    %swap3A_113 = vector.load %arg3[%swap3A_109, %swap3A_110, %swap3A_111, %swap3A_112] : memref<2x2x2528x32xi32, #tpu.memory_space<vmem>>, vector<1x1x2528x32xi32>
    %swap3A_114 = vector.shape_cast %swap3A_113 : vector<1x1x2528x32xi32> to vector<2528x32xi32>
    %swap3A_115 = vector.shape_cast %or3A_108 : vector<2528x32xi32> to vector<1x1x2528x32xi32>
    tpu.vector_store %arg3[%swap3A_109, %swap3A_110, %swap3A_111, %swap3A_112], %swap3A_115 {strides = array<i32>} : memref<2x2x2528x32xi32, #tpu.memory_space<vmem>>, vector<1x1x2528x32xi32>,
    %broadcast_in_dim3A_116 = vector.shape_cast %select_n3A : vector<2528x1xf32> to vector<2528x1xf32>
    %broadcast_in_dim3A_117 = vector.broadcast %broadcast_in_dim3A_116 : vector<2528x1xf32> to vector<2528x128xf32>
    %swap3A_118 = arith.constant 0 : index
    %swap3A_119 = arith.constant 0 : index
    %swap3A_120 = vector.load %arg4[%swap3A_118, %swap3A_119] : memref<2528x128xf32, #tpu.memory_space<vmem>>, vector<2528x128xf32>
    tpu.vector_store %arg4[%swap3A_118, %swap3A_119], %broadcast_in_dim3A_117 {strides = array<i32>} : memref<2528x128xf32, #tpu.memory_space<vmem>>, vector<2528x128xf32>,
    return
  }
  func.func @transform_0(%arg0: i32) -> (i32, i32, i32) {
    %c0_i32 = arith.constant 0 : i32
    %c0_i32_0 = arith.constant 0 : i32
    %c0_i32_1 = arith.constant 0 : i32
    return %c0_i32, %arg0, %c0_i32_0 : i32, i32, i32
  }
  func.func @transform_1(%arg0: i32) -> (i32, i32) {
    %c0_i32 = arith.constant 0 : i32
    %c0_i32_0 = arith.constant 0 : i32
    return %arg0, %c0_i32 : i32, i32
  }
  func.func @transform_2(%arg0: i32) -> (i32, i32, i32, i32) {
    %c0_i32 = arith.constant 0 : i32
    %c0_i32_0 = arith.constant 0 : i32
    %c0_i32_1 = arith.constant 0 : i32
    %c0_i32_2 = arith.constant 0 : i32
    return %c0_i32, %c0_i32_0, %arg0, %c0_i32_1 : i32, i32, i32, i32
  }
  func.func @transform_3(%arg0: i32) -> (i32, i32) {
    %c0_i32 = arith.constant 0 : i32
    %c0_i32_0 = arith.constant 0 : i32
    return %arg0, %c0_i32 : i32, i32
  }
}

module attributes {stable_mosaic.version = 14 : i64} {
  func.func @_mid_body(%arg0: i32, %arg1: memref<2x2x2528x64xf32, #tpu.memory_space<vmem>>, %arg2: memref<2528x256xf32, #tpu.memory_space<vmem>>, %arg3: memref<2528x128xf32, #tpu.memory_space<vmem>>, %arg4: memref<1x256xf32, #tpu.memory_space<vmem>>, %arg5: memref<256x128xf32, #tpu.memory_space<vmem>>, %arg6: memref<2x1x2528x32xi32, #tpu.memory_space<vmem>>) attributes {dimension_semantics = [#tpu.dimension_semantics<arbitrary>], iteration_bounds = array<i64: 4>, scalar_prefetch = 0 : i64, scratch_operands = 0 : i64, tpu.core_type = #tpu.core_type<tc>, window_params = [{transform_indices = @transform_0, window_bounds = array<i64: 2, 2, 2528, 64>}, {transform_indices = @transform_1, window_bounds = array<i64: 2528, 256>}, {transform_indices = @transform_2, window_bounds = array<i64: 2528, 128>}, {pipeline_mode = #tpu.pipeline_mode<synchronous>, transform_indices = @transform_3, window_bounds = array<i64: 1, 256>}, {pipeline_mode = #tpu.pipeline_mode<synchronous>, transform_indices = @transform_4, window_bounds = array<i64: 256, 128>}, {transform_indices = @transform_5, window_bounds = array<i64: 2, 1, 2528, 32>}]} {
    %get3A = arith.constant 0 : index
    %get3A_0 = arith.constant 0 : index
    %get3A_1 = vector.load %arg3[%get3A, %get3A_0] : memref<2528x128xf32, #tpu.memory_space<vmem>>, vector<2528x128xf32>
    %slice3A = vector.extract_strided_slice %get3A_1 {offsets = [0, 0], sizes = [2528, 64], strides = [1, 1]} : vector<2528x128xf32> to vector<2528x64xf32>
    %get3A_2 = arith.constant 0 : index
    %get3A_3 = arith.constant 0 : index
    %get3A_4 = vector.load %arg2[%get3A_2, %get3A_3] : memref<2528x256xf32, #tpu.memory_space<vmem>>, vector<2528x64xf32>
    %mul3A = arith.mulf %slice3A, %get3A_4 : vector<2528x64xf32>
    %get3A_5 = arith.constant 0 : index
    %get3A_6 = arith.constant 0 : index
    %get3A_7 = arith.constant 0 : index
    %get3A_8 = arith.constant 0 : index
    %get3A_9 = vector.load %arg1[%get3A_5, %get3A_6, %get3A_7, %get3A_8] : memref<2x2x2528x64xf32, #tpu.memory_space<vmem>>, vector<1x1x2528x64xf32>
    %get3A_10 = vector.shape_cast %get3A_9 : vector<1x1x2528x64xf32> to vector<2528x64xf32>
    %add3A = arith.addf %get3A_10, %mul3A : vector<2528x64xf32>
    %mul3A_11 = arith.mulf %slice3A, %add3A : vector<2528x64xf32>
    %get3A_12 = arith.constant 0 : index
    %get3A_13 = arith.constant 0 : index
    %get3A_14 = vector.load %arg4[%get3A_12, %get3A_13] : memref<1x256xf32, #tpu.memory_space<vmem>>, vector<1x64xf32>
    %add3A_15 = vector.broadcast %get3A_14 : vector<1x64xf32> to vector<2528x64xf32>
    %add3A_16 = arith.addf %mul3A_11, %add3A_15 : vector<2528x64xf32>
    %get3A_17 = arith.constant 0 : index
    %get3A_18 = arith.constant 64 : index
    %get3A_19 = vector.load %arg2[%get3A_17, %get3A_18] : memref<2528x256xf32, #tpu.memory_space<vmem>>, vector<2528x64xf32>
    %mul3A_20 = arith.mulf %slice3A, %get3A_19 : vector<2528x64xf32>
    %get3A_21 = arith.constant 0 : index
    %get3A_22 = arith.constant 1 : index
    %get3A_23 = arith.constant 0 : index
    %get3A_24 = arith.constant 0 : index
    %get3A_25 = vector.load %arg1[%get3A_21, %get3A_22, %get3A_23, %get3A_24] : memref<2x2x2528x64xf32, #tpu.memory_space<vmem>>, vector<1x1x2528x64xf32>
    %get3A_26 = vector.shape_cast %get3A_25 : vector<1x1x2528x64xf32> to vector<2528x64xf32>
    %add3A_27 = arith.addf %get3A_26, %mul3A_20 : vector<2528x64xf32>
    %mul3A_28 = arith.mulf %slice3A, %add3A_27 : vector<2528x64xf32>
    %get3A_29 = arith.constant 0 : index
    %get3A_30 = arith.constant 64 : index
    %get3A_31 = vector.load %arg4[%get3A_29, %get3A_30] : memref<1x256xf32, #tpu.memory_space<vmem>>, vector<1x64xf32>
    %add3A_32 = vector.broadcast %get3A_31 : vector<1x64xf32> to vector<2528x64xf32>
    %add3A_33 = arith.addf %mul3A_28, %add3A_32 : vector<2528x64xf32>
    %get3A_34 = arith.constant 0 : index
    %get3A_35 = arith.constant 128 : index
    %get3A_36 = vector.load %arg2[%get3A_34, %get3A_35] : memref<2528x256xf32, #tpu.memory_space<vmem>>, vector<2528x64xf32>
    %mul3A_37 = arith.mulf %slice3A, %get3A_36 : vector<2528x64xf32>
    %get3A_38 = arith.constant 1 : index
    %get3A_39 = arith.constant 0 : index
    %get3A_40 = arith.constant 0 : index
    %get3A_41 = arith.constant 0 : index
    %get3A_42 = vector.load %arg1[%get3A_38, %get3A_39, %get3A_40, %get3A_41] : memref<2x2x2528x64xf32, #tpu.memory_space<vmem>>, vector<1x1x2528x64xf32>
    %get3A_43 = vector.shape_cast %get3A_42 : vector<1x1x2528x64xf32> to vector<2528x64xf32>
    %add3A_44 = arith.addf %get3A_43, %mul3A_37 : vector<2528x64xf32>
    %mul3A_45 = arith.mulf %slice3A, %add3A_44 : vector<2528x64xf32>
    %get3A_46 = arith.constant 0 : index
    %get3A_47 = arith.constant 128 : index
    %get3A_48 = vector.load %arg4[%get3A_46, %get3A_47] : memref<1x256xf32, #tpu.memory_space<vmem>>, vector<1x64xf32>
    %add3A_49 = vector.broadcast %get3A_48 : vector<1x64xf32> to vector<2528x64xf32>
    %add3A_50 = arith.addf %mul3A_45, %add3A_49 : vector<2528x64xf32>
    %get3A_51 = arith.constant 0 : index
    %get3A_52 = arith.constant 192 : index
    %get3A_53 = vector.load %arg2[%get3A_51, %get3A_52] : memref<2528x256xf32, #tpu.memory_space<vmem>>, vector<2528x64xf32>
    %mul3A_54 = arith.mulf %slice3A, %get3A_53 : vector<2528x64xf32>
    %get3A_55 = arith.constant 1 : index
    %get3A_56 = arith.constant 1 : index
    %get3A_57 = arith.constant 0 : index
    %get3A_58 = arith.constant 0 : index
    %get3A_59 = vector.load %arg1[%get3A_55, %get3A_56, %get3A_57, %get3A_58] : memref<2x2x2528x64xf32, #tpu.memory_space<vmem>>, vector<1x1x2528x64xf32>
    %get3A_60 = vector.shape_cast %get3A_59 : vector<1x1x2528x64xf32> to vector<2528x64xf32>
    %add3A_61 = arith.addf %get3A_60, %mul3A_54 : vector<2528x64xf32>
    %mul3A_62 = arith.mulf %slice3A, %add3A_61 : vector<2528x64xf32>
    %get3A_63 = arith.constant 0 : index
    %get3A_64 = arith.constant 192 : index
    %get3A_65 = vector.load %arg4[%get3A_63, %get3A_64] : memref<1x256xf32, #tpu.memory_space<vmem>>, vector<1x64xf32>
    %add3A_66 = vector.broadcast %get3A_65 : vector<1x64xf32> to vector<2528x64xf32>
    %add3A_67 = arith.addf %mul3A_62, %add3A_66 : vector<2528x64xf32>
    %concatenate3A = tpu.concatenate %add3A_16, %add3A_33, %add3A_50, %add3A_67 in 1 : vector<2528x64xf32>, vector<2528x64xf32>, vector<2528x64xf32>, vector<2528x64xf32> -> vector<2528x256xf32>
    %get3A_68 = arith.constant 0 : index
    %get3A_69 = arith.constant 0 : index
    %get3A_70 = vector.load %arg5[%get3A_68, %get3A_69] : memref<256x128xf32, #tpu.memory_space<vmem>>, vector<256x128xf32>
    %dot_general3A = arith.constant dense<0.000000e+00> : vector<2528x128xf32>
    %dot_general3A_71 = tpu.matmul %concatenate3A, %get3A_70, %dot_general3A {dimension_numbers = #tpu.dot_dimension_numbers<[1], [0], [0], [1], [0, 0, 1, 1], [], []>, transpose_lhs_hint = false} : vector<2528x256xf32>, vector<256x128xf32>, vector<2528x128xf32> -> vector<2528x128xf32>
    %mul3A_72 = arith.mulf %dot_general3A_71, %get3A_1 : vector<2528x128xf32>
    %slice3A_73 = vector.extract_strided_slice %mul3A_72 {offsets = [0, 0], sizes = [2528, 64], strides = [1, 1]} : vector<2528x128xf32> to vector<2528x64xf32>
    %slice3A_74 = vector.extract_strided_slice %slice3A_73 {offsets = [0, 0], sizes = [2528, 32], strides = [1, 1]} : vector<2528x64xf32> to vector<2528x32xf32>
    %convert_element_type3A = arith.truncf %slice3A_74 : vector<2528x32xf32> to vector<2528x32xbf16>
    %convert_element_type3A_75 = arith.extf %convert_element_type3A : vector<2528x32xbf16> to vector<2528x32xf32>
    %slice3A_76 = vector.extract_strided_slice %slice3A_73 {offsets = [0, 32], sizes = [2528, 32], strides = [1, 1]} : vector<2528x64xf32> to vector<2528x32xf32>
    %convert_element_type3A_77 = arith.truncf %slice3A_76 : vector<2528x32xf32> to vector<2528x32xbf16>
    %convert_element_type3A_78 = arith.extf %convert_element_type3A_77 : vector<2528x32xbf16> to vector<2528x32xf32>
    %bitcast_convert_type3A = tpu.bitcast %convert_element_type3A_75 : vector<2528x32xf32> -> vector<2528x32xi32>
    %shift_right_logical3A = arith.constant 16 : i32
    %shift_right_logical3A_79 = vector.broadcast %shift_right_logical3A : i32 to vector<2528x32xi32>
    %shift_right_logical3A_80 = arith.shrui %bitcast_convert_type3A, %shift_right_logical3A_79 : vector<2528x32xi32>
    %bitcast_convert_type3A_81 = tpu.bitcast %convert_element_type3A_78 : vector<2528x32xf32> -> vector<2528x32xi32>
    %and3A = arith.constant -65536 : i32
    %and3A_82 = vector.broadcast %and3A : i32 to vector<2528x32xi32>
    %and3A_83 = arith.andi %bitcast_convert_type3A_81, %and3A_82 : vector<2528x32xi32>
    %or3A = arith.ori %shift_right_logical3A_80, %and3A_83 : vector<2528x32xi32>
    %swap3A = arith.constant 0 : index
    %swap3A_84 = arith.constant 0 : index
    %swap3A_85 = arith.constant 0 : index
    %swap3A_86 = arith.constant 0 : index
    %swap3A_87 = vector.load %arg6[%swap3A, %swap3A_84, %swap3A_85, %swap3A_86] : memref<2x1x2528x32xi32, #tpu.memory_space<vmem>>, vector<1x1x2528x32xi32>
    %swap3A_88 = vector.shape_cast %swap3A_87 : vector<1x1x2528x32xi32> to vector<2528x32xi32>
    %swap3A_89 = vector.shape_cast %or3A : vector<2528x32xi32> to vector<1x1x2528x32xi32>
    tpu.vector_store %arg6[%swap3A, %swap3A_84, %swap3A_85, %swap3A_86], %swap3A_89 {strides = array<i32>} : memref<2x1x2528x32xi32, #tpu.memory_space<vmem>>, vector<1x1x2528x32xi32>,
    %slice3A_90 = vector.extract_strided_slice %mul3A_72 {offsets = [0, 64], sizes = [2528, 64], strides = [1, 1]} : vector<2528x128xf32> to vector<2528x64xf32>
    %slice3A_91 = vector.extract_strided_slice %slice3A_90 {offsets = [0, 0], sizes = [2528, 32], strides = [1, 1]} : vector<2528x64xf32> to vector<2528x32xf32>
    %convert_element_type3A_92 = arith.truncf %slice3A_91 : vector<2528x32xf32> to vector<2528x32xbf16>
    %convert_element_type3A_93 = arith.extf %convert_element_type3A_92 : vector<2528x32xbf16> to vector<2528x32xf32>
    %slice3A_94 = vector.extract_strided_slice %slice3A_90 {offsets = [0, 32], sizes = [2528, 32], strides = [1, 1]} : vector<2528x64xf32> to vector<2528x32xf32>
    %convert_element_type3A_95 = arith.truncf %slice3A_94 : vector<2528x32xf32> to vector<2528x32xbf16>
    %convert_element_type3A_96 = arith.extf %convert_element_type3A_95 : vector<2528x32xbf16> to vector<2528x32xf32>
    %bitcast_convert_type3A_97 = tpu.bitcast %convert_element_type3A_93 : vector<2528x32xf32> -> vector<2528x32xi32>
    %shift_right_logical3A_98 = arith.constant 16 : i32
    %shift_right_logical3A_99 = vector.broadcast %shift_right_logical3A_98 : i32 to vector<2528x32xi32>
    %shift_right_logical3A_100 = arith.shrui %bitcast_convert_type3A_97, %shift_right_logical3A_99 : vector<2528x32xi32>
    %bitcast_convert_type3A_101 = tpu.bitcast %convert_element_type3A_96 : vector<2528x32xf32> -> vector<2528x32xi32>
    %and3A_102 = arith.constant -65536 : i32
    %and3A_103 = vector.broadcast %and3A_102 : i32 to vector<2528x32xi32>
    %and3A_104 = arith.andi %bitcast_convert_type3A_101, %and3A_103 : vector<2528x32xi32>
    %or3A_105 = arith.ori %shift_right_logical3A_100, %and3A_104 : vector<2528x32xi32>
    %swap3A_106 = arith.constant 1 : index
    %swap3A_107 = arith.constant 0 : index
    %swap3A_108 = arith.constant 0 : index
    %swap3A_109 = arith.constant 0 : index
    %swap3A_110 = vector.load %arg6[%swap3A_106, %swap3A_107, %swap3A_108, %swap3A_109] : memref<2x1x2528x32xi32, #tpu.memory_space<vmem>>, vector<1x1x2528x32xi32>
    %swap3A_111 = vector.shape_cast %swap3A_110 : vector<1x1x2528x32xi32> to vector<2528x32xi32>
    %swap3A_112 = vector.shape_cast %or3A_105 : vector<2528x32xi32> to vector<1x1x2528x32xi32>
    tpu.vector_store %arg6[%swap3A_106, %swap3A_107, %swap3A_108, %swap3A_109], %swap3A_112 {strides = array<i32>} : memref<2x1x2528x32xi32, #tpu.memory_space<vmem>>, vector<1x1x2528x32xi32>,
    return
  }
  func.func @transform_0(%arg0: i32) -> (i32, i32, i32, i32) {
    %c0_i32 = arith.constant 0 : i32
    %c0_i32_0 = arith.constant 0 : i32
    %c0_i32_1 = arith.constant 0 : i32
    %c0_i32_2 = arith.constant 0 : i32
    return %c0_i32, %c0_i32_0, %arg0, %c0_i32_1 : i32, i32, i32, i32
  }
  func.func @transform_1(%arg0: i32) -> (i32, i32) {
    %c0_i32 = arith.constant 0 : i32
    %c0_i32_0 = arith.constant 0 : i32
    return %arg0, %c0_i32 : i32, i32
  }
  func.func @transform_2(%arg0: i32) -> (i32, i32) {
    %c0_i32 = arith.constant 0 : i32
    %c0_i32_0 = arith.constant 0 : i32
    return %arg0, %c0_i32 : i32, i32
  }
  func.func @transform_3(%arg0: i32) -> (i32, i32) {
    %c0_i32 = arith.constant 0 : i32
    %c0_i32_0 = arith.constant 0 : i32
    %c0_i32_1 = arith.constant 0 : i32
    return %c0_i32, %c0_i32_0 : i32, i32
  }
  func.func @transform_4(%arg0: i32) -> (i32, i32) {
    %c0_i32 = arith.constant 0 : i32
    %c0_i32_0 = arith.constant 0 : i32
    %c0_i32_1 = arith.constant 0 : i32
    return %c0_i32, %c0_i32_0 : i32, i32
  }
  func.func @transform_5(%arg0: i32) -> (i32, i32, i32, i32) {
    %c0_i32 = arith.constant 0 : i32
    %c0_i32_0 = arith.constant 0 : i32
    %c0_i32_1 = arith.constant 0 : i32
    %c0_i32_2 = arith.constant 0 : i32
    return %c0_i32, %c0_i32_0, %arg0, %c0_i32_1 : i32, i32, i32, i32
  }
}

module attributes {stable_mosaic.version = 14 : i64} {
  func.func @_fin_body(%arg0: i32, %arg1: memref<2x1x2528x64xf32, #tpu.memory_space<vmem>>, %arg2: memref<2x1x2528x32xi32, #tpu.memory_space<vmem>>, %arg3: memref<2528x128xf32, #tpu.memory_space<vmem>>, %arg4: memref<1x128xf32, #tpu.memory_space<vmem>>, %arg5: memref<2528x128xf32, #tpu.memory_space<vmem>>) attributes {dimension_semantics = [#tpu.dimension_semantics<arbitrary>], iteration_bounds = array<i64: 4>, scalar_prefetch = 0 : i64, scratch_operands = 0 : i64, tpu.core_type = #tpu.core_type<tc>, window_params = [{transform_indices = @transform_0, window_bounds = array<i64: 2, 1, 2528, 64>}, {transform_indices = @transform_1, window_bounds = array<i64: 2, 1, 2528, 32>}, {transform_indices = @transform_2, window_bounds = array<i64: 2528, 128>}, {pipeline_mode = #tpu.pipeline_mode<synchronous>, transform_indices = @transform_3, window_bounds = array<i64: 1, 128>}, {transform_indices = @transform_4, window_bounds = array<i64: 2528, 128>}]} {
    %get3A = arith.constant 0 : index
    %get3A_0 = arith.constant 0 : index
    %get3A_1 = arith.constant 0 : index
    %get3A_2 = arith.constant 0 : index
    %get3A_3 = vector.load %arg1[%get3A, %get3A_0, %get3A_1, %get3A_2] : memref<2x1x2528x64xf32, #tpu.memory_space<vmem>>, vector<1x1x2528x64xf32>
    %get3A_4 = vector.shape_cast %get3A_3 : vector<1x1x2528x64xf32> to vector<2528x64xf32>
    %get3A_5 = arith.constant 0 : index
    %get3A_6 = arith.constant 0 : index
    %get3A_7 = arith.constant 0 : index
    %get3A_8 = arith.constant 0 : index
    %get3A_9 = vector.load %arg2[%get3A_5, %get3A_6, %get3A_7, %get3A_8] : memref<2x1x2528x32xi32, #tpu.memory_space<vmem>>, vector<1x1x2528x32xi32>
    %get3A_10 = vector.shape_cast %get3A_9 : vector<1x1x2528x32xi32> to vector<2528x32xi32>
    %shift_left3A = arith.constant 16 : i32
    %shift_left3A_11 = vector.broadcast %shift_left3A : i32 to vector<2528x32xi32>
    %shift_left3A_12 = arith.shli %get3A_10, %shift_left3A_11 : vector<2528x32xi32>
    %bitcast_convert_type3A = tpu.bitcast %shift_left3A_12 : vector<2528x32xi32> -> vector<2528x32xf32>
    %and3A = arith.constant -65536 : i32
    %and3A_13 = vector.broadcast %and3A : i32 to vector<2528x32xi32>
    %and3A_14 = arith.andi %get3A_10, %and3A_13 : vector<2528x32xi32>
    %bitcast_convert_type3A_15 = tpu.bitcast %and3A_14 : vector<2528x32xi32> -> vector<2528x32xf32>
    %concatenate3A = tpu.concatenate %bitcast_convert_type3A, %bitcast_convert_type3A_15 in 1 : vector<2528x32xf32>, vector<2528x32xf32> -> vector<2528x64xf32>
    %add3A = arith.addf %get3A_4, %concatenate3A : vector<2528x64xf32>
    %get3A_16 = arith.constant 1 : index
    %get3A_17 = arith.constant 0 : index
    %get3A_18 = arith.constant 0 : index
    %get3A_19 = arith.constant 0 : index
    %get3A_20 = vector.load %arg1[%get3A_16, %get3A_17, %get3A_18, %get3A_19] : memref<2x1x2528x64xf32, #tpu.memory_space<vmem>>, vector<1x1x2528x64xf32>
    %get3A_21 = vector.shape_cast %get3A_20 : vector<1x1x2528x64xf32> to vector<2528x64xf32>
    %get3A_22 = arith.constant 1 : index
    %get3A_23 = arith.constant 0 : index
    %get3A_24 = arith.constant 0 : index
    %get3A_25 = arith.constant 0 : index
    %get3A_26 = vector.load %arg2[%get3A_22, %get3A_23, %get3A_24, %get3A_25] : memref<2x1x2528x32xi32, #tpu.memory_space<vmem>>, vector<1x1x2528x32xi32>
    %get3A_27 = vector.shape_cast %get3A_26 : vector<1x1x2528x32xi32> to vector<2528x32xi32>
    %shift_left3A_28 = arith.constant 16 : i32
    %shift_left3A_29 = vector.broadcast %shift_left3A_28 : i32 to vector<2528x32xi32>
    %shift_left3A_30 = arith.shli %get3A_27, %shift_left3A_29 : vector<2528x32xi32>
    %bitcast_convert_type3A_31 = tpu.bitcast %shift_left3A_30 : vector<2528x32xi32> -> vector<2528x32xf32>
    %and3A_32 = arith.constant -65536 : i32
    %and3A_33 = vector.broadcast %and3A_32 : i32 to vector<2528x32xi32>
    %and3A_34 = arith.andi %get3A_27, %and3A_33 : vector<2528x32xi32>
    %bitcast_convert_type3A_35 = tpu.bitcast %and3A_34 : vector<2528x32xi32> -> vector<2528x32xf32>
    %concatenate3A_36 = tpu.concatenate %bitcast_convert_type3A_31, %bitcast_convert_type3A_35 in 1 : vector<2528x32xf32>, vector<2528x32xf32> -> vector<2528x64xf32>
    %add3A_37 = arith.addf %get3A_21, %concatenate3A_36 : vector<2528x64xf32>
    %get3A_38 = arith.constant 0 : index
    %get3A_39 = arith.constant 0 : index
    %get3A_40 = vector.load %arg3[%get3A_38, %get3A_39] : memref<2528x128xf32, #tpu.memory_space<vmem>>, vector<2528x128xf32>
    %concatenate3A_41 = tpu.concatenate %add3A, %add3A_37 in 1 : vector<2528x64xf32>, vector<2528x64xf32> -> vector<2528x128xf32>
    %mul3A = arith.mulf %get3A_40, %concatenate3A_41 : vector<2528x128xf32>
    %get3A_42 = arith.constant 0 : index
    %get3A_43 = arith.constant 0 : index
    %get3A_44 = vector.load %arg4[%get3A_42, %get3A_43] : memref<1x128xf32, #tpu.memory_space<vmem>>, vector<1x128xf32>
    %add3A_45 = vector.broadcast %get3A_44 : vector<1x128xf32> to vector<2528x128xf32>
    %add3A_46 = arith.addf %mul3A, %add3A_45 : vector<2528x128xf32>
    %swap3A = arith.constant 0 : index
    %swap3A_47 = arith.constant 0 : index
    %swap3A_48 = vector.load %arg5[%swap3A, %swap3A_47] : memref<2528x128xf32, #tpu.memory_space<vmem>>, vector<2528x128xf32>
    tpu.vector_store %arg5[%swap3A, %swap3A_47], %add3A_46 {strides = array<i32>} : memref<2528x128xf32, #tpu.memory_space<vmem>>, vector<2528x128xf32>,
    return
  }
  func.func @transform_0(%arg0: i32) -> (i32, i32, i32, i32) {
    %c0_i32 = arith.constant 0 : i32
    %c0_i32_0 = arith.constant 0 : i32
    %c0_i32_1 = arith.constant 0 : i32
    %c0_i32_2 = arith.constant 0 : i32
    return %c0_i32, %c0_i32_0, %arg0, %c0_i32_1 : i32, i32, i32, i32
  }
  func.func @transform_1(%arg0: i32) -> (i32, i32, i32, i32) {
    %c0_i32 = arith.constant 0 : i32
    %c0_i32_0 = arith.constant 0 : i32
    %c0_i32_1 = arith.constant 0 : i32
    %c0_i32_2 = arith.constant 0 : i32
    return %c0_i32, %c0_i32_0, %arg0, %c0_i32_1 : i32, i32, i32, i32
  }
  func.func @transform_2(%arg0: i32) -> (i32, i32) {
    %c0_i32 = arith.constant 0 : i32
    %c0_i32_0 = arith.constant 0 : i32
    return %arg0, %c0_i32 : i32, i32
  }
  func.func @transform_3(%arg0: i32) -> (i32, i32) {
    %c0_i32 = arith.constant 0 : i32
    %c0_i32_0 = arith.constant 0 : i32
    %c0_i32_1 = arith.constant 0 : i32
    return %c0_i32, %c0_i32_0 : i32, i32
  }
  func.func @transform_4(%arg0: i32) -> (i32, i32) {
    %c0_i32 = arith.constant 0 : i32
    %c0_i32_0 = arith.constant 0 : i32
    return %arg0, %c0_i32 : i32, i32
  }
}

</mosaic_0001>

<sc_bundles>
// kernel: kernel.12.cloned.1.call-start
scs
__scs_entry_jumppad:
0x0: {  	(pc) =	sbr.rel $0x88, $3  }
0x1: {  	(tag) =	ssettag $0x0;
	lr =	simm.s32 $0x1  }
0x2: {  	[smem:$0x3F9B] =	sst lr;
	_ =	strace $0xD0000000  }
0x3: {  	_ = 	snop  }
0x4: {  	_ = 	snop  }
0x5: {  	_ = 	snop  }
0x6: {  	_ = 	snop  }
0x7: {  	_ = 	snop  }
__scs_overlays_trampoline_lowered:
0x8: {  	[smem:$0x3FAA] =	sst s0  }
0x9: {  	[smem:$0x3FAB] =	sst s1  }
0xa: {  	[smem:$0x3FAC] =	sst s2  }
0xb: {  	[smem:$0x3FAD] =	sst s3  }
0xc: {  	[smem:$0x3FAE] =	sst s4  }
0xd: {  	[smem:$0x3FAF] =	sst s5  }
0xe: {  	[smem:$0x3FB0] =	sst s6  }
0xf: {  	[smem:$0x3FB1] =	sst s7  }
0x10: {  	[smem:$0x3FB2] =	sst s8  }
0x11: {  	[smem:$0x3FB3] =	sst s9;
	s0 =	simm.s32 @!p0 $0x0  }
0x12: {  	s1 =	sld [smem:$0x3F99];
	s0 =	simm.s32 @p0 $0x1  }
0x13: {  	[smem:$0x3FB4] =	sst s0;
	s0 =	simm.s32 @!p1 $0x0  }
0x14: {  	s2 =	sld [smem:$0x3F98];
	s0 =	simm.s32 @p1 $0x1  }
0x15: {  	[smem:$0x3FB5] =	sst s0;
	s0 =	simm.s32 @!p2 $0x0  }
0x16: {  	s3 =	sld [smem:$0x3FDB];
	s0 =	simm.s32 @p2 $0x1  }
0x17: {  	s4 =	simm.s32 $0x1BF5;
	[smem:$0x3FB7] =	sst s0  }
0x18: {  	s0 =	sld [smem:$0x3F9A];
	_ =	swait.ge [sflag:s4], $0x0  }
0x19: {  	s7 =	sld [smem:$0x3F9B]  }
0x1a: {  	s8 =	sadd.s32 $0xFFFFE003, lr  }
0x1b: {  	s9 =	sadd.s32 $0xFFFFFEF7, lr;
	s5 =	simm.s32 $0xFFFFFFFF;
	p2 =	slt.u32 s8, $0xFFFFF086  }
0x1c: {  	p1 =	slt.u32 s9, $0xF7A;
	s5 =	simm.s32 @!p2 $0x0  }
0x1d: {  	s5 =	simm.s32 @p1 $0x1;
	p0 =	seq.s32 s7, s2  }
0x1e: {  	s7 =	smul.u32 @!p0 $0xF7A, s2;
	p2 =	seq.s32 @!p0 s5, $0x0  }
0x1f: {  	s9 =	smul.u32 $0xF7A, s1;
	s8 =	simm.s32 @!p0 $0x1BF5;
	p2 =	por !p2, p0  }
0x20: {  	[sflag:s8] =	ssyncset.s32 @!p0 $0xFFFFF086;
	s6 =	sadd.s32 @!p0 s3, s7;
	s7 =	simm.s32 @!p0 $0x108  }
0x21: {  	s3 =	sadd.s32 s3, s9;
	s6 =	sadd.s32 @!p0 $0x88, s6;
	s7 =	simm.s32 @p2 $0x1082  }
0x22: {  	[simem:s7], [sflag:s8] =	dma.local @!p0 [hbm:s6], $0xF7A  }
0x23: {  	s9 =	sor.u32 $0xD0000000, s2;
	s6 =	simm.s32 $0x108;
	_ =	swait.ge @!p0 [sflag:s8], $0x0  }
0x24: {  	s3 =	sadd.s32 $0x88, s3;
	s6 =	simm.s32 @!p1 $0x1082;
	[sflag:s4] =	ssyncset.s32 $0xFFFFF086  }
0x25: {  	[simem:s6], [sflag:s4] =	dma.local [hbm:s3], $0xF7A  }
0x26: {  	[smem:$0x3F9B] =	sst s1;
	(tag) =	ssettag s2;
	_ =	strace s9  }
0x27: {  	s1 =	sld [smem:$0x3FAB]  }
0x28: {  	s2 =	sld [smem:$0x3FAC]  }
0x29: {  	s4 =	sld [smem:$0x3FAE]  }
0x2a: {  	p0 =	seq.s32 s5, $0x0;
	s5 =	sld [smem:$0x3FAF]  }
0x2b: {  	s6 =	sld [smem:$0x3FB0]  }
0x2c: {  	s7 =	sld [smem:$0x3FB1]  }
0x2d: {  	s3 =	simm.s32 $0x108;
	s8 =	sld [smem:$0x3FB2]  }
0x2e: {  	s3 =	simm.s32 @!p0 $0x1082;
	s9 =	sld [smem:$0x3FB3]  }
0x2f: {  	lr =	sadd.s32 s0, s3;
	s0 =	sld [smem:$0x3FAA]  }
0x30: {  	s3 =	sld [smem:$0x3FAD]  }
0x31: {  	[smem:$0x3FB6] =	sst s10  }
0x32: {  	s10 =	sld [smem:$0x3FB4];
	_ =	sdelay $0x3  }
0x33: {  	p0 =	seq.s32 s10, $0x1;
	s10 =	sld [smem:$0x3FB6];
	_ =	sdelay $0x3  }
0x34: {  	[smem:$0x3FB6] =	sst s10  }
0x35: {  	s10 =	sld [smem:$0x3FB5];
	_ =	sdelay $0x3  }
0x36: {  	p1 =	seq.s32 s10, $0x1;
	s10 =	sld [smem:$0x3FB6];
	_ =	sdelay $0x3  }
0x37: {  	[smem:$0x3FB6] =	sst s10  }
0x38: {  	s10 =	sld [smem:$0x3FB7]  }
0x39: {  	_ = 	snop;
	(pc) =	sbr.ind lr, $3  }
0x3a: {  	_ = 	snop  }
0x3b: {  	_ = 	snop  }
0x3c: {  	p2 =	seq.s32 s10, $0x1;
	s10 =	sld [smem:$0x3FB6]  }
0x3d: {  	_ =	shalt  }
0x3e: {  	_ =	shalt  }
0x3f: {  	_ =	shalt  }
0x40: {  	_ =	shalt  }
0x41: {  	_ =	shalt  }
0x42: {  	_ =	shalt  }
0x43: {  	_ =	shalt  }
0x44: {  	_ =	shalt  }
0x45: {  	_ =	shalt  }
0x46: {  	_ =	shalt  }
0x47: {  	_ =	shalt  }
0x48: {  	_ =	shalt  }
0x49: {  	_ =	shalt  }
0x4a: {  	_ =	shalt  }
0x4b: {  	_ =	shalt  }
0x4c: {  	_ =	shalt  }
0x4d: {  	_ =	shalt  }
0x4e: {  	_ =	shalt  }
0x4f: {  	_ =	shalt  }
0x50: {  	_ =	shalt  }
0x51: {  	_ =	shalt  }
0x52: {  	_ =	shalt  }
0x53: {  	_ =	shalt  }
0x54: {  	_ =	shalt  }
0x55: {  	_ =	shalt  }
0x56: {  	_ =	shalt  }
0x57: {  	_ =	shalt  }
0x58: {  	_ =	shalt  }
0x59: {  	_ =	shalt  }
0x5a: {  	_ =	shalt  }
0x5b: {  	_ =	shalt  }
0x5c: {  	_ =	shalt  }
0x5d: {  	_ =	shalt  }
0x5e: {  	_ =	shalt  }
0x5f: {  	_ =	shalt  }
0x60: {  	_ =	shalt  }
0x61: {  	_ =	shalt  }
0x62: {  	_ =	shalt  }
0x63: {  	_ =	shalt  }
0x64: {  	_ =	shalt  }
0x65: {  	_ =	shalt  }
0x66: {  	_ =	shalt  }
0x67: {  	_ =	shalt  }
0x68: {  	_ =	shalt  }
0x69: {  	_ =	shalt  }
0x6a: {  	_ =	shalt  }
0x6b: {  	_ =	shalt  }
0x6c: {  	_ =	shalt  }
0x6d: {  	_ =	shalt  }
0x6e: {  	_ =	shalt  }
0x6f: {  	_ =	shalt  }
0x70: {  	_ =	shalt  }
0x71: {  	_ =	shalt  }
0x72: {  	_ =	shalt  }
0x73: {  	_ =	shalt  }
0x74: {  	_ =	shalt  }
0x75: {  	_ =	shalt  }
0x76: {  	_ =	shalt  }
0x77: {  	_ =	shalt  }
0x78: {  	_ =	shalt  }
0x79: {  	_ =	shalt  }
0x7a: {  	_ =	shalt  }
0x7b: {  	_ =	shalt  }
0x7c: {  	_ =	shalt  }
0x7d: {  	_ =	shalt  }
0x7e: {  	_ =	shalt  }
0x7f: {  	_ =	shalt  }
0x80: {  	_ =	shalt  }
0x81: {  	_ =	shalt  }
0x82: {  	_ =	shalt  }
0x83: {  	_ =	shalt  }
0x84: {  	_ =	shalt  }
0x85: {  	_ =	shalt  }
0x86: {  	_ =	shalt  }
0x87: {  	_ =	shalt  }
.Lfunc_end0:
.L_simem_size_0:
called_computation.1_lowered:
.L_overlay_start_0:
0x88: {  	s2 =	sld [smem:$0x3FD9]  }
0x89: {  	s3 =	sld [smem:$0x3FFE];
	_ =	sdelay $0x1  }
0x8a: {  	s1 =	srdreg.scid  }
0x8b: {  	s0 =	sand.u32 $0x1, s1  }
0x8c: {  	s16 =	sshll.u32 s0, $0xA;
	s2 =	sadd.s32 s3, s2  }
0x8d: {  	s2 =	sadd.s32 s2, s16  }
0x8e: {  	[smem:$0x3FC2] =	sst s2  }
0x8f: {  	_ = 	snop  }
0x90: {  	(tm) =	ssettm $0x1  }
0x91: {  	s17 =	sld [smem:$0x3FFB];
	_ =	sdelay $0x3  }
0x92: {  	_ =	strace s17  }
0x93: {  	s2 =	sld [smem:$0x3FFC];
	_ =	sdelay $0x3  }
0x94: {  	_ =	strace s2  }
0x95: {  	s2 =	sld [smem:$0x3FFD];
	_ =	sdelay $0x3  }
0x96: {  	_ =	strace s2  }
0x97: {  	_ =	strace $0x8FFFFFFF  }
0x98: {  	s18 =	sld [smem:$0x3FDB];
	_ =	sdelay $0x1  }
0x99: {  	s19 =	simm.s32 $_scs_section_size  }
0x9a: {  	s4 =	simm.s32 $_size__tile_overlayer_lowered;
	s5 =	simm.s32 $_tile_overlayer_lowered  }
0x9b: {  	s22 =	simm.s32 $0x1BFF;
	s21 =	sshll.u32 s5, $0x1;
	s2 =	sadd.s32 s19, s18  }
0x9c: {  	s6 =	simm.s32 $0x0;
	s20 =	sshll.u32 s4, $0x1;
	s4 =	sadd.s32 s21, s2  }
0x9d: {  	[timem:s6], [sflag:s22] =	dma.local [hbm:s4], s20  }
0x9e: {  	_ =	swait.ge [sflag:s22], s20  }
0x9f: {  	s3 =	ssub.s32 $0x0, s20;
	[sflag:s22] =	ssyncset.done $0x0  }
0xa0: {  	[sflag:s22] =	ssyncadd.s32 s3;
	_ =	sdelay $0x1  }
0xa1: {  	s23 =	simm.s32 $0x1B8B  }
0xa2: {  	_ =	swait.ge [sflag:s23], $0x1  }
0xa3: {  	[sflag:s23] =	ssyncset.done $0x0  }
0xa4: {  	s25 =	simm.s32 $0x1B8E;
	s24 =	sld [smem:$0x3FFE];
	[sflag:s23] =	ssyncadd.s32 $0xFFFFFFFF  }
0xa5: {  	s26 =	simm.s32 $execute0_lowered;
	[smem:$0x3FD2] =	sst s25  }
0xa6: {  	s4 =	sshll.u32 s26, $0x1;
	_ =	strace $0x80000049;
	[dreg:$0x1] =	wrdreg $0xFFFFFFFF  }
0xa7: {  	s28 =	simm.s32 $_size_execute0_lowered;
	s2 =	sadd.s32 s2, s4;
	[dreg:$0x0] =	wrdreg $0x0  }
0xa8: {  	s4 =	sshll.u32 s28, $0x1;
	[dreg:$0x2] =	wrdreg s2  }
0xa9: {  	[dreg:$0x3] =	wrdreg s4  }
0xaa: {  	[dreg:$0x4] =	wrdreg $0xC0  }
0xab: {  	_ =	task [dreg:s6], $0x5FFFF  }
0xac: {  	[dreg:$0x1] =	wrdreg $0xFFFFFFFF  }
0xad: {  	[dreg:$0x0] =	wrdreg $0x60  }
0xae: {  	[dreg:$0x2] =	wrdreg s24  }
0xaf: {  	[dreg:$0x3] =	wrdreg $0x162000  }
0xb0: {  	[dreg:$0x4] =	wrdreg $0x9  }
0xb1: {  	_ =	task.clear_ibuf [dreg:s6], $0x5FFFF;
	_ =	strace $0x90000049  }
0xb2: {  	s29 =	simm.s32 $0x9;
	_ =	strace $0x8000004B  }
0xb3: {  	_ =	swait.ge [sflag:s29], $0x1  }
0xb4: {  	[sflag:s29] =	ssyncadd.s32 $0xFFFFFFFF  }
0xb5: {  	_ =	strace $0x9000004B  }
0xb6: {  	_ =	sfence  }
0xb7: {  	s30 =	sld [smem:$0x0];
	_ =	sdelay $0x2  }
0xb8: {  	s31 =	sshll.u32 s1, $0xD;
	s1 =	sshrl.u32 s1, $0x2  }
0xb9: {  	s3 =	sand.u32 $0x4000, s31;
	s1 =	sadd.s32 s1, s30  }
0xba: {  	s0 =	sor.u32 s3, s0;
	s1 =	sshll.u32 s1, $0x11  }
0xbb: {  	s0 =	sor.u32 s1, s0  }
0xbc: {  	s0 =	sadd.s32 $0x8F2B, s0  }
0xbd: {  	[sflag:s0] =	ssyncadd.remote.s32 $0x1  }
0xbe: {  	_ =	sfence.sel $0xFFFF  }
0xbf: {  	[dreg:$0x0] =	wrdreg $0xFFFFFFFF;
	(pc) =	sbr.abs _section_cstart, $3  }
0xc0: {  	[dreg:$0x1] =	wrdreg $0xFFFFFFFF  }
0xc1: {  	_ =	task.clear_ibuf [dreg:s6], $0x2FFFF;
	_ =	strace $0x9FFFFFFF  }
0xc2: {  	(tm) =	ssettm $0x7FFFFFFF  }
0xc3: {  	_ =	shalt  }
tec
execute0_lowered:
.L_overlay_start_1:
0x0: {  	(tag) =	ssettag $0x1  }
0x1: {  	s0 =	srdreg.scid;
	s1 =	rddreg [dreg:$0x0]  }
0x2: {  	s2 =	rddreg [dreg:$0x1];
	s8 =	simm.s32 $0x0;
	s7 =	stileid.u32  }
0x3: {  	s28 =	simm.s32 $0x80;
	s29 =	simm.s32 $0xA200;
	s4 =	smul.u32 $0xA00, s7  }
0x4: {  	s30 =	simm.s32 $0x5000;
	s0 =	sand.u32 $0x1, s0;
	s7 =	smul.u32 $0x9E00, s7  }
0x5: {  	s31 =	simm.s32 $0xB200;
	[smem:$0x7FF] =	sst s8;
	s3 =	smul.u32 $0x9E000, s0  }
0x6: {  	_ =	strace $0x8000004A;
	s5 =	ssub.s32 $0x2, s0;
	s0 =	smul.u32 $0x13C000, s0  }
0x7: {  	s4 =	sadd.s32 s4, s1;
	s6 =	sshrl.u32 s5, $0x1;
	s17 =	sadd.s32 $0x2000, s7  }
0x8: {  	s18 =	sadd.s32 $0x4000, s7;
	s12 =	sadd.s32 $0x6000, s7;
	s13 =	sadd.s32 $0x8000, s7  }
0x9: {  	s3 =	sshrl.u32 s3, $0x3;
	s5 =	ssub.s32 s5, s6;
	s16 =	sadd.s32 $0xC400, s4  }
0xa: {  	s4 =	sadd.s32 $0x2400, s4;
	s9 =	sadd.s32 s17, s2;
	s19 =	sadd.s32 s18, s2  }
0xb: {  	s10 =	sadd.s32 s13, s2;
	s20 =	sadd.s32 s0, s18;
	[dreg:$0x3] =	wrdreg s16  }
0xc: {  	s21 =	sadd.s32 s0, s12;
	s18 =	simm.s32 $0x14200;
	[dreg:$0x4] =	wrdreg s4  }
0xd: {  	s3 =	sadd.s32 s3, s1;
	s1 =	sadd.s32 $0x65400, s1;
	[dreg:$0x6] =	wrdreg s9  }
0xe: {  	s16 =	sadd.s32 s7, s2;
	[dreg:$0x7] =	wrdreg s19;
	s9 =	sadd.s32 s12, s2  }
0xf: {  	s7 =	sadd.s32 s7, s0;
	s4 =	sadd.s32 s0, s17;
	s0 =	sadd.s32 s0, s13  }
0x10: {  	s6 =	sshrl.u32 s21, $0x3;
	s26 =	smax.u32 s5, $0x1;
	s19 =	simm.s32 $0x1  }
0x11: {  	s5 =	simm.s32 $0x2;
	s21 =	simm.s32 $0x6;
	s12 =	simm.s32 $0x4  }
0x12: {  	s13 =	simm.s32 $0x8;
	s7 =	sshrl.u32 s7, $0x3;
	[dreg:$0x12] =	wrdreg s26  }
0x13: {  	s4 =	sshrl.u32 s4, $0x3;
	s6 =	sadd.s32 s1, s6;
	[dreg:$0x5] =	wrdreg s16  }
0x14: {  	s11 =	sadd.s32 $0x12AC00, s3;
	s7 =	sadd.s32 s1, s7;
	[dreg:$0xb] =	wrdreg s6  }
0x15: {  	s0 =	sshrl.u32 s0, $0x3;
	s14 =	sadd.s32 s1, s4;
	[dreg:$0x8] =	wrdreg s7  }
0x16: {  	s17 =	sadd.s32 $0x134A00, s3;
	s25 =	sadd.s32 $0x13C00, s6;
	[dreg:$0x9] =	wrdreg s14  }
0x17: {  	s26 =	simm.s32 $0xE200;
	s0 =	sadd.s32 s1, s0;
	[dreg:$0x10] =	wrdreg s25  }
0x18: {  	s4 =	sshrl.u32 s20, $0x3;
	s22 =	sadd.s32 $0x13C00, s7;
	[dreg:$0xc] =	wrdreg s0  }
0x19: {  	s20 =	simm.s32 $0x5;
	s23 =	sadd.s32 $0x13C00, s14;
	[dreg:$0xd] =	wrdreg s22  }
0x1a: {  	s4 =	sadd.s32 s1, s4;
	s0 =	sadd.s32 $0x13C00, s0;
	[dreg:$0xe] =	wrdreg s23  }
0x1b: {  	s25 =	simm.s32 $0xC200;
	s1 =	simm.s32 $0xD200;
	[dreg:$0xa] =	wrdreg s4  }
0x1c: {  	s14 =	simm.s32 $0x0;
	s24 =	sadd.s32 $0x13C00, s4;
	[dreg:$0x11] =	wrdreg s0  }
0x1d: {  	s0 =	simm.s32 $0x10200;
	s4 =	simm.s32 $0x12200;
	s22 =	simm.s32 $0x3  }
0x1e: {  	v0 =	vimm.s32 $0x2710;
	v1 =	vimm.f32 $0.0e+00;
	s23 =	simm.s32 $0x7;
	[dreg:$0xf] =	wrdreg s24;
	s24 =	simm.s32 $0x9  }
.LBB2_1:
0x1f: {  	s3 =	rddreg [dreg:$0x3]  }
0x20: {  	[tilespmem:s8], [sflag:$0x9] =	stream.linear.gather [hbm4b:s3+s8], $0x5000, $0x38;
	v63 =	vld [tilespmem:$0x0]  }
0x21: {  	_ =	swait.ge [sflag:s24], $0x5000  }
0x22: {  	[sflag:s24] =	ssyncset.done $0x0  }
0x23: {  	s6 =	simm.s32 $0x5200;
	s15 =	rddreg [dreg:$0x4];
	[sflag:s24] =	ssyncadd.s32 $0xFFFFB000  }
0x24: {  	[tilespmem:s6], [sflag:$0x9] =	stream.linear.gather [hbm4b:s15+s8], $0x5000, $0x38;
	v63 =	vld [tilespmem:$0x0]  }
0x25: {  	_ =	swait.ge [sflag:s24], $0x5000  }
0x26: {  	[sflag:s24] =	ssyncset.done $0x0  }
0x27: {  	[sflag:s24] =	ssyncadd.s32 $0xFFFFB000  }
0x28: {  	[tilespmem:$0x5000] =	vst v0  }
0x29: {  	[tilespmem:$0x5010] =	vst v0  }
0x2a: {  	[tilespmem:$0x5020] =	vst v0  }
0x2b: {  	[tilespmem:$0x5030] =	vst v0  }
0x2c: {  	[tilespmem:$0x5040] =	vst v0  }
0x2d: {  	[tilespmem:$0x5050] =	vst v0  }
0x2e: {  	[tilespmem:$0x5060] =	vst v0  }
0x2f: {  	[tilespmem:$0x5070] =	vst v0  }
0x30: {  	[tilespmem:$0x5080] =	vst v0  }
0x31: {  	[tilespmem:$0x5090] =	vst v0  }
0x32: {  	[tilespmem:$0x50A0] =	vst v0  }
0x33: {  	[tilespmem:$0x50B0] =	vst v0  }
0x34: {  	[tilespmem:$0x50C0] =	vst v0  }
0x35: {  	[tilespmem:$0x50D0] =	vst v0  }
0x36: {  	[tilespmem:$0x50E0] =	vst v0  }
0x37: {  	[tilespmem:$0x50F0] =	vst v0  }
0x38: {  	[tilespmem:$0x5100] =	vst v0  }
0x39: {  	[tilespmem:$0x5110] =	vst v0  }
0x3a: {  	[tilespmem:$0x5120] =	vst v0  }
0x3b: {  	[tilespmem:$0x5130] =	vst v0  }
0x3c: {  	[tilespmem:$0x5140] =	vst v0  }
0x3d: {  	[tilespmem:$0x5150] =	vst v0  }
0x3e: {  	[tilespmem:$0x5160] =	vst v0  }
0x3f: {  	[tilespmem:$0x5170] =	vst v0  }
0x40: {  	[tilespmem:$0x5180] =	vst v0  }
0x41: {  	[tilespmem:$0x5190] =	vst v0  }
0x42: {  	[tilespmem:$0x51A0] =	vst v0  }
0x43: {  	[tilespmem:$0x51B0] =	vst v0  }
0x44: {  	[tilespmem:$0x51C0] =	vst v0  }
0x45: {  	[tilespmem:$0x51D0] =	vst v0  }
0x46: {  	[tilespmem:$0x51E0] =	vst v0  }
0x47: {  	s3 =	simm.s32 $0x100;
	s6 =	simm.s32 $0x0;
	[tilespmem:$0x51F0] =	vst v0  }
.LBB2_2:
0x48: {  	p0 =	sne.s32 s3, $0x7F00;
	[tilespmem:s6+$0xE230] =	vst v1;
	s7 =	smov.u32 s3;
	s3 =	sadd.s32 $0x100, s3  }
.Ltmp0:
0x49: {  	[tilespmem:s6+$0xE220] =	vst v1;
	(pc) =	sbr.rel @p0 .LBB2_2-.Ltmp0, $3  }
0x4a: {  	[tilespmem:s6+$0xE200] =	vst v1  }
0x4b: {  	[tilespmem:s6+$0xE210] =	vst v1;
	_ =	sdelay $0x1  }
0x4c: {  	s6 =	sshra.s32 s7, $0x2  }
0x4d: {  	[tilespmem:s6+$0xE230] =	vst v1  }
0x4e: {  	[tilespmem:s6+$0xE220] =	vst v1  }
0x4f: {  	[tilespmem:s6+$0xE200] =	vst v1  }
0x50: {  	s3 =	simm.s32 $0x0;
	[tilespmem:s6+$0xE210] =	vst v1;
	s7 =	simm.s32 $0x100;
	s6 =	simm.s32 $0x0  }
.LBB2_4:
0x51: {  	p0 =	sne.s32 s7, $0x7F00;
	[tilespmem:s6+$0x10230] =	vst v1;
	s15 =	smov.u32 s7;
	s7 =	sadd.s32 $0x100, s7  }
.Ltmp1:
0x52: {  	[tilespmem:s6+$0x10220] =	vst v1;
	(pc) =	sbr.rel @p0 .LBB2_4-.Ltmp1, $3  }
0x53: {  	[tilespmem:s6+$0x10200] =	vst v1  }
0x54: {  	[tilespmem:s6+$0x10210] =	vst v1;
	_ =	sdelay $0x1  }
0x55: {  	s6 =	sshra.s32 s15, $0x2  }
0x56: {  	[tilespmem:s6+$0x10230] =	vst v1  }
0x57: {  	[tilespmem:s6+$0x10220] =	vst v1  }
0x58: {  	[tilespmem:s6+$0x10200] =	vst v1  }
0x59: {  	[tilespmem:s6+$0x10210] =	vst v1  }
.LBB2_6:
0x5a: {  	p0 =	sne.s32 s3, $0x7F00  }
.Ltmp2:
0x5b: {  	s6 =	sshra.s32 s3, $0x2;
	(pc) =	sbr.rel @p0 .LBB2_6-.Ltmp2, $4  }
0x5c: {  	[tilespmem:s6+$0x12200] =	vst v1  }
0x5d: {  	[tilespmem:s6+$0x12210] =	vst v1  }
0x5e: {  	[tilespmem:s6+$0x12220] =	vst v1  }
0x5f: {  	s3 =	sadd.s32 $0x100, s3;
	[tilespmem:s6+$0x12230] =	vst v1  }
0x60: {  	s6 =	simm.s32 $0x100;
	s3 =	simm.s32 $0x0  }
.LBB2_8:
0x61: {  	p0 =	sne.s32 s6, $0x7F00;
	[tilespmem:s3+$0x14230] =	vst v1;
	s7 =	smov.u32 s6;
	s6 =	sadd.s32 $0x100, s6  }
.Ltmp3:
0x62: {  	[tilespmem:s3+$0x14220] =	vst v1;
	(pc) =	sbr.rel @p0 .LBB2_8-.Ltmp3, $3  }
0x63: {  	[tilespmem:s3+$0x14200] =	vst v1  }
0x64: {  	[tilespmem:s3+$0x14210] =	vst v1;
	_ =	sdelay $0x1  }
0x65: {  	s3 =	sshra.s32 s7, $0x2  }
0x66: {  	[tilespmem:s3+$0x14230] =	vst v1  }
0x67: {  	[tilespmem:s3+$0x14220] =	vst v1  }
0x68: {  	[tilespmem:s3+$0x14200] =	vst v1  }
0x69: {  	[tilespmem:s3+$0x14210] =	vst v1  }
0x6a: {  	[spmem:s16] =	stream.linear.scatter [tilespmem:s26], [sflag:$0x9], $0x2000, $0x38;
	v63 =	vld [tilespmem:$0x0]  }
0x6b: {  	_ =	swait.ge [sflag:s24], $0x2000  }
0x6c: {  	[sflag:s24] =	ssyncset.done $0x0  }
0x6d: {  	s6 =	rddreg [dreg:$0x6];
	[sflag:s24] =	ssyncadd.s32 $0xFFFFE000  }
0x6e: {  	[spmem:s6] =	stream.linear.scatter [tilespmem:s26], [sflag:$0x9], $0x2000, $0x38;
	v63 =	vld [tilespmem:$0x0]  }
0x6f: {  	_ =	swait.ge [sflag:s24], $0x2000  }
0x70: {  	[sflag:s24] =	ssyncset.done $0x0  }
0x71: {  	s7 =	rddreg [dreg:$0x7];
	[sflag:s24] =	ssyncadd.s32 $0xFFFFE000  }
0x72: {  	[spmem:s7] =	stream.linear.scatter [tilespmem:s26], [sflag:$0x9], $0x2000, $0x38;
	v63 =	vld [tilespmem:$0x0]  }
0x73: {  	_ =	swait.ge [sflag:s24], $0x2000  }
0x74: {  	[sflag:s24] =	ssyncset.done $0x0  }
0x75: {  	[sflag:s24] =	ssyncadd.s32 $0xFFFFE000  }
0x76: {  	[spmem:s9] =	stream.linear.scatter [tilespmem:s26], [sflag:$0x9], $0x2000, $0x38;
	v63 =	vld [tilespmem:$0x0]  }
0x77: {  	_ =	swait.ge [sflag:s24], $0x2000  }
0x78: {  	[sflag:s24] =	ssyncset.done $0x0  }
0x79: {  	[sflag:s24] =	ssyncadd.s32 $0xFFFFE000  }
0x7a: {  	[spmem:s10] =	stream.linear.scatter [tilespmem:s26], [sflag:$0x9], $0x1E00, $0x38;
	v63 =	vld [tilespmem:$0x0]  }
0x7b: {  	_ =	swait.ge [sflag:s24], $0x1E00  }
0x7c: {  	[sflag:s24] =	ssyncset.done $0x0  }
0x7d: {  	[sflag:s24] =	ssyncadd.s32 $0xFFFFE200  }
0x7e: {  	s15 =	simm.s32 $0x0;
	[bflag:$0x0] =	sbarrier.arrive $0xFFFF  }
0x7f: {  	[tilespmem:s29], [sflag:$0x1] =	stream.indirect.gather [hbm4b:s11+s28], $0x20, s15, s28, $0xb8;
	v63 =	vld [tilespmem:$0x0]  }
0x80: {  	_ = 	snop  }
0x81: {  	[spmem:s2] =	stream.indirect.scatter.add.f32 [tilespmem:s26], [sflag:$0x5], $0x40, s30, s28, $0xb8;
	v63 =	vld [tilespmem:$0x0]  }
0x82: {  	_ = 	snop  }
0x83: {  	[tilespmem:s31], [sflag:$0x2] =	stream.indirect.gather [hbm4b:s11+s28], $0x20, s28, s28, $0xb8;
	v63 =	vld [tilespmem:$0x0]  }
0x84: {  	_ = 	snop  }
0x85: {  	[spmem:s2] =	stream.indirect.scatter.add.f32 [tilespmem:s0], [sflag:$0x6], $0x40, s30, s28, $0xb8;
	v63 =	vld [tilespmem:$0x0]  }
0x86: {  	s8 =	simm.s32 $0x100  }
0x87: {  	[tilespmem:s25], [sflag:$0x3] =	stream.indirect.gather [hbm4b:s11+s28], $0x20, s8, s28, $0xb8;
	v63 =	vld [tilespmem:$0x0]  }
0x88: {  	_ = 	snop  }
0x89: {  	[spmem:s2] =	stream.indirect.scatter.add.f32 [tilespmem:s4], [sflag:$0x7], $0x40, s30, s28, $0xb8;
	v63 =	vld [tilespmem:$0x0]  }
0x8a: {  	s16 =	simm.s32 $0x180  }
0x8b: {  	[tilespmem:s1], [sflag:$0x4] =	stream.indirect.gather [hbm4b:s11+s28], $0x20, s16, s28, $0xb8;
	v63 =	vld [tilespmem:$0x0]  }
0x8c: {  	_ = 	snop  }
0x8d: {  	[spmem:s2] =	stream.indirect.scatter.add.f32 [tilespmem:s18], [sflag:$0x8], $0x40, s30, s28, $0xb8;
	v63 =	vld [tilespmem:$0x0]  }
.LBB2_10:
0x8e: {  	_ =	swait.ge [sflag:s19], $0x1000  }
0x8f: {  	[sflag:s19] =	ssyncset.done $0x0  }
0x90: {  	[sflag:s19] =	ssyncadd.s32 $0xFFFFF000  }
0x91: {  	_ =	swait.ge [sflag:s20], $0x2000  }
0x92: {  	[sflag:s20] =	ssyncset.done $0x0  }
0x93: {  	s3 =	simm.s32 $0x0;
	[sflag:s20] =	ssyncadd.s32 $0xFFFFE000  }
0x94: {  	v2 =	vld [tilespmem:s3+$0xA200];
	_ =	sdelay $0x4  }
0x95: {  	s16 =	simm.s32 $0xE220;
	v3 =	vshll.u32 v2, $0x10  }
0x96: {  	v2 =	vand.u32 $0xFFFF0000, v2;
	[tilespmem:s16+$0xFFFFFFE0] =	vst v3  }
0x97: {  	[tilespmem:s16+$0x0] =	vst v2  }
0x98: {  	s6 =	simm.s32 $0x80;
	v2 =	vld [tilespmem:s3+$0xA210];
	s3 =	simm.s32 $0xE220  }
.LBB2_11:
0x99: {  	_ =	sdelay $0x2  }
0x9a: {  	p0 =	sne.s32 s6, $0x3F80  }
0x9b: {  	s16 =	sadd.s32 $0x40, s16;
	s7 =	smov.u32 s6;
	s6 =	sadd.s32 $0x80, s6;
	v3 =	vshll.u32 v2, $0x10;
	v2 =	vand.u32 $0xFFFF0000, v2  }
0x9c: {  	[tilespmem:s3+$0xFFFFFFF0] =	vst v3  }
0x9d: {  	s7 =	sshra.s32 s7, $0x2;
	[tilespmem:s3+$0x10] =	vst v2;
	s3 =	smov.u32 s16  }
0x9e: {  	v2 =	vld [tilespmem:s7+$0xA200];
	_ =	sdelay $0x3  }
.Ltmp4:
0x9f: {  	(pc) =	sbr.rel @p0 .LBB2_11-.Ltmp4, $4  }
0xa0: {  	v3 =	vshll.u32 v2, $0x10;
	v2 =	vand.u32 $0xFFFF0000, v2  }
0xa1: {  	[tilespmem:s16+$0xFFFFFFE0] =	vst v3  }
0xa2: {  	[tilespmem:s16+$0x0] =	vst v2  }
0xa3: {  	v2 =	vld [tilespmem:s7+$0xA210]  }
0xa4: {  	_ =	sdelay $0x3  }
0xa5: {  	s6 =	sshll.u32 s15, $0x9;
	v3 =	vshll.u32 v2, $0x10  }
0xa6: {  	s16 =	sand.u32 $0x3FFFFE00, s6;
	v2 =	vand.u32 $0xFFFF0000, v2;
	[tilespmem:s3+$0xFFFFFFF0] =	vst v3  }
0xa7: {  	s6 =	sadd.s32 $0x5200, s16;
	[tilespmem:s3+$0x10] =	vst v2  }
0xa8: {  	[spmem:s2] =	stream.indirect.scatter.add.f32 [tilespmem:s26], [sflag:$0x5], $0x40, s6, s28, $0xb8;
	v63 =	vld [tilespmem:$0x0]  }
0xa9: {  	s7 =	sadd.s32 $0x200, s16  }
0xaa: {  	[tilespmem:s29], [sflag:$0x1] =	stream.indirect.gather [hbm4b:s11+s28], $0x20, s7, s28, $0xb8;
	v63 =	vld [tilespmem:$0x0]  }
0xab: {  	_ =	swait.ge [sflag:s5], $0x1000  }
0xac: {  	[sflag:s5] =	ssyncset.done $0x0  }
0xad: {  	[sflag:s5] =	ssyncadd.s32 $0xFFFFF000  }
0xae: {  	_ =	swait.ge [sflag:s21], $0x2000  }
0xaf: {  	[sflag:s21] =	ssyncset.done $0x0  }
0xb0: {  	s8 =	simm.s32 $0x0;
	[sflag:s21] =	ssyncadd.s32 $0xFFFFE000  }
0xb1: {  	v2 =	vld [tilespmem:s8+$0xB200];
	_ =	sdelay $0x4  }
0xb2: {  	s3 =	simm.s32 $0x10220;
	v3 =	vshll.u32 v2, $0x10  }
0xb3: {  	v2 =	vand.u32 $0xFFFF0000, v2;
	[tilespmem:s3+$0xFFFFFFE0] =	vst v3  }
0xb4: {  	[tilespmem:s3+$0x0] =	vst v2  }
0xb5: {  	s6 =	simm.s32 $0x10220;
	s7 =	simm.s32 $0x80;
	v2 =	vld [tilespmem:s8+$0xB210]  }
.LBB2_13:
0xb6: {  	_ =	sdelay $0x2  }
0xb7: {  	p0 =	sne.s32 s7, $0x3F80  }
0xb8: {  	s3 =	sadd.s32 $0x40, s3;
	s8 =	smov.u32 s7;
	s7 =	sadd.s32 $0x80, s7;
	v3 =	vshll.u32 v2, $0x10;
	v2 =	vand.u32 $0xFFFF0000, v2  }
0xb9: {  	[tilespmem:s6+$0xFFFFFFF0] =	vst v3  }
0xba: {  	s8 =	sshra.s32 s8, $0x2;
	[tilespmem:s6+$0x10] =	vst v2;
	s6 =	smov.u32 s3  }
0xbb: {  	v2 =	vld [tilespmem:s8+$0xB200];
	_ =	sdelay $0x3  }
.Ltmp5:
0xbc: {  	(pc) =	sbr.rel @p0 .LBB2_13-.Ltmp5, $4  }
0xbd: {  	v3 =	vshll.u32 v2, $0x10;
	v2 =	vand.u32 $0xFFFF0000, v2  }
0xbe: {  	[tilespmem:s3+$0xFFFFFFE0] =	vst v3  }
0xbf: {  	[tilespmem:s3+$0x0] =	vst v2  }
0xc0: {  	v2 =	vld [tilespmem:s8+$0xB210]  }
0xc1: {  	_ =	sdelay $0x3  }
0xc2: {  	v3 =	vshll.u32 v2, $0x10  }
0xc3: {  	v2 =	vand.u32 $0xFFFF0000, v2;
	[tilespmem:s6+$0xFFFFFFF0] =	vst v3  }
0xc4: {  	s3 =	sadd.s32 $0x5280, s16;
	[tilespmem:s6+$0x10] =	vst v2  }
0xc5: {  	[spmem:s2] =	stream.indirect.scatter.add.f32 [tilespmem:s0], [sflag:$0x6], $0x40, s3, s28, $0xb8;
	v63 =	vld [tilespmem:$0x0]  }
0xc6: {  	s7 =	sadd.s32 $0x280, s16  }
0xc7: {  	[tilespmem:s31], [sflag:$0x2] =	stream.indirect.gather [hbm4b:s11+s28], $0x20, s7, s28, $0xb8;
	v63 =	vld [tilespmem:$0x0]  }
0xc8: {  	_ =	swait.ge [sflag:s22], $0x1000  }
0xc9: {  	[sflag:s22] =	ssyncset.done $0x0  }
0xca: {  	[sflag:s22] =	ssyncadd.s32 $0xFFFFF000  }
0xcb: {  	_ =	swait.ge [sflag:s23], $0x2000  }
0xcc: {  	[sflag:s23] =	ssyncset.done $0x0  }
0xcd: {  	s8 =	simm.s32 $0x0;
	[sflag:s23] =	ssyncadd.s32 $0xFFFFE000  }
0xce: {  	v2 =	vld [tilespmem:s8+$0xC200];
	_ =	sdelay $0x4  }
0xcf: {  	s3 =	simm.s32 $0x12220;
	v3 =	vshll.u32 v2, $0x10  }
0xd0: {  	v2 =	vand.u32 $0xFFFF0000, v2;
	[tilespmem:s3+$0xFFFFFFE0] =	vst v3  }
0xd1: {  	[tilespmem:s3+$0x0] =	vst v2  }
0xd2: {  	s6 =	simm.s32 $0x12220;
	s7 =	simm.s32 $0x80;
	v2 =	vld [tilespmem:s8+$0xC210]  }
.LBB2_15:
0xd3: {  	_ =	sdelay $0x2  }
0xd4: {  	p0 =	sne.s32 s7, $0x3F80  }
0xd5: {  	s3 =	sadd.s32 $0x40, s3;
	s8 =	smov.u32 s7;
	s7 =	sadd.s32 $0x80, s7;
	v3 =	vshll.u32 v2, $0x10;
	v2 =	vand.u32 $0xFFFF0000, v2  }
0xd6: {  	[tilespmem:s6+$0xFFFFFFF0] =	vst v3  }
0xd7: {  	s8 =	sshra.s32 s8, $0x2;
	[tilespmem:s6+$0x10] =	vst v2;
	s6 =	smov.u32 s3  }
0xd8: {  	v2 =	vld [tilespmem:s8+$0xC200];
	_ =	sdelay $0x3  }
.Ltmp6:
0xd9: {  	(pc) =	sbr.rel @p0 .LBB2_15-.Ltmp6, $4  }
0xda: {  	v3 =	vshll.u32 v2, $0x10;
	v2 =	vand.u32 $0xFFFF0000, v2  }
0xdb: {  	[tilespmem:s3+$0xFFFFFFE0] =	vst v3  }
0xdc: {  	[tilespmem:s3+$0x0] =	vst v2  }
0xdd: {  	v2 =	vld [tilespmem:s8+$0xC210]  }
0xde: {  	_ =	sdelay $0x3  }
0xdf: {  	v3 =	vshll.u32 v2, $0x10  }
0xe0: {  	v2 =	vand.u32 $0xFFFF0000, v2;
	[tilespmem:s6+$0xFFFFFFF0] =	vst v3  }
0xe1: {  	s3 =	sadd.s32 $0x5300, s16;
	[tilespmem:s6+$0x10] =	vst v2  }
0xe2: {  	[spmem:s2] =	stream.indirect.scatter.add.f32 [tilespmem:s4], [sflag:$0x7], $0x40, s3, s28, $0xb8;
	v63 =	vld [tilespmem:$0x0]  }
0xe3: {  	s7 =	sadd.s32 $0x300, s16  }
0xe4: {  	[tilespmem:s25], [sflag:$0x3] =	stream.indirect.gather [hbm4b:s11+s28], $0x20, s7, s28, $0xb8;
	v63 =	vld [tilespmem:$0x0]  }
0xe5: {  	_ =	swait.ge [sflag:s12], $0x1000  }
0xe6: {  	[sflag:s12] =	ssyncset.done $0x0  }
0xe7: {  	[sflag:s12] =	ssyncadd.s32 $0xFFFFF000  }
0xe8: {  	_ =	swait.ge [sflag:s13], $0x2000  }
0xe9: {  	[sflag:s13] =	ssyncset.done $0x0  }
0xea: {  	s8 =	simm.s32 $0x0;
	[sflag:s13] =	ssyncadd.s32 $0xFFFFE000  }
0xeb: {  	v2 =	vld [tilespmem:s8+$0xD200];
	_ =	sdelay $0x4  }
0xec: {  	s3 =	simm.s32 $0x14220;
	v3 =	vshll.u32 v2, $0x10  }
0xed: {  	v2 =	vand.u32 $0xFFFF0000, v2;
	[tilespmem:s3+$0xFFFFFFE0] =	vst v3  }
0xee: {  	[tilespmem:s3+$0x0] =	vst v2  }
0xef: {  	s6 =	simm.s32 $0x14220;
	s7 =	simm.s32 $0x80;
	v2 =	vld [tilespmem:s8+$0xD210]  }
.LBB2_17:
0xf0: {  	_ =	sdelay $0x2  }
0xf1: {  	p0 =	sne.s32 s7, $0x3F80  }
0xf2: {  	s3 =	sadd.s32 $0x40, s3;
	s8 =	smov.u32 s7;
	s7 =	sadd.s32 $0x80, s7;
	v3 =	vshll.u32 v2, $0x10;
	v2 =	vand.u32 $0xFFFF0000, v2  }
0xf3: {  	[tilespmem:s6+$0xFFFFFFF0] =	vst v3  }
0xf4: {  	s8 =	sshra.s32 s8, $0x2;
	[tilespmem:s6+$0x10] =	vst v2;
	s6 =	smov.u32 s3  }
0xf5: {  	v2 =	vld [tilespmem:s8+$0xD200];
	_ =	sdelay $0x3  }
.Ltmp7:
0xf6: {  	(pc) =	sbr.rel @p0 .LBB2_17-.Ltmp7, $4  }
0xf7: {  	v3 =	vshll.u32 v2, $0x10;
	v2 =	vand.u32 $0xFFFF0000, v2  }
0xf8: {  	[tilespmem:s3+$0xFFFFFFE0] =	vst v3  }
0xf9: {  	[tilespmem:s3+$0x0] =	vst v2  }
0xfa: {  	v2 =	vld [tilespmem:s8+$0xD210]  }
0xfb: {  	_ =	sdelay $0x2  }
0xfc: {  	s15 =	sadd.s32 $0x1, s15  }
0xfd: {  	p0 =	sne.s32 s15, $0x28;
	v3 =	vshll.u32 v2, $0x10  }
.Ltmp8:
0xfe: {  	v2 =	vand.u32 $0xFFFF0000, v2;
	[tilespmem:s6+$0xFFFFFFF0] =	vst v3;
	(pc) =	sbr.rel @p0 .LBB2_10-.Ltmp8, $4  }
0xff: {  	s3 =	sadd.s32 $0x5380, s16;
	[tilespmem:s6+$0x10] =	vst v2  }
0x100: {  	[spmem:s2] =	stream.indirect.scatter.add.f32 [tilespmem:s18], [sflag:$0x8], $0x40, s3, s28, $0xb8;
	v63 =	vld [tilespmem:$0x0]  }
0x101: {  	s16 =	sadd.s32 $0x380, s16  }
0x102: {  	[tilespmem:s1], [sflag:$0x4] =	stream.indirect.gather [hbm4b:s11+s28], $0x20, s16, s28, $0xb8;
	v63 =	vld [tilespmem:$0x0]  }
0x103: {  	_ =	swait.ge [sflag:s20], $0x2000  }
0x104: {  	[sflag:s20] =	ssyncset.done $0x0  }
0x105: {  	[sflag:s20] =	ssyncadd.s32 $0xFFFFE000  }
0x106: {  	_ =	swait.ge [sflag:s19], $0x1000  }
0x107: {  	[sflag:s19] =	ssyncset.done $0x0  }
0x108: {  	[sflag:s19] =	ssyncadd.s32 $0xFFFFF000  }
0x109: {  	_ =	swait.ge [sflag:s21], $0x2000  }
0x10a: {  	[sflag:s21] =	ssyncset.done $0x0  }
0x10b: {  	[sflag:s21] =	ssyncadd.s32 $0xFFFFE000  }
0x10c: {  	_ =	swait.ge [sflag:s5], $0x1000  }
0x10d: {  	[sflag:s5] =	ssyncset.done $0x0  }
0x10e: {  	[sflag:s5] =	ssyncadd.s32 $0xFFFFF000  }
0x10f: {  	_ =	swait.ge [sflag:s23], $0x2000  }
0x110: {  	[sflag:s23] =	ssyncset.done $0x0  }
0x111: {  	[sflag:s23] =	ssyncadd.s32 $0xFFFFE000  }
0x112: {  	_ =	swait.ge [sflag:s22], $0x1000  }
0x113: {  	[sflag:s22] =	ssyncset.done $0x0  }
0x114: {  	[sflag:s22] =	ssyncadd.s32 $0xFFFFF000  }
0x115: {  	_ =	swait.ge [sflag:s13], $0x2000  }
0x116: {  	[sflag:s13] =	ssyncset.done $0x0  }
0x117: {  	[sflag:s13] =	ssyncadd.s32 $0xFFFFE000  }
0x118: {  	_ =	swait.ge [sflag:s12], $0x1000  }
0x119: {  	[sflag:s12] =	ssyncset.done $0x0  }
0x11a: {  	[sflag:s12] =	ssyncadd.s32 $0xFFFFF000  }
0x11b: {  	[bflag:$0x0] =	sbarrier.arrive $0xFFFF  }
0x11c: {  	s8 =	rddreg [dreg:$0x5]  }
0x11d: {  	[tilespmem:s26], [sflag:$0x9] =	stream.linear.gather [spmem:s8], $0x2000, $0x38;
	v63 =	vld [tilespmem:$0x0]  }
0x11e: {  	_ =	swait.ge [sflag:s24], $0x2000  }
0x11f: {  	[sflag:s24] =	ssyncset.done $0x0  }
0x120: {  	s3 =	simm.s32 $0x0;
	s6 =	rddreg [dreg:$0x8];
	[sflag:s24] =	ssyncadd.s32 $0xFFFFE000  }
0x121: {  	[hbm4b:s6+s3] =	stream.linear.scatter [tilespmem:s26], [sflag:$0x9], $0x2000, $0x38;
	v63 =	vld [tilespmem:$0x0]  }
0x122: {  	_ =	swait.ge [sflag:s24], $0x2000  }
0x123: {  	[sflag:s24] =	ssyncset.done $0x0  }
0x124: {  	s7 =	rddreg [dreg:$0x6];
	[sflag:s24] =	ssyncadd.s32 $0xFFFFE000  }
0x125: {  	[tilespmem:s26], [sflag:$0x9] =	stream.linear.gather [spmem:s7], $0x2000, $0x38;
	v63 =	vld [tilespmem:$0x0]  }
0x126: {  	_ =	swait.ge [sflag:s24], $0x2000  }
0x127: {  	[sflag:s24] =	ssyncset.done $0x0  }
0x128: {  	s15 =	rddreg [dreg:$0x9];
	[sflag:s24] =	ssyncadd.s32 $0xFFFFE000  }
0x129: {  	[hbm4b:s15+s3] =	stream.linear.scatter [tilespmem:s26], [sflag:$0x9], $0x2000, $0x38;
	v63 =	vld [tilespmem:$0x0]  }
0x12a: {  	_ =	swait.ge [sflag:s24], $0x2000  }
0x12b: {  	[sflag:s24] =	ssyncset.done $0x0  }
0x12c: {  	s16 =	rddreg [dreg:$0x7];
	[sflag:s24] =	ssyncadd.s32 $0xFFFFE000  }
0x12d: {  	[tilespmem:s26], [sflag:$0x9] =	stream.linear.gather [spmem:s16], $0x2000, $0x38;
	v63 =	vld [tilespmem:$0x0]  }
0x12e: {  	_ =	swait.ge [sflag:s24], $0x2000  }
0x12f: {  	[sflag:s24] =	ssyncset.done $0x0  }
0x130: {  	s7 =	rddreg [dreg:$0xa];
	[sflag:s24] =	ssyncadd.s32 $0xFFFFE000  }
0x131: {  	[hbm4b:s7+s3] =	stream.linear.scatter [tilespmem:s26], [sflag:$0x9], $0x2000, $0x38;
	v63 =	vld [tilespmem:$0x0]  }
0x132: {  	_ =	swait.ge [sflag:s24], $0x2000  }
0x133: {  	[sflag:s24] =	ssyncset.done $0x0  }
0x134: {  	[sflag:s24] =	ssyncadd.s32 $0xFFFFE000  }
0x135: {  	[tilespmem:s26], [sflag:$0x9] =	stream.linear.gather [spmem:s9], $0x2000, $0x38;
	v63 =	vld [tilespmem:$0x0]  }
0x136: {  	_ =	swait.ge [sflag:s24], $0x2000  }
0x137: {  	[sflag:s24] =	ssyncset.done $0x0  }
0x138: {  	s15 =	rddreg [dreg:$0xb];
	[sflag:s24] =	ssyncadd.s32 $0xFFFFE000  }
0x139: {  	[hbm4b:s15+s3] =	stream.linear.scatter [tilespmem:s26], [sflag:$0x9], $0x2000, $0x38;
	v63 =	vld [tilespmem:$0x0]  }
0x13a: {  	_ =	swait.ge [sflag:s24], $0x2000  }
0x13b: {  	[sflag:s24] =	ssyncset.done $0x0  }
0x13c: {  	[sflag:s24] =	ssyncadd.s32 $0xFFFFE000  }
0x13d: {  	[tilespmem:s26], [sflag:$0x9] =	stream.linear.gather [spmem:s10], $0x1E00, $0x38;
	v63 =	vld [tilespmem:$0x0]  }
0x13e: {  	_ =	swait.ge [sflag:s24], $0x1E00  }
0x13f: {  	[sflag:s24] =	ssyncset.done $0x0  }
0x140: {  	s16 =	rddreg [dreg:$0xc];
	[sflag:s24] =	ssyncadd.s32 $0xFFFFE200  }
0x141: {  	[hbm4b:s16+s3] =	stream.linear.scatter [tilespmem:s26], [sflag:$0x9], $0x1E00, $0x38;
	v63 =	vld [tilespmem:$0x0]  }
0x142: {  	_ =	swait.ge [sflag:s24], $0x1E00  }
0x143: {  	[sflag:s24] =	ssyncset.done $0x0  }
0x144: {  	s6 =	simm.s32 $0x100;
	s3 =	simm.s32 $0x0;
	[sflag:s24] =	ssyncadd.s32 $0xFFFFE200  }
.LBB2_20:
0x145: {  	p0 =	sne.s32 s6, $0x7F00;
	[tilespmem:s3+$0xE230] =	vst v1;
	s7 =	smov.u32 s6;
	s6 =	sadd.s32 $0x100, s6  }
.Ltmp9:
0x146: {  	[tilespmem:s3+$0xE220] =	vst v1;
	(pc) =	sbr.rel @p0 .LBB2_20-.Ltmp9, $3  }
0x147: {  	[tilespmem:s3+$0xE200] =	vst v1  }
0x148: {  	[tilespmem:s3+$0xE210] =	vst v1;
	_ =	sdelay $0x1  }
0x149: {  	s3 =	sshra.s32 s7, $0x2  }
0x14a: {  	[tilespmem:s3+$0xE230] =	vst v1  }
0x14b: {  	[tilespmem:s3+$0xE220] =	vst v1  }
0x14c: {  	[tilespmem:s3+$0xE200] =	vst v1  }
0x14d: {  	[tilespmem:s3+$0xE210] =	vst v1;
	s6 =	simm.s32 $0x100;
	s3 =	simm.s32 $0x0  }
.LBB2_22:
0x14e: {  	p0 =	sne.s32 s6, $0x7F00;
	[tilespmem:s3+$0x10230] =	vst v1;
	s7 =	smov.u32 s6;
	s6 =	sadd.s32 $0x100, s6  }
.Ltmp10:
0x14f: {  	[tilespmem:s3+$0x10220] =	vst v1;
	(pc) =	sbr.rel @p0 .LBB2_22-.Ltmp10, $3  }
0x150: {  	[tilespmem:s3+$0x10200] =	vst v1  }
0x151: {  	[tilespmem:s3+$0x10210] =	vst v1;
	_ =	sdelay $0x1  }
0x152: {  	s3 =	sshra.s32 s7, $0x2  }
0x153: {  	[tilespmem:s3+$0x10230] =	vst v1  }
0x154: {  	[tilespmem:s3+$0x10220] =	vst v1  }
0x155: {  	[tilespmem:s3+$0x10200] =	vst v1  }
0x156: {  	[tilespmem:s3+$0x10210] =	vst v1;
	s6 =	simm.s32 $0x100;
	s3 =	simm.s32 $0x0  }
.LBB2_24:
0x157: {  	p0 =	sne.s32 s6, $0x7F00;
	[tilespmem:s3+$0x12230] =	vst v1;
	s7 =	smov.u32 s6;
	s6 =	sadd.s32 $0x100, s6  }
.Ltmp11:
0x158: {  	[tilespmem:s3+$0x12220] =	vst v1;
	(pc) =	sbr.rel @p0 .LBB2_24-.Ltmp11, $3  }
0x159: {  	[tilespmem:s3+$0x12200] =	vst v1  }
0x15a: {  	[tilespmem:s3+$0x12210] =	vst v1;
	_ =	sdelay $0x1  }
0x15b: {  	s3 =	sshra.s32 s7, $0x2  }
0x15c: {  	[tilespmem:s3+$0x12230] =	vst v1  }
0x15d: {  	[tilespmem:s3+$0x12220] =	vst v1  }
0x15e: {  	[tilespmem:s3+$0x12200] =	vst v1  }
0x15f: {  	[tilespmem:s3+$0x12210] =	vst v1;
	s6 =	simm.s32 $0x100;
	s3 =	simm.s32 $0x0  }
.LBB2_26:
0x160: {  	p0 =	sne.s32 s6, $0x7F00;
	[tilespmem:s3+$0x14230] =	vst v1;
	s7 =	smov.u32 s6;
	s6 =	sadd.s32 $0x100, s6  }
.Ltmp12:
0x161: {  	[tilespmem:s3+$0x14220] =	vst v1;
	(pc) =	sbr.rel @p0 .LBB2_26-.Ltmp12, $3  }
0x162: {  	[tilespmem:s3+$0x14200] =	vst v1  }
0x163: {  	[tilespmem:s3+$0x14210] =	vst v1;
	_ =	sdelay $0x1  }
0x164: {  	s3 =	sshra.s32 s7, $0x2  }
0x165: {  	[tilespmem:s3+$0x14230] =	vst v1  }
0x166: {  	[tilespmem:s3+$0x14220] =	vst v1  }
0x167: {  	[tilespmem:s3+$0x14200] =	vst v1  }
0x168: {  	[tilespmem:s3+$0x14210] =	vst v1  }
0x169: {  	[spmem:s8] =	stream.linear.scatter [tilespmem:s26], [sflag:$0x9], $0x2000, $0x38;
	v63 =	vld [tilespmem:$0x0]  }
0x16a: {  	_ =	swait.ge [sflag:s24], $0x2000  }
0x16b: {  	[sflag:s24] =	ssyncset.done $0x0  }
0x16c: {  	s6 =	rddreg [dreg:$0x6];
	[sflag:s24] =	ssyncadd.s32 $0xFFFFE000  }
0x16d: {  	[spmem:s6] =	stream.linear.scatter [tilespmem:s26], [sflag:$0x9], $0x2000, $0x38;
	v63 =	vld [tilespmem:$0x0]  }
0x16e: {  	_ =	swait.ge [sflag:s24], $0x2000  }
0x16f: {  	[sflag:s24] =	ssyncset.done $0x0  }
0x170: {  	s7 =	rddreg [dreg:$0x7];
	[sflag:s24] =	ssyncadd.s32 $0xFFFFE000  }
0x171: {  	[spmem:s7] =	stream.linear.scatter [tilespmem:s26], [sflag:$0x9], $0x2000, $0x38;
	v63 =	vld [tilespmem:$0x0]  }
0x172: {  	_ =	swait.ge [sflag:s24], $0x2000  }
0x173: {  	[sflag:s24] =	ssyncset.done $0x0  }
0x174: {  	[sflag:s24] =	ssyncadd.s32 $0xFFFFE000  }
0x175: {  	[spmem:s9] =	stream.linear.scatter [tilespmem:s26], [sflag:$0x9], $0x2000, $0x38;
	v63 =	vld [tilespmem:$0x0]  }
0x176: {  	_ =	swait.ge [sflag:s24], $0x2000  }
0x177: {  	[sflag:s24] =	ssyncset.done $0x0  }
0x178: {  	[sflag:s24] =	ssyncadd.s32 $0xFFFFE000  }
0x179: {  	[spmem:s10] =	stream.linear.scatter [tilespmem:s26], [sflag:$0x9], $0x1E00, $0x38;
	v63 =	vld [tilespmem:$0x0]  }
0x17a: {  	_ =	swait.ge [sflag:s24], $0x1E00  }
0x17b: {  	[sflag:s24] =	ssyncset.done $0x0  }
0x17c: {  	[sflag:s24] =	ssyncadd.s32 $0xFFFFE200  }
0x17d: {  	s15 =	simm.s32 $0x0;
	[bflag:$0x0] =	sbarrier.arrive $0xFFFF  }
0x17e: {  	[tilespmem:s29], [sflag:$0x1] =	stream.indirect.gather [hbm4b:s17+s28], $0x20, s15, s28, $0xb8;
	v63 =	vld [tilespmem:$0x0]  }
0x17f: {  	_ = 	snop  }
0x180: {  	[spmem:s2] =	stream.indirect.scatter.add.f32 [tilespmem:s26], [sflag:$0x5], $0x40, s30, s28, $0xb8;
	v63 =	vld [tilespmem:$0x0]  }
0x181: {  	_ = 	snop  }
0x182: {  	[tilespmem:s31], [sflag:$0x2] =	stream.indirect.gather [hbm4b:s17+s28], $0x20, s28, s28, $0xb8;
	v63 =	vld [tilespmem:$0x0]  }
0x183: {  	_ = 	snop  }
0x184: {  	[spmem:s2] =	stream.indirect.scatter.add.f32 [tilespmem:s0], [sflag:$0x6], $0x40, s30, s28, $0xb8;
	v63 =	vld [tilespmem:$0x0]  }
0x185: {  	s8 =	simm.s32 $0x100  }
0x186: {  	[tilespmem:s25], [sflag:$0x3] =	stream.indirect.gather [hbm4b:s17+s28], $0x20, s8, s28, $0xb8;
	v63 =	vld [tilespmem:$0x0]  }
0x187: {  	_ = 	snop  }
0x188: {  	[spmem:s2] =	stream.indirect.scatter.add.f32 [tilespmem:s4], [sflag:$0x7], $0x40, s30, s28, $0xb8;
	v63 =	vld [tilespmem:$0x0]  }
0x189: {  	s16 =	simm.s32 $0x180  }
0x18a: {  	[tilespmem:s1], [sflag:$0x4] =	stream.indirect.gather [hbm4b:s17+s28], $0x20, s16, s28, $0xb8;
	v63 =	vld [tilespmem:$0x0]  }
0x18b: {  	_ = 	snop  }
0x18c: {  	[spmem:s2] =	stream.indirect.scatter.add.f32 [tilespmem:s18], [sflag:$0x8], $0x40, s30, s28, $0xb8;
	v63 =	vld [tilespmem:$0x0]  }
.LBB2_28:
0x18d: {  	_ =	swait.ge [sflag:s19], $0x1000  }
0x18e: {  	[sflag:s19] =	ssyncset.done $0x0  }
0x18f: {  	[sflag:s19] =	ssyncadd.s32 $0xFFFFF000  }
0x190: {  	_ =	swait.ge [sflag:s20], $0x2000  }
0x191: {  	[sflag:s20] =	ssyncset.done $0x0  }
0x192: {  	s6 =	simm.s32 $0x0;
	[sflag:s20] =	ssyncadd.s32 $0xFFFFE000  }
0x193: {  	v2 =	vld [tilespmem:s6+$0xA200];
	_ =	sdelay $0x4  }
0x194: {  	s3 =	simm.s32 $0xE220;
	v3 =	vshll.u32 v2, $0x10  }
0x195: {  	v2 =	vand.u32 $0xFFFF0000, v2;
	[tilespmem:s3+$0xFFFFFFE0] =	vst v3  }
0x196: {  	[tilespmem:s3+$0x0] =	vst v2  }
0x197: {  	s7 =	simm.s32 $0x80;
	v2 =	vld [tilespmem:s6+$0xA210];
	s6 =	simm.s32 $0xE220  }
.LBB2_29:
0x198: {  	_ =	sdelay $0x2  }
0x199: {  	p0 =	sne.s32 s7, $0x3F80  }
0x19a: {  	s3 =	sadd.s32 $0x40, s3;
	s8 =	smov.u32 s7;
	s7 =	sadd.s32 $0x80, s7;
	v3 =	vshll.u32 v2, $0x10;
	v2 =	vand.u32 $0xFFFF0000, v2  }
0x19b: {  	[tilespmem:s6+$0xFFFFFFF0] =	vst v3  }
0x19c: {  	s8 =	sshra.s32 s8, $0x2;
	[tilespmem:s6+$0x10] =	vst v2;
	s6 =	smov.u32 s3  }
0x19d: {  	v2 =	vld [tilespmem:s8+$0xA200];
	_ =	sdelay $0x3  }
.Ltmp13:
0x19e: {  	(pc) =	sbr.rel @p0 .LBB2_29-.Ltmp13, $4  }
0x19f: {  	v3 =	vshll.u32 v2, $0x10;
	v2 =	vand.u32 $0xFFFF0000, v2  }
0x1a0: {  	[tilespmem:s3+$0xFFFFFFE0] =	vst v3  }
0x1a1: {  	[tilespmem:s3+$0x0] =	vst v2  }
0x1a2: {  	v2 =	vld [tilespmem:s8+$0xA210]  }
0x1a3: {  	_ =	sdelay $0x3  }
0x1a4: {  	s3 =	sshll.u32 s15, $0x9;
	v3 =	vshll.u32 v2, $0x10  }
0x1a5: {  	s16 =	sand.u32 $0x3FFFFE00, s3;
	v2 =	vand.u32 $0xFFFF0000, v2;
	[tilespmem:s6+$0xFFFFFFF0] =	vst v3  }
0x1a6: {  	s3 =	sadd.s32 $0x5200, s16;
	[tilespmem:s6+$0x10] =	vst v2  }
0x1a7: {  	[spmem:s2] =	stream.indirect.scatter.add.f32 [tilespmem:s26], [sflag:$0x5], $0x40, s3, s28, $0xb8;
	v63 =	vld [tilespmem:$0x0]  }
0x1a8: {  	s7 =	sadd.s32 $0x200, s16  }
0x1a9: {  	[tilespmem:s29], [sflag:$0x1] =	stream.indirect.gather [hbm4b:s17+s28], $0x20, s7, s28, $0xb8;
	v63 =	vld [tilespmem:$0x0]  }
0x1aa: {  	_ =	swait.ge [sflag:s5], $0x1000  }
0x1ab: {  	[sflag:s5] =	ssyncset.done $0x0  }
0x1ac: {  	[sflag:s5] =	ssyncadd.s32 $0xFFFFF000  }
0x1ad: {  	_ =	swait.ge [sflag:s21], $0x2000  }
0x1ae: {  	[sflag:s21] =	ssyncset.done $0x0  }
0x1af: {  	s8 =	simm.s32 $0x0;
	[sflag:s21] =	ssyncadd.s32 $0xFFFFE000  }
0x1b0: {  	v2 =	vld [tilespmem:s8+$0xB200];
	_ =	sdelay $0x4  }
0x1b1: {  	s3 =	simm.s32 $0x10220;
	v3 =	vshll.u32 v2, $0x10  }
0x1b2: {  	v2 =	vand.u32 $0xFFFF0000, v2;
	[tilespmem:s3+$0xFFFFFFE0] =	vst v3  }
0x1b3: {  	[tilespmem:s3+$0x0] =	vst v2  }
0x1b4: {  	s6 =	simm.s32 $0x10220;
	s7 =	simm.s32 $0x80;
	v2 =	vld [tilespmem:s8+$0xB210]  }
.LBB2_31:
0x1b5: {  	_ =	sdelay $0x2  }
0x1b6: {  	p0 =	sne.s32 s7, $0x3F80  }
0x1b7: {  	s3 =	sadd.s32 $0x40, s3;
	s8 =	smov.u32 s7;
	s7 =	sadd.s32 $0x80, s7;
	v3 =	vshll.u32 v2, $0x10;
	v2 =	vand.u32 $0xFFFF0000, v2  }
0x1b8: {  	[tilespmem:s6+$0xFFFFFFF0] =	vst v3  }
0x1b9: {  	s8 =	sshra.s32 s8, $0x2;
	[tilespmem:s6+$0x10] =	vst v2;
	s6 =	smov.u32 s3  }
0x1ba: {  	v2 =	vld [tilespmem:s8+$0xB200];
	_ =	sdelay $0x3  }
.Ltmp14:
0x1bb: {  	(pc) =	sbr.rel @p0 .LBB2_31-.Ltmp14, $4  }
0x1bc: {  	v3 =	vshll.u32 v2, $0x10;
	v2 =	vand.u32 $0xFFFF0000, v2  }
0x1bd: {  	[tilespmem:s3+$0xFFFFFFE0] =	vst v3  }
0x1be: {  	[tilespmem:s3+$0x0] =	vst v2  }
0x1bf: {  	v2 =	vld [tilespmem:s8+$0xB210]  }
0x1c0: {  	_ =	sdelay $0x3  }
0x1c1: {  	v3 =	vshll.u32 v2, $0x10  }
0x1c2: {  	v2 =	vand.u32 $0xFFFF0000, v2;
	[tilespmem:s6+$0xFFFFFFF0] =	vst v3  }
0x1c3: {  	s3 =	sadd.s32 $0x5280, s16;
	[tilespmem:s6+$0x10] =	vst v2  }
0x1c4: {  	[spmem:s2] =	stream.indirect.scatter.add.f32 [tilespmem:s0], [sflag:$0x6], $0x40, s3, s28, $0xb8;
	v63 =	vld [tilespmem:$0x0]  }
0x1c5: {  	s7 =	sadd.s32 $0x280, s16  }
0x1c6: {  	[tilespmem:s31], [sflag:$0x2] =	stream.indirect.gather [hbm4b:s17+s28], $0x20, s7, s28, $0xb8;
	v63 =	vld [tilespmem:$0x0]  }
0x1c7: {  	_ =	swait.ge [sflag:s22], $0x1000  }
0x1c8: {  	[sflag:s22] =	ssyncset.done $0x0  }
0x1c9: {  	[sflag:s22] =	ssyncadd.s32 $0xFFFFF000  }
0x1ca: {  	_ =	swait.ge [sflag:s23], $0x2000  }
0x1cb: {  	[sflag:s23] =	ssyncset.done $0x0  }
0x1cc: {  	s8 =	simm.s32 $0x0;
	[sflag:s23] =	ssyncadd.s32 $0xFFFFE000  }
0x1cd: {  	v2 =	vld [tilespmem:s8+$0xC200];
	_ =	sdelay $0x4  }
0x1ce: {  	s3 =	simm.s32 $0x12220;
	v3 =	vshll.u32 v2, $0x10  }
0x1cf: {  	v2 =	vand.u32 $0xFFFF0000, v2;
	[tilespmem:s3+$0xFFFFFFE0] =	vst v3  }
0x1d0: {  	[tilespmem:s3+$0x0] =	vst v2  }
0x1d1: {  	s6 =	simm.s32 $0x12220;
	s7 =	simm.s32 $0x80;
	v2 =	vld [tilespmem:s8+$0xC210]  }
.LBB2_33:
0x1d2: {  	_ =	sdelay $0x2  }
0x1d3: {  	p0 =	sne.s32 s7, $0x3F80  }
0x1d4: {  	s3 =	sadd.s32 $0x40, s3;
	s8 =	smov.u32 s7;
	s7 =	sadd.s32 $0x80, s7;
	v3 =	vshll.u32 v2, $0x10;
	v2 =	vand.u32 $0xFFFF0000, v2  }
0x1d5: {  	[tilespmem:s6+$0xFFFFFFF0] =	vst v3  }
0x1d6: {  	s8 =	sshra.s32 s8, $0x2;
	[tilespmem:s6+$0x10] =	vst v2;
	s6 =	smov.u32 s3  }
0x1d7: {  	v2 =	vld [tilespmem:s8+$0xC200];
	_ =	sdelay $0x3  }
.Ltmp15:
0x1d8: {  	(pc) =	sbr.rel @p0 .LBB2_33-.Ltmp15, $4  }
0x1d9: {  	v3 =	vshll.u32 v2, $0x10;
	v2 =	vand.u32 $0xFFFF0000, v2  }
0x1da: {  	[tilespmem:s3+$0xFFFFFFE0] =	vst v3  }
0x1db: {  	[tilespmem:s3+$0x0] =	vst v2  }
0x1dc: {  	v2 =	vld [tilespmem:s8+$0xC210]  }
0x1dd: {  	_ =	sdelay $0x3  }
0x1de: {  	v3 =	vshll.u32 v2, $0x10  }
0x1df: {  	v2 =	vand.u32 $0xFFFF0000, v2;
	[tilespmem:s6+$0xFFFFFFF0] =	vst v3  }
0x1e0: {  	s3 =	sadd.s32 $0x5300, s16;
	[tilespmem:s6+$0x10] =	vst v2  }
0x1e1: {  	[spmem:s2] =	stream.indirect.scatter.add.f32 [tilespmem:s4], [sflag:$0x7], $0x40, s3, s28, $0xb8;
	v63 =	vld [tilespmem:$0x0]  }
0x1e2: {  	s7 =	sadd.s32 $0x300, s16  }
0x1e3: {  	[tilespmem:s25], [sflag:$0x3] =	stream.indirect.gather [hbm4b:s17+s28], $0x20, s7, s28, $0xb8;
	v63 =	vld [tilespmem:$0x0]  }
0x1e4: {  	_ =	swait.ge [sflag:s12], $0x1000  }
0x1e5: {  	[sflag:s12] =	ssyncset.done $0x0  }
0x1e6: {  	[sflag:s12] =	ssyncadd.s32 $0xFFFFF000  }
0x1e7: {  	_ =	swait.ge [sflag:s13], $0x2000  }
0x1e8: {  	[sflag:s13] =	ssyncset.done $0x0  }
0x1e9: {  	s8 =	simm.s32 $0x0;
	[sflag:s13] =	ssyncadd.s32 $0xFFFFE000  }
0x1ea: {  	v2 =	vld [tilespmem:s8+$0xD200];
	_ =	sdelay $0x4  }
0x1eb: {  	s3 =	simm.s32 $0x14220;
	v3 =	vshll.u32 v2, $0x10  }
0x1ec: {  	v2 =	vand.u32 $0xFFFF0000, v2;
	[tilespmem:s3+$0xFFFFFFE0] =	vst v3  }
0x1ed: {  	[tilespmem:s3+$0x0] =	vst v2  }
0x1ee: {  	s6 =	simm.s32 $0x14220;
	s7 =	simm.s32 $0x80;
	v2 =	vld [tilespmem:s8+$0xD210]  }
.LBB2_35:
0x1ef: {  	_ =	sdelay $0x2  }
0x1f0: {  	p0 =	sne.s32 s7, $0x3F80  }
0x1f1: {  	s3 =	sadd.s32 $0x40, s3;
	s8 =	smov.u32 s7;
	s7 =	sadd.s32 $0x80, s7;
	v3 =	vshll.u32 v2, $0x10;
	v2 =	vand.u32 $0xFFFF0000, v2  }
0x1f2: {  	[tilespmem:s6+$0xFFFFFFF0] =	vst v3  }
0x1f3: {  	s8 =	sshra.s32 s8, $0x2;
	[tilespmem:s6+$0x10] =	vst v2;
	s6 =	smov.u32 s3  }
0x1f4: {  	v2 =	vld [tilespmem:s8+$0xD200];
	_ =	sdelay $0x3  }
.Ltmp16:
0x1f5: {  	(pc) =	sbr.rel @p0 .LBB2_35-.Ltmp16, $4  }
0x1f6: {  	v3 =	vshll.u32 v2, $0x10;
	v2 =	vand.u32 $0xFFFF0000, v2  }
0x1f7: {  	[tilespmem:s3+$0xFFFFFFE0] =	vst v3  }
0x1f8: {  	[tilespmem:s3+$0x0] =	vst v2  }
0x1f9: {  	v2 =	vld [tilespmem:s8+$0xD210]  }
0x1fa: {  	_ =	sdelay $0x2  }
0x1fb: {  	s15 =	sadd.s32 $0x1, s15  }
0x1fc: {  	p0 =	sne.s32 s15, $0x28;
	v3 =	vshll.u32 v2, $0x10  }
.Ltmp17:
0x1fd: {  	v2 =	vand.u32 $0xFFFF0000, v2;
	[tilespmem:s6+$0xFFFFFFF0] =	vst v3;
	(pc) =	sbr.rel @p0 .LBB2_28-.Ltmp17, $4  }
0x1fe: {  	s3 =	sadd.s32 $0x5380, s16;
	[tilespmem:s6+$0x10] =	vst v2  }
0x1ff: {  	[spmem:s2] =	stream.indirect.scatter.add.f32 [tilespmem:s18], [sflag:$0x8], $0x40, s3, s28, $0xb8;
	v63 =	vld [tilespmem:$0x0]  }
0x200: {  	s16 =	sadd.s32 $0x380, s16  }
0x201: {  	[tilespmem:s1], [sflag:$0x4] =	stream.indirect.gather [hbm4b:s17+s28], $0x20, s16, s28, $0xb8;
	v63 =	vld [tilespmem:$0x0]  }
0x202: {  	_ =	swait.ge [sflag:s20], $0x2000  }
0x203: {  	[sflag:s20] =	ssyncset.done $0x0  }
0x204: {  	[sflag:s20] =	ssyncadd.s32 $0xFFFFE000  }
0x205: {  	_ =	swait.ge [sflag:s19], $0x1000  }
0x206: {  	[sflag:s19] =	ssyncset.done $0x0  }
0x207: {  	[sflag:s19] =	ssyncadd.s32 $0xFFFFF000  }
0x208: {  	_ =	swait.ge [sflag:s21], $0x2000  }
0x209: {  	[sflag:s21] =	ssyncset.done $0x0  }
0x20a: {  	[sflag:s21] =	ssyncadd.s32 $0xFFFFE000  }
0x20b: {  	_ =	swait.ge [sflag:s5], $0x1000  }
0x20c: {  	[sflag:s5] =	ssyncset.done $0x0  }
0x20d: {  	[sflag:s5] =	ssyncadd.s32 $0xFFFFF000  }
0x20e: {  	_ =	swait.ge [sflag:s23], $0x2000  }
0x20f: {  	[sflag:s23] =	ssyncset.done $0x0  }
0x210: {  	[sflag:s23] =	ssyncadd.s32 $0xFFFFE000  }
0x211: {  	_ =	swait.ge [sflag:s22], $0x1000  }
0x212: {  	[sflag:s22] =	ssyncset.done $0x0  }
0x213: {  	[sflag:s22] =	ssyncadd.s32 $0xFFFFF000  }
0x214: {  	_ =	swait.ge [sflag:s13], $0x2000  }
0x215: {  	[sflag:s13] =	ssyncset.done $0x0  }
0x216: {  	[sflag:s13] =	ssyncadd.s32 $0xFFFFE000  }
0x217: {  	_ =	swait.ge [sflag:s12], $0x1000  }
0x218: {  	[sflag:s12] =	ssyncset.done $0x0  }
0x219: {  	[sflag:s12] =	ssyncadd.s32 $0xFFFFF000  }
0x21a: {  	[bflag:$0x0] =	sbarrier.arrive $0xFFFF  }
0x21b: {  	s16 =	rddreg [dreg:$0x5]  }
0x21c: {  	[tilespmem:s26], [sflag:$0x9] =	stream.linear.gather [spmem:s16], $0x2000, $0x38;
	v63 =	vld [tilespmem:$0x0]  }
0x21d: {  	_ =	swait.ge [sflag:s24], $0x2000  }
0x21e: {  	[sflag:s24] =	ssyncset.done $0x0  }
0x21f: {  	s8 =	simm.s32 $0x0;
	s3 =	rddreg [dreg:$0xd];
	[sflag:s24] =	ssyncadd.s32 $0xFFFFE000  }
0x220: {  	[hbm4b:s3+s8] =	stream.linear.scatter [tilespmem:s26], [sflag:$0x9], $0x2000, $0x38;
	v63 =	vld [tilespmem:$0x0]  }
0x221: {  	_ =	swait.ge [sflag:s24], $0x2000  }
0x222: {  	[sflag:s24] =	ssyncset.done $0x0  }
0x223: {  	s15 =	rddreg [dreg:$0x6];
	[sflag:s24] =	ssyncadd.s32 $0xFFFFE000  }
0x224: {  	[tilespmem:s26], [sflag:$0x9] =	stream.linear.gather [spmem:s15], $0x2000, $0x38;
	v63 =	vld [tilespmem:$0x0]  }
0x225: {  	_ =	swait.ge [sflag:s24], $0x2000  }
0x226: {  	[sflag:s24] =	ssyncset.done $0x0  }
0x227: {  	s6 =	rddreg [dreg:$0xe];
	[sflag:s24] =	ssyncadd.s32 $0xFFFFE000  }
0x228: {  	[hbm4b:s6+s8] =	stream.linear.scatter [tilespmem:s26], [sflag:$0x9], $0x2000, $0x38;
	v63 =	vld [tilespmem:$0x0]  }
0x229: {  	_ =	swait.ge [sflag:s24], $0x2000  }
0x22a: {  	[sflag:s24] =	ssyncset.done $0x0  }
0x22b: {  	s7 =	rddreg [dreg:$0x7];
	[sflag:s24] =	ssyncadd.s32 $0xFFFFE000  }
0x22c: {  	[tilespmem:s26], [sflag:$0x9] =	stream.linear.gather [spmem:s7], $0x2000, $0x38;
	v63 =	vld [tilespmem:$0x0]  }
0x22d: {  	_ =	swait.ge [sflag:s24], $0x2000  }
0x22e: {  	[sflag:s24] =	ssyncset.done $0x0  }
0x22f: {  	s15 =	rddreg [dreg:$0xf];
	[sflag:s24] =	ssyncadd.s32 $0xFFFFE000  }
0x230: {  	[hbm4b:s15+s8] =	stream.linear.scatter [tilespmem:s26], [sflag:$0x9], $0x2000, $0x38;
	v63 =	vld [tilespmem:$0x0]  }
0x231: {  	_ =	swait.ge [sflag:s24], $0x2000  }
0x232: {  	[sflag:s24] =	ssyncset.done $0x0  }
0x233: {  	[sflag:s24] =	ssyncadd.s32 $0xFFFFE000  }
0x234: {  	[tilespmem:s26], [sflag:$0x9] =	stream.linear.gather [spmem:s9], $0x2000, $0x38;
	v63 =	vld [tilespmem:$0x0]  }
0x235: {  	_ =	swait.ge [sflag:s24], $0x2000  }
0x236: {  	[sflag:s24] =	ssyncset.done $0x0  }
0x237: {  	s6 =	rddreg [dreg:$0x10];
	[sflag:s24] =	ssyncadd.s32 $0xFFFFE000  }
0x238: {  	[hbm4b:s6+s8] =	stream.linear.scatter [tilespmem:s26], [sflag:$0x9], $0x2000, $0x38;
	v63 =	vld [tilespmem:$0x0]  }
0x239: {  	_ =	swait.ge [sflag:s24], $0x2000  }
0x23a: {  	[sflag:s24] =	ssyncset.done $0x0  }
0x23b: {  	[sflag:s24] =	ssyncadd.s32 $0xFFFFE000  }
0x23c: {  	[tilespmem:s26], [sflag:$0x9] =	stream.linear.gather [spmem:s10], $0x1E00, $0x38;
	v63 =	vld [tilespmem:$0x0]  }
0x23d: {  	_ =	swait.ge [sflag:s24], $0x1E00  }
0x23e: {  	[sflag:s24] =	ssyncset.done $0x0  }
0x23f: {  	s7 =	rddreg [dreg:$0x11];
	[sflag:s24] =	ssyncadd.s32 $0xFFFFE200  }
0x240: {  	[hbm4b:s7+s8] =	stream.linear.scatter [tilespmem:s26], [sflag:$0x9], $0x1E00, $0x38;
	v63 =	vld [tilespmem:$0x0]  }
0x241: {  	_ =	swait.ge [sflag:s24], $0x1E00  }
0x242: {  	s14 =	sadd.s32 $0x1, s14;
	s15 =	rddreg [dreg:$0x12]  }
0x243: {  	p0 =	sne.s32 s14, s15  }
.Ltmp18:
0x244: {  	_ = 	snop;
	(pc) =	sbr.rel @p0 .LBB2_1-.Ltmp18, $3  }
0x245: {  	_ =	sdelay $0x1  }
0x246: {  	[sflag:s24] =	ssyncset.done $0x0  }
0x247: {  	[sflag:s24] =	ssyncadd.s32 $0xFFFFE200  }
0x248: {  	_ =	sfence.sel $0x180000  }
0x249: {  	[bflag:$0x0] =	sbarrier.arrive $0xFFFF  }
0x24a: {  	_ =	strace $0x9000004A  }
0x24b: {  	s0 =	stileid.u32;
	[bflag:$0x2] =	sbarrier.arrive $0xFFFF  }
0x24c: {  	p0 =	sne.s32 s0, $0x0;
	s0 =	rddreg [dreg:$0x2]  }
0x24d: {  	s0 =	sadd.s32 @!p0 $0x100000, s0  }
0x24e: {  	[sflag:s0] =	ssyncadd.tile.s32 @!p0 $0x1;
	_ =	shalt  }
.Lfunc_end2:
_tile_overlayer_lowered:
.L_overlay_start_2:
0x24f: {  	(tag) =	ssettag $0x2  }
0x250: {  	s0 =	rddreg [dreg:$0x0];
	s2 =	stileid.u32  }
0x251: {  	s1 =	rddreg [dreg:$0x1];
	p0 =	sne.s32 s2, $0x0  }
0x252: {  	s3 =	rddreg [dreg:$0x2];
	[bflag:$0x3] =	sbarrier.arrive $0xFFFF;
	s2 =	simm.s32 @!p0 $0x1C09  }
0x253: {  	[timem:s3], [sflag:s2] =	dma.local @!p0 [hbm:s0], s1  }
0x254: {  	s0 =	simm.s32 @!p0 $0x9  }
0x255: {  	_ =	swait.ge @!p0 [sflag:s0], s1  }
0x256: {  	s1 =	ssub.s32 @!p0 $0x0, s1;
	[sflag:s0] =	ssyncset.done @!p0 $0x0  }
0x257: {  	[sflag:s0] =	ssyncadd.s32 @!p0 s1  }
0x258: {  	[bflag:$0x3] =	sbarrier.arrive $0xFFFF  }
0x259: {  	_ =	shalt  }

// kernel: kernel.15.cloned.1.call-start
scs
__scs_entry_jumppad:
0x0: {  	(pc) =	sbr.rel $0x88, $3  }
0x1: {  	(tag) =	ssettag $0x0;
	lr =	simm.s32 $0x1  }
0x2: {  	[smem:$0x3F9B] =	sst lr;
	_ =	strace $0xD0000000  }
0x3: {  	_ = 	snop  }
0x4: {  	_ = 	snop  }
0x5: {  	_ = 	snop  }
0x6: {  	_ = 	snop  }
0x7: {  	_ = 	snop  }
__scs_overlays_trampoline_lowered:
0x8: {  	[smem:$0x3FAA] =	sst s0  }
0x9: {  	[smem:$0x3FAB] =	sst s1  }
0xa: {  	[smem:$0x3FAC] =	sst s2  }
0xb: {  	[smem:$0x3FAD] =	sst s3  }
0xc: {  	[smem:$0x3FAE] =	sst s4  }
0xd: {  	[smem:$0x3FAF] =	sst s5  }
0xe: {  	[smem:$0x3FB0] =	sst s6  }
0xf: {  	[smem:$0x3FB1] =	sst s7  }
0x10: {  	[smem:$0x3FB2] =	sst s8  }
0x11: {  	[smem:$0x3FB3] =	sst s9;
	s0 =	simm.s32 @!p0 $0x0  }
0x12: {  	s1 =	sld [smem:$0x3F99];
	s0 =	simm.s32 @p0 $0x1  }
0x13: {  	[smem:$0x3FB4] =	sst s0;
	s0 =	simm.s32 @!p1 $0x0  }
0x14: {  	s2 =	sld [smem:$0x3F98];
	s0 =	simm.s32 @p1 $0x1  }
0x15: {  	[smem:$0x3FB5] =	sst s0;
	s0 =	simm.s32 @!p2 $0x0  }
0x16: {  	s3 =	sld [smem:$0x3FDB];
	s0 =	simm.s32 @p2 $0x1  }
0x17: {  	s4 =	simm.s32 $0x1BF5;
	[smem:$0x3FB7] =	sst s0  }
0x18: {  	s0 =	sld [smem:$0x3F9A];
	_ =	swait.ge [sflag:s4], $0x0  }
0x19: {  	s7 =	sld [smem:$0x3F9B]  }
0x1a: {  	s8 =	sadd.s32 $0xFFFFE003, lr  }
0x1b: {  	s9 =	sadd.s32 $0xFFFFFEF7, lr;
	s5 =	simm.s32 $0xFFFFFFFF;
	p2 =	slt.u32 s8, $0xFFFFF086  }
0x1c: {  	p1 =	slt.u32 s9, $0xF7A;
	s5 =	simm.s32 @!p2 $0x0  }
0x1d: {  	s5 =	simm.s32 @p1 $0x1;
	p0 =	seq.s32 s7, s2  }
0x1e: {  	s7 =	smul.u32 @!p0 $0xF7A, s2;
	p2 =	seq.s32 @!p0 s5, $0x0  }
0x1f: {  	s9 =	smul.u32 $0xF7A, s1;
	s8 =	simm.s32 @!p0 $0x1BF5;
	p2 =	por !p2, p0  }
0x20: {  	[sflag:s8] =	ssyncset.s32 @!p0 $0xFFFFF086;
	s6 =	sadd.s32 @!p0 s3, s7;
	s7 =	simm.s32 @!p0 $0x108  }
0x21: {  	s3 =	sadd.s32 s3, s9;
	s6 =	sadd.s32 @!p0 $0x88, s6;
	s7 =	simm.s32 @p2 $0x1082  }
0x22: {  	[simem:s7], [sflag:s8] =	dma.local @!p0 [hbm:s6], $0xF7A  }
0x23: {  	s9 =	sor.u32 $0xD0000000, s2;
	s6 =	simm.s32 $0x108;
	_ =	swait.ge @!p0 [sflag:s8], $0x0  }
0x24: {  	s3 =	sadd.s32 $0x88, s3;
	s6 =	simm.s32 @!p1 $0x1082;
	[sflag:s4] =	ssyncset.s32 $0xFFFFF086  }
0x25: {  	[simem:s6], [sflag:s4] =	dma.local [hbm:s3], $0xF7A  }
0x26: {  	[smem:$0x3F9B] =	sst s1;
	(tag) =	ssettag s2;
	_ =	strace s9  }
0x27: {  	s1 =	sld [smem:$0x3FAB]  }
0x28: {  	s2 =	sld [smem:$0x3FAC]  }
0x29: {  	s4 =	sld [smem:$0x3FAE]  }
0x2a: {  	p0 =	seq.s32 s5, $0x0;
	s5 =	sld [smem:$0x3FAF]  }
0x2b: {  	s6 =	sld [smem:$0x3FB0]  }
0x2c: {  	s7 =	sld [smem:$0x3FB1]  }
0x2d: {  	s3 =	simm.s32 $0x108;
	s8 =	sld [smem:$0x3FB2]  }
0x2e: {  	s3 =	simm.s32 @!p0 $0x1082;
	s9 =	sld [smem:$0x3FB3]  }
0x2f: {  	lr =	sadd.s32 s0, s3;
	s0 =	sld [smem:$0x3FAA]  }
0x30: {  	s3 =	sld [smem:$0x3FAD]  }
0x31: {  	[smem:$0x3FB6] =	sst s10  }
0x32: {  	s10 =	sld [smem:$0x3FB4];
	_ =	sdelay $0x3  }
0x33: {  	p0 =	seq.s32 s10, $0x1;
	s10 =	sld [smem:$0x3FB6];
	_ =	sdelay $0x3  }
0x34: {  	[smem:$0x3FB6] =	sst s10  }
0x35: {  	s10 =	sld [smem:$0x3FB5];
	_ =	sdelay $0x3  }
0x36: {  	p1 =	seq.s32 s10, $0x1;
	s10 =	sld [smem:$0x3FB6];
	_ =	sdelay $0x3  }
0x37: {  	[smem:$0x3FB6] =	sst s10  }
0x38: {  	s10 =	sld [smem:$0x3FB7]  }
0x39: {  	_ = 	snop;
	(pc) =	sbr.ind lr, $3  }
0x3a: {  	_ = 	snop  }
0x3b: {  	_ = 	snop  }
0x3c: {  	p2 =	seq.s32 s10, $0x1;
	s10 =	sld [smem:$0x3FB6]  }
0x3d: {  	_ =	shalt  }
0x3e: {  	_ =	shalt  }
0x3f: {  	_ =	shalt  }
0x40: {  	_ =	shalt  }
0x41: {  	_ =	shalt  }
0x42: {  	_ =	shalt  }
0x43: {  	_ =	shalt  }
0x44: {  	_ =	shalt  }
0x45: {  	_ =	shalt  }
0x46: {  	_ =	shalt  }
0x47: {  	_ =	shalt  }
0x48: {  	_ =	shalt  }
0x49: {  	_ =	shalt  }
0x4a: {  	_ =	shalt  }
0x4b: {  	_ =	shalt  }
0x4c: {  	_ =	shalt  }
0x4d: {  	_ =	shalt  }
0x4e: {  	_ =	shalt  }
0x4f: {  	_ =	shalt  }
0x50: {  	_ =	shalt  }
0x51: {  	_ =	shalt  }
0x52: {  	_ =	shalt  }
0x53: {  	_ =	shalt  }
0x54: {  	_ =	shalt  }
0x55: {  	_ =	shalt  }
0x56: {  	_ =	shalt  }
0x57: {  	_ =	shalt  }
0x58: {  	_ =	shalt  }
0x59: {  	_ =	shalt  }
0x5a: {  	_ =	shalt  }
0x5b: {  	_ =	shalt  }
0x5c: {  	_ =	shalt  }
0x5d: {  	_ =	shalt  }
0x5e: {  	_ =	shalt  }
0x5f: {  	_ =	shalt  }
0x60: {  	_ =	shalt  }
0x61: {  	_ =	shalt  }
0x62: {  	_ =	shalt  }
0x63: {  	_ =	shalt  }
0x64: {  	_ =	shalt  }
0x65: {  	_ =	shalt  }
0x66: {  	_ =	shalt  }
0x67: {  	_ =	shalt  }
0x68: {  	_ =	shalt  }
0x69: {  	_ =	shalt  }
0x6a: {  	_ =	shalt  }
0x6b: {  	_ =	shalt  }
0x6c: {  	_ =	shalt  }
0x6d: {  	_ =	shalt  }
0x6e: {  	_ =	shalt  }
0x6f: {  	_ =	shalt  }
0x70: {  	_ =	shalt  }
0x71: {  	_ =	shalt  }
0x72: {  	_ =	shalt  }
0x73: {  	_ =	shalt  }
0x74: {  	_ =	shalt  }
0x75: {  	_ =	shalt  }
0x76: {  	_ =	shalt  }
0x77: {  	_ =	shalt  }
0x78: {  	_ =	shalt  }
0x79: {  	_ =	shalt  }
0x7a: {  	_ =	shalt  }
0x7b: {  	_ =	shalt  }
0x7c: {  	_ =	shalt  }
0x7d: {  	_ =	shalt  }
0x7e: {  	_ =	shalt  }
0x7f: {  	_ =	shalt  }
0x80: {  	_ =	shalt  }
0x81: {  	_ =	shalt  }
0x82: {  	_ =	shalt  }
0x83: {  	_ =	shalt  }
0x84: {  	_ =	shalt  }
0x85: {  	_ =	shalt  }
0x86: {  	_ =	shalt  }
0x87: {  	_ =	shalt  }
.Lfunc_end0:
.L_simem_size_0:
called_computation.2_lowered:
.L_overlay_start_0:
0x88: {  	s2 =	sld [smem:$0x3FD9]  }
0x89: {  	s3 =	sld [smem:$0x3FFE];
	_ =	sdelay $0x1  }
0x8a: {  	s1 =	srdreg.scid  }
0x8b: {  	s0 =	sand.u32 $0x1, s1  }
0x8c: {  	s17 =	sshll.u32 s0, $0xA;
	s2 =	sadd.s32 s3, s2  }
0x8d: {  	s2 =	sadd.s32 s2, s17  }
0x8e: {  	[smem:$0x3FC2] =	sst s2  }
0x8f: {  	_ = 	snop  }
0x90: {  	s2 =	sld [smem:$0x3FD0];
	(tm) =	ssettm $0x1  }
0x91: {  	s18 =	sld [smem:$0x3FFB];
	_ =	sdelay $0x3  }
0x92: {  	_ =	strace s18  }
0x93: {  	s3 =	sld [smem:$0x3FFC];
	_ =	sdelay $0x3  }
0x94: {  	_ =	strace s3  }
0x95: {  	s3 =	sld [smem:$0x3FFD];
	_ =	sdelay $0x3  }
0x96: {  	_ =	strace s3  }
0x97: {  	_ =	strace $0x8FFFFFFF  }
0x98: {  	s19 =	sld [smem:$0x3FDB];
	_ =	sdelay $0x1  }
0x99: {  	s4 =	simm.s32 $_scs_section_size  }
0x9a: {  	s5 =	simm.s32 $_size__tile_overlayer_lowered;
	s6 =	simm.s32 $_tile_overlayer_lowered  }
0x9b: {  	s22 =	simm.s32 $0x1BFF;
	s21 =	sshll.u32 s6, $0x1;
	s3 =	sadd.s32 s4, s19  }
0x9c: {  	s7 =	simm.s32 $0x0;
	s20 =	sshll.u32 s5, $0x1;
	s5 =	sadd.s32 s21, s3  }
0x9d: {  	[timem:s7], [sflag:s22] =	dma.local [hbm:s5], s20  }
0x9e: {  	_ =	swait.ge [sflag:s22], s20  }
0x9f: {  	s4 =	ssub.s32 $0x0, s20;
	[sflag:s22] =	ssyncset.done $0x0  }
0xa0: {  	[sflag:s22] =	ssyncadd.s32 s4;
	_ =	sdelay $0x1  }
0xa1: {  	s23 =	simm.s32 $0x1B8B  }
0xa2: {  	_ =	swait.ge [sflag:s23], $0x1  }
0xa3: {  	[sflag:s23] =	ssyncset.done $0x0  }
0xa4: {  	s25 =	simm.s32 $0x1B8E;
	s24 =	sld [smem:$0x3FFE];
	[sflag:s23] =	ssyncadd.s32 $0xFFFFFFFF  }
0xa5: {  	s26 =	simm.s32 $execute0_lowered;
	[smem:$0x3FD2] =	sst s25  }
0xa6: {  	s5 =	sshll.u32 s26, $0x1;
	_ =	strace $0x8000004C;
	[dreg:$0x1] =	wrdreg $0xFFFFFFFF  }
0xa7: {  	s28 =	simm.s32 $_size_execute0_lowered;
	s3 =	sadd.s32 s3, s5;
	[dreg:$0x0] =	wrdreg $0x0  }
0xa8: {  	s5 =	sshll.u32 s28, $0x1;
	[dreg:$0x2] =	wrdreg s3  }
0xa9: {  	[dreg:$0x3] =	wrdreg s5  }
0xaa: {  	[dreg:$0x4] =	wrdreg $0xC0  }
0xab: {  	_ =	task [dreg:s7], $0x5FFFF  }
0xac: {  	[dreg:$0x1] =	wrdreg $0xFFFFFFFF  }
0xad: {  	[dreg:$0x0] =	wrdreg $0x60  }
0xae: {  	[dreg:$0x2] =	wrdreg s2  }
0xaf: {  	[dreg:$0x3] =	wrdreg s24  }
0xb0: {  	[dreg:$0x4] =	wrdreg $0x162000  }
0xb1: {  	[dreg:$0x5] =	wrdreg $0x9  }
0xb2: {  	_ =	task.clear_ibuf [dreg:s7], $0x6FFFF;
	_ =	strace $0x9000004C  }
0xb3: {  	s29 =	simm.s32 $0x9;
	_ =	strace $0x8000004E  }
0xb4: {  	_ =	swait.ge [sflag:s29], $0x1  }
0xb5: {  	[sflag:s29] =	ssyncadd.s32 $0xFFFFFFFF  }
0xb6: {  	_ =	strace $0x9000004E  }
0xb7: {  	_ =	sfence  }
0xb8: {  	s30 =	sld [smem:$0x0];
	_ =	sdelay $0x2  }
0xb9: {  	s31 =	sshll.u32 s1, $0xD;
	s1 =	sshrl.u32 s1, $0x2  }
0xba: {  	s3 =	sand.u32 $0x4000, s31;
	s1 =	sadd.s32 s1, s30  }
0xbb: {  	s0 =	sor.u32 s3, s0;
	s1 =	sshll.u32 s1, $0x11  }
0xbc: {  	s0 =	sor.u32 s1, s0  }
0xbd: {  	s0 =	sadd.s32 $0x8F2B, s0  }
0xbe: {  	[sflag:s0] =	ssyncadd.remote.s32 $0x1  }
0xbf: {  	_ =	sfence.sel $0xFFFF  }
0xc0: {  	[dreg:$0x0] =	wrdreg $0xFFFFFFFF;
	(pc) =	sbr.abs _section_cstart, $3  }
0xc1: {  	[dreg:$0x1] =	wrdreg $0xFFFFFFFF  }
0xc2: {  	_ =	task.clear_ibuf [dreg:s7], $0x2FFFF;
	_ =	strace $0x9FFFFFFF  }
0xc3: {  	(tm) =	ssettm $0x7FFFFFFF  }
tec
execute0_lowered:
.L_overlay_start_1:
0x0: {  	(tag) =	ssettag $0x1  }
0x1: {  	s0 =	rddreg [dreg:$0x0]  }
0x2: {  	s1 =	rddreg [dreg:$0x1]  }
0x3: {  	s2 =	rddreg [dreg:$0x2];
	s3 =	simm.s32 $0x0;
	s7 =	stileid.u32  }
0x4: {  	s4 =	srdreg.scid;
	s28 =	simm.s32 $0xC200;
	s29 =	simm.s32 $0x12200  }
0x5: {  	s31 =	simm.s32 $0xD200;
	s30 =	simm.s32 $0x6;
	s5 =	smul.u32 $0xA00, s7  }
0x6: {  	[smem:$0x7FF] =	sst s3;
	s4 =	sand.u32 $0x1, s4;
	s7 =	smul.u32 $0x9E00, s7  }
0x7: {  	_ =	strace $0x8000004D;
	s6 =	ssub.s32 $0x2, s4;
	s13 =	smul.u32 $0x9E000, s4  }
0x8: {  	s4 =	smul.u32 $0x9E00, s4;
	s5 =	sadd.s32 s5, s1;
	s1 =	sadd.s32 $0x65400, s1  }
0x9: {  	s8 =	sshrl.u32 s6, $0x1;
	s10 =	sadd.s32 $0x2000, s7;
	s26 =	sadd.s32 $0x4000, s7  }
0xa: {  	s12 =	sadd.s32 $0x6000, s7;
	s14 =	sadd.s32 $0x8000, s7;
	s6 =	ssub.s32 s6, s8  }
0xb: {  	s25 =	sadd.s32 $0xC400, s5;
	s5 =	sadd.s32 $0x2400, s5;
	s8 =	sadd.s32 s7, s2  }
0xc: {  	s17 =	sadd.s32 s10, s2;
	s9 =	sadd.s32 s26, s2;
	s16 =	sadd.s32 s12, s2  }
0xd: {  	s7 =	sadd.s32 s7, s13;
	s11 =	sadd.s32 s13, s10;
	[dreg:$0x4] =	wrdreg s25  }
0xe: {  	s18 =	sadd.s32 s14, s2;
	s21 =	sadd.s32 s13, s26;
	[dreg:$0x5] =	wrdreg s5  }
0xf: {  	s22 =	sadd.s32 s13, s12;
	s23 =	sadd.s32 s13, s14;
	[dreg:$0x6] =	wrdreg s9  }
0x10: {  	s12 =	simm.s32 $0x4;
	s13 =	simm.s32 $0x8;
	[dreg:$0x7] =	wrdreg s16  }
0x11: {  	s14 =	simm.s32 $0x0;
	[dreg:$0x8] =	wrdreg s18;
	s7 =	sshrl.u32 s7, $0x3  }
0x12: {  	s15 =	sshrl.u32 s11, $0x3;
	s11 =	sadd.s32 s0, s4;
	s0 =	sshrl.u32 s21, $0x3  }
0x13: {  	s4 =	sshrl.u32 s22, $0x3;
	s5 =	sshrl.u32 s23, $0x3;
	s26 =	smax.u32 s6, $0x1  }
0x14: {  	s18 =	simm.s32 $0x9;
	s21 =	simm.s32 $0x80;
	s22 =	simm.s32 $0xA200  }
0x15: {  	s23 =	simm.s32 $0x5000;
	s19 =	sadd.s32 s1, s7;
	[dreg:$0xe] =	wrdreg s26  }
0x16: {  	s20 =	sadd.s32 s1, s15;
	s0 =	sadd.s32 s1, s0;
	[dreg:$0x9] =	wrdreg s19  }
0x17: {  	s24 =	sadd.s32 s1, s4;
	s25 =	sadd.s32 s1, s5;
	[dreg:$0xa] =	wrdreg s20  }
0x18: {  	s1 =	simm.s32 $0x1;
	s26 =	simm.s32 $0x2;
	[dreg:$0xb] =	wrdreg s0  }
0x19: {  	s4 =	simm.s32 $0x3;
	s5 =	simm.s32 $0x7;
	[dreg:$0xc] =	wrdreg s24  }
0x1a: {  	[dreg:$0xd] =	wrdreg s25;
	s20 =	simm.s32 $0xE200;
	s24 =	simm.s32 $0xB200  }
0x1b: {  	v0 =	vimm.s32 $0x2710;
	v1 =	vimm.f32 $0.0e+00;
	s25 =	simm.s32 $0x10200;
	s0 =	simm.s32 $0x14200;
	s19 =	simm.s32 $0x5  }
.LBB2_1:
0x1c: {  	s6 =	rddreg [dreg:$0x4]  }
0x1d: {  	[tilespmem:s3], [sflag:$0x9] =	stream.linear.gather [hbm4b:s6+s3], $0x5000, $0x38;
	v63 =	vld [tilespmem:$0x0]  }
0x1e: {  	_ =	swait.ge [sflag:s18], $0x5000  }
0x1f: {  	[sflag:s18] =	ssyncset.done $0x0  }
0x20: {  	s7 =	simm.s32 $0x5200;
	s16 =	rddreg [dreg:$0x5];
	[sflag:s18] =	ssyncadd.s32 $0xFFFFB000  }
0x21: {  	[tilespmem:s7], [sflag:$0x9] =	stream.linear.gather [hbm4b:s16+s3], $0x5000, $0x38;
	v63 =	vld [tilespmem:$0x0]  }
0x22: {  	_ =	swait.ge [sflag:s18], $0x5000  }
0x23: {  	[sflag:s18] =	ssyncset.done $0x0  }
0x24: {  	[sflag:s18] =	ssyncadd.s32 $0xFFFFB000  }
0x25: {  	[tilespmem:$0x5000] =	vst v0  }
0x26: {  	[tilespmem:$0x5010] =	vst v0  }
0x27: {  	[tilespmem:$0x5020] =	vst v0  }
0x28: {  	[tilespmem:$0x5030] =	vst v0  }
0x29: {  	[tilespmem:$0x5040] =	vst v0  }
0x2a: {  	[tilespmem:$0x5050] =	vst v0  }
0x2b: {  	[tilespmem:$0x5060] =	vst v0  }
0x2c: {  	[tilespmem:$0x5070] =	vst v0  }
0x2d: {  	[tilespmem:$0x5080] =	vst v0  }
0x2e: {  	[tilespmem:$0x5090] =	vst v0  }
0x2f: {  	[tilespmem:$0x50A0] =	vst v0  }
0x30: {  	[tilespmem:$0x50B0] =	vst v0  }
0x31: {  	[tilespmem:$0x50C0] =	vst v0  }
0x32: {  	[tilespmem:$0x50D0] =	vst v0  }
0x33: {  	[tilespmem:$0x50E0] =	vst v0  }
0x34: {  	[tilespmem:$0x50F0] =	vst v0  }
0x35: {  	[tilespmem:$0x5100] =	vst v0  }
0x36: {  	[tilespmem:$0x5110] =	vst v0  }
0x37: {  	[tilespmem:$0x5120] =	vst v0  }
0x38: {  	[tilespmem:$0x5130] =	vst v0  }
0x39: {  	[tilespmem:$0x5140] =	vst v0  }
0x3a: {  	[tilespmem:$0x5150] =	vst v0  }
0x3b: {  	[tilespmem:$0x5160] =	vst v0  }
0x3c: {  	[tilespmem:$0x5170] =	vst v0  }
0x3d: {  	[tilespmem:$0x5180] =	vst v0  }
0x3e: {  	[tilespmem:$0x5190] =	vst v0  }
0x3f: {  	[tilespmem:$0x51A0] =	vst v0  }
0x40: {  	[tilespmem:$0x51B0] =	vst v0  }
0x41: {  	[tilespmem:$0x51C0] =	vst v0  }
0x42: {  	[tilespmem:$0x51D0] =	vst v0  }
0x43: {  	[tilespmem:$0x51E0] =	vst v0  }
0x44: {  	s6 =	simm.s32 $0x0;
	s7 =	simm.s32 $0x100;
	[tilespmem:$0x51F0] =	vst v0  }
.LBB2_2:
0x45: {  	p0 =	sne.s32 s7, $0x7F00;
	[tilespmem:s6+$0xE230] =	vst v1;
	s15 =	smov.u32 s7;
	s7 =	sadd.s32 $0x100, s7  }
.Ltmp0:
0x46: {  	[tilespmem:s6+$0xE220] =	vst v1;
	(pc) =	sbr.rel @p0 .LBB2_2-.Ltmp0, $3  }
0x47: {  	[tilespmem:s6+$0xE200] =	vst v1  }
0x48: {  	[tilespmem:s6+$0xE210] =	vst v1;
	_ =	sdelay $0x1  }
0x49: {  	s6 =	sshra.s32 s15, $0x2  }
0x4a: {  	[tilespmem:s6+$0xE230] =	vst v1  }
0x4b: {  	[tilespmem:s6+$0xE220] =	vst v1  }
0x4c: {  	[tilespmem:s6+$0xE200] =	vst v1  }
0x4d: {  	s15 =	simm.s32 $0x0;
	[tilespmem:s6+$0xE210] =	vst v1;
	s7 =	simm.s32 $0x100;
	s6 =	simm.s32 $0x0  }
.LBB2_4:
0x4e: {  	p0 =	sne.s32 s7, $0x7F00;
	[tilespmem:s6+$0x10230] =	vst v1;
	s16 =	smov.u32 s7;
	s7 =	sadd.s32 $0x100, s7  }
.Ltmp1:
0x4f: {  	[tilespmem:s6+$0x10220] =	vst v1;
	(pc) =	sbr.rel @p0 .LBB2_4-.Ltmp1, $3  }
0x50: {  	[tilespmem:s6+$0x10200] =	vst v1  }
0x51: {  	[tilespmem:s6+$0x10210] =	vst v1;
	_ =	sdelay $0x1  }
0x52: {  	s6 =	sshra.s32 s16, $0x2  }
0x53: {  	[tilespmem:s6+$0x10230] =	vst v1  }
0x54: {  	[tilespmem:s6+$0x10220] =	vst v1  }
0x55: {  	[tilespmem:s6+$0x10200] =	vst v1  }
0x56: {  	[tilespmem:s6+$0x10210] =	vst v1  }
.LBB2_6:
0x57: {  	p0 =	sne.s32 s15, $0x7F00  }
.Ltmp2:
0x58: {  	s6 =	sshra.s32 s15, $0x2;
	(pc) =	sbr.rel @p0 .LBB2_6-.Ltmp2, $4  }
0x59: {  	[tilespmem:s6+$0x12200] =	vst v1  }
0x5a: {  	[tilespmem:s6+$0x12210] =	vst v1  }
0x5b: {  	[tilespmem:s6+$0x12220] =	vst v1  }
0x5c: {  	s15 =	sadd.s32 $0x100, s15;
	[tilespmem:s6+$0x12230] =	vst v1  }
0x5d: {  	s7 =	simm.s32 $0x100;
	s6 =	simm.s32 $0x0  }
.LBB2_8:
0x5e: {  	p0 =	sne.s32 s7, $0x7F00;
	[tilespmem:s6+$0x14230] =	vst v1;
	s15 =	smov.u32 s7;
	s7 =	sadd.s32 $0x100, s7  }
.Ltmp3:
0x5f: {  	[tilespmem:s6+$0x14220] =	vst v1;
	(pc) =	sbr.rel @p0 .LBB2_8-.Ltmp3, $3  }
0x60: {  	[tilespmem:s6+$0x14200] =	vst v1  }
0x61: {  	[tilespmem:s6+$0x14210] =	vst v1;
	_ =	sdelay $0x1  }
0x62: {  	s6 =	sshra.s32 s15, $0x2  }
0x63: {  	[tilespmem:s6+$0x14230] =	vst v1  }
0x64: {  	[tilespmem:s6+$0x14220] =	vst v1  }
0x65: {  	[tilespmem:s6+$0x14200] =	vst v1  }
0x66: {  	[tilespmem:s6+$0x14210] =	vst v1  }
0x67: {  	[spmem:s8] =	stream.linear.scatter [tilespmem:s20], [sflag:$0x9], $0x2000, $0x38;
	v63 =	vld [tilespmem:$0x0]  }
0x68: {  	_ =	swait.ge [sflag:s18], $0x2000  }
0x69: {  	[sflag:s18] =	ssyncset.done $0x0  }
0x6a: {  	[sflag:s18] =	ssyncadd.s32 $0xFFFFE000  }
0x6b: {  	[spmem:s17] =	stream.linear.scatter [tilespmem:s20], [sflag:$0x9], $0x2000, $0x38;
	v63 =	vld [tilespmem:$0x0]  }
0x6c: {  	_ =	swait.ge [sflag:s18], $0x2000  }
0x6d: {  	[sflag:s18] =	ssyncset.done $0x0  }
0x6e: {  	s7 =	rddreg [dreg:$0x6];
	[sflag:s18] =	ssyncadd.s32 $0xFFFFE000  }
0x6f: {  	[spmem:s7] =	stream.linear.scatter [tilespmem:s20], [sflag:$0x9], $0x2000, $0x38;
	v63 =	vld [tilespmem:$0x0]  }
0x70: {  	_ =	swait.ge [sflag:s18], $0x2000  }
0x71: {  	[sflag:s18] =	ssyncset.done $0x0  }
0x72: {  	s9 =	smov.u32 s8;
	s8 =	rddreg [dreg:$0x7];
	[sflag:s18] =	ssyncadd.s32 $0xFFFFE000  }
0x73: {  	[spmem:s8] =	stream.linear.scatter [tilespmem:s20], [sflag:$0x9], $0x2000, $0x38;
	v63 =	vld [tilespmem:$0x0]  }
0x74: {  	_ =	swait.ge [sflag:s18], $0x2000  }
0x75: {  	[sflag:s18] =	ssyncset.done $0x0  }
0x76: {  	s15 =	rddreg [dreg:$0x8];
	[sflag:s18] =	ssyncadd.s32 $0xFFFFE000  }
0x77: {  	[spmem:s15] =	stream.linear.scatter [tilespmem:s20], [sflag:$0x9], $0x1E00, $0x38;
	v63 =	vld [tilespmem:$0x0]  }
0x78: {  	_ =	swait.ge [sflag:s18], $0x1E00  }
0x79: {  	[sflag:s18] =	ssyncset.done $0x0  }
0x7a: {  	[sflag:s18] =	ssyncadd.s32 $0xFFFFE200  }
0x7b: {  	s15 =	simm.s32 $0x0;
	[bflag:$0x0] =	sbarrier.arrive $0xFFFF  }
0x7c: {  	[tilespmem:s22], [sflag:$0x1] =	stream.indirect.gather [hbm4b:s11+s21], $0x20, s15, s21, $0xb8;
	v63 =	vld [tilespmem:$0x0]  }
0x7d: {  	_ = 	snop  }
0x7e: {  	[spmem:s2] =	stream.indirect.scatter.add.f32 [tilespmem:s20], [sflag:$0x5], $0x40, s23, s21, $0xb8;
	v63 =	vld [tilespmem:$0x0]  }
0x7f: {  	_ = 	snop  }
0x80: {  	[tilespmem:s24], [sflag:$0x2] =	stream.indirect.gather [hbm4b:s11+s21], $0x20, s21, s21, $0xb8;
	v63 =	vld [tilespmem:$0x0]  }
0x81: {  	_ = 	snop  }
0x82: {  	[spmem:s2] =	stream.indirect.scatter.add.f32 [tilespmem:s25], [sflag:$0x6], $0x40, s23, s21, $0xb8;
	v63 =	vld [tilespmem:$0x0]  }
0x83: {  	s16 =	simm.s32 $0x100  }
0x84: {  	[tilespmem:s28], [sflag:$0x3] =	stream.indirect.gather [hbm4b:s11+s21], $0x20, s16, s21, $0xb8;
	v63 =	vld [tilespmem:$0x0]  }
0x85: {  	_ = 	snop  }
0x86: {  	[spmem:s2] =	stream.indirect.scatter.add.f32 [tilespmem:s29], [sflag:$0x7], $0x40, s23, s21, $0xb8;
	v63 =	vld [tilespmem:$0x0]  }
0x87: {  	s10 =	smov.u32 s17;
	s17 =	simm.s32 $0x180  }
0x88: {  	[tilespmem:s31], [sflag:$0x4] =	stream.indirect.gather [hbm4b:s11+s21], $0x20, s17, s21, $0xb8;
	v63 =	vld [tilespmem:$0x0]  }
0x89: {  	_ = 	snop  }
0x8a: {  	[spmem:s2] =	stream.indirect.scatter.add.f32 [tilespmem:s0], [sflag:$0x8], $0x40, s23, s21, $0xb8;
	v63 =	vld [tilespmem:$0x0]  }
.LBB2_10:
0x8b: {  	_ =	swait.ge [sflag:s1], $0x1000  }
0x8c: {  	[sflag:s1] =	ssyncset.done $0x0  }
0x8d: {  	[sflag:s1] =	ssyncadd.s32 $0xFFFFF000  }
0x8e: {  	_ =	swait.ge [sflag:s19], $0x2000  }
0x8f: {  	[sflag:s19] =	ssyncset.done $0x0  }
0x90: {  	s7 =	simm.s32 $0x0;
	[sflag:s19] =	ssyncadd.s32 $0xFFFFE000  }
0x91: {  	v2 =	vld [tilespmem:s7+$0xA200];
	_ =	sdelay $0x4  }
0x92: {  	s16 =	simm.s32 $0xE220;
	v3 =	vshll.u32 v2, $0x10  }
0x93: {  	v2 =	vand.u32 $0xFFFF0000, v2;
	[tilespmem:s16+$0xFFFFFFE0] =	vst v3  }
0x94: {  	[tilespmem:s16+$0x0] =	vst v2  }
0x95: {  	s6 =	simm.s32 $0x80;
	s17 =	simm.s32 $0xE220;
	v2 =	vld [tilespmem:s7+$0xA210]  }
.LBB2_11:
0x96: {  	_ =	sdelay $0x2  }
0x97: {  	p0 =	sne.s32 s6, $0x3F80  }
0x98: {  	s16 =	sadd.s32 $0x40, s16;
	s7 =	smov.u32 s6;
	s6 =	sadd.s32 $0x80, s6;
	v3 =	vshll.u32 v2, $0x10;
	v2 =	vand.u32 $0xFFFF0000, v2  }
0x99: {  	[tilespmem:s17+$0xFFFFFFF0] =	vst v3  }
0x9a: {  	s7 =	sshra.s32 s7, $0x2;
	[tilespmem:s17+$0x10] =	vst v2;
	s17 =	smov.u32 s16  }
0x9b: {  	v2 =	vld [tilespmem:s7+$0xA200];
	_ =	sdelay $0x3  }
.Ltmp4:
0x9c: {  	(pc) =	sbr.rel @p0 .LBB2_11-.Ltmp4, $4  }
0x9d: {  	v3 =	vshll.u32 v2, $0x10;
	v2 =	vand.u32 $0xFFFF0000, v2  }
0x9e: {  	[tilespmem:s16+$0xFFFFFFE0] =	vst v3  }
0x9f: {  	[tilespmem:s16+$0x0] =	vst v2  }
0xa0: {  	v2 =	vld [tilespmem:s7+$0xA210]  }
0xa1: {  	_ =	sdelay $0x3  }
0xa2: {  	s6 =	sshll.u32 s15, $0x9;
	v3 =	vshll.u32 v2, $0x10  }
0xa3: {  	s16 =	sand.u32 $0x3FFFFE00, s6;
	v2 =	vand.u32 $0xFFFF0000, v2;
	[tilespmem:s17+$0xFFFFFFF0] =	vst v3  }
0xa4: {  	s6 =	sadd.s32 $0x5200, s16;
	[tilespmem:s17+$0x10] =	vst v2  }
0xa5: {  	[spmem:s2] =	stream.indirect.scatter.add.f32 [tilespmem:s20], [sflag:$0x5], $0x40, s6, s21, $0xb8;
	v63 =	vld [tilespmem:$0x0]  }
0xa6: {  	s7 =	sadd.s32 $0x200, s16  }
0xa7: {  	[tilespmem:s22], [sflag:$0x1] =	stream.indirect.gather [hbm4b:s11+s21], $0x20, s7, s21, $0xb8;
	v63 =	vld [tilespmem:$0x0]  }
0xa8: {  	_ =	swait.ge [sflag:s26], $0x1000  }
0xa9: {  	[sflag:s26] =	ssyncset.done $0x0  }
0xaa: {  	[sflag:s26] =	ssyncadd.s32 $0xFFFFF000  }
0xab: {  	_ =	swait.ge [sflag:s30], $0x2000  }
0xac: {  	[sflag:s30] =	ssyncset.done $0x0  }
0xad: {  	s8 =	simm.s32 $0x0;
	[sflag:s30] =	ssyncadd.s32 $0xFFFFE000  }
0xae: {  	v2 =	vld [tilespmem:s8+$0xB200];
	_ =	sdelay $0x4  }
0xaf: {  	s17 =	simm.s32 $0x10220;
	v3 =	vshll.u32 v2, $0x10  }
0xb0: {  	v2 =	vand.u32 $0xFFFF0000, v2;
	[tilespmem:s17+$0xFFFFFFE0] =	vst v3  }
0xb1: {  	[tilespmem:s17+$0x0] =	vst v2  }
0xb2: {  	s6 =	simm.s32 $0x10220;
	s7 =	simm.s32 $0x80;
	v2 =	vld [tilespmem:s8+$0xB210]  }
.LBB2_13:
0xb3: {  	_ =	sdelay $0x2  }
0xb4: {  	p0 =	sne.s32 s7, $0x3F80  }
0xb5: {  	s17 =	sadd.s32 $0x40, s17;
	s8 =	smov.u32 s7;
	s7 =	sadd.s32 $0x80, s7;
	v3 =	vshll.u32 v2, $0x10;
	v2 =	vand.u32 $0xFFFF0000, v2  }
0xb6: {  	[tilespmem:s6+$0xFFFFFFF0] =	vst v3  }
0xb7: {  	s8 =	sshra.s32 s8, $0x2;
	[tilespmem:s6+$0x10] =	vst v2;
	s6 =	smov.u32 s17  }
0xb8: {  	v2 =	vld [tilespmem:s8+$0xB200];
	_ =	sdelay $0x3  }
.Ltmp5:
0xb9: {  	(pc) =	sbr.rel @p0 .LBB2_13-.Ltmp5, $4  }
0xba: {  	v3 =	vshll.u32 v2, $0x10;
	v2 =	vand.u32 $0xFFFF0000, v2  }
0xbb: {  	[tilespmem:s17+$0xFFFFFFE0] =	vst v3  }
0xbc: {  	[tilespmem:s17+$0x0] =	vst v2  }
0xbd: {  	v2 =	vld [tilespmem:s8+$0xB210]  }
0xbe: {  	_ =	sdelay $0x3  }
0xbf: {  	v3 =	vshll.u32 v2, $0x10  }
0xc0: {  	v2 =	vand.u32 $0xFFFF0000, v2;
	[tilespmem:s6+$0xFFFFFFF0] =	vst v3  }
0xc1: {  	s17 =	sadd.s32 $0x5280, s16;
	[tilespmem:s6+$0x10] =	vst v2  }
0xc2: {  	[spmem:s2] =	stream.indirect.scatter.add.f32 [tilespmem:s25], [sflag:$0x6], $0x40, s17, s21, $0xb8;
	v63 =	vld [tilespmem:$0x0]  }
0xc3: {  	s7 =	sadd.s32 $0x280, s16  }
0xc4: {  	[tilespmem:s24], [sflag:$0x2] =	stream.indirect.gather [hbm4b:s11+s21], $0x20, s7, s21, $0xb8;
	v63 =	vld [tilespmem:$0x0]  }
0xc5: {  	_ =	swait.ge [sflag:s4], $0x1000  }
0xc6: {  	[sflag:s4] =	ssyncset.done $0x0  }
0xc7: {  	[sflag:s4] =	ssyncadd.s32 $0xFFFFF000  }
0xc8: {  	_ =	swait.ge [sflag:s5], $0x2000  }
0xc9: {  	[sflag:s5] =	ssyncset.done $0x0  }
0xca: {  	s8 =	simm.s32 $0x0;
	[sflag:s5] =	ssyncadd.s32 $0xFFFFE000  }
0xcb: {  	v2 =	vld [tilespmem:s8+$0xC200];
	_ =	sdelay $0x4  }
0xcc: {  	s17 =	simm.s32 $0x12220;
	v3 =	vshll.u32 v2, $0x10  }
0xcd: {  	v2 =	vand.u32 $0xFFFF0000, v2;
	[tilespmem:s17+$0xFFFFFFE0] =	vst v3  }
0xce: {  	[tilespmem:s17+$0x0] =	vst v2  }
0xcf: {  	s6 =	simm.s32 $0x12220;
	s7 =	simm.s32 $0x80;
	v2 =	vld [tilespmem:s8+$0xC210]  }
.LBB2_15:
0xd0: {  	_ =	sdelay $0x2  }
0xd1: {  	p0 =	sne.s32 s7, $0x3F80  }
0xd2: {  	s17 =	sadd.s32 $0x40, s17;
	s8 =	smov.u32 s7;
	s7 =	sadd.s32 $0x80, s7;
	v3 =	vshll.u32 v2, $0x10;
	v2 =	vand.u32 $0xFFFF0000, v2  }
0xd3: {  	[tilespmem:s6+$0xFFFFFFF0] =	vst v3  }
0xd4: {  	s8 =	sshra.s32 s8, $0x2;
	[tilespmem:s6+$0x10] =	vst v2;
	s6 =	smov.u32 s17  }
0xd5: {  	v2 =	vld [tilespmem:s8+$0xC200];
	_ =	sdelay $0x3  }
.Ltmp6:
0xd6: {  	(pc) =	sbr.rel @p0 .LBB2_15-.Ltmp6, $4  }
0xd7: {  	v3 =	vshll.u32 v2, $0x10;
	v2 =	vand.u32 $0xFFFF0000, v2  }
0xd8: {  	[tilespmem:s17+$0xFFFFFFE0] =	vst v3  }
0xd9: {  	[tilespmem:s17+$0x0] =	vst v2  }
0xda: {  	v2 =	vld [tilespmem:s8+$0xC210]  }
0xdb: {  	_ =	sdelay $0x3  }
0xdc: {  	v3 =	vshll.u32 v2, $0x10  }
0xdd: {  	v2 =	vand.u32 $0xFFFF0000, v2;
	[tilespmem:s6+$0xFFFFFFF0] =	vst v3  }
0xde: {  	s17 =	sadd.s32 $0x5300, s16;
	[tilespmem:s6+$0x10] =	vst v2  }
0xdf: {  	[spmem:s2] =	stream.indirect.scatter.add.f32 [tilespmem:s29], [sflag:$0x7], $0x40, s17, s21, $0xb8;
	v63 =	vld [tilespmem:$0x0]  }
0xe0: {  	s7 =	sadd.s32 $0x300, s16  }
0xe1: {  	[tilespmem:s28], [sflag:$0x3] =	stream.indirect.gather [hbm4b:s11+s21], $0x20, s7, s21, $0xb8;
	v63 =	vld [tilespmem:$0x0]  }
0xe2: {  	_ =	swait.ge [sflag:s12], $0x1000  }
0xe3: {  	[sflag:s12] =	ssyncset.done $0x0  }
0xe4: {  	[sflag:s12] =	ssyncadd.s32 $0xFFFFF000  }
0xe5: {  	_ =	swait.ge [sflag:s13], $0x2000  }
0xe6: {  	[sflag:s13] =	ssyncset.done $0x0  }
0xe7: {  	s8 =	simm.s32 $0x0;
	[sflag:s13] =	ssyncadd.s32 $0xFFFFE000  }
0xe8: {  	v2 =	vld [tilespmem:s8+$0xD200];
	_ =	sdelay $0x4  }
0xe9: {  	s17 =	simm.s32 $0x14220;
	v3 =	vshll.u32 v2, $0x10  }
0xea: {  	v2 =	vand.u32 $0xFFFF0000, v2;
	[tilespmem:s17+$0xFFFFFFE0] =	vst v3  }
0xeb: {  	[tilespmem:s17+$0x0] =	vst v2  }
0xec: {  	s6 =	simm.s32 $0x14220;
	s7 =	simm.s32 $0x80;
	v2 =	vld [tilespmem:s8+$0xD210]  }
.LBB2_17:
0xed: {  	_ =	sdelay $0x2  }
0xee: {  	p0 =	sne.s32 s7, $0x3F80  }
0xef: {  	s17 =	sadd.s32 $0x40, s17;
	s8 =	smov.u32 s7;
	s7 =	sadd.s32 $0x80, s7;
	v3 =	vshll.u32 v2, $0x10;
	v2 =	vand.u32 $0xFFFF0000, v2  }
0xf0: {  	[tilespmem:s6+$0xFFFFFFF0] =	vst v3  }
0xf1: {  	s8 =	sshra.s32 s8, $0x2;
	[tilespmem:s6+$0x10] =	vst v2;
	s6 =	smov.u32 s17  }
0xf2: {  	v2 =	vld [tilespmem:s8+$0xD200];
	_ =	sdelay $0x3  }
.Ltmp7:
0xf3: {  	(pc) =	sbr.rel @p0 .LBB2_17-.Ltmp7, $4  }
0xf4: {  	v3 =	vshll.u32 v2, $0x10;
	v2 =	vand.u32 $0xFFFF0000, v2  }
0xf5: {  	[tilespmem:s17+$0xFFFFFFE0] =	vst v3  }
0xf6: {  	[tilespmem:s17+$0x0] =	vst v2  }
0xf7: {  	v2 =	vld [tilespmem:s8+$0xD210]  }
0xf8: {  	_ =	sdelay $0x2  }
0xf9: {  	s15 =	sadd.s32 $0x1, s15  }
0xfa: {  	p0 =	sne.s32 s15, $0x28;
	v3 =	vshll.u32 v2, $0x10  }
.Ltmp8:
0xfb: {  	v2 =	vand.u32 $0xFFFF0000, v2;
	[tilespmem:s6+$0xFFFFFFF0] =	vst v3;
	(pc) =	sbr.rel @p0 .LBB2_10-.Ltmp8, $4  }
0xfc: {  	s8 =	sadd.s32 $0x5380, s16;
	[tilespmem:s6+$0x10] =	vst v2  }
0xfd: {  	[spmem:s2] =	stream.indirect.scatter.add.f32 [tilespmem:s0], [sflag:$0x8], $0x40, s8, s21, $0xb8;
	v63 =	vld [tilespmem:$0x0]  }
0xfe: {  	s17 =	sadd.s32 $0x380, s16  }
0xff: {  	[tilespmem:s31], [sflag:$0x4] =	stream.indirect.gather [hbm4b:s11+s21], $0x20, s17, s21, $0xb8;
	v63 =	vld [tilespmem:$0x0]  }
0x100: {  	_ =	swait.ge [sflag:s19], $0x2000  }
0x101: {  	[sflag:s19] =	ssyncset.done $0x0  }
0x102: {  	[sflag:s19] =	ssyncadd.s32 $0xFFFFE000  }
0x103: {  	_ =	swait.ge [sflag:s1], $0x1000  }
0x104: {  	[sflag:s1] =	ssyncset.done $0x0  }
0x105: {  	[sflag:s1] =	ssyncadd.s32 $0xFFFFF000  }
0x106: {  	_ =	swait.ge [sflag:s30], $0x2000  }
0x107: {  	[sflag:s30] =	ssyncset.done $0x0  }
0x108: {  	[sflag:s30] =	ssyncadd.s32 $0xFFFFE000  }
0x109: {  	_ =	swait.ge [sflag:s26], $0x1000  }
0x10a: {  	[sflag:s26] =	ssyncset.done $0x0  }
0x10b: {  	[sflag:s26] =	ssyncadd.s32 $0xFFFFF000  }
0x10c: {  	_ =	swait.ge [sflag:s5], $0x2000  }
0x10d: {  	[sflag:s5] =	ssyncset.done $0x0  }
0x10e: {  	[sflag:s5] =	ssyncadd.s32 $0xFFFFE000  }
0x10f: {  	_ =	swait.ge [sflag:s4], $0x1000  }
0x110: {  	[sflag:s4] =	ssyncset.done $0x0  }
0x111: {  	[sflag:s4] =	ssyncadd.s32 $0xFFFFF000  }
0x112: {  	_ =	swait.ge [sflag:s13], $0x2000  }
0x113: {  	[sflag:s13] =	ssyncset.done $0x0  }
0x114: {  	[sflag:s13] =	ssyncadd.s32 $0xFFFFE000  }
0x115: {  	_ =	swait.ge [sflag:s12], $0x1000  }
0x116: {  	[sflag:s12] =	ssyncset.done $0x0  }
0x117: {  	[sflag:s12] =	ssyncadd.s32 $0xFFFFF000  }
0x118: {  	[bflag:$0x0] =	sbarrier.arrive $0xFFFF  }
0x119: {  	[tilespmem:s20], [sflag:$0x9] =	stream.linear.gather [spmem:s9], $0x2000, $0x38;
	v63 =	vld [tilespmem:$0x0]  }
0x11a: {  	_ =	swait.ge [sflag:s18], $0x2000  }
0x11b: {  	[sflag:s18] =	ssyncset.done $0x0  }
0x11c: {  	s6 =	rddreg [dreg:$0x9];
	[sflag:s18] =	ssyncadd.s32 $0xFFFFE000  }
0x11d: {  	[hbm4b:s6+s3] =	stream.linear.scatter [tilespmem:s20], [sflag:$0x9], $0x2000, $0x38;
	v63 =	vld [tilespmem:$0x0]  }
0x11e: {  	_ =	swait.ge [sflag:s18], $0x2000  }
0x11f: {  	[sflag:s18] =	ssyncset.done $0x0  }
0x120: {  	[sflag:s18] =	ssyncadd.s32 $0xFFFFE000  }
0x121: {  	[tilespmem:s20], [sflag:$0x9] =	stream.linear.gather [spmem:s10], $0x2000, $0x38;
	v63 =	vld [tilespmem:$0x0]  }
0x122: {  	_ =	swait.ge [sflag:s18], $0x2000  }
0x123: {  	[sflag:s18] =	ssyncset.done $0x0  }
0x124: {  	s17 =	smov.u32 s10;
	s10 =	rddreg [dreg:$0xa];
	[sflag:s18] =	ssyncadd.s32 $0xFFFFE000  }
0x125: {  	[hbm4b:s10+s3] =	stream.linear.scatter [tilespmem:s20], [sflag:$0x9], $0x2000, $0x38;
	v63 =	vld [tilespmem:$0x0]  }
0x126: {  	_ =	swait.ge [sflag:s18], $0x2000  }
0x127: {  	[sflag:s18] =	ssyncset.done $0x0  }
0x128: {  	s15 =	rddreg [dreg:$0x6];
	[sflag:s18] =	ssyncadd.s32 $0xFFFFE000  }
0x129: {  	[tilespmem:s20], [sflag:$0x9] =	stream.linear.gather [spmem:s15], $0x2000, $0x38;
	v63 =	vld [tilespmem:$0x0]  }
0x12a: {  	_ =	swait.ge [sflag:s18], $0x2000  }
0x12b: {  	[sflag:s18] =	ssyncset.done $0x0  }
0x12c: {  	s16 =	rddreg [dreg:$0xb];
	[sflag:s18] =	ssyncadd.s32 $0xFFFFE000  }
0x12d: {  	[hbm4b:s16+s3] =	stream.linear.scatter [tilespmem:s20], [sflag:$0x9], $0x2000, $0x38;
	v63 =	vld [tilespmem:$0x0]  }
0x12e: {  	_ =	swait.ge [sflag:s18], $0x2000  }
0x12f: {  	[sflag:s18] =	ssyncset.done $0x0  }
0x130: {  	s7 =	rddreg [dreg:$0x7];
	[sflag:s18] =	ssyncadd.s32 $0xFFFFE000  }
0x131: {  	[tilespmem:s20], [sflag:$0x9] =	stream.linear.gather [spmem:s7], $0x2000, $0x38;
	v63 =	vld [tilespmem:$0x0]  }
0x132: {  	_ =	swait.ge [sflag:s18], $0x2000  }
0x133: {  	[sflag:s18] =	ssyncset.done $0x0  }
0x134: {  	s8 =	smov.u32 s9;
	s9 =	rddreg [dreg:$0xc];
	[sflag:s18] =	ssyncadd.s32 $0xFFFFE000  }
0x135: {  	[hbm4b:s9+s3] =	stream.linear.scatter [tilespmem:s20], [sflag:$0x9], $0x2000, $0x38;
	v63 =	vld [tilespmem:$0x0]  }
0x136: {  	_ =	swait.ge [sflag:s18], $0x2000  }
0x137: {  	[sflag:s18] =	ssyncset.done $0x0  }
0x138: {  	s10 =	rddreg [dreg:$0x8];
	[sflag:s18] =	ssyncadd.s32 $0xFFFFE000  }
0x139: {  	[tilespmem:s20], [sflag:$0x9] =	stream.linear.gather [spmem:s10], $0x1E00, $0x38;
	v63 =	vld [tilespmem:$0x0]  }
0x13a: {  	_ =	swait.ge [sflag:s18], $0x1E00  }
0x13b: {  	[sflag:s18] =	ssyncset.done $0x0  }
0x13c: {  	s15 =	rddreg [dreg:$0xd];
	[sflag:s18] =	ssyncadd.s32 $0xFFFFE200  }
0x13d: {  	[hbm4b:s15+s3] =	stream.linear.scatter [tilespmem:s20], [sflag:$0x9], $0x1E00, $0x38;
	v63 =	vld [tilespmem:$0x0]  }
0x13e: {  	_ =	swait.ge [sflag:s18], $0x1E00  }
0x13f: {  	s14 =	sadd.s32 $0x1, s14;
	s16 =	rddreg [dreg:$0xe]  }
0x140: {  	p0 =	sne.s32 s14, s16  }
.Ltmp9:
0x141: {  	_ = 	snop;
	(pc) =	sbr.rel @p0 .LBB2_1-.Ltmp9, $3  }
0x142: {  	_ =	sdelay $0x1  }
0x143: {  	[sflag:s18] =	ssyncset.done $0x0  }
0x144: {  	[sflag:s18] =	ssyncadd.s32 $0xFFFFE200  }
0x145: {  	_ =	sfence.sel $0x180000  }
0x146: {  	[bflag:$0x0] =	sbarrier.arrive $0xFFFF  }
0x147: {  	_ =	strace $0x9000004D  }
0x148: {  	s0 =	stileid.u32;
	[bflag:$0x2] =	sbarrier.arrive $0xFFFF  }
0x149: {  	p0 =	sne.s32 s0, $0x0;
	s0 =	rddreg [dreg:$0x3]  }
0x14a: {  	s0 =	sadd.s32 @!p0 $0x100000, s0  }
0x14b: {  	[sflag:s0] =	ssyncadd.tile.s32 @!p0 $0x1;
	_ =	shalt  }
.Lfunc_end2:
_tile_overlayer_lowered:
.L_overlay_start_2:
0x14c: {  	(tag) =	ssettag $0x2  }
0x14d: {  	s0 =	rddreg [dreg:$0x0];
	s2 =	stileid.u32  }
0x14e: {  	s1 =	rddreg [dreg:$0x1];
	p0 =	sne.s32 s2, $0x0  }
0x14f: {  	s3 =	rddreg [dreg:$0x2];
	[bflag:$0x3] =	sbarrier.arrive $0xFFFF;
	s2 =	simm.s32 @!p0 $0x1C09  }
0x150: {  	[timem:s3], [sflag:s2] =	dma.local @!p0 [hbm:s0], s1  }
0x151: {  	s0 =	simm.s32 @!p0 $0x9  }
0x152: {  	_ =	swait.ge @!p0 [sflag:s0], s1  }
0x153: {  	s1 =	ssub.s32 @!p0 $0x0, s1;
	[sflag:s0] =	ssyncset.done @!p0 $0x0  }
0x154: {  	[sflag:s0] =	ssyncadd.s32 @!p0 s1  }
0x155: {  	[bflag:$0x3] =	sbarrier.arrive $0xFFFF  }
0x156: {  	_ =	shalt  }

// kernel: kernel.9.cloned.1.call-start
scs
__scs_entry_jumppad:
0x0: {  	(pc) =	sbr.rel $0x88, $3  }
0x1: {  	(tag) =	ssettag $0x0;
	lr =	simm.s32 $0x1  }
0x2: {  	[smem:$0x3F9B] =	sst lr;
	_ =	strace $0xD0000000  }
0x3: {  	_ = 	snop  }
0x4: {  	_ = 	snop  }
0x5: {  	_ = 	snop  }
0x6: {  	_ = 	snop  }
0x7: {  	_ = 	snop  }
__scs_overlays_trampoline_lowered:
0x8: {  	[smem:$0x3FAA] =	sst s0  }
0x9: {  	[smem:$0x3FAB] =	sst s1  }
0xa: {  	[smem:$0x3FAC] =	sst s2  }
0xb: {  	[smem:$0x3FAD] =	sst s3  }
0xc: {  	[smem:$0x3FAE] =	sst s4  }
0xd: {  	[smem:$0x3FAF] =	sst s5  }
0xe: {  	[smem:$0x3FB0] =	sst s6  }
0xf: {  	[smem:$0x3FB1] =	sst s7  }
0x10: {  	[smem:$0x3FB2] =	sst s8  }
0x11: {  	[smem:$0x3FB3] =	sst s9;
	s0 =	simm.s32 @!p0 $0x0  }
0x12: {  	s1 =	sld [smem:$0x3F99];
	s0 =	simm.s32 @p0 $0x1  }
0x13: {  	[smem:$0x3FB4] =	sst s0;
	s0 =	simm.s32 @!p1 $0x0  }
0x14: {  	s2 =	sld [smem:$0x3F98];
	s0 =	simm.s32 @p1 $0x1  }
0x15: {  	[smem:$0x3FB5] =	sst s0;
	s0 =	simm.s32 @!p2 $0x0  }
0x16: {  	s3 =	sld [smem:$0x3FDB];
	s0 =	simm.s32 @p2 $0x1  }
0x17: {  	s4 =	simm.s32 $0x1BF5;
	[smem:$0x3FB7] =	sst s0  }
0x18: {  	s0 =	sld [smem:$0x3F9A];
	_ =	swait.ge [sflag:s4], $0x0  }
0x19: {  	s7 =	sld [smem:$0x3F9B]  }
0x1a: {  	s8 =	sadd.s32 $0xFFFFE003, lr  }
0x1b: {  	s9 =	sadd.s32 $0xFFFFFEF7, lr;
	s5 =	simm.s32 $0xFFFFFFFF;
	p2 =	slt.u32 s8, $0xFFFFF086  }
0x1c: {  	p1 =	slt.u32 s9, $0xF7A;
	s5 =	simm.s32 @!p2 $0x0  }
0x1d: {  	s5 =	simm.s32 @p1 $0x1;
	p0 =	seq.s32 s7, s2  }
0x1e: {  	s7 =	smul.u32 @!p0 $0xF7A, s2;
	p2 =	seq.s32 @!p0 s5, $0x0  }
0x1f: {  	s9 =	smul.u32 $0xF7A, s1;
	s8 =	simm.s32 @!p0 $0x1BF5;
	p2 =	por !p2, p0  }
0x20: {  	[sflag:s8] =	ssyncset.s32 @!p0 $0xFFFFF086;
	s6 =	sadd.s32 @!p0 s3, s7;
	s7 =	simm.s32 @!p0 $0x108  }
0x21: {  	s3 =	sadd.s32 s3, s9;
	s6 =	sadd.s32 @!p0 $0x88, s6;
	s7 =	simm.s32 @p2 $0x1082  }
0x22: {  	[simem:s7], [sflag:s8] =	dma.local @!p0 [hbm:s6], $0xF7A  }
0x23: {  	s9 =	sor.u32 $0xD0000000, s2;
	s6 =	simm.s32 $0x108;
	_ =	swait.ge @!p0 [sflag:s8], $0x0  }
0x24: {  	s3 =	sadd.s32 $0x88, s3;
	s6 =	simm.s32 @!p1 $0x1082;
	[sflag:s4] =	ssyncset.s32 $0xFFFFF086  }
0x25: {  	[simem:s6], [sflag:s4] =	dma.local [hbm:s3], $0xF7A  }
0x26: {  	[smem:$0x3F9B] =	sst s1;
	(tag) =	ssettag s2;
	_ =	strace s9  }
0x27: {  	s1 =	sld [smem:$0x3FAB]  }
0x28: {  	s2 =	sld [smem:$0x3FAC]  }
0x29: {  	s4 =	sld [smem:$0x3FAE]  }
0x2a: {  	p0 =	seq.s32 s5, $0x0;
	s5 =	sld [smem:$0x3FAF]  }
0x2b: {  	s6 =	sld [smem:$0x3FB0]  }
0x2c: {  	s7 =	sld [smem:$0x3FB1]  }
0x2d: {  	s3 =	simm.s32 $0x108;
	s8 =	sld [smem:$0x3FB2]  }
0x2e: {  	s3 =	simm.s32 @!p0 $0x1082;
	s9 =	sld [smem:$0x3FB3]  }
0x2f: {  	lr =	sadd.s32 s0, s3;
	s0 =	sld [smem:$0x3FAA]  }
0x30: {  	s3 =	sld [smem:$0x3FAD]  }
0x31: {  	[smem:$0x3FB6] =	sst s10  }
0x32: {  	s10 =	sld [smem:$0x3FB4];
	_ =	sdelay $0x3  }
0x33: {  	p0 =	seq.s32 s10, $0x1;
	s10 =	sld [smem:$0x3FB6];
	_ =	sdelay $0x3  }
0x34: {  	[smem:$0x3FB6] =	sst s10  }
0x35: {  	s10 =	sld [smem:$0x3FB5];
	_ =	sdelay $0x3  }
0x36: {  	p1 =	seq.s32 s10, $0x1;
	s10 =	sld [smem:$0x3FB6];
	_ =	sdelay $0x3  }
0x37: {  	[smem:$0x3FB6] =	sst s10  }
0x38: {  	s10 =	sld [smem:$0x3FB7]  }
0x39: {  	_ = 	snop;
	(pc) =	sbr.ind lr, $3  }
0x3a: {  	_ = 	snop  }
0x3b: {  	_ = 	snop  }
0x3c: {  	p2 =	seq.s32 s10, $0x1;
	s10 =	sld [smem:$0x3FB6]  }
0x3d: {  	_ =	shalt  }
0x3e: {  	_ =	shalt  }
0x3f: {  	_ =	shalt  }
0x40: {  	_ =	shalt  }
0x41: {  	_ =	shalt  }
0x42: {  	_ =	shalt  }
0x43: {  	_ =	shalt  }
0x44: {  	_ =	shalt  }
0x45: {  	_ =	shalt  }
0x46: {  	_ =	shalt  }
0x47: {  	_ =	shalt  }
0x48: {  	_ =	shalt  }
0x49: {  	_ =	shalt  }
0x4a: {  	_ =	shalt  }
0x4b: {  	_ =	shalt  }
0x4c: {  	_ =	shalt  }
0x4d: {  	_ =	shalt  }
0x4e: {  	_ =	shalt  }
0x4f: {  	_ =	shalt  }
0x50: {  	_ =	shalt  }
0x51: {  	_ =	shalt  }
0x52: {  	_ =	shalt  }
0x53: {  	_ =	shalt  }
0x54: {  	_ =	shalt  }
0x55: {  	_ =	shalt  }
0x56: {  	_ =	shalt  }
0x57: {  	_ =	shalt  }
0x58: {  	_ =	shalt  }
0x59: {  	_ =	shalt  }
0x5a: {  	_ =	shalt  }
0x5b: {  	_ =	shalt  }
0x5c: {  	_ =	shalt  }
0x5d: {  	_ =	shalt  }
0x5e: {  	_ =	shalt  }
0x5f: {  	_ =	shalt  }
0x60: {  	_ =	shalt  }
0x61: {  	_ =	shalt  }
0x62: {  	_ =	shalt  }
0x63: {  	_ =	shalt  }
0x64: {  	_ =	shalt  }
0x65: {  	_ =	shalt  }
0x66: {  	_ =	shalt  }
0x67: {  	_ =	shalt  }
0x68: {  	_ =	shalt  }
0x69: {  	_ =	shalt  }
0x6a: {  	_ =	shalt  }
0x6b: {  	_ =	shalt  }
0x6c: {  	_ =	shalt  }
0x6d: {  	_ =	shalt  }
0x6e: {  	_ =	shalt  }
0x6f: {  	_ =	shalt  }
0x70: {  	_ =	shalt  }
0x71: {  	_ =	shalt  }
0x72: {  	_ =	shalt  }
0x73: {  	_ =	shalt  }
0x74: {  	_ =	shalt  }
0x75: {  	_ =	shalt  }
0x76: {  	_ =	shalt  }
0x77: {  	_ =	shalt  }
0x78: {  	_ =	shalt  }
0x79: {  	_ =	shalt  }
0x7a: {  	_ =	shalt  }
0x7b: {  	_ =	shalt  }
0x7c: {  	_ =	shalt  }
0x7d: {  	_ =	shalt  }
0x7e: {  	_ =	shalt  }
0x7f: {  	_ =	shalt  }
0x80: {  	_ =	shalt  }
0x81: {  	_ =	shalt  }
0x82: {  	_ =	shalt  }
0x83: {  	_ =	shalt  }
0x84: {  	_ =	shalt  }
0x85: {  	_ =	shalt  }
0x86: {  	_ =	shalt  }
0x87: {  	_ =	shalt  }
.Lfunc_end0:
.L_simem_size_0:
called_computation_lowered:
.L_overlay_start_0:
0x88: {  	s2 =	sld [smem:$0x3FD9]  }
0x89: {  	s3 =	sld [smem:$0x3FFE];
	_ =	sdelay $0x1  }
0x8a: {  	s1 =	srdreg.scid  }
0x8b: {  	s0 =	sand.u32 $0x1, s1  }
0x8c: {  	s17 =	sshll.u32 s0, $0xA;
	s2 =	sadd.s32 s3, s2  }
0x8d: {  	s2 =	sadd.s32 s2, s17  }
0x8e: {  	[smem:$0x3FC2] =	sst s2  }
0x8f: {  	_ = 	snop  }
0x90: {  	s2 =	sld [smem:$0x3FD0];
	(tm) =	ssettm $0x1  }
0x91: {  	s18 =	sld [smem:$0x3FFB];
	_ =	sdelay $0x3  }
0x92: {  	_ =	strace s18  }
0x93: {  	s3 =	sld [smem:$0x3FFC];
	_ =	sdelay $0x3  }
0x94: {  	_ =	strace s3  }
0x95: {  	s3 =	sld [smem:$0x3FFD];
	_ =	sdelay $0x3  }
0x96: {  	_ =	strace s3  }
0x97: {  	_ =	strace $0x8FFFFFFF  }
0x98: {  	s19 =	sld [smem:$0x3FDB];
	_ =	sdelay $0x1  }
0x99: {  	s4 =	simm.s32 $_scs_section_size  }
0x9a: {  	s5 =	simm.s32 $_size__tile_overlayer_lowered;
	s6 =	simm.s32 $_tile_overlayer_lowered  }
0x9b: {  	s22 =	simm.s32 $0x1BFF;
	s21 =	sshll.u32 s6, $0x1;
	s3 =	sadd.s32 s4, s19  }
0x9c: {  	s7 =	simm.s32 $0x0;
	s20 =	sshll.u32 s5, $0x1;
	s5 =	sadd.s32 s21, s3  }
0x9d: {  	[timem:s7], [sflag:s22] =	dma.local [hbm:s5], s20  }
0x9e: {  	_ =	swait.ge [sflag:s22], s20  }
0x9f: {  	s4 =	ssub.s32 $0x0, s20;
	[sflag:s22] =	ssyncset.done $0x0  }
0xa0: {  	[sflag:s22] =	ssyncadd.s32 s4;
	_ =	sdelay $0x1  }
0xa1: {  	s23 =	simm.s32 $0x1B8B  }
0xa2: {  	_ =	swait.ge [sflag:s23], $0x1  }
0xa3: {  	[sflag:s23] =	ssyncset.done $0x0  }
0xa4: {  	s25 =	simm.s32 $0x1B8E;
	s24 =	sld [smem:$0x3FFE];
	[sflag:s23] =	ssyncadd.s32 $0xFFFFFFFF  }
0xa5: {  	s26 =	simm.s32 $execute0_lowered;
	[smem:$0x3FD2] =	sst s25  }
0xa6: {  	s5 =	sshll.u32 s26, $0x1;
	_ =	strace $0x80000046;
	[dreg:$0x1] =	wrdreg $0xFFFFFFFF  }
0xa7: {  	s28 =	simm.s32 $_size_execute0_lowered;
	s3 =	sadd.s32 s3, s5;
	[dreg:$0x0] =	wrdreg $0x0  }
0xa8: {  	s5 =	sshll.u32 s28, $0x1;
	[dreg:$0x2] =	wrdreg s3  }
0xa9: {  	[dreg:$0x3] =	wrdreg s5  }
0xaa: {  	[dreg:$0x4] =	wrdreg $0xC0  }
0xab: {  	_ =	task [dreg:s7], $0x5FFFF  }
0xac: {  	[dreg:$0x1] =	wrdreg $0xFFFFFFFF  }
0xad: {  	[dreg:$0x0] =	wrdreg $0x60  }
0xae: {  	[dreg:$0x2] =	wrdreg s24  }
0xaf: {  	[dreg:$0x3] =	wrdreg s2  }
0xb0: {  	[dreg:$0x4] =	wrdreg $0x57800  }
0xb1: {  	[dreg:$0x5] =	wrdreg $0x9  }
0xb2: {  	_ =	task.clear_ibuf [dreg:s7], $0x6FFFF;
	_ =	strace $0x90000046  }
0xb3: {  	s29 =	simm.s32 $0x9;
	_ =	strace $0x80000048  }
0xb4: {  	_ =	swait.ge [sflag:s29], $0x1  }
0xb5: {  	[sflag:s29] =	ssyncadd.s32 $0xFFFFFFFF  }
0xb6: {  	_ =	strace $0x90000048  }
0xb7: {  	_ =	sfence  }
0xb8: {  	s30 =	sld [smem:$0x0];
	_ =	sdelay $0x2  }
0xb9: {  	s31 =	sshll.u32 s1, $0xD;
	s1 =	sshrl.u32 s1, $0x2  }
0xba: {  	s3 =	sand.u32 $0x4000, s31;
	s1 =	sadd.s32 s1, s30  }
0xbb: {  	s0 =	sor.u32 s3, s0;
	s1 =	sshll.u32 s1, $0x11  }
0xbc: {  	s0 =	sor.u32 s1, s0  }
0xbd: {  	s0 =	sadd.s32 $0x8F2B, s0  }
0xbe: {  	[sflag:s0] =	ssyncadd.remote.s32 $0x1  }
0xbf: {  	_ =	sfence.sel $0xFFFF  }
0xc0: {  	[dreg:$0x0] =	wrdreg $0xFFFFFFFF;
	(pc) =	sbr.abs _section_cstart, $3  }
0xc1: {  	[dreg:$0x1] =	wrdreg $0xFFFFFFFF  }
0xc2: {  	_ =	task.clear_ibuf [dreg:s7], $0x2FFFF;
	_ =	strace $0x9FFFFFFF  }
0xc3: {  	(tm) =	ssettm $0x7FFFFFFF  }
tec
execute0_lowered:
.L_overlay_start_1:
0x0: {  	(tag) =	ssettag $0x1  }
0x1: {  	s4 =	rddreg [dreg:$0x0]  }
0x2: {  	s6 =	rddreg [dreg:$0x1]  }
0x3: {  	s2 =	rddreg [dreg:$0x2]  }
0x4: {  	s0 =	rddreg [dreg:$0x3]  }
0x5: {  	s3 =	srdreg.scid;
	s1 =	stileid.u32  }
0x6: {  	s11 =	simm.s32 $0x2800;
	s12 =	simm.s32 $0x0;
	s5 =	sand.u32 $0x1, s3  }
0x7: {  	s7 =	sshll.u32 s1, $0x1;
	s8 =	smul.u32 $0x2780, s1;
	s3 =	simm.s32 $0x0  }
0x8: {  	s7 =	sor.u32 s5, s7;
	s9 =	smul.u32 $0x27800, s5;
	s5 =	ssub.s32 $0x2, s5  }
0x9: {  	[smem:$0x7FF] =	sst s3;
	s7 =	smul.u32 $0x500, s7;
	s10 =	sshrl.u32 s5, $0x1  }
0xa: {  	_ =	strace $0x80000047;
	s9 =	sadd.s32 s8, s9;
	s10 =	ssub.s32 s5, s10  }
0xb: {  	s7 =	sadd.s32 s7, s4;
	s9 =	sshrl.u32 s9, $0x3;
	s4 =	sadd.s32 s8, s2  }
0xc: {  	s8 =	simm.s32 $0x3000;
	s5 =	sadd.s32 $0x2400, s7;
	s6 =	sadd.s32 s6, s9  }
0xd: {  	v0 =	vimm.f32 $1.000000000e+00;
	v1 =	vimm.f32 $0.0e+00;
	s7 =	smax.u32 s10, $0x1;
	s9 =	simm.s32 $0x1;
	s10 =	simm.s32 $0x80  }
.LBB2_1:
0xe: {  	s13 =	simm.s32 $0x0  }
.LBB2_2:
0xf: {  	p0 =	sne.s32 s13, $0x1FC0  }
.Ltmp0:
0x10: {  	_ = 	snop;
	(pc) =	sbr.rel @p0 .LBB2_2-.Ltmp0, $3  }
0x11: {  	_ =	sdelay $0x1  }
0x12: {  	s14 =	sshra.s32 s13, $0x2  }
0x13: {  	s13 =	sadd.s32 $0x40, s13;
	[tilespmem:s14+$0x2800] =	vst v0  }
0x14: {  	s13 =	simm.s32 $0x40;
	s14 =	simm.s32 $0x0  }
.LBB2_4:
0x15: {  	p0 =	sne.s32 s13, $0x9DC0;
	[tilespmem:s14+$0x3000] =	vst v1;
	s14 =	smov.u32 s13;
	s13 =	sadd.s32 $0x40, s13  }
.Ltmp1:
0x16: {  	(pc) =	sbr.rel @p0 .LBB2_4-.Ltmp1, $2  }
0x17: {  	_ =	sdelay $0x2  }
0x18: {  	s14 =	sshra.s32 s14, $0x2  }
0x19: {  	[tilespmem:s14+$0x3000] =	vst v1  }
0x1a: {  	[spmem:s4] =	stream.linear.scatter [tilespmem:s8], [sflag:$0x1], $0x2780, $0x38;
	[tilespmem:$0x7F00] =	vst v63  }
0x1b: {  	_ =	swait.ge [sflag:s9], $0x2780  }
0x1c: {  	[sflag:s9] =	ssyncset.done $0x0  }
0x1d: {  	[sflag:s9] =	ssyncadd.s32 $0xFFFFD880  }
0x1e: {  	s13 =	simm.s32 $0x0;
	[bflag:$0x0] =	sbarrier.arrive $0xFFFF  }
0x1f: {  	[tilespmem:s13], [sflag:$0x1] =	stream.linear.gather [hbm4b:s5+s13], $0x2800, $0x38;
	[tilespmem:$0x7F00] =	vst v63  }
0x20: {  	_ =	swait.ge [sflag:s9], $0x2800  }
0x21: {  	[sflag:s9] =	ssyncset.done $0x0  }
0x22: {  	s31 =	simm.s32 $0x0;
	[sflag:s9] =	ssyncadd.s32 $0xFFFFD800  }
0x23: {  	[spmem:s2] =	stream.indirect.scatter.add.f32 [tilespmem:s11], [sflag:$0x1], $0x10, s31, s10, $0xb8;
	[tilespmem:$0x7F00] =	vst v63  }
0x24: {  	_ =	swait.ge [sflag:s9], $0x800  }
0x25: {  	s13 =	simm.s32 $0x200;
	[sflag:s9] =	ssyncset.done $0x0  }
.LBB2_6:
0x26: {  	s14 =	sshra.s32 s13, $0x2;
	[sflag:s9] =	ssyncadd.s32 $0xFFFFF800;
	p0 =	sne.s32 s13, $0x9E00  }
0x27: {  	[spmem:s2] =	stream.indirect.scatter.add.f32 [tilespmem:s11], [sflag:$0x1], $0x10, s14, s10, $0xb8;
	[tilespmem:$0x7F00] =	vst v63  }
.Ltmp2:
0x28: {  	_ = 	snop;
	(pc) =	sbr.rel @p0 .LBB2_6-.Ltmp2, $4  }
0x29: {  	_ = 	snop  }
0x2a: {  	s13 =	sadd.s32 $0x200, s13  }
0x2b: {  	_ =	swait.ge [sflag:s9], $0x800  }
0x2c: {  	[sflag:s9] =	ssyncset.done $0x0  }
0x2d: {  	[sflag:s9] =	ssyncadd.s32 $0xFFFFF800  }
0x2e: {  	[bflag:$0x0] =	sbarrier.arrive $0xFFFF  }
0x2f: {  	[tilespmem:s8], [sflag:$0x1] =	stream.linear.gather [spmem:s4], $0x2780, $0x38;
	[tilespmem:$0x7F00] =	vst v63  }
0x30: {  	s12 =	sadd.s32 $0x1, s12;
	_ =	swait.ge [sflag:s9], $0x2780  }
0x31: {  	p0 =	sne.s32 s12, s7;
	[sflag:s9] =	ssyncset.done $0x0  }
.Ltmp3:
0x32: {  	[sflag:s9] =	ssyncadd.s32 $0xFFFFD880;
	(pc) =	sbr.rel @p0 .LBB2_1-.Ltmp3, $4  }
0x33: {  	[hbm4b:s6+s3] =	stream.linear.scatter [tilespmem:s8], [sflag:$0x1], $0x2780, $0x38;
	[tilespmem:$0x7F00] =	vst v63  }
0x34: {  	_ =	swait.ge [sflag:s9], $0x2780  }
0x35: {  	[sflag:s9] =	ssyncset.done $0x0  }
0x36: {  	[sflag:s9] =	ssyncadd.s32 $0xFFFFD880  }
0x37: {  	_ =	sfence.sel $0x180000  }
0x38: {  	[bflag:$0x0] =	sbarrier.arrive $0xFFFF  }
0x39: {  	p0 =	sne.s32 s1, $0x0;
	_ =	strace $0x90000047  }
0x3a: {  	s0 =	sadd.s32 @!p0 $0x100000, s0;
	[bflag:$0x2] =	sbarrier.arrive $0xFFFF  }
0x3b: {  	[sflag:s0] =	ssyncadd.tile.s32 @!p0 $0x1;
	_ =	shalt  }
.Lfunc_end2:
_tile_overlayer_lowered:
.L_overlay_start_2:
0x3c: {  	(tag) =	ssettag $0x2  }
0x3d: {  	s0 =	rddreg [dreg:$0x0];
	s2 =	stileid.u32  }
0x3e: {  	s1 =	rddreg [dreg:$0x1];
	p0 =	sne.s32 s2, $0x0  }
0x3f: {  	s3 =	rddreg [dreg:$0x2];
	[bflag:$0x3] =	sbarrier.arrive $0xFFFF;
	s2 =	simm.s32 @!p0 $0x1C01  }
0x40: {  	[timem:s3], [sflag:s2] =	dma.local @!p0 [hbm:s0], s1  }
0x41: {  	s0 =	simm.s32 @!p0 $0x1  }
0x42: {  	_ =	swait.ge @!p0 [sflag:s0], s1  }
0x43: {  	s1 =	ssub.s32 @!p0 $0x0, s1;
	[sflag:s0] =	ssyncset.done @!p0 $0x0  }
0x44: {  	[sflag:s0] =	ssyncadd.s32 @!p0 s1  }
0x45: {  	[bflag:$0x3] =	sbarrier.arrive $0xFFFF  }
0x46: {  	_ =	shalt  }

</sc_bundles>
